<compile_context>
chip_gen: v7x
topology: tpu7x:2x2x1
jax: 0.10.2.dev20260603
libtpu: 0.0.44.dev20260713+nightly
codegen_flags: <defaults>
</compile_context>

<pallas_src>
import functools

import jax
import jax.numpy as jnp
from jax import lax
from jax.experimental import pallas as pl
from jax.experimental.pallas import tpu as pltpu
from jax.experimental.pallas import tpu_sc as plsc

_NC, _NS, _L = 2, 16, 16
_NW = _NC * _NS
_CHUNK = 12800


def kernel(x):
    n = x.size
    per_w = n // _NW
    nchunks = per_w // _CHUNK
    assert per_w % _CHUNK == 0

    mesh = plsc.VectorSubcoreMesh(core_axis_name="c", subcore_axis_name="s")

    @functools.partial(
        pl.kernel, mesh=mesh,
        out_type=jax.ShapeDtypeStruct((n,), jnp.float32),
        scratch_types=[
            pltpu.VMEM((_CHUNK,), jnp.float32),
            pltpu.VMEM((_CHUNK,), jnp.float32),
        ],
    )
    def sc_sigmoid(x_hbm, o_hbm, buf_in, buf_out):
        wid = lax.axis_index("s") * _NC + lax.axis_index("c")
        base = wid * per_w
        for c in range(nchunks):
            off = base + c * _CHUNK
            pltpu.sync_copy(x_hbm.at[pl.ds(off, _CHUNK)], buf_in)

            def body(j, carry):
                v = buf_in[pl.ds(j * _L, _L)]
                buf_out[pl.ds(j * _L, _L)] = 1.0 / (1.0 + jnp.exp(-v))
                return carry

            lax.fori_loop(0, _CHUNK // _L, body, 0)
            pltpu.sync_copy(buf_out, o_hbm.at[pl.ds(off, _CHUNK)])

    xt_flat = x.T.reshape(-1)
    out_flat = sc_sigmoid(xt_flat)
    return out_flat.reshape(x.shape[1], x.shape[0]).T

# --- scband reference (transcript-rebuilt; emitter-appended) ---
"""Pipeline reference for scband-dagconstraint-layer-27290222198785 (READ-ONLY COPY).

The authoritative reference and input builder live on the scoring server;
editing this copy changes nothing except your own understanding.
"""

import jax, jax.numpy as jnp
import numpy as np

BATCH = 16384
NUM_NODES = 1000
MAX_ITERS = 10
TOL = 1e-06
# adj_list from init_kwargs is {} (empty DAG). JSON cannot encode int-keyed dicts,
# so an empty adjacency is used; with it, reverse_adj is empty for every node and
# topo_order = list(range(NUM_NODES)).
ADJ_LIST = {}


def setup_inputs(seed: int = 0) -> dict:
    key = jax.random.key(seed)
    x = jax.random.normal(key, (BATCH, NUM_NODES), dtype=jnp.float32)
    return {"x": x}


def reference(x):
    # forward: probs = sigmoid(x); then DAGProjection.
    p = jax.nn.sigmoid(x)
    q = p
    # Faithful trace of DAGProjection with empty adjacency:
    #  - first topo pass (min-propagation to children): no node has children -> no-op
    #  - reverse topo pass: max_child = zeros (no children), min_parent = ones (no parents)
    #    q[:, node] = clamp(p[:, node], min=0, max=1)
    q = jnp.clip(p, 0.0, 1.0)
    # convergence check: max|q - q_old| = 0 < tol after iteration 0 -> break
    return q

if __name__ == "__main__":
    import jax
    _d = setup_inputs()
    print(jax.jit(kernel)(*tuple(_d.values())))

</pallas_src>

<mosaic_0001>
#map = affine_map<(d0, d1) -> (0)>
module attributes {stable_mosaic.version = 14 : i64} {
  func.func @sc_sigmoid(%arg0: i32, %arg1: i32, %arg2: memref<16384000xf32, #tpu.memory_space<hbm>>, %arg3: memref<16384000xf32, #tpu.memory_space<hbm>>, %arg4: memref<12800xf32, #tpu.memory_space<vmem>>, %arg5: memref<12800xf32, #tpu.memory_space<vmem>>) attributes {dimension_semantics = [#tpu.dimension_semantics<core_parallel>, #tpu.dimension_semantics<subcore_parallel>], iteration_bounds = array<i64: 2, 16>, scalar_prefetch = 0 : i64, scratch_operands = 2 : i64, tpu.core_type = #tpu.core_type<sc_vector_subcore>, window_params = [{transform_indices = #map}, {transform_indices = #map}]} {
    %mul3A = arith.constant 2 : i32
    %mul3A_0 = arith.muli %arg1, %mul3A : i32
    %add3A = arith.addi %mul3A_0, %arg0 : i32
    %mul3A_1 = arith.constant 512000 : i32
    %mul3A_2 = arith.muli %add3A, %mul3A_1 : i32
    %add3A_3 = arith.constant 0 : i32
    %add3A_4 = arith.addi %mul3A_2, %add3A_3 : i32
    "tpu.region"() ({
      %run_scoped3A = tpu.sem_alloc : memref<!tpu.dma_semaphore, #tpu.memory_space<semaphore_mem>>
      %dma_start3A = tpu.memref_slice %arg2[%add3A_4] : memref<16384000xf32, #tpu.memory_space<hbm>> -> memref<12800xf32, #tpu.memory_space<hbm>>
      %dma_start3A_322 = tpu.memref_slice %arg2[%add3A_4] : memref<16384000xf32, #tpu.memory_space<hbm>> -> memref<12800xf32, #tpu.memory_space<hbm>>
      tpu.enqueue_dma source(%dma_start3A_322 : memref<12800xf32, #tpu.memory_space<hbm>>) target(%arg4 : memref<12800xf32, #tpu.memory_space<vmem>>) target_semaphore(%run_scoped3A : memref<!tpu.dma_semaphore, #tpu.memory_space<semaphore_mem>>)
      %dma_wait3A = tpu.memref_slice %arg2[%add3A_4] : memref<16384000xf32, #tpu.memory_space<hbm>> -> memref<12800xf32, #tpu.memory_space<hbm>>
      %dma_wait3A_323 = tpu.memref_slice %arg2[%add3A_4] : memref<16384000xf32, #tpu.memory_space<hbm>> -> memref<12800xf32, #tpu.memory_space<hbm>>
      tpu.wait_dma2 semaphore(%run_scoped3A : memref<!tpu.dma_semaphore, #tpu.memory_space<semaphore_mem>>) src(%dma_wait3A_323 : memref<12800xf32, #tpu.memory_space<hbm>>) dst(%arg4 : memref<12800xf32, #tpu.memory_space<vmem>>)
      tpu.yield
    }) : () -> ()
    %scan3A = arith.constant 0 : i32
    %scan3A_5 = arith.constant 0 : i32
    %scan3A_6 = arith.constant 800 : i32
    %scan3A_7 = arith.addi %scan3A_5, %scan3A_6 : i32
    %scan3A_8 = arith.constant 1 : i32
    scf.for %scan3A_322 = %scan3A_5 to %scan3A_7 step %scan3A_8  : i32 {
      %mul3A_323 = arith.constant 16 : i32
      %mul3A_324 = arith.muli %scan3A_322, %mul3A_323 : i32
      %get3A = arith.index_cast %mul3A_324 : i32 to index
      %get3A_325 = tpu.vector_load %arg4[%get3A] {strides = array<i32>} : memref<12800xf32, #tpu.memory_space<vmem>>, vector<16xf32>,
      %get3A_326 = vector.shape_cast %get3A_325 : vector<16xf32> to vector<16xf32>
      %neg3A = arith.constant 0.000000e+00 : f32
      %neg3A_327 = vector.broadcast %neg3A : f32 to vector<16xf32>
      %neg3A_328 = arith.subf %neg3A_327, %get3A_326 : vector<16xf32>
      %exp3A = math.exp %neg3A_328 : vector<16xf32>
      %add3A_329 = arith.constant 1.000000e+00 : f32
      %add3A_330 = vector.broadcast %add3A_329 : f32 to vector<16xf32>
      %add3A_331 = arith.addf %add3A_330, %exp3A : vector<16xf32>
      %div3A = arith.constant 1.000000e+00 : f32
      %div3A_332 = vector.broadcast %div3A : f32 to vector<16xf32>
      %div3A_333 = arith.divf %div3A_332, %add3A_331 : vector<16xf32>
      %mul3A_334 = arith.constant 16 : i32
      %mul3A_335 = arith.muli %scan3A_322, %mul3A_334 : i32
      %swap3A = arith.index_cast %mul3A_335 : i32 to index
      %swap3A_336 = tpu.vector_load %arg5[%swap3A] {strides = array<i32>} : memref<12800xf32, #tpu.memory_space<vmem>>, vector<16xf32>,
      %swap3A_337 = vector.shape_cast %swap3A_336 : vector<16xf32> to vector<16xf32>
      %swap3A_338 = vector.shape_cast %div3A_333 : vector<16xf32> to vector<16xf32>
      tpu.vector_store %arg5[%swap3A], %swap3A_338 {strides = array<i32>} : memref<12800xf32, #tpu.memory_space<vmem>>, vector<16xf32>,
    }
    %scan3A_9 = arith.constant 800 : i32
    "tpu.region"() ({
      %run_scoped3A = tpu.sem_alloc : memref<!tpu.dma_semaphore, #tpu.memory_space<semaphore_mem>>
      %dma_start3A = tpu.memref_slice %arg3[%add3A_4] : memref<16384000xf32, #tpu.memory_space<hbm>> -> memref<12800xf32, #tpu.memory_space<hbm>>
      %dma_start3A_322 = tpu.memref_slice %arg3[%add3A_4] : memref<16384000xf32, #tpu.memory_space<hbm>> -> memref<12800xf32, #tpu.memory_space<hbm>>
      tpu.enqueue_dma source(%arg5 : memref<12800xf32, #tpu.memory_space<vmem>>) target(%dma_start3A_322 : memref<12800xf32, #tpu.memory_space<hbm>>) target_semaphore(%run_scoped3A : memref<!tpu.dma_semaphore, #tpu.memory_space<semaphore_mem>>)
      %dma_wait3A = tpu.memref_slice %arg3[%add3A_4] : memref<16384000xf32, #tpu.memory_space<hbm>> -> memref<12800xf32, #tpu.memory_space<hbm>>
      %dma_wait3A_323 = tpu.memref_slice %arg3[%add3A_4] : memref<16384000xf32, #tpu.memory_space<hbm>> -> memref<12800xf32, #tpu.memory_space<hbm>>
      tpu.wait_dma2 semaphore(%run_scoped3A : memref<!tpu.dma_semaphore, #tpu.memory_space<semaphore_mem>>) src(%arg5 : memref<12800xf32, #tpu.memory_space<vmem>>) dst(%dma_wait3A_323 : memref<12800xf32, #tpu.memory_space<hbm>>)
      tpu.yield
    }) : () -> ()
    %add3A_10 = arith.constant 12800 : i32
    %add3A_11 = arith.addi %mul3A_2, %add3A_10 : i32
    "tpu.region"() ({
      %run_scoped3A = tpu.sem_alloc : memref<!tpu.dma_semaphore, #tpu.memory_space<semaphore_mem>>
      %dma_start3A = tpu.memref_slice %arg2[%add3A_11] : memref<16384000xf32, #tpu.memory_space<hbm>> -> memref<12800xf32, #tpu.memory_space<hbm>>
      %dma_start3A_322 = tpu.memref_slice %arg2[%add3A_11] : memref<16384000xf32, #tpu.memory_space<hbm>> -> memref<12800xf32, #tpu.memory_space<hbm>>
      tpu.enqueue_dma source(%dma_start3A_322 : memref<12800xf32, #tpu.memory_space<hbm>>) target(%arg4 : memref<12800xf32, #tpu.memory_space<vmem>>) target_semaphore(%run_scoped3A : memref<!tpu.dma_semaphore, #tpu.memory_space<semaphore_mem>>)
      %dma_wait3A = tpu.memref_slice %arg2[%add3A_11] : memref<16384000xf32, #tpu.memory_space<hbm>> -> memref<12800xf32, #tpu.memory_space<hbm>>
      %dma_wait3A_323 = tpu.memref_slice %arg2[%add3A_11] : memref<16384000xf32, #tpu.memory_space<hbm>> -> memref<12800xf32, #tpu.memory_space<hbm>>
      tpu.wait_dma2 semaphore(%run_scoped3A : memref<!tpu.dma_semaphore, #tpu.memory_space<semaphore_mem>>) src(%dma_wait3A_323 : memref<12800xf32, #tpu.memory_space<hbm>>) dst(%arg4 : memref<12800xf32, #tpu.memory_space<vmem>>)
      tpu.yield
    }) : () -> ()
    %scan3A_12 = arith.constant 0 : i32
    %scan3A_13 = arith.constant 0 : i32
    %scan3A_14 = arith.constant 800 : i32
    %scan3A_15 = arith.addi %scan3A_13, %scan3A_14 : i32
    %scan3A_16 = arith.constant 1 : i32
    scf.for %scan3A_322 = %scan3A_13 to %scan3A_15 step %scan3A_16  : i32 {
      %mul3A_323 = arith.constant 16 : i32
      %mul3A_324 = arith.muli %scan3A_322, %mul3A_323 : i32
      %get3A = arith.index_cast %mul3A_324 : i32 to index
      %get3A_325 = tpu.vector_load %arg4[%get3A] {strides = array<i32>} : memref<12800xf32, #tpu.memory_space<vmem>>, vector<16xf32>,
      %get3A_326 = vector.shape_cast %get3A_325 : vector<16xf32> to vector<16xf32>
      %neg3A = arith.constant 0.000000e+00 : f32
      %neg3A_327 = vector.broadcast %neg3A : f32 to vector<16xf32>
      %neg3A_328 = arith.subf %neg3A_327, %get3A_326 : vector<16xf32>
      %exp3A = math.exp %neg3A_328 : vector<16xf32>
      %add3A_329 = arith.constant 1.000000e+00 : f32
      %add3A_330 = vector.broadcast %add3A_329 : f32 to vector<16xf32>
      %add3A_331 = arith.addf %add3A_330, %exp3A : vector<16xf32>
      %div3A = arith.constant 1.000000e+00 : f32
      %div3A_332 = vector.broadcast %div3A : f32 to vector<16xf32>
      %div3A_333 = arith.divf %div3A_332, %add3A_331 : vector<16xf32>
      %mul3A_334 = arith.constant 16 : i32
      %mul3A_335 = arith.muli %scan3A_322, %mul3A_334 : i32
      %swap3A = arith.index_cast %mul3A_335 : i32 to index
      %swap3A_336 = tpu.vector_load %arg5[%swap3A] {strides = array<i32>} : memref<12800xf32, #tpu.memory_space<vmem>>, vector<16xf32>,
      %swap3A_337 = vector.shape_cast %swap3A_336 : vector<16xf32> to vector<16xf32>
      %swap3A_338 = vector.shape_cast %div3A_333 : vector<16xf32> to vector<16xf32>
      tpu.vector_store %arg5[%swap3A], %swap3A_338 {strides = array<i32>} : memref<12800xf32, #tpu.memory_space<vmem>>, vector<16xf32>,
    }
    %scan3A_17 = arith.constant 800 : i32
    "tpu.region"() ({
      %run_scoped3A = tpu.sem_alloc : memref<!tpu.dma_semaphore, #tpu.memory_space<semaphore_mem>>
      %dma_start3A = tpu.memref_slice %arg3[%add3A_11] : memref<16384000xf32, #tpu.memory_space<hbm>> -> memref<12800xf32, #tpu.memory_space<hbm>>
      %dma_start3A_322 = tpu.memref_slice %arg3[%add3A_11] : memref<16384000xf32, #tpu.memory_space<hbm>> -> memref<12800xf32, #tpu.memory_space<hbm>>
      tpu.enqueue_dma source(%arg5 : memref<12800xf32, #tpu.memory_space<vmem>>) target(%dma_start3A_322 : memref<12800xf32, #tpu.memory_space<hbm>>) target_semaphore(%run_scoped3A : memref<!tpu.dma_semaphore, #tpu.memory_space<semaphore_mem>>)
      %dma_wait3A = tpu.memref_slice %arg3[%add3A_11] : memref<16384000xf32, #tpu.memory_space<hbm>> -> memref<12800xf32, #tpu.memory_space<hbm>>
      %dma_wait3A_323 = tpu.memref_slice %arg3[%add3A_11] : memref<16384000xf32, #tpu.memory_space<hbm>> -> memref<12800xf32, #tpu.memory_space<hbm>>
      tpu.wait_dma2 semaphore(%run_scoped3A : memref<!tpu.dma_semaphore, #tpu.memory_space<semaphore_mem>>) src(%arg5 : memref<12800xf32, #tpu.memory_space<vmem>>) dst(%dma_wait3A_323 : memref<12800xf32, #tpu.memory_space<hbm>>)
      tpu.yield
    }) : () -> ()
    %add3A_18 = arith.constant 25600 : i32
    %add3A_19 = arith.addi %mul3A_2, %add3A_18 : i32
    "tpu.region"() ({
      %run_scoped3A = tpu.sem_alloc : memref<!tpu.dma_semaphore, #tpu.memory_space<semaphore_mem>>
      %dma_start3A = tpu.memref_slice %arg2[%add3A_19] : memref<16384000xf32, #tpu.memory_space<hbm>> -> memref<12800xf32, #tpu.memory_space<hbm>>
      %dma_start3A_322 = tpu.memref_slice %arg2[%add3A_19] : memref<16384000xf32, #tpu.memory_space<hbm>> -> memref<12800xf32, #tpu.memory_space<hbm>>
      tpu.enqueue_dma source(%dma_start3A_322 : memref<12800xf32, #tpu.memory_space<hbm>>) target(%arg4 : memref<12800xf32, #tpu.memory_space<vmem>>) target_semaphore(%run_scoped3A : memref<!tpu.dma_semaphore, #tpu.memory_space<semaphore_mem>>)
      %dma_wait3A = tpu.memref_slice %arg2[%add3A_19] : memref<16384000xf32, #tpu.memory_space<hbm>> -> memref<12800xf32, #tpu.memory_space<hbm>>
      %dma_wait3A_323 = tpu.memref_slice %arg2[%add3A_19] : memref<16384000xf32, #tpu.memory_space<hbm>> -> memref<12800xf32, #tpu.memory_space<hbm>>
      tpu.wait_dma2 semaphore(%run_scoped3A : memref<!tpu.dma_semaphore, #tpu.memory_space<semaphore_mem>>) src(%dma_wait3A_323 : memref<12800xf32, #tpu.memory_space<hbm>>) dst(%arg4 : memref<12800xf32, #tpu.memory_space<vmem>>)
      tpu.yield
    }) : () -> ()
    %scan3A_20 = arith.constant 0 : i32
    %scan3A_21 = arith.constant 0 : i32
    %scan3A_22 = arith.constant 800 : i32
    %scan3A_23 = arith.addi %scan3A_21, %scan3A_22 : i32
    %scan3A_24 = arith.constant 1 : i32
    scf.for %scan3A_322 = %scan3A_21 to %scan3A_23 step %scan3A_24  : i32 {
      %mul3A_323 = arith.constant 16 : i32
      %mul3A_324 = arith.muli %scan3A_322, %mul3A_323 : i32
      %get3A = arith.index_cast %mul3A_324 : i32 to index
      %get3A_325 = tpu.vector_load %arg4[%get3A] {strides = array<i32>} : memref<12800xf32, #tpu.memory_space<vmem>>, vector<16xf32>,
      %get3A_326 = vector.shape_cast %get3A_325 : vector<16xf32> to vector<16xf32>
      %neg3A = arith.constant 0.000000e+00 : f32
      %neg3A_327 = vector.broadcast %neg3A : f32 to vector<16xf32>
      %neg3A_328 = arith.subf %neg3A_327, %get3A_326 : vector<16xf32>
      %exp3A = math.exp %neg3A_328 : vector<16xf32>
      %add3A_329 = arith.constant 1.000000e+00 : f32
      %add3A_330 = vector.broadcast %add3A_329 : f32 to vector<16xf32>
      %add3A_331 = arith.addf %add3A_330, %exp3A : vector<16xf32>
      %div3A = arith.constant 1.000000e+00 : f32
      %div3A_332 = vector.broadcast %div3A : f32 to vector<16xf32>
      %div3A_333 = arith.divf %div3A_332, %add3A_331 : vector<16xf32>
      %mul3A_334 = arith.constant 16 : i32
      %mul3A_335 = arith.muli %scan3A_322, %mul3A_334 : i32
      %swap3A = arith.index_cast %mul3A_335 : i32 to index
      %swap3A_336 = tpu.vector_load %arg5[%swap3A] {strides = array<i32>} : memref<12800xf32, #tpu.memory_space<vmem>>, vector<16xf32>,
      %swap3A_337 = vector.shape_cast %swap3A_336 : vector<16xf32> to vector<16xf32>
      %swap3A_338 = vector.shape_cast %div3A_333 : vector<16xf32> to vector<16xf32>
      tpu.vector_store %arg5[%swap3A], %swap3A_338 {strides = array<i32>} : memref<12800xf32, #tpu.memory_space<vmem>>, vector<16xf32>,
    }
    %scan3A_25 = arith.constant 800 : i32
    "tpu.region"() ({
      %run_scoped3A = tpu.sem_alloc : memref<!tpu.dma_semaphore, #tpu.memory_space<semaphore_mem>>
      %dma_start3A = tpu.memref_slice %arg3[%add3A_19] : memref<16384000xf32, #tpu.memory_space<hbm>> -> memref<12800xf32, #tpu.memory_space<hbm>>
      %dma_start3A_322 = tpu.memref_slice %arg3[%add3A_19] : memref<16384000xf32, #tpu.memory_space<hbm>> -> memref<12800xf32, #tpu.memory_space<hbm>>
      tpu.enqueue_dma source(%arg5 : memref<12800xf32, #tpu.memory_space<vmem>>) target(%dma_start3A_322 : memref<12800xf32, #tpu.memory_space<hbm>>) target_semaphore(%run_scoped3A : memref<!tpu.dma_semaphore, #tpu.memory_space<semaphore_mem>>)
      %dma_wait3A = tpu.memref_slice %arg3[%add3A_19] : memref<16384000xf32, #tpu.memory_space<hbm>> -> memref<12800xf32, #tpu.memory_space<hbm>>
      %dma_wait3A_323 = tpu.memref_slice %arg3[%add3A_19] : memref<16384000xf32, #tpu.memory_space<hbm>> -> memref<12800xf32, #tpu.memory_space<hbm>>
      tpu.wait_dma2 semaphore(%run_scoped3A : memref<!tpu.dma_semaphore, #tpu.memory_space<semaphore_mem>>) src(%arg5 : memref<12800xf32, #tpu.memory_space<vmem>>) dst(%dma_wait3A_323 : memref<12800xf32, #tpu.memory_space<hbm>>)
      tpu.yield
    }) : () -> ()
    %add3A_26 = arith.constant 38400 : i32
    %add3A_27 = arith.addi %mul3A_2, %add3A_26 : i32
    "tpu.region"() ({
      %run_scoped3A = tpu.sem_alloc : memref<!tpu.dma_semaphore, #tpu.memory_space<semaphore_mem>>
      %dma_start3A = tpu.memref_slice %arg2[%add3A_27] : memref<16384000xf32, #tpu.memory_space<hbm>> -> memref<12800xf32, #tpu.memory_space<hbm>>
      %dma_start3A_322 = tpu.memref_slice %arg2[%add3A_27] : memref<16384000xf32, #tpu.memory_space<hbm>> -> memref<12800xf32, #tpu.memory_space<hbm>>
      tpu.enqueue_dma source(%dma_start3A_322 : memref<12800xf32, #tpu.memory_space<hbm>>) target(%arg4 : memref<12800xf32, #tpu.memory_space<vmem>>) target_semaphore(%run_scoped3A : memref<!tpu.dma_semaphore, #tpu.memory_space<semaphore_mem>>)
      %dma_wait3A = tpu.memref_slice %arg2[%add3A_27] : memref<16384000xf32, #tpu.memory_space<hbm>> -> memref<12800xf32, #tpu.memory_space<hbm>>
      %dma_wait3A_323 = tpu.memref_slice %arg2[%add3A_27] : memref<16384000xf32, #tpu.memory_space<hbm>> -> memref<12800xf32, #tpu.memory_space<hbm>>
      tpu.wait_dma2 semaphore(%run_scoped3A : memref<!tpu.dma_semaphore, #tpu.memory_space<semaphore_mem>>) src(%dma_wait3A_323 : memref<12800xf32, #tpu.memory_space<hbm>>) dst(%arg4 : memref<12800xf32, #tpu.memory_space<vmem>>)
      tpu.yield
    }) : () -> ()
    %scan3A_28 = arith.constant 0 : i32
    %scan3A_29 = arith.constant 0 : i32
    %scan3A_30 = arith.constant 800 : i32
    %scan3A_31 = arith.addi %scan3A_29, %scan3A_30 : i32
    %scan3A_32 = arith.constant 1 : i32
    scf.for %scan3A_322 = %scan3A_29 to %scan3A_31 step %scan3A_32  : i32 {
      %mul3A_323 = arith.constant 16 : i32
      %mul3A_324 = arith.muli %scan3A_322, %mul3A_323 : i32
      %get3A = arith.index_cast %mul3A_324 : i32 to index
      %get3A_325 = tpu.vector_load %arg4[%get3A] {strides = array<i32>} : memref<12800xf32, #tpu.memory_space<vmem>>, vector<16xf32>,
      %get3A_326 = vector.shape_cast %get3A_325 : vector<16xf32> to vector<16xf32>
      %neg3A = arith.constant 0.000000e+00 : f32
      %neg3A_327 = vector.broadcast %neg3A : f32 to vector<16xf32>
      %neg3A_328 = arith.subf %neg3A_327, %get3A_326 : vector<16xf32>
      %exp3A = math.exp %neg3A_328 : vector<16xf32>
      %add3A_329 = arith.constant 1.000000e+00 : f32
      %add3A_330 = vector.broadcast %add3A_329 : f32 to vector<16xf32>
      %add3A_331 = arith.addf %add3A_330, %exp3A : vector<16xf32>
      %div3A = arith.constant 1.000000e+00 : f32
      %div3A_332 = vector.broadcast %div3A : f32 to vector<16xf32>
      %div3A_333 = arith.divf %div3A_332, %add3A_331 : vector<16xf32>
      %mul3A_334 = arith.constant 16 : i32
      %mul3A_335 = arith.muli %scan3A_322, %mul3A_334 : i32
      %swap3A = arith.index_cast %mul3A_335 : i32 to index
      %swap3A_336 = tpu.vector_load %arg5[%swap3A] {strides = array<i32>} : memref<12800xf32, #tpu.memory_space<vmem>>, vector<16xf32>,
      %swap3A_337 = vector.shape_cast %swap3A_336 : vector<16xf32> to vector<16xf32>
      %swap3A_338 = vector.shape_cast %div3A_333 : vector<16xf32> to vector<16xf32>
      tpu.vector_store %arg5[%swap3A], %swap3A_338 {strides = array<i32>} : memref<12800xf32, #tpu.memory_space<vmem>>, vector<16xf32>,
    }
    %scan3A_33 = arith.constant 800 : i32
    "tpu.region"() ({
      %run_scoped3A = tpu.sem_alloc : memref<!tpu.dma_semaphore, #tpu.memory_space<semaphore_mem>>
      %dma_start3A = tpu.memref_slice %arg3[%add3A_27] : memref<16384000xf32, #tpu.memory_space<hbm>> -> memref<12800xf32, #tpu.memory_space<hbm>>
      %dma_start3A_322 = tpu.memref_slice %arg3[%add3A_27] : memref<16384000xf32, #tpu.memory_space<hbm>> -> memref<12800xf32, #tpu.memory_space<hbm>>
      tpu.enqueue_dma source(%arg5 : memref<12800xf32, #tpu.memory_space<vmem>>) target(%dma_start3A_322 : memref<12800xf32, #tpu.memory_space<hbm>>) target_semaphore(%run_scoped3A : memref<!tpu.dma_semaphore, #tpu.memory_space<semaphore_mem>>)
      %dma_wait3A = tpu.memref_slice %arg3[%add3A_27] : memref<16384000xf32, #tpu.memory_space<hbm>> -> memref<12800xf32, #tpu.memory_space<hbm>>
      %dma_wait3A_323 = tpu.memref_slice %arg3[%add3A_27] : memref<16384000xf32, #tpu.memory_space<hbm>> -> memref<12800xf32, #tpu.memory_space<hbm>>
      tpu.wait_dma2 semaphore(%run_scoped3A : memref<!tpu.dma_semaphore, #tpu.memory_space<semaphore_mem>>) src(%arg5 : memref<12800xf32, #tpu.memory_space<vmem>>) dst(%dma_wait3A_323 : memref<12800xf32, #tpu.memory_space<hbm>>)
      tpu.yield
    }) : () -> ()
    %add3A_34 = arith.constant 51200 : i32
    %add3A_35 = arith.addi %mul3A_2, %add3A_34 : i32
    "tpu.region"() ({
      %run_scoped3A = tpu.sem_alloc : memref<!tpu.dma_semaphore, #tpu.memory_space<semaphore_mem>>
      %dma_start3A = tpu.memref_slice %arg2[%add3A_35] : memref<16384000xf32, #tpu.memory_space<hbm>> -> memref<12800xf32, #tpu.memory_space<hbm>>
      %dma_start3A_322 = tpu.memref_slice %arg2[%add3A_35] : memref<16384000xf32, #tpu.memory_space<hbm>> -> memref<12800xf32, #tpu.memory_space<hbm>>
      tpu.enqueue_dma source(%dma_start3A_322 : memref<12800xf32, #tpu.memory_space<hbm>>) target(%arg4 : memref<12800xf32, #tpu.memory_space<vmem>>) target_semaphore(%run_scoped3A : memref<!tpu.dma_semaphore, #tpu.memory_space<semaphore_mem>>)
      %dma_wait3A = tpu.memref_slice %arg2[%add3A_35] : memref<16384000xf32, #tpu.memory_space<hbm>> -> memref<12800xf32, #tpu.memory_space<hbm>>
      %dma_wait3A_323 = tpu.memref_slice %arg2[%add3A_35] : memref<16384000xf32, #tpu.memory_space<hbm>> -> memref<12800xf32, #tpu.memory_space<hbm>>
      tpu.wait_dma2 semaphore(%run_scoped3A : memref<!tpu.dma_semaphore, #tpu.memory_space<semaphore_mem>>) src(%dma_wait3A_323 : memref<12800xf32, #tpu.memory_space<hbm>>) dst(%arg4 : memref<12800xf32, #tpu.memory_space<vmem>>)
      tpu.yield
    }) : () -> ()
    %scan3A_36 = arith.constant 0 : i32
    %scan3A_37 = arith.constant 0 : i32
    %scan3A_38 = arith.constant 800 : i32
    %scan3A_39 = arith.addi %scan3A_37, %scan3A_38 : i32
    %scan3A_40 = arith.constant 1 : i32
    scf.for %scan3A_322 = %scan3A_37 to %scan3A_39 step %scan3A_40  : i32 {
      %mul3A_323 = arith.constant 16 : i32
      %mul3A_324 = arith.muli %scan3A_322, %mul3A_323 : i32
      %get3A = arith.index_cast %mul3A_324 : i32 to index
      %get3A_325 = tpu.vector_load %arg4[%get3A] {strides = array<i32>} : memref<12800xf32, #tpu.memory_space<vmem>>, vector<16xf32>,
      %get3A_326 = vector.shape_cast %get3A_325 : vector<16xf32> to vector<16xf32>
      %neg3A = arith.constant 0.000000e+00 : f32
      %neg3A_327 = vector.broadcast %neg3A : f32 to vector<16xf32>
      %neg3A_328 = arith.subf %neg3A_327, %get3A_326 : vector<16xf32>
      %exp3A = math.exp %neg3A_328 : vector<16xf32>
      %add3A_329 = arith.constant 1.000000e+00 : f32
      %add3A_330 = vector.broadcast %add3A_329 : f32 to vector<16xf32>
      %add3A_331 = arith.addf %add3A_330, %exp3A : vector<16xf32>
      %div3A = arith.constant 1.000000e+00 : f32
      %div3A_332 = vector.broadcast %div3A : f32 to vector<16xf32>
      %div3A_333 = arith.divf %div3A_332, %add3A_331 : vector<16xf32>
      %mul3A_334 = arith.constant 16 : i32
      %mul3A_335 = arith.muli %scan3A_322, %mul3A_334 : i32
      %swap3A = arith.index_cast %mul3A_335 : i32 to index
      %swap3A_336 = tpu.vector_load %arg5[%swap3A] {strides = array<i32>} : memref<12800xf32, #tpu.memory_space<vmem>>, vector<16xf32>,
      %swap3A_337 = vector.shape_cast %swap3A_336 : vector<16xf32> to vector<16xf32>
      %swap3A_338 = vector.shape_cast %div3A_333 : vector<16xf32> to vector<16xf32>
      tpu.vector_store %arg5[%swap3A], %swap3A_338 {strides = array<i32>} : memref<12800xf32, #tpu.memory_space<vmem>>, vector<16xf32>,
    }
    %scan3A_41 = arith.constant 800 : i32
    "tpu.region"() ({
      %run_scoped3A = tpu.sem_alloc : memref<!tpu.dma_semaphore, #tpu.memory_space<semaphore_mem>>
      %dma_start3A = tpu.memref_slice %arg3[%add3A_35] : memref<16384000xf32, #tpu.memory_space<hbm>> -> memref<12800xf32, #tpu.memory_space<hbm>>
      %dma_start3A_322 = tpu.memref_slice %arg3[%add3A_35] : memref<16384000xf32, #tpu.memory_space<hbm>> -> memref<12800xf32, #tpu.memory_space<hbm>>
      tpu.enqueue_dma source(%arg5 : memref<12800xf32, #tpu.memory_space<vmem>>) target(%dma_start3A_322 : memref<12800xf32, #tpu.memory_space<hbm>>) target_semaphore(%run_scoped3A : memref<!tpu.dma_semaphore, #tpu.memory_space<semaphore_mem>>)
      %dma_wait3A = tpu.memref_slice %arg3[%add3A_35] : memref<16384000xf32, #tpu.memory_space<hbm>> -> memref<12800xf32, #tpu.memory_space<hbm>>
      %dma_wait3A_323 = tpu.memref_slice %arg3[%add3A_35] : memref<16384000xf32, #tpu.memory_space<hbm>> -> memref<12800xf32, #tpu.memory_space<hbm>>
      tpu.wait_dma2 semaphore(%run_scoped3A : memref<!tpu.dma_semaphore, #tpu.memory_space<semaphore_mem>>) src(%arg5 : memref<12800xf32, #tpu.memory_space<vmem>>) dst(%dma_wait3A_323 : memref<12800xf32, #tpu.memory_space<hbm>>)
      tpu.yield
    }) : () -> ()
    %add3A_42 = arith.constant 64000 : i32
    %add3A_43 = arith.addi %mul3A_2, %add3A_42 : i32
    "tpu.region"() ({
      %run_scoped3A = tpu.sem_alloc : memref<!tpu.dma_semaphore, #tpu.memory_space<semaphore_mem>>
      %dma_start3A = tpu.memref_slice %arg2[%add3A_43] : memref<16384000xf32, #tpu.memory_space<hbm>> -> memref<12800xf32, #tpu.memory_space<hbm>>
      %dma_start3A_322 = tpu.memref_slice %arg2[%add3A_43] : memref<16384000xf32, #tpu.memory_space<hbm>> -> memref<12800xf32, #tpu.memory_space<hbm>>
      tpu.enqueue_dma source(%dma_start3A_322 : memref<12800xf32, #tpu.memory_space<hbm>>) target(%arg4 : memref<12800xf32, #tpu.memory_space<vmem>>) target_semaphore(%run_scoped3A : memref<!tpu.dma_semaphore, #tpu.memory_space<semaphore_mem>>)
      %dma_wait3A = tpu.memref_slice %arg2[%add3A_43] : memref<16384000xf32, #tpu.memory_space<hbm>> -> memref<12800xf32, #tpu.memory_space<hbm>>
      %dma_wait3A_323 = tpu.memref_slice %arg2[%add3A_43] : memref<16384000xf32, #tpu.memory_space<hbm>> -> memref<12800xf32, #tpu.memory_space<hbm>>
      tpu.wait_dma2 semaphore(%run_scoped3A : memref<!tpu.dma_semaphore, #tpu.memory_space<semaphore_mem>>) src(%dma_wait3A_323 : memref<12800xf32, #tpu.memory_space<hbm>>) dst(%arg4 : memref<12800xf32, #tpu.memory_space<vmem>>)
      tpu.yield
    }) : () -> ()
    %scan3A_44 = arith.constant 0 : i32
    %scan3A_45 = arith.constant 0 : i32
    %scan3A_46 = arith.constant 800 : i32
    %scan3A_47 = arith.addi %scan3A_45, %scan3A_46 : i32
    %scan3A_48 = arith.constant 1 : i32
    scf.for %scan3A_322 = %scan3A_45 to %scan3A_47 step %scan3A_48  : i32 {
      %mul3A_323 = arith.constant 16 : i32
      %mul3A_324 = arith.muli %scan3A_322, %mul3A_323 : i32
      %get3A = arith.index_cast %mul3A_324 : i32 to index
      %get3A_325 = tpu.vector_load %arg4[%get3A] {strides = array<i32>} : memref<12800xf32, #tpu.memory_space<vmem>>, vector<16xf32>,
      %get3A_326 = vector.shape_cast %get3A_325 : vector<16xf32> to vector<16xf32>
      %neg3A = arith.constant 0.000000e+00 : f32
      %neg3A_327 = vector.broadcast %neg3A : f32 to vector<16xf32>
      %neg3A_328 = arith.subf %neg3A_327, %get3A_326 : vector<16xf32>
      %exp3A = math.exp %neg3A_328 : vector<16xf32>
      %add3A_329 = arith.constant 1.000000e+00 : f32
      %add3A_330 = vector.broadcast %add3A_329 : f32 to vector<16xf32>
      %add3A_331 = arith.addf %add3A_330, %exp3A : vector<16xf32>
      %div3A = arith.constant 1.000000e+00 : f32
      %div3A_332 = vector.broadcast %div3A : f32 to vector<16xf32>
      %div3A_333 = arith.divf %div3A_332, %add3A_331 : vector<16xf32>
      %mul3A_334 = arith.constant 16 : i32
      %mul3A_335 = arith.muli %scan3A_322, %mul3A_334 : i32
      %swap3A = arith.index_cast %mul3A_335 : i32 to index
      %swap3A_336 = tpu.vector_load %arg5[%swap3A] {strides = array<i32>} : memref<12800xf32, #tpu.memory_space<vmem>>, vector<16xf32>,
      %swap3A_337 = vector.shape_cast %swap3A_336 : vector<16xf32> to vector<16xf32>
      %swap3A_338 = vector.shape_cast %div3A_333 : vector<16xf32> to vector<16xf32>
      tpu.vector_store %arg5[%swap3A], %swap3A_338 {strides = array<i32>} : memref<12800xf32, #tpu.memory_space<vmem>>, vector<16xf32>,
    }
    %scan3A_49 = arith.constant 800 : i32
    "tpu.region"() ({
      %run_scoped3A = tpu.sem_alloc : memref<!tpu.dma_semaphore, #tpu.memory_space<semaphore_mem>>
      %dma_start3A = tpu.memref_slice %arg3[%add3A_43] : memref<16384000xf32, #tpu.memory_space<hbm>> -> memref<12800xf32, #tpu.memory_space<hbm>>
      %dma_start3A_322 = tpu.memref_slice %arg3[%add3A_43] : memref<16384000xf32, #tpu.memory_space<hbm>> -> memref<12800xf32, #tpu.memory_space<hbm>>
      tpu.enqueue_dma source(%arg5 : memref<12800xf32, #tpu.memory_space<vmem>>) target(%dma_start3A_322 : memref<12800xf32, #tpu.memory_space<hbm>>) target_semaphore(%run_scoped3A : memref<!tpu.dma_semaphore, #tpu.memory_space<semaphore_mem>>)
      %dma_wait3A = tpu.memref_slice %arg3[%add3A_43] : memref<16384000xf32, #tpu.memory_space<hbm>> -> memref<12800xf32, #tpu.memory_space<hbm>>
      %dma_wait3A_323 = tpu.memref_slice %arg3[%add3A_43] : memref<16384000xf32, #tpu.memory_space<hbm>> -> memref<12800xf32, #tpu.memory_space<hbm>>
      tpu.wait_dma2 semaphore(%run_scoped3A : memref<!tpu.dma_semaphore, #tpu.memory_space<semaphore_mem>>) src(%arg5 : memref<12800xf32, #tpu.memory_space<vmem>>) dst(%dma_wait3A_323 : memref<12800xf32, #tpu.memory_space<hbm>>)
      tpu.yield
    }) : () -> ()
    %add3A_50 = arith.constant 76800 : i32
    %add3A_51 = arith.addi %mul3A_2, %add3A_50 : i32
    "tpu.region"() ({
      %run_scoped3A = tpu.sem_alloc : memref<!tpu.dma_semaphore, #tpu.memory_space<semaphore_mem>>
      %dma_start3A = tpu.memref_slice %arg2[%add3A_51] : memref<16384000xf32, #tpu.memory_space<hbm>> -> memref<12800xf32, #tpu.memory_space<hbm>>
      %dma_start3A_322 = tpu.memref_slice %arg2[%add3A_51] : memref<16384000xf32, #tpu.memory_space<hbm>> -> memref<12800xf32, #tpu.memory_space<hbm>>
      tpu.enqueue_dma source(%dma_start3A_322 : memref<12800xf32, #tpu.memory_space<hbm>>) target(%arg4 : memref<12800xf32, #tpu.memory_space<vmem>>) target_semaphore(%run_scoped3A : memref<!tpu.dma_semaphore, #tpu.memory_space<semaphore_mem>>)
      %dma_wait3A = tpu.memref_slice %arg2[%add3A_51] : memref<16384000xf32, #tpu.memory_space<hbm>> -> memref<12800xf32, #tpu.memory_space<hbm>>
      %dma_wait3A_323 = tpu.memref_slice %arg2[%add3A_51] : memref<16384000xf32, #tpu.memory_space<hbm>> -> memref<12800xf32, #tpu.memory_space<hbm>>
      tpu.wait_dma2 semaphore(%run_scoped3A : memref<!tpu.dma_semaphore, #tpu.memory_space<semaphore_mem>>) src(%dma_wait3A_323 : memref<12800xf32, #tpu.memory_space<hbm>>) dst(%arg4 : memref<12800xf32, #tpu.memory_space<vmem>>)
      tpu.yield
    }) : () -> ()
    %scan3A_52 = arith.constant 0 : i32
    %scan3A_53 = arith.constant 0 : i32
    %scan3A_54 = arith.constant 800 : i32
    %scan3A_55 = arith.addi %scan3A_53, %scan3A_54 : i32
    %scan3A_56 = arith.constant 1 : i32
    scf.for %scan3A_322 = %scan3A_53 to %scan3A_55 step %scan3A_56  : i32 {
      %mul3A_323 = arith.constant 16 : i32
      %mul3A_324 = arith.muli %scan3A_322, %mul3A_323 : i32
      %get3A = arith.index_cast %mul3A_324 : i32 to index
      %get3A_325 = tpu.vector_load %arg4[%get3A] {strides = array<i32>} : memref<12800xf32, #tpu.memory_space<vmem>>, vector<16xf32>,
      %get3A_326 = vector.shape_cast %get3A_325 : vector<16xf32> to vector<16xf32>
      %neg3A = arith.constant 0.000000e+00 : f32
      %neg3A_327 = vector.broadcast %neg3A : f32 to vector<16xf32>
      %neg3A_328 = arith.subf %neg3A_327, %get3A_326 : vector<16xf32>
      %exp3A = math.exp %neg3A_328 : vector<16xf32>
      %add3A_329 = arith.constant 1.000000e+00 : f32
      %add3A_330 = vector.broadcast %add3A_329 : f32 to vector<16xf32>
      %add3A_331 = arith.addf %add3A_330, %exp3A : vector<16xf32>
      %div3A = arith.constant 1.000000e+00 : f32
      %div3A_332 = vector.broadcast %div3A : f32 to vector<16xf32>
      %div3A_333 = arith.divf %div3A_332, %add3A_331 : vector<16xf32>
      %mul3A_334 = arith.constant 16 : i32
      %mul3A_335 = arith.muli %scan3A_322, %mul3A_334 : i32
      %swap3A = arith.index_cast %mul3A_335 : i32 to index
      %swap3A_336 = tpu.vector_load %arg5[%swap3A] {strides = array<i32>} : memref<12800xf32, #tpu.memory_space<vmem>>, vector<16xf32>,
      %swap3A_337 = vector.shape_cast %swap3A_336 : vector<16xf32> to vector<16xf32>
      %swap3A_338 = vector.shape_cast %div3A_333 : vector<16xf32> to vector<16xf32>
      tpu.vector_store %arg5[%swap3A], %swap3A_338 {strides = array<i32>} : memref<12800xf32, #tpu.memory_space<vmem>>, vector<16xf32>,
    }
    %scan3A_57 = arith.constant 800 : i32
    "tpu.region"() ({
      %run_scoped3A = tpu.sem_alloc : memref<!tpu.dma_semaphore, #tpu.memory_space<semaphore_mem>>
      %dma_start3A = tpu.memref_slice %arg3[%add3A_51] : memref<16384000xf32, #tpu.memory_space<hbm>> -> memref<12800xf32, #tpu.memory_space<hbm>>
      %dma_start3A_322 = tpu.memref_slice %arg3[%add3A_51] : memref<16384000xf32, #tpu.memory_space<hbm>> -> memref<12800xf32, #tpu.memory_space<hbm>>
      tpu.enqueue_dma source(%arg5 : memref<12800xf32, #tpu.memory_space<vmem>>) target(%dma_start3A_322 : memref<12800xf32, #tpu.memory_space<hbm>>) target_semaphore(%run_scoped3A : memref<!tpu.dma_semaphore, #tpu.memory_space<semaphore_mem>>)
      %dma_wait3A = tpu.memref_slice %arg3[%add3A_51] : memref<16384000xf32, #tpu.memory_space<hbm>> -> memref<12800xf32, #tpu.memory_space<hbm>>
      %dma_wait3A_323 = tpu.memref_slice %arg3[%add3A_51] : memref<16384000xf32, #tpu.memory_space<hbm>> -> memref<12800xf32, #tpu.memory_space<hbm>>
      tpu.wait_dma2 semaphore(%run_scoped3A : memref<!tpu.dma_semaphore, #tpu.memory_space<semaphore_mem>>) src(%arg5 : memref<12800xf32, #tpu.memory_space<vmem>>) dst(%dma_wait3A_323 : memref<12800xf32, #tpu.memory_space<hbm>>)
      tpu.yield
    }) : () -> ()
    %add3A_58 = arith.constant 89600 : i32
    %add3A_59 = arith.addi %mul3A_2, %add3A_58 : i32
    "tpu.region"() ({
      %run_scoped3A = tpu.sem_alloc : memref<!tpu.dma_semaphore, #tpu.memory_space<semaphore_mem>>
      %dma_start3A = tpu.memref_slice %arg2[%add3A_59] : memref<16384000xf32, #tpu.memory_space<hbm>> -> memref<12800xf32, #tpu.memory_space<hbm>>
      %dma_start3A_322 = tpu.memref_slice %arg2[%add3A_59] : memref<16384000xf32, #tpu.memory_space<hbm>> -> memref<12800xf32, #tpu.memory_space<hbm>>
      tpu.enqueue_dma source(%dma_start3A_322 : memref<12800xf32, #tpu.memory_space<hbm>>) target(%arg4 : memref<12800xf32, #tpu.memory_space<vmem>>) target_semaphore(%run_scoped3A : memref<!tpu.dma_semaphore, #tpu.memory_space<semaphore_mem>>)
      %dma_wait3A = tpu.memref_slice %arg2[%add3A_59] : memref<16384000xf32, #tpu.memory_space<hbm>> -> memref<12800xf32, #tpu.memory_space<hbm>>
      %dma_wait3A_323 = tpu.memref_slice %arg2[%add3A_59] : memref<16384000xf32, #tpu.memory_space<hbm>> -> memref<12800xf32, #tpu.memory_space<hbm>>
      tpu.wait_dma2 semaphore(%run_scoped3A : memref<!tpu.dma_semaphore, #tpu.memory_space<semaphore_mem>>) src(%dma_wait3A_323 : memref<12800xf32, #tpu.memory_space<hbm>>) dst(%arg4 : memref<12800xf32, #tpu.memory_space<vmem>>)
      tpu.yield
    }) : () -> ()
    %scan3A_60 = arith.constant 0 : i32
    %scan3A_61 = arith.constant 0 : i32
    %scan3A_62 = arith.constant 800 : i32
    %scan3A_63 = arith.addi %scan3A_61, %scan3A_62 : i32
    %scan3A_64 = arith.constant 1 : i32
    scf.for %scan3A_322 = %scan3A_61 to %scan3A_63 step %scan3A_64  : i32 {
      %mul3A_323 = arith.constant 16 : i32
      %mul3A_324 = arith.muli %scan3A_322, %mul3A_323 : i32
      %get3A = arith.index_cast %mul3A_324 : i32 to index
      %get3A_325 = tpu.vector_load %arg4[%get3A] {strides = array<i32>} : memref<12800xf32, #tpu.memory_space<vmem>>, vector<16xf32>,
      %get3A_326 = vector.shape_cast %get3A_325 : vector<16xf32> to vector<16xf32>
      %neg3A = arith.constant 0.000000e+00 : f32
      %neg3A_327 = vector.broadcast %neg3A : f32 to vector<16xf32>
      %neg3A_328 = arith.subf %neg3A_327, %get3A_326 : vector<16xf32>
      %exp3A = math.exp %neg3A_328 : vector<16xf32>
      %add3A_329 = arith.constant 1.000000e+00 : f32
      %add3A_330 = vector.broadcast %add3A_329 : f32 to vector<16xf32>
      %add3A_331 = arith.addf %add3A_330, %exp3A : vector<16xf32>
      %div3A = arith.constant 1.000000e+00 : f32
      %div3A_332 = vector.broadcast %div3A : f32 to vector<16xf32>
      %div3A_333 = arith.divf %div3A_332, %add3A_331 : vector<16xf32>
      %mul3A_334 = arith.constant 16 : i32
      %mul3A_335 = arith.muli %scan3A_322, %mul3A_334 : i32
      %swap3A = arith.index_cast %mul3A_335 : i32 to index
      %swap3A_336 = tpu.vector_load %arg5[%swap3A] {strides = array<i32>} : memref<12800xf32, #tpu.memory_space<vmem>>, vector<16xf32>,
      %swap3A_337 = vector.shape_cast %swap3A_336 : vector<16xf32> to vector<16xf32>
      %swap3A_338 = vector.shape_cast %div3A_333 : vector<16xf32> to vector<16xf32>
      tpu.vector_store %arg5[%swap3A], %swap3A_338 {strides = array<i32>} : memref<12800xf32, #tpu.memory_space<vmem>>, vector<16xf32>,
    }
    %scan3A_65 = arith.constant 800 : i32
    "tpu.region"() ({
      %run_scoped3A = tpu.sem_alloc : memref<!tpu.dma_semaphore, #tpu.memory_space<semaphore_mem>>
      %dma_start3A = tpu.memref_slice %arg3[%add3A_59] : memref<16384000xf32, #tpu.memory_space<hbm>> -> memref<12800xf32, #tpu.memory_space<hbm>>
      %dma_start3A_322 = tpu.memref_slice %arg3[%add3A_59] : memref<16384000xf32, #tpu.memory_space<hbm>> -> memref<12800xf32, #tpu.memory_space<hbm>>
      tpu.enqueue_dma source(%arg5 : memref<12800xf32, #tpu.memory_space<vmem>>) target(%dma_start3A_322 : memref<12800xf32, #tpu.memory_space<hbm>>) target_semaphore(%run_scoped3A : memref<!tpu.dma_semaphore, #tpu.memory_space<semaphore_mem>>)
      %dma_wait3A = tpu.memref_slice %arg3[%add3A_59] : memref<16384000xf32, #tpu.memory_space<hbm>> -> memref<12800xf32, #tpu.memory_space<hbm>>
      %dma_wait3A_323 = tpu.memref_slice %arg3[%add3A_59] : memref<16384000xf32, #tpu.memory_space<hbm>> -> memref<12800xf32, #tpu.memory_space<hbm>>
      tpu.wait_dma2 semaphore(%run_scoped3A : memref<!tpu.dma_semaphore, #tpu.memory_space<semaphore_mem>>) src(%arg5 : memref<12800xf32, #tpu.memory_space<vmem>>) dst(%dma_wait3A_323 : memref<12800xf32, #tpu.memory_space<hbm>>)
      tpu.yield
    }) : () -> ()
    %add3A_66 = arith.constant 102400 : i32
    %add3A_67 = arith.addi %mul3A_2, %add3A_66 : i32
    "tpu.region"() ({
      %run_scoped3A = tpu.sem_alloc : memref<!tpu.dma_semaphore, #tpu.memory_space<semaphore_mem>>
      %dma_start3A = tpu.memref_slice %arg2[%add3A_67] : memref<16384000xf32, #tpu.memory_space<hbm>> -> memref<12800xf32, #tpu.memory_space<hbm>>
      %dma_start3A_322 = tpu.memref_slice %arg2[%add3A_67] : memref<16384000xf32, #tpu.memory_space<hbm>> -> memref<12800xf32, #tpu.memory_space<hbm>>
      tpu.enqueue_dma source(%dma_start3A_322 : memref<12800xf32, #tpu.memory_space<hbm>>) target(%arg4 : memref<12800xf32, #tpu.memory_space<vmem>>) target_semaphore(%run_scoped3A : memref<!tpu.dma_semaphore, #tpu.memory_space<semaphore_mem>>)
      %dma_wait3A = tpu.memref_slice %arg2[%add3A_67] : memref<16384000xf32, #tpu.memory_space<hbm>> -> memref<12800xf32, #tpu.memory_space<hbm>>
      %dma_wait3A_323 = tpu.memref_slice %arg2[%add3A_67] : memref<16384000xf32, #tpu.memory_space<hbm>> -> memref<12800xf32, #tpu.memory_space<hbm>>
      tpu.wait_dma2 semaphore(%run_scoped3A : memref<!tpu.dma_semaphore, #tpu.memory_space<semaphore_mem>>) src(%dma_wait3A_323 : memref<12800xf32, #tpu.memory_space<hbm>>) dst(%arg4 : memref<12800xf32, #tpu.memory_space<vmem>>)
      tpu.yield
    }) : () -> ()
    %scan3A_68 = arith.constant 0 : i32
    %scan3A_69 = arith.constant 0 : i32
    %scan3A_70 = arith.constant 800 : i32
    %scan3A_71 = arith.addi %scan3A_69, %scan3A_70 : i32
    %scan3A_72 = arith.constant 1 : i32
    scf.for %scan3A_322 = %scan3A_69 to %scan3A_71 step %scan3A_72  : i32 {
      %mul3A_323 = arith.constant 16 : i32
      %mul3A_324 = arith.muli %scan3A_322, %mul3A_323 : i32
      %get3A = arith.index_cast %mul3A_324 : i32 to index
      %get3A_325 = tpu.vector_load %arg4[%get3A] {strides = array<i32>} : memref<12800xf32, #tpu.memory_space<vmem>>, vector<16xf32>,
      %get3A_326 = vector.shape_cast %get3A_325 : vector<16xf32> to vector<16xf32>
      %neg3A = arith.constant 0.000000e+00 : f32
      %neg3A_327 = vector.broadcast %neg3A : f32 to vector<16xf32>
      %neg3A_328 = arith.subf %neg3A_327, %get3A_326 : vector<16xf32>
      %exp3A = math.exp %neg3A_328 : vector<16xf32>
      %add3A_329 = arith.constant 1.000000e+00 : f32
      %add3A_330 = vector.broadcast %add3A_329 : f32 to vector<16xf32>
      %add3A_331 = arith.addf %add3A_330, %exp3A : vector<16xf32>
      %div3A = arith.constant 1.000000e+00 : f32
      %div3A_332 = vector.broadcast %div3A : f32 to vector<16xf32>
      %div3A_333 = arith.divf %div3A_332, %add3A_331 : vector<16xf32>
      %mul3A_334 = arith.constant 16 : i32
      %mul3A_335 = arith.muli %scan3A_322, %mul3A_334 : i32
      %swap3A = arith.index_cast %mul3A_335 : i32 to index
      %swap3A_336 = tpu.vector_load %arg5[%swap3A] {strides = array<i32>} : memref<12800xf32, #tpu.memory_space<vmem>>, vector<16xf32>,
      %swap3A_337 = vector.shape_cast %swap3A_336 : vector<16xf32> to vector<16xf32>
      %swap3A_338 = vector.shape_cast %div3A_333 : vector<16xf32> to vector<16xf32>
      tpu.vector_store %arg5[%swap3A], %swap3A_338 {strides = array<i32>} : memref<12800xf32, #tpu.memory_space<vmem>>, vector<16xf32>,
    }
    %scan3A_73 = arith.constant 800 : i32
    "tpu.region"() ({
      %run_scoped3A = tpu.sem_alloc : memref<!tpu.dma_semaphore, #tpu.memory_space<semaphore_mem>>
      %dma_start3A = tpu.memref_slice %arg3[%add3A_67] : memref<16384000xf32, #tpu.memory_space<hbm>> -> memref<12800xf32, #tpu.memory_space<hbm>>
      %dma_start3A_322 = tpu.memref_slice %arg3[%add3A_67] : memref<16384000xf32, #tpu.memory_space<hbm>> -> memref<12800xf32, #tpu.memory_space<hbm>>
      tpu.enqueue_dma source(%arg5 : memref<12800xf32, #tpu.memory_space<vmem>>) target(%dma_start3A_322 : memref<12800xf32, #tpu.memory_space<hbm>>) target_semaphore(%run_scoped3A : memref<!tpu.dma_semaphore, #tpu.memory_space<semaphore_mem>>)
      %dma_wait3A = tpu.memref_slice %arg3[%add3A_67] : memref<16384000xf32, #tpu.memory_space<hbm>> -> memref<12800xf32, #tpu.memory_space<hbm>>
      %dma_wait3A_323 = tpu.memref_slice %arg3[%add3A_67] : memref<16384000xf32, #tpu.memory_space<hbm>> -> memref<12800xf32, #tpu.memory_space<hbm>>
      tpu.wait_dma2 semaphore(%run_scoped3A : memref<!tpu.dma_semaphore, #tpu.memory_space<semaphore_mem>>) src(%arg5 : memref<12800xf32, #tpu.memory_space<vmem>>) dst(%dma_wait3A_323 : memref<12800xf32, #tpu.memory_space<hbm>>)
      tpu.yield
    }) : () -> ()
    %add3A_74 = arith.constant 115200 : i32
    %add3A_75 = arith.addi %mul3A_2, %add3A_74 : i32
    "tpu.region"() ({
      %run_scoped3A = tpu.sem_alloc : memref<!tpu.dma_semaphore, #tpu.memory_space<semaphore_mem>>
      %dma_start3A = tpu.memref_slice %arg2[%add3A_75] : memref<16384000xf32, #tpu.memory_space<hbm>> -> memref<12800xf32, #tpu.memory_space<hbm>>
      %dma_start3A_322 = tpu.memref_slice %arg2[%add3A_75] : memref<16384000xf32, #tpu.memory_space<hbm>> -> memref<12800xf32, #tpu.memory_space<hbm>>
      tpu.enqueue_dma source(%dma_start3A_322 : memref<12800xf32, #tpu.memory_space<hbm>>) target(%arg4 : memref<12800xf32, #tpu.memory_space<vmem>>) target_semaphore(%run_scoped3A : memref<!tpu.dma_semaphore, #tpu.memory_space<semaphore_mem>>)
      %dma_wait3A = tpu.memref_slice %arg2[%add3A_75] : memref<16384000xf32, #tpu.memory_space<hbm>> -> memref<12800xf32, #tpu.memory_space<hbm>>
      %dma_wait3A_323 = tpu.memref_slice %arg2[%add3A_75] : memref<16384000xf32, #tpu.memory_space<hbm>> -> memref<12800xf32, #tpu.memory_space<hbm>>
      tpu.wait_dma2 semaphore(%run_scoped3A : memref<!tpu.dma_semaphore, #tpu.memory_space<semaphore_mem>>) src(%dma_wait3A_323 : memref<12800xf32, #tpu.memory_space<hbm>>) dst(%arg4 : memref<12800xf32, #tpu.memory_space<vmem>>)
      tpu.yield
    }) : () -> ()
    %scan3A_76 = arith.constant 0 : i32
    %scan3A_77 = arith.constant 0 : i32
    %scan3A_78 = arith.constant 800 : i32
    %scan3A_79 = arith.addi %scan3A_77, %scan3A_78 : i32
    %scan3A_80 = arith.constant 1 : i32
    scf.for %scan3A_322 = %scan3A_77 to %scan3A_79 step %scan3A_80  : i32 {
      %mul3A_323 = arith.constant 16 : i32
      %mul3A_324 = arith.muli %scan3A_322, %mul3A_323 : i32
      %get3A = arith.index_cast %mul3A_324 : i32 to index
      %get3A_325 = tpu.vector_load %arg4[%get3A] {strides = array<i32>} : memref<12800xf32, #tpu.memory_space<vmem>>, vector<16xf32>,
      %get3A_326 = vector.shape_cast %get3A_325 : vector<16xf32> to vector<16xf32>
      %neg3A = arith.constant 0.000000e+00 : f32
      %neg3A_327 = vector.broadcast %neg3A : f32 to vector<16xf32>
      %neg3A_328 = arith.subf %neg3A_327, %get3A_326 : vector<16xf32>
      %exp3A = math.exp %neg3A_328 : vector<16xf32>
      %add3A_329 = arith.constant 1.000000e+00 : f32
      %add3A_330 = vector.broadcast %add3A_329 : f32 to vector<16xf32>
      %add3A_331 = arith.addf %add3A_330, %exp3A : vector<16xf32>
      %div3A = arith.constant 1.000000e+00 : f32
      %div3A_332 = vector.broadcast %div3A : f32 to vector<16xf32>
      %div3A_333 = arith.divf %div3A_332, %add3A_331 : vector<16xf32>
      %mul3A_334 = arith.constant 16 : i32
      %mul3A_335 = arith.muli %scan3A_322, %mul3A_334 : i32
      %swap3A = arith.index_cast %mul3A_335 : i32 to index
      %swap3A_336 = tpu.vector_load %arg5[%swap3A] {strides = array<i32>} : memref<12800xf32, #tpu.memory_space<vmem>>, vector<16xf32>,
      %swap3A_337 = vector.shape_cast %swap3A_336 : vector<16xf32> to vector<16xf32>
      %swap3A_338 = vector.shape_cast %div3A_333 : vector<16xf32> to vector<16xf32>
      tpu.vector_store %arg5[%swap3A], %swap3A_338 {strides = array<i32>} : memref<12800xf32, #tpu.memory_space<vmem>>, vector<16xf32>,
    }
    %scan3A_81 = arith.constant 800 : i32
    "tpu.region"() ({
      %run_scoped3A = tpu.sem_alloc : memref<!tpu.dma_semaphore, #tpu.memory_space<semaphore_mem>>
      %dma_start3A = tpu.memref_slice %arg3[%add3A_75] : memref<16384000xf32, #tpu.memory_space<hbm>> -> memref<12800xf32, #tpu.memory_space<hbm>>
      %dma_start3A_322 = tpu.memref_slice %arg3[%add3A_75] : memref<16384000xf32, #tpu.memory_space<hbm>> -> memref<12800xf32, #tpu.memory_space<hbm>>
      tpu.enqueue_dma source(%arg5 : memref<12800xf32, #tpu.memory_space<vmem>>) target(%dma_start3A_322 : memref<12800xf32, #tpu.memory_space<hbm>>) target_semaphore(%run_scoped3A : memref<!tpu.dma_semaphore, #tpu.memory_space<semaphore_mem>>)
      %dma_wait3A = tpu.memref_slice %arg3[%add3A_75] : memref<16384000xf32, #tpu.memory_space<hbm>> -> memref<12800xf32, #tpu.memory_space<hbm>>
      %dma_wait3A_323 = tpu.memref_slice %arg3[%add3A_75] : memref<16384000xf32, #tpu.memory_space<hbm>> -> memref<12800xf32, #tpu.memory_space<hbm>>
      tpu.wait_dma2 semaphore(%run_scoped3A : memref<!tpu.dma_semaphore, #tpu.memory_space<semaphore_mem>>) src(%arg5 : memref<12800xf32, #tpu.memory_space<vmem>>) dst(%dma_wait3A_323 : memref<12800xf32, #tpu.memory_space<hbm>>)
      tpu.yield
    }) : () -> ()
    %add3A_82 = arith.constant 128000 : i32
    %add3A_83 = arith.addi %mul3A_2, %add3A_82 : i32
    "tpu.region"() ({
      %run_scoped3A = tpu.sem_alloc : memref<!tpu.dma_semaphore, #tpu.memory_space<semaphore_mem>>
      %dma_start3A = tpu.memref_slice %arg2[%add3A_83] : memref<16384000xf32, #tpu.memory_space<hbm>> -> memref<12800xf32, #tpu.memory_space<hbm>>
      %dma_start3A_322 = tpu.memref_slice %arg2[%add3A_83] : memref<16384000xf32, #tpu.memory_space<hbm>> -> memref<12800xf32, #tpu.memory_space<hbm>>
      tpu.enqueue_dma source(%dma_start3A_322 : memref<12800xf32, #tpu.memory_space<hbm>>) target(%arg4 : memref<12800xf32, #tpu.memory_space<vmem>>) target_semaphore(%run_scoped3A : memref<!tpu.dma_semaphore, #tpu.memory_space<semaphore_mem>>)
      %dma_wait3A = tpu.memref_slice %arg2[%add3A_83] : memref<16384000xf32, #tpu.memory_space<hbm>> -> memref<12800xf32, #tpu.memory_space<hbm>>
      %dma_wait3A_323 = tpu.memref_slice %arg2[%add3A_83] : memref<16384000xf32, #tpu.memory_space<hbm>> -> memref<12800xf32, #tpu.memory_space<hbm>>
      tpu.wait_dma2 semaphore(%run_scoped3A : memref<!tpu.dma_semaphore, #tpu.memory_space<semaphore_mem>>) src(%dma_wait3A_323 : memref<12800xf32, #tpu.memory_space<hbm>>) dst(%arg4 : memref<12800xf32, #tpu.memory_space<vmem>>)
      tpu.yield
    }) : () -> ()
    %scan3A_84 = arith.constant 0 : i32
    %scan3A_85 = arith.constant 0 : i32
    %scan3A_86 = arith.constant 800 : i32
    %scan3A_87 = arith.addi %scan3A_85, %scan3A_86 : i32
    %scan3A_88 = arith.constant 1 : i32
    scf.for %scan3A_322 = %scan3A_85 to %scan3A_87 step %scan3A_88  : i32 {
      %mul3A_323 = arith.constant 16 : i32
      %mul3A_324 = arith.muli %scan3A_322, %mul3A_323 : i32
      %get3A = arith.index_cast %mul3A_324 : i32 to index
      %get3A_325 = tpu.vector_load %arg4[%get3A] {strides = array<i32>} : memref<12800xf32, #tpu.memory_space<vmem>>, vector<16xf32>,
      %get3A_326 = vector.shape_cast %get3A_325 : vector<16xf32> to vector<16xf32>
      %neg3A = arith.constant 0.000000e+00 : f32
      %neg3A_327 = vector.broadcast %neg3A : f32 to vector<16xf32>
      %neg3A_328 = arith.subf %neg3A_327, %get3A_326 : vector<16xf32>
      %exp3A = math.exp %neg3A_328 : vector<16xf32>
      %add3A_329 = arith.constant 1.000000e+00 : f32
      %add3A_330 = vector.broadcast %add3A_329 : f32 to vector<16xf32>
      %add3A_331 = arith.addf %add3A_330, %exp3A : vector<16xf32>
      %div3A = arith.constant 1.000000e+00 : f32
      %div3A_332 = vector.broadcast %div3A : f32 to vector<16xf32>
      %div3A_333 = arith.divf %div3A_332, %add3A_331 : vector<16xf32>
      %mul3A_334 = arith.constant 16 : i32
      %mul3A_335 = arith.muli %scan3A_322, %mul3A_334 : i32
      %swap3A = arith.index_cast %mul3A_335 : i32 to index
      %swap3A_336 = tpu.vector_load %arg5[%swap3A] {strides = array<i32>} : memref<12800xf32, #tpu.memory_space<vmem>>, vector<16xf32>,
      %swap3A_337 = vector.shape_cast %swap3A_336 : vector<16xf32> to vector<16xf32>
      %swap3A_338 = vector.shape_cast %div3A_333 : vector<16xf32> to vector<16xf32>
      tpu.vector_store %arg5[%swap3A], %swap3A_338 {strides = array<i32>} : memref<12800xf32, #tpu.memory_space<vmem>>, vector<16xf32>,
    }
    %scan3A_89 = arith.constant 800 : i32
    "tpu.region"() ({
      %run_scoped3A = tpu.sem_alloc : memref<!tpu.dma_semaphore, #tpu.memory_space<semaphore_mem>>
      %dma_start3A = tpu.memref_slice %arg3[%add3A_83] : memref<16384000xf32, #tpu.memory_space<hbm>> -> memref<12800xf32, #tpu.memory_space<hbm>>
      %dma_start3A_322 = tpu.memref_slice %arg3[%add3A_83] : memref<16384000xf32, #tpu.memory_space<hbm>> -> memref<12800xf32, #tpu.memory_space<hbm>>
      tpu.enqueue_dma source(%arg5 : memref<12800xf32, #tpu.memory_space<vmem>>) target(%dma_start3A_322 : memref<12800xf32, #tpu.memory_space<hbm>>) target_semaphore(%run_scoped3A : memref<!tpu.dma_semaphore, #tpu.memory_space<semaphore_mem>>)
      %dma_wait3A = tpu.memref_slice %arg3[%add3A_83] : memref<16384000xf32, #tpu.memory_space<hbm>> -> memref<12800xf32, #tpu.memory_space<hbm>>
      %dma_wait3A_323 = tpu.memref_slice %arg3[%add3A_83] : memref<16384000xf32, #tpu.memory_space<hbm>> -> memref<12800xf32, #tpu.memory_space<hbm>>
      tpu.wait_dma2 semaphore(%run_scoped3A : memref<!tpu.dma_semaphore, #tpu.memory_space<semaphore_mem>>) src(%arg5 : memref<12800xf32, #tpu.memory_space<vmem>>) dst(%dma_wait3A_323 : memref<12800xf32, #tpu.memory_space<hbm>>)
      tpu.yield
    }) : () -> ()
    %add3A_90 = arith.constant 140800 : i32
    %add3A_91 = arith.addi %mul3A_2, %add3A_90 : i32
    "tpu.region"() ({
      %run_scoped3A = tpu.sem_alloc : memref<!tpu.dma_semaphore, #tpu.memory_space<semaphore_mem>>
      %dma_start3A = tpu.memref_slice %arg2[%add3A_91] : memref<16384000xf32, #tpu.memory_space<hbm>> -> memref<12800xf32, #tpu.memory_space<hbm>>
      %dma_start3A_322 = tpu.memref_slice %arg2[%add3A_91] : memref<16384000xf32, #tpu.memory_space<hbm>> -> memref<12800xf32, #tpu.memory_space<hbm>>
      tpu.enqueue_dma source(%dma_start3A_322 : memref<12800xf32, #tpu.memory_space<hbm>>) target(%arg4 : memref<12800xf32, #tpu.memory_space<vmem>>) target_semaphore(%run_scoped3A : memref<!tpu.dma_semaphore, #tpu.memory_space<semaphore_mem>>)
      %dma_wait3A = tpu.memref_slice %arg2[%add3A_91] : memref<16384000xf32, #tpu.memory_space<hbm>> -> memref<12800xf32, #tpu.memory_space<hbm>>
      %dma_wait3A_323 = tpu.memref_slice %arg2[%add3A_91] : memref<16384000xf32, #tpu.memory_space<hbm>> -> memref<12800xf32, #tpu.memory_space<hbm>>
      tpu.wait_dma2 semaphore(%run_scoped3A : memref<!tpu.dma_semaphore, #tpu.memory_space<semaphore_mem>>) src(%dma_wait3A_323 : memref<12800xf32, #tpu.memory_space<hbm>>) dst(%arg4 : memref<12800xf32, #tpu.memory_space<vmem>>)
      tpu.yield
    }) : () -> ()
    %scan3A_92 = arith.constant 0 : i32
    %scan3A_93 = arith.constant 0 : i32
    %scan3A_94 = arith.constant 800 : i32
    %scan3A_95 = arith.addi %scan3A_93, %scan3A_94 : i32
    %scan3A_96 = arith.constant 1 : i32
    scf.for %scan3A_322 = %scan3A_93 to %scan3A_95 step %scan3A_96  : i32 {
      %mul3A_323 = arith.constant 16 : i32
      %mul3A_324 = arith.muli %scan3A_322, %mul3A_323 : i32
      %get3A = arith.index_cast %mul3A_324 : i32 to index
      %get3A_325 = tpu.vector_load %arg4[%get3A] {strides = array<i32>} : memref<12800xf32, #tpu.memory_space<vmem>>, vector<16xf32>,
      %get3A_326 = vector.shape_cast %get3A_325 : vector<16xf32> to vector<16xf32>
      %neg3A = arith.constant 0.000000e+00 : f32
      %neg3A_327 = vector.broadcast %neg3A : f32 to vector<16xf32>
      %neg3A_328 = arith.subf %neg3A_327, %get3A_326 : vector<16xf32>
      %exp3A = math.exp %neg3A_328 : vector<16xf32>
      %add3A_329 = arith.constant 1.000000e+00 : f32
      %add3A_330 = vector.broadcast %add3A_329 : f32 to vector<16xf32>
      %add3A_331 = arith.addf %add3A_330, %exp3A : vector<16xf32>
      %div3A = arith.constant 1.000000e+00 : f32
      %div3A_332 = vector.broadcast %div3A : f32 to vector<16xf32>
      %div3A_333 = arith.divf %div3A_332, %add3A_331 : vector<16xf32>
      %mul3A_334 = arith.constant 16 : i32
      %mul3A_335 = arith.muli %scan3A_322, %mul3A_334 : i32
      %swap3A = arith.index_cast %mul3A_335 : i32 to index
      %swap3A_336 = tpu.vector_load %arg5[%swap3A] {strides = array<i32>} : memref<12800xf32, #tpu.memory_space<vmem>>, vector<16xf32>,
      %swap3A_337 = vector.shape_cast %swap3A_336 : vector<16xf32> to vector<16xf32>
      %swap3A_338 = vector.shape_cast %div3A_333 : vector<16xf32> to vector<16xf32>
      tpu.vector_store %arg5[%swap3A], %swap3A_338 {strides = array<i32>} : memref<12800xf32, #tpu.memory_space<vmem>>, vector<16xf32>,
    }
    %scan3A_97 = arith.constant 800 : i32
    "tpu.region"() ({
      %run_scoped3A = tpu.sem_alloc : memref<!tpu.dma_semaphore, #tpu.memory_space<semaphore_mem>>
      %dma_start3A = tpu.memref_slice %arg3[%add3A_91] : memref<16384000xf32, #tpu.memory_space<hbm>> -> memref<12800xf32, #tpu.memory_space<hbm>>
      %dma_start3A_322 = tpu.memref_slice %arg3[%add3A_91] : memref<16384000xf32, #tpu.memory_space<hbm>> -> memref<12800xf32, #tpu.memory_space<hbm>>
      tpu.enqueue_dma source(%arg5 : memref<12800xf32, #tpu.memory_space<vmem>>) target(%dma_start3A_322 : memref<12800xf32, #tpu.memory_space<hbm>>) target_semaphore(%run_scoped3A : memref<!tpu.dma_semaphore, #tpu.memory_space<semaphore_mem>>)
      %dma_wait3A = tpu.memref_slice %arg3[%add3A_91] : memref<16384000xf32, #tpu.memory_space<hbm>> -> memref<12800xf32, #tpu.memory_space<hbm>>
      %dma_wait3A_323 = tpu.memref_slice %arg3[%add3A_91] : memref<16384000xf32, #tpu.memory_space<hbm>> -> memref<12800xf32, #tpu.memory_space<hbm>>
      tpu.wait_dma2 semaphore(%run_scoped3A : memref<!tpu.dma_semaphore, #tpu.memory_space<semaphore_mem>>) src(%arg5 : memref<12800xf32, #tpu.memory_space<vmem>>) dst(%dma_wait3A_323 : memref<12800xf32, #tpu.memory_space<hbm>>)
      tpu.yield
    }) : () -> ()
    %add3A_98 = arith.constant 153600 : i32
    %add3A_99 = arith.addi %mul3A_2, %add3A_98 : i32
    "tpu.region"() ({
      %run_scoped3A = tpu.sem_alloc : memref<!tpu.dma_semaphore, #tpu.memory_space<semaphore_mem>>
      %dma_start3A = tpu.memref_slice %arg2[%add3A_99] : memref<16384000xf32, #tpu.memory_space<hbm>> -> memref<12800xf32, #tpu.memory_space<hbm>>
      %dma_start3A_322 = tpu.memref_slice %arg2[%add3A_99] : memref<16384000xf32, #tpu.memory_space<hbm>> -> memref<12800xf32, #tpu.memory_space<hbm>>
      tpu.enqueue_dma source(%dma_start3A_322 : memref<12800xf32, #tpu.memory_space<hbm>>) target(%arg4 : memref<12800xf32, #tpu.memory_space<vmem>>) target_semaphore(%run_scoped3A : memref<!tpu.dma_semaphore, #tpu.memory_space<semaphore_mem>>)
      %dma_wait3A = tpu.memref_slice %arg2[%add3A_99] : memref<16384000xf32, #tpu.memory_space<hbm>> -> memref<12800xf32, #tpu.memory_space<hbm>>
      %dma_wait3A_323 = tpu.memref_slice %arg2[%add3A_99] : memref<16384000xf32, #tpu.memory_space<hbm>> -> memref<12800xf32, #tpu.memory_space<hbm>>
      tpu.wait_dma2 semaphore(%run_scoped3A : memref<!tpu.dma_semaphore, #tpu.memory_space<semaphore_mem>>) src(%dma_wait3A_323 : memref<12800xf32, #tpu.memory_space<hbm>>) dst(%arg4 : memref<12800xf32, #tpu.memory_space<vmem>>)
      tpu.yield
    }) : () -> ()
    %scan3A_100 = arith.constant 0 : i32
    %scan3A_101 = arith.constant 0 : i32
    %scan3A_102 = arith.constant 800 : i32
    %scan3A_103 = arith.addi %scan3A_101, %scan3A_102 : i32
    %scan3A_104 = arith.constant 1 : i32
    scf.for %scan3A_322 = %scan3A_101 to %scan3A_103 step %scan3A_104  : i32 {
      %mul3A_323 = arith.constant 16 : i32
      %mul3A_324 = arith.muli %scan3A_322, %mul3A_323 : i32
      %get3A = arith.index_cast %mul3A_324 : i32 to index
      %get3A_325 = tpu.vector_load %arg4[%get3A] {strides = array<i32>} : memref<12800xf32, #tpu.memory_space<vmem>>, vector<16xf32>,
      %get3A_326 = vector.shape_cast %get3A_325 : vector<16xf32> to vector<16xf32>
      %neg3A = arith.constant 0.000000e+00 : f32
      %neg3A_327 = vector.broadcast %neg3A : f32 to vector<16xf32>
      %neg3A_328 = arith.subf %neg3A_327, %get3A_326 : vector<16xf32>
      %exp3A = math.exp %neg3A_328 : vector<16xf32>
      %add3A_329 = arith.constant 1.000000e+00 : f32
      %add3A_330 = vector.broadcast %add3A_329 : f32 to vector<16xf32>
      %add3A_331 = arith.addf %add3A_330, %exp3A : vector<16xf32>
      %div3A = arith.constant 1.000000e+00 : f32
      %div3A_332 = vector.broadcast %div3A : f32 to vector<16xf32>
      %div3A_333 = arith.divf %div3A_332, %add3A_331 : vector<16xf32>
      %mul3A_334 = arith.constant 16 : i32
      %mul3A_335 = arith.muli %scan3A_322, %mul3A_334 : i32
      %swap3A = arith.index_cast %mul3A_335 : i32 to index
      %swap3A_336 = tpu.vector_load %arg5[%swap3A] {strides = array<i32>} : memref<12800xf32, #tpu.memory_space<vmem>>, vector<16xf32>,
      %swap3A_337 = vector.shape_cast %swap3A_336 : vector<16xf32> to vector<16xf32>
      %swap3A_338 = vector.shape_cast %div3A_333 : vector<16xf32> to vector<16xf32>
      tpu.vector_store %arg5[%swap3A], %swap3A_338 {strides = array<i32>} : memref<12800xf32, #tpu.memory_space<vmem>>, vector<16xf32>,
    }
    %scan3A_105 = arith.constant 800 : i32
    "tpu.region"() ({
      %run_scoped3A = tpu.sem_alloc : memref<!tpu.dma_semaphore, #tpu.memory_space<semaphore_mem>>
      %dma_start3A = tpu.memref_slice %arg3[%add3A_99] : memref<16384000xf32, #tpu.memory_space<hbm>> -> memref<12800xf32, #tpu.memory_space<hbm>>
      %dma_start3A_322 = tpu.memref_slice %arg3[%add3A_99] : memref<16384000xf32, #tpu.memory_space<hbm>> -> memref<12800xf32, #tpu.memory_space<hbm>>
      tpu.enqueue_dma source(%arg5 : memref<12800xf32, #tpu.memory_space<vmem>>) target(%dma_start3A_322 : memref<12800xf32, #tpu.memory_space<hbm>>) target_semaphore(%run_scoped3A : memref<!tpu.dma_semaphore, #tpu.memory_space<semaphore_mem>>)
      %dma_wait3A = tpu.memref_slice %arg3[%add3A_99] : memref<16384000xf32, #tpu.memory_space<hbm>> -> memref<12800xf32, #tpu.memory_space<hbm>>
      %dma_wait3A_323 = tpu.memref_slice %arg3[%add3A_99] : memref<16384000xf32, #tpu.memory_space<hbm>> -> memref<12800xf32, #tpu.memory_space<hbm>>
      tpu.wait_dma2 semaphore(%run_scoped3A : memref<!tpu.dma_semaphore, #tpu.memory_space<semaphore_mem>>) src(%arg5 : memref<12800xf32, #tpu.memory_space<vmem>>) dst(%dma_wait3A_323 : memref<12800xf32, #tpu.memory_space<hbm>>)
      tpu.yield
    }) : () -> ()
    %add3A_106 = arith.constant 166400 : i32
    %add3A_107 = arith.addi %mul3A_2, %add3A_106 : i32
    "tpu.region"() ({
      %run_scoped3A = tpu.sem_alloc : memref<!tpu.dma_semaphore, #tpu.memory_space<semaphore_mem>>
      %dma_start3A = tpu.memref_slice %arg2[%add3A_107] : memref<16384000xf32, #tpu.memory_space<hbm>> -> memref<12800xf32, #tpu.memory_space<hbm>>
      %dma_start3A_322 = tpu.memref_slice %arg2[%add3A_107] : memref<16384000xf32, #tpu.memory_space<hbm>> -> memref<12800xf32, #tpu.memory_space<hbm>>
      tpu.enqueue_dma source(%dma_start3A_322 : memref<12800xf32, #tpu.memory_space<hbm>>) target(%arg4 : memref<12800xf32, #tpu.memory_space<vmem>>) target_semaphore(%run_scoped3A : memref<!tpu.dma_semaphore, #tpu.memory_space<semaphore_mem>>)
      %dma_wait3A = tpu.memref_slice %arg2[%add3A_107] : memref<16384000xf32, #tpu.memory_space<hbm>> -> memref<12800xf32, #tpu.memory_space<hbm>>
      %dma_wait3A_323 = tpu.memref_slice %arg2[%add3A_107] : memref<16384000xf32, #tpu.memory_space<hbm>> -> memref<12800xf32, #tpu.memory_space<hbm>>
      tpu.wait_dma2 semaphore(%run_scoped3A : memref<!tpu.dma_semaphore, #tpu.memory_space<semaphore_mem>>) src(%dma_wait3A_323 : memref<12800xf32, #tpu.memory_space<hbm>>) dst(%arg4 : memref<12800xf32, #tpu.memory_space<vmem>>)
      tpu.yield
    }) : () -> ()
    %scan3A_108 = arith.constant 0 : i32
    %scan3A_109 = arith.constant 0 : i32
    %scan3A_110 = arith.constant 800 : i32
    %scan3A_111 = arith.addi %scan3A_109, %scan3A_110 : i32
    %scan3A_112 = arith.constant 1 : i32
    scf.for %scan3A_322 = %scan3A_109 to %scan3A_111 step %scan3A_112  : i32 {
      %mul3A_323 = arith.constant 16 : i32
      %mul3A_324 = arith.muli %scan3A_322, %mul3A_323 : i32
      %get3A = arith.index_cast %mul3A_324 : i32 to index
      %get3A_325 = tpu.vector_load %arg4[%get3A] {strides = array<i32>} : memref<12800xf32, #tpu.memory_space<vmem>>, vector<16xf32>,
      %get3A_326 = vector.shape_cast %get3A_325 : vector<16xf32> to vector<16xf32>
      %neg3A = arith.constant 0.000000e+00 : f32
      %neg3A_327 = vector.broadcast %neg3A : f32 to vector<16xf32>
      %neg3A_328 = arith.subf %neg3A_327, %get3A_326 : vector<16xf32>
      %exp3A = math.exp %neg3A_328 : vector<16xf32>
      %add3A_329 = arith.constant 1.000000e+00 : f32
      %add3A_330 = vector.broadcast %add3A_329 : f32 to vector<16xf32>
      %add3A_331 = arith.addf %add3A_330, %exp3A : vector<16xf32>
      %div3A = arith.constant 1.000000e+00 : f32
      %div3A_332 = vector.broadcast %div3A : f32 to vector<16xf32>
      %div3A_333 = arith.divf %div3A_332, %add3A_331 : vector<16xf32>
      %mul3A_334 = arith.constant 16 : i32
      %mul3A_335 = arith.muli %scan3A_322, %mul3A_334 : i32
      %swap3A = arith.index_cast %mul3A_335 : i32 to index
      %swap3A_336 = tpu.vector_load %arg5[%swap3A] {strides = array<i32>} : memref<12800xf32, #tpu.memory_space<vmem>>, vector<16xf32>,
      %swap3A_337 = vector.shape_cast %swap3A_336 : vector<16xf32> to vector<16xf32>
      %swap3A_338 = vector.shape_cast %div3A_333 : vector<16xf32> to vector<16xf32>
      tpu.vector_store %arg5[%swap3A], %swap3A_338 {strides = array<i32>} : memref<12800xf32, #tpu.memory_space<vmem>>, vector<16xf32>,
    }
    %scan3A_113 = arith.constant 800 : i32
    "tpu.region"() ({
      %run_scoped3A = tpu.sem_alloc : memref<!tpu.dma_semaphore, #tpu.memory_space<semaphore_mem>>
      %dma_start3A = tpu.memref_slice %arg3[%add3A_107] : memref<16384000xf32, #tpu.memory_space<hbm>> -> memref<12800xf32, #tpu.memory_space<hbm>>
      %dma_start3A_322 = tpu.memref_slice %arg3[%add3A_107] : memref<16384000xf32, #tpu.memory_space<hbm>> -> memref<12800xf32, #tpu.memory_space<hbm>>
      tpu.enqueue_dma source(%arg5 : memref<12800xf32, #tpu.memory_space<vmem>>) target(%dma_start3A_322 : memref<12800xf32, #tpu.memory_space<hbm>>) target_semaphore(%run_scoped3A : memref<!tpu.dma_semaphore, #tpu.memory_space<semaphore_mem>>)
      %dma_wait3A = tpu.memref_slice %arg3[%add3A_107] : memref<16384000xf32, #tpu.memory_space<hbm>> -> memref<12800xf32, #tpu.memory_space<hbm>>
      %dma_wait3A_323 = tpu.memref_slice %arg3[%add3A_107] : memref<16384000xf32, #tpu.memory_space<hbm>> -> memref<12800xf32, #tpu.memory_space<hbm>>
      tpu.wait_dma2 semaphore(%run_scoped3A : memref<!tpu.dma_semaphore, #tpu.memory_space<semaphore_mem>>) src(%arg5 : memref<12800xf32, #tpu.memory_space<vmem>>) dst(%dma_wait3A_323 : memref<12800xf32, #tpu.memory_space<hbm>>)
      tpu.yield
    }) : () -> ()
    %add3A_114 = arith.constant 179200 : i32
    %add3A_115 = arith.addi %mul3A_2, %add3A_114 : i32
    "tpu.region"() ({
      %run_scoped3A = tpu.sem_alloc : memref<!tpu.dma_semaphore, #tpu.memory_space<semaphore_mem>>
      %dma_start3A = tpu.memref_slice %arg2[%add3A_115] : memref<16384000xf32, #tpu.memory_space<hbm>> -> memref<12800xf32, #tpu.memory_space<hbm>>
      %dma_start3A_322 = tpu.memref_slice %arg2[%add3A_115] : memref<16384000xf32, #tpu.memory_space<hbm>> -> memref<12800xf32, #tpu.memory_space<hbm>>
      tpu.enqueue_dma source(%dma_start3A_322 : memref<12800xf32, #tpu.memory_space<hbm>>) target(%arg4 : memref<12800xf32, #tpu.memory_space<vmem>>) target_semaphore(%run_scoped3A : memref<!tpu.dma_semaphore, #tpu.memory_space<semaphore_mem>>)
      %dma_wait3A = tpu.memref_slice %arg2[%add3A_115] : memref<16384000xf32, #tpu.memory_space<hbm>> -> memref<12800xf32, #tpu.memory_space<hbm>>
      %dma_wait3A_323 = tpu.memref_slice %arg2[%add3A_115] : memref<16384000xf32, #tpu.memory_space<hbm>> -> memref<12800xf32, #tpu.memory_space<hbm>>
      tpu.wait_dma2 semaphore(%run_scoped3A : memref<!tpu.dma_semaphore, #tpu.memory_space<semaphore_mem>>) src(%dma_wait3A_323 : memref<12800xf32, #tpu.memory_space<hbm>>) dst(%arg4 : memref<12800xf32, #tpu.memory_space<vmem>>)
      tpu.yield
    }) : () -> ()
    %scan3A_116 = arith.constant 0 : i32
    %scan3A_117 = arith.constant 0 : i32
    %scan3A_118 = arith.constant 800 : i32
    %scan3A_119 = arith.addi %scan3A_117, %scan3A_118 : i32
    %scan3A_120 = arith.constant 1 : i32
    scf.for %scan3A_322 = %scan3A_117 to %scan3A_119 step %scan3A_120  : i32 {
      %mul3A_323 = arith.constant 16 : i32
      %mul3A_324 = arith.muli %scan3A_322, %mul3A_323 : i32
      %get3A = arith.index_cast %mul3A_324 : i32 to index
      %get3A_325 = tpu.vector_load %arg4[%get3A] {strides = array<i32>} : memref<12800xf32, #tpu.memory_space<vmem>>, vector<16xf32>,
      %get3A_326 = vector.shape_cast %get3A_325 : vector<16xf32> to vector<16xf32>
      %neg3A = arith.constant 0.000000e+00 : f32
      %neg3A_327 = vector.broadcast %neg3A : f32 to vector<16xf32>
      %neg3A_328 = arith.subf %neg3A_327, %get3A_326 : vector<16xf32>
      %exp3A = math.exp %neg3A_328 : vector<16xf32>
      %add3A_329 = arith.constant 1.000000e+00 : f32
      %add3A_330 = vector.broadcast %add3A_329 : f32 to vector<16xf32>
      %add3A_331 = arith.addf %add3A_330, %exp3A : vector<16xf32>
      %div3A = arith.constant 1.000000e+00 : f32
      %div3A_332 = vector.broadcast %div3A : f32 to vector<16xf32>
      %div3A_333 = arith.divf %div3A_332, %add3A_331 : vector<16xf32>
      %mul3A_334 = arith.constant 16 : i32
      %mul3A_335 = arith.muli %scan3A_322, %mul3A_334 : i32
      %swap3A = arith.index_cast %mul3A_335 : i32 to index
      %swap3A_336 = tpu.vector_load %arg5[%swap3A] {strides = array<i32>} : memref<12800xf32, #tpu.memory_space<vmem>>, vector<16xf32>,
      %swap3A_337 = vector.shape_cast %swap3A_336 : vector<16xf32> to vector<16xf32>
      %swap3A_338 = vector.shape_cast %div3A_333 : vector<16xf32> to vector<16xf32>
      tpu.vector_store %arg5[%swap3A], %swap3A_338 {strides = array<i32>} : memref<12800xf32, #tpu.memory_space<vmem>>, vector<16xf32>,
    }
    %scan3A_121 = arith.constant 800 : i32
    "tpu.region"() ({
      %run_scoped3A = tpu.sem_alloc : memref<!tpu.dma_semaphore, #tpu.memory_space<semaphore_mem>>
      %dma_start3A = tpu.memref_slice %arg3[%add3A_115] : memref<16384000xf32, #tpu.memory_space<hbm>> -> memref<12800xf32, #tpu.memory_space<hbm>>
      %dma_start3A_322 = tpu.memref_slice %arg3[%add3A_115] : memref<16384000xf32, #tpu.memory_space<hbm>> -> memref<12800xf32, #tpu.memory_space<hbm>>
      tpu.enqueue_dma source(%arg5 : memref<12800xf32, #tpu.memory_space<vmem>>) target(%dma_start3A_322 : memref<12800xf32, #tpu.memory_space<hbm>>) target_semaphore(%run_scoped3A : memref<!tpu.dma_semaphore, #tpu.memory_space<semaphore_mem>>)
      %dma_wait3A = tpu.memref_slice %arg3[%add3A_115] : memref<16384000xf32, #tpu.memory_space<hbm>> -> memref<12800xf32, #tpu.memory_space<hbm>>
      %dma_wait3A_323 = tpu.memref_slice %arg3[%add3A_115] : memref<16384000xf32, #tpu.memory_space<hbm>> -> memref<12800xf32, #tpu.memory_space<hbm>>
      tpu.wait_dma2 semaphore(%run_scoped3A : memref<!tpu.dma_semaphore, #tpu.memory_space<semaphore_mem>>) src(%arg5 : memref<12800xf32, #tpu.memory_space<vmem>>) dst(%dma_wait3A_323 : memref<12800xf32, #tpu.memory_space<hbm>>)
      tpu.yield
    }) : () -> ()
    %add3A_122 = arith.constant 192000 : i32
    %add3A_123 = arith.addi %mul3A_2, %add3A_122 : i32
    "tpu.region"() ({
      %run_scoped3A = tpu.sem_alloc : memref<!tpu.dma_semaphore, #tpu.memory_space<semaphore_mem>>
      %dma_start3A = tpu.memref_slice %arg2[%add3A_123] : memref<16384000xf32, #tpu.memory_space<hbm>> -> memref<12800xf32, #tpu.memory_space<hbm>>
      %dma_start3A_322 = tpu.memref_slice %arg2[%add3A_123] : memref<16384000xf32, #tpu.memory_space<hbm>> -> memref<12800xf32, #tpu.memory_space<hbm>>
      tpu.enqueue_dma source(%dma_start3A_322 : memref<12800xf32, #tpu.memory_space<hbm>>) target(%arg4 : memref<12800xf32, #tpu.memory_space<vmem>>) target_semaphore(%run_scoped3A : memref<!tpu.dma_semaphore, #tpu.memory_space<semaphore_mem>>)
      %dma_wait3A = tpu.memref_slice %arg2[%add3A_123] : memref<16384000xf32, #tpu.memory_space<hbm>> -> memref<12800xf32, #tpu.memory_space<hbm>>
      %dma_wait3A_323 = tpu.memref_slice %arg2[%add3A_123] : memref<16384000xf32, #tpu.memory_space<hbm>> -> memref<12800xf32, #tpu.memory_space<hbm>>
      tpu.wait_dma2 semaphore(%run_scoped3A : memref<!tpu.dma_semaphore, #tpu.memory_space<semaphore_mem>>) src(%dma_wait3A_323 : memref<12800xf32, #tpu.memory_space<hbm>>) dst(%arg4 : memref<12800xf32, #tpu.memory_space<vmem>>)
      tpu.yield
    }) : () -> ()
    %scan3A_124 = arith.constant 0 : i32
    %scan3A_125 = arith.constant 0 : i32
    %scan3A_126 = arith.constant 800 : i32
    %scan3A_127 = arith.addi %scan3A_125, %scan3A_126 : i32
    %scan3A_128 = arith.constant 1 : i32
    scf.for %scan3A_322 = %scan3A_125 to %scan3A_127 step %scan3A_128  : i32 {
      %mul3A_323 = arith.constant 16 : i32
      %mul3A_324 = arith.muli %scan3A_322, %mul3A_323 : i32
      %get3A = arith.index_cast %mul3A_324 : i32 to index
      %get3A_325 = tpu.vector_load %arg4[%get3A] {strides = array<i32>} : memref<12800xf32, #tpu.memory_space<vmem>>, vector<16xf32>,
      %get3A_326 = vector.shape_cast %get3A_325 : vector<16xf32> to vector<16xf32>
      %neg3A = arith.constant 0.000000e+00 : f32
      %neg3A_327 = vector.broadcast %neg3A : f32 to vector<16xf32>
      %neg3A_328 = arith.subf %neg3A_327, %get3A_326 : vector<16xf32>
      %exp3A = math.exp %neg3A_328 : vector<16xf32>
      %add3A_329 = arith.constant 1.000000e+00 : f32
      %add3A_330 = vector.broadcast %add3A_329 : f32 to vector<16xf32>
      %add3A_331 = arith.addf %add3A_330, %exp3A : vector<16xf32>
      %div3A = arith.constant 1.000000e+00 : f32
      %div3A_332 = vector.broadcast %div3A : f32 to vector<16xf32>
      %div3A_333 = arith.divf %div3A_332, %add3A_331 : vector<16xf32>
      %mul3A_334 = arith.constant 16 : i32
      %mul3A_335 = arith.muli %scan3A_322, %mul3A_334 : i32
      %swap3A = arith.index_cast %mul3A_335 : i32 to index
      %swap3A_336 = tpu.vector_load %arg5[%swap3A] {strides = array<i32>} : memref<12800xf32, #tpu.memory_space<vmem>>, vector<16xf32>,
      %swap3A_337 = vector.shape_cast %swap3A_336 : vector<16xf32> to vector<16xf32>
      %swap3A_338 = vector.shape_cast %div3A_333 : vector<16xf32> to vector<16xf32>
      tpu.vector_store %arg5[%swap3A], %swap3A_338 {strides = array<i32>} : memref<12800xf32, #tpu.memory_space<vmem>>, vector<16xf32>,
    }
    %scan3A_129 = arith.constant 800 : i32
    "tpu.region"() ({
      %run_scoped3A = tpu.sem_alloc : memref<!tpu.dma_semaphore, #tpu.memory_space<semaphore_mem>>
      %dma_start3A = tpu.memref_slice %arg3[%add3A_123] : memref<16384000xf32, #tpu.memory_space<hbm>> -> memref<12800xf32, #tpu.memory_space<hbm>>
      %dma_start3A_322 = tpu.memref_slice %arg3[%add3A_123] : memref<16384000xf32, #tpu.memory_space<hbm>> -> memref<12800xf32, #tpu.memory_space<hbm>>
      tpu.enqueue_dma source(%arg5 : memref<12800xf32, #tpu.memory_space<vmem>>) target(%dma_start3A_322 : memref<12800xf32, #tpu.memory_space<hbm>>) target_semaphore(%run_scoped3A : memref<!tpu.dma_semaphore, #tpu.memory_space<semaphore_mem>>)
      %dma_wait3A = tpu.memref_slice %arg3[%add3A_123] : memref<16384000xf32, #tpu.memory_space<hbm>> -> memref<12800xf32, #tpu.memory_space<hbm>>
      %dma_wait3A_323 = tpu.memref_slice %arg3[%add3A_123] : memref<16384000xf32, #tpu.memory_space<hbm>> -> memref<12800xf32, #tpu.memory_space<hbm>>
      tpu.wait_dma2 semaphore(%run_scoped3A : memref<!tpu.dma_semaphore, #tpu.memory_space<semaphore_mem>>) src(%arg5 : memref<12800xf32, #tpu.memory_space<vmem>>) dst(%dma_wait3A_323 : memref<12800xf32, #tpu.memory_space<hbm>>)
      tpu.yield
    }) : () -> ()
    %add3A_130 = arith.constant 204800 : i32
    %add3A_131 = arith.addi %mul3A_2, %add3A_130 : i32
    "tpu.region"() ({
      %run_scoped3A = tpu.sem_alloc : memref<!tpu.dma_semaphore, #tpu.memory_space<semaphore_mem>>
      %dma_start3A = tpu.memref_slice %arg2[%add3A_131] : memref<16384000xf32, #tpu.memory_space<hbm>> -> memref<12800xf32, #tpu.memory_space<hbm>>
      %dma_start3A_322 = tpu.memref_slice %arg2[%add3A_131] : memref<16384000xf32, #tpu.memory_space<hbm>> -> memref<12800xf32, #tpu.memory_space<hbm>>
      tpu.enqueue_dma source(%dma_start3A_322 : memref<12800xf32, #tpu.memory_space<hbm>>) target(%arg4 : memref<12800xf32, #tpu.memory_space<vmem>>) target_semaphore(%run_scoped3A : memref<!tpu.dma_semaphore, #tpu.memory_space<semaphore_mem>>)
      %dma_wait3A = tpu.memref_slice %arg2[%add3A_131] : memref<16384000xf32, #tpu.memory_space<hbm>> -> memref<12800xf32, #tpu.memory_space<hbm>>
      %dma_wait3A_323 = tpu.memref_slice %arg2[%add3A_131] : memref<16384000xf32, #tpu.memory_space<hbm>> -> memref<12800xf32, #tpu.memory_space<hbm>>
      tpu.wait_dma2 semaphore(%run_scoped3A : memref<!tpu.dma_semaphore, #tpu.memory_space<semaphore_mem>>) src(%dma_wait3A_323 : memref<12800xf32, #tpu.memory_space<hbm>>) dst(%arg4 : memref<12800xf32, #tpu.memory_space<vmem>>)
      tpu.yield
    }) : () -> ()
    %scan3A_132 = arith.constant 0 : i32
    %scan3A_133 = arith.constant 0 : i32
    %scan3A_134 = arith.constant 800 : i32
    %scan3A_135 = arith.addi %scan3A_133, %scan3A_134 : i32
    %scan3A_136 = arith.constant 1 : i32
    scf.for %scan3A_322 = %scan3A_133 to %scan3A_135 step %scan3A_136  : i32 {
      %mul3A_323 = arith.constant 16 : i32
      %mul3A_324 = arith.muli %scan3A_322, %mul3A_323 : i32
      %get3A = arith.index_cast %mul3A_324 : i32 to index
      %get3A_325 = tpu.vector_load %arg4[%get3A] {strides = array<i32>} : memref<12800xf32, #tpu.memory_space<vmem>>, vector<16xf32>,
      %get3A_326 = vector.shape_cast %get3A_325 : vector<16xf32> to vector<16xf32>
      %neg3A = arith.constant 0.000000e+00 : f32
      %neg3A_327 = vector.broadcast %neg3A : f32 to vector<16xf32>
      %neg3A_328 = arith.subf %neg3A_327, %get3A_326 : vector<16xf32>
      %exp3A = math.exp %neg3A_328 : vector<16xf32>
      %add3A_329 = arith.constant 1.000000e+00 : f32
      %add3A_330 = vector.broadcast %add3A_329 : f32 to vector<16xf32>
      %add3A_331 = arith.addf %add3A_330, %exp3A : vector<16xf32>
      %div3A = arith.constant 1.000000e+00 : f32
      %div3A_332 = vector.broadcast %div3A : f32 to vector<16xf32>
      %div3A_333 = arith.divf %div3A_332, %add3A_331 : vector<16xf32>
      %mul3A_334 = arith.constant 16 : i32
      %mul3A_335 = arith.muli %scan3A_322, %mul3A_334 : i32
      %swap3A = arith.index_cast %mul3A_335 : i32 to index
      %swap3A_336 = tpu.vector_load %arg5[%swap3A] {strides = array<i32>} : memref<12800xf32, #tpu.memory_space<vmem>>, vector<16xf32>,
      %swap3A_337 = vector.shape_cast %swap3A_336 : vector<16xf32> to vector<16xf32>
      %swap3A_338 = vector.shape_cast %div3A_333 : vector<16xf32> to vector<16xf32>
      tpu.vector_store %arg5[%swap3A], %swap3A_338 {strides = array<i32>} : memref<12800xf32, #tpu.memory_space<vmem>>, vector<16xf32>,
    }
    %scan3A_137 = arith.constant 800 : i32
    "tpu.region"() ({
      %run_scoped3A = tpu.sem_alloc : memref<!tpu.dma_semaphore, #tpu.memory_space<semaphore_mem>>
      %dma_start3A = tpu.memref_slice %arg3[%add3A_131] : memref<16384000xf32, #tpu.memory_space<hbm>> -> memref<12800xf32, #tpu.memory_space<hbm>>
      %dma_start3A_322 = tpu.memref_slice %arg3[%add3A_131] : memref<16384000xf32, #tpu.memory_space<hbm>> -> memref<12800xf32, #tpu.memory_space<hbm>>
      tpu.enqueue_dma source(%arg5 : memref<12800xf32, #tpu.memory_space<vmem>>) target(%dma_start3A_322 : memref<12800xf32, #tpu.memory_space<hbm>>) target_semaphore(%run_scoped3A : memref<!tpu.dma_semaphore, #tpu.memory_space<semaphore_mem>>)
      %dma_wait3A = tpu.memref_slice %arg3[%add3A_131] : memref<16384000xf32, #tpu.memory_space<hbm>> -> memref<12800xf32, #tpu.memory_space<hbm>>
      %dma_wait3A_323 = tpu.memref_slice %arg3[%add3A_131] : memref<16384000xf32, #tpu.memory_space<hbm>> -> memref<12800xf32, #tpu.memory_space<hbm>>
      tpu.wait_dma2 semaphore(%run_scoped3A : memref<!tpu.dma_semaphore, #tpu.memory_space<semaphore_mem>>) src(%arg5 : memref<12800xf32, #tpu.memory_space<vmem>>) dst(%dma_wait3A_323 : memref<12800xf32, #tpu.memory_space<hbm>>)
      tpu.yield
    }) : () -> ()
    %add3A_138 = arith.constant 217600 : i32
    %add3A_139 = arith.addi %mul3A_2, %add3A_138 : i32
    "tpu.region"() ({
      %run_scoped3A = tpu.sem_alloc : memref<!tpu.dma_semaphore, #tpu.memory_space<semaphore_mem>>
      %dma_start3A = tpu.memref_slice %arg2[%add3A_139] : memref<16384000xf32, #tpu.memory_space<hbm>> -> memref<12800xf32, #tpu.memory_space<hbm>>
      %dma_start3A_322 = tpu.memref_slice %arg2[%add3A_139] : memref<16384000xf32, #tpu.memory_space<hbm>> -> memref<12800xf32, #tpu.memory_space<hbm>>
      tpu.enqueue_dma source(%dma_start3A_322 : memref<12800xf32, #tpu.memory_space<hbm>>) target(%arg4 : memref<12800xf32, #tpu.memory_space<vmem>>) target_semaphore(%run_scoped3A : memref<!tpu.dma_semaphore, #tpu.memory_space<semaphore_mem>>)
      %dma_wait3A = tpu.memref_slice %arg2[%add3A_139] : memref<16384000xf32, #tpu.memory_space<hbm>> -> memref<12800xf32, #tpu.memory_space<hbm>>
      %dma_wait3A_323 = tpu.memref_slice %arg2[%add3A_139] : memref<16384000xf32, #tpu.memory_space<hbm>> -> memref<12800xf32, #tpu.memory_space<hbm>>
      tpu.wait_dma2 semaphore(%run_scoped3A : memref<!tpu.dma_semaphore, #tpu.memory_space<semaphore_mem>>) src(%dma_wait3A_323 : memref<12800xf32, #tpu.memory_space<hbm>>) dst(%arg4 : memref<12800xf32, #tpu.memory_space<vmem>>)
      tpu.yield
    }) : () -> ()
    %scan3A_140 = arith.constant 0 : i32
    %scan3A_141 = arith.constant 0 : i32
    %scan3A_142 = arith.constant 800 : i32
    %scan3A_143 = arith.addi %scan3A_141, %scan3A_142 : i32
    %scan3A_144 = arith.constant 1 : i32
    scf.for %scan3A_322 = %scan3A_141 to %scan3A_143 step %scan3A_144  : i32 {
      %mul3A_323 = arith.constant 16 : i32
      %mul3A_324 = arith.muli %scan3A_322, %mul3A_323 : i32
      %get3A = arith.index_cast %mul3A_324 : i32 to index
      %get3A_325 = tpu.vector_load %arg4[%get3A] {strides = array<i32>} : memref<12800xf32, #tpu.memory_space<vmem>>, vector<16xf32>,
      %get3A_326 = vector.shape_cast %get3A_325 : vector<16xf32> to vector<16xf32>
      %neg3A = arith.constant 0.000000e+00 : f32
      %neg3A_327 = vector.broadcast %neg3A : f32 to vector<16xf32>
      %neg3A_328 = arith.subf %neg3A_327, %get3A_326 : vector<16xf32>
      %exp3A = math.exp %neg3A_328 : vector<16xf32>
      %add3A_329 = arith.constant 1.000000e+00 : f32
      %add3A_330 = vector.broadcast %add3A_329 : f32 to vector<16xf32>
      %add3A_331 = arith.addf %add3A_330, %exp3A : vector<16xf32>
      %div3A = arith.constant 1.000000e+00 : f32
      %div3A_332 = vector.broadcast %div3A : f32 to vector<16xf32>
      %div3A_333 = arith.divf %div3A_332, %add3A_331 : vector<16xf32>
      %mul3A_334 = arith.constant 16 : i32
      %mul3A_335 = arith.muli %scan3A_322, %mul3A_334 : i32
      %swap3A = arith.index_cast %mul3A_335 : i32 to index
      %swap3A_336 = tpu.vector_load %arg5[%swap3A] {strides = array<i32>} : memref<12800xf32, #tpu.memory_space<vmem>>, vector<16xf32>,
      %swap3A_337 = vector.shape_cast %swap3A_336 : vector<16xf32> to vector<16xf32>
      %swap3A_338 = vector.shape_cast %div3A_333 : vector<16xf32> to vector<16xf32>
      tpu.vector_store %arg5[%swap3A], %swap3A_338 {strides = array<i32>} : memref<12800xf32, #tpu.memory_space<vmem>>, vector<16xf32>,
    }
    %scan3A_145 = arith.constant 800 : i32
    "tpu.region"() ({
      %run_scoped3A = tpu.sem_alloc : memref<!tpu.dma_semaphore, #tpu.memory_space<semaphore_mem>>
      %dma_start3A = tpu.memref_slice %arg3[%add3A_139] : memref<16384000xf32, #tpu.memory_space<hbm>> -> memref<12800xf32, #tpu.memory_space<hbm>>
      %dma_start3A_322 = tpu.memref_slice %arg3[%add3A_139] : memref<16384000xf32, #tpu.memory_space<hbm>> -> memref<12800xf32, #tpu.memory_space<hbm>>
      tpu.enqueue_dma source(%arg5 : memref<12800xf32, #tpu.memory_space<vmem>>) target(%dma_start3A_322 : memref<12800xf32, #tpu.memory_space<hbm>>) target_semaphore(%run_scoped3A : memref<!tpu.dma_semaphore, #tpu.memory_space<semaphore_mem>>)
      %dma_wait3A = tpu.memref_slice %arg3[%add3A_139] : memref<16384000xf32, #tpu.memory_space<hbm>> -> memref<12800xf32, #tpu.memory_space<hbm>>
      %dma_wait3A_323 = tpu.memref_slice %arg3[%add3A_139] : memref<16384000xf32, #tpu.memory_space<hbm>> -> memref<12800xf32, #tpu.memory_space<hbm>>
      tpu.wait_dma2 semaphore(%run_scoped3A : memref<!tpu.dma_semaphore, #tpu.memory_space<semaphore_mem>>) src(%arg5 : memref<12800xf32, #tpu.memory_space<vmem>>) dst(%dma_wait3A_323 : memref<12800xf32, #tpu.memory_space<hbm>>)
      tpu.yield
    }) : () -> ()
    %add3A_146 = arith.constant 230400 : i32
    %add3A_147 = arith.addi %mul3A_2, %add3A_146 : i32
    "tpu.region"() ({
      %run_scoped3A = tpu.sem_alloc : memref<!tpu.dma_semaphore, #tpu.memory_space<semaphore_mem>>
      %dma_start3A = tpu.memref_slice %arg2[%add3A_147] : memref<16384000xf32, #tpu.memory_space<hbm>> -> memref<12800xf32, #tpu.memory_space<hbm>>
      %dma_start3A_322 = tpu.memref_slice %arg2[%add3A_147] : memref<16384000xf32, #tpu.memory_space<hbm>> -> memref<12800xf32, #tpu.memory_space<hbm>>
      tpu.enqueue_dma source(%dma_start3A_322 : memref<12800xf32, #tpu.memory_space<hbm>>) target(%arg4 : memref<12800xf32, #tpu.memory_space<vmem>>) target_semaphore(%run_scoped3A : memref<!tpu.dma_semaphore, #tpu.memory_space<semaphore_mem>>)
      %dma_wait3A = tpu.memref_slice %arg2[%add3A_147] : memref<16384000xf32, #tpu.memory_space<hbm>> -> memref<12800xf32, #tpu.memory_space<hbm>>
      %dma_wait3A_323 = tpu.memref_slice %arg2[%add3A_147] : memref<16384000xf32, #tpu.memory_space<hbm>> -> memref<12800xf32, #tpu.memory_space<hbm>>
      tpu.wait_dma2 semaphore(%run_scoped3A : memref<!tpu.dma_semaphore, #tpu.memory_space<semaphore_mem>>) src(%dma_wait3A_323 : memref<12800xf32, #tpu.memory_space<hbm>>) dst(%arg4 : memref<12800xf32, #tpu.memory_space<vmem>>)
      tpu.yield
    }) : () -> ()
    %scan3A_148 = arith.constant 0 : i32
    %scan3A_149 = arith.constant 0 : i32
    %scan3A_150 = arith.constant 800 : i32
    %scan3A_151 = arith.addi %scan3A_149, %scan3A_150 : i32
    %scan3A_152 = arith.constant 1 : i32
    scf.for %scan3A_322 = %scan3A_149 to %scan3A_151 step %scan3A_152  : i32 {
      %mul3A_323 = arith.constant 16 : i32
      %mul3A_324 = arith.muli %scan3A_322, %mul3A_323 : i32
      %get3A = arith.index_cast %mul3A_324 : i32 to index
      %get3A_325 = tpu.vector_load %arg4[%get3A] {strides = array<i32>} : memref<12800xf32, #tpu.memory_space<vmem>>, vector<16xf32>,
      %get3A_326 = vector.shape_cast %get3A_325 : vector<16xf32> to vector<16xf32>
      %neg3A = arith.constant 0.000000e+00 : f32
      %neg3A_327 = vector.broadcast %neg3A : f32 to vector<16xf32>
      %neg3A_328 = arith.subf %neg3A_327, %get3A_326 : vector<16xf32>
      %exp3A = math.exp %neg3A_328 : vector<16xf32>
      %add3A_329 = arith.constant 1.000000e+00 : f32
      %add3A_330 = vector.broadcast %add3A_329 : f32 to vector<16xf32>
      %add3A_331 = arith.addf %add3A_330, %exp3A : vector<16xf32>
      %div3A = arith.constant 1.000000e+00 : f32
      %div3A_332 = vector.broadcast %div3A : f32 to vector<16xf32>
      %div3A_333 = arith.divf %div3A_332, %add3A_331 : vector<16xf32>
      %mul3A_334 = arith.constant 16 : i32
      %mul3A_335 = arith.muli %scan3A_322, %mul3A_334 : i32
      %swap3A = arith.index_cast %mul3A_335 : i32 to index
      %swap3A_336 = tpu.vector_load %arg5[%swap3A] {strides = array<i32>} : memref<12800xf32, #tpu.memory_space<vmem>>, vector<16xf32>,
      %swap3A_337 = vector.shape_cast %swap3A_336 : vector<16xf32> to vector<16xf32>
      %swap3A_338 = vector.shape_cast %div3A_333 : vector<16xf32> to vector<16xf32>
      tpu.vector_store %arg5[%swap3A], %swap3A_338 {strides = array<i32>} : memref<12800xf32, #tpu.memory_space<vmem>>, vector<16xf32>,
    }
    %scan3A_153 = arith.constant 800 : i32
    "tpu.region"() ({
      %run_scoped3A = tpu.sem_alloc : memref<!tpu.dma_semaphore, #tpu.memory_space<semaphore_mem>>
      %dma_start3A = tpu.memref_slice %arg3[%add3A_147] : memref<16384000xf32, #tpu.memory_space<hbm>> -> memref<12800xf32, #tpu.memory_space<hbm>>
      %dma_start3A_322 = tpu.memref_slice %arg3[%add3A_147] : memref<16384000xf32, #tpu.memory_space<hbm>> -> memref<12800xf32, #tpu.memory_space<hbm>>
      tpu.enqueue_dma source(%arg5 : memref<12800xf32, #tpu.memory_space<vmem>>) target(%dma_start3A_322 : memref<12800xf32, #tpu.memory_space<hbm>>) target_semaphore(%run_scoped3A : memref<!tpu.dma_semaphore, #tpu.memory_space<semaphore_mem>>)
      %dma_wait3A = tpu.memref_slice %arg3[%add3A_147] : memref<16384000xf32, #tpu.memory_space<hbm>> -> memref<12800xf32, #tpu.memory_space<hbm>>
      %dma_wait3A_323 = tpu.memref_slice %arg3[%add3A_147] : memref<16384000xf32, #tpu.memory_space<hbm>> -> memref<12800xf32, #tpu.memory_space<hbm>>
      tpu.wait_dma2 semaphore(%run_scoped3A : memref<!tpu.dma_semaphore, #tpu.memory_space<semaphore_mem>>) src(%arg5 : memref<12800xf32, #tpu.memory_space<vmem>>) dst(%dma_wait3A_323 : memref<12800xf32, #tpu.memory_space<hbm>>)
      tpu.yield
    }) : () -> ()
    %add3A_154 = arith.constant 243200 : i32
    %add3A_155 = arith.addi %mul3A_2, %add3A_154 : i32
    "tpu.region"() ({
      %run_scoped3A = tpu.sem_alloc : memref<!tpu.dma_semaphore, #tpu.memory_space<semaphore_mem>>
      %dma_start3A = tpu.memref_slice %arg2[%add3A_155] : memref<16384000xf32, #tpu.memory_space<hbm>> -> memref<12800xf32, #tpu.memory_space<hbm>>
      %dma_start3A_322 = tpu.memref_slice %arg2[%add3A_155] : memref<16384000xf32, #tpu.memory_space<hbm>> -> memref<12800xf32, #tpu.memory_space<hbm>>
      tpu.enqueue_dma source(%dma_start3A_322 : memref<12800xf32, #tpu.memory_space<hbm>>) target(%arg4 : memref<12800xf32, #tpu.memory_space<vmem>>) target_semaphore(%run_scoped3A : memref<!tpu.dma_semaphore, #tpu.memory_space<semaphore_mem>>)
      %dma_wait3A = tpu.memref_slice %arg2[%add3A_155] : memref<16384000xf32, #tpu.memory_space<hbm>> -> memref<12800xf32, #tpu.memory_space<hbm>>
      %dma_wait3A_323 = tpu.memref_slice %arg2[%add3A_155] : memref<16384000xf32, #tpu.memory_space<hbm>> -> memref<12800xf32, #tpu.memory_space<hbm>>
      tpu.wait_dma2 semaphore(%run_scoped3A : memref<!tpu.dma_semaphore, #tpu.memory_space<semaphore_mem>>) src(%dma_wait3A_323 : memref<12800xf32, #tpu.memory_space<hbm>>) dst(%arg4 : memref<12800xf32, #tpu.memory_space<vmem>>)
      tpu.yield
    }) : () -> ()
    %scan3A_156 = arith.constant 0 : i32
    %scan3A_157 = arith.constant 0 : i32
    %scan3A_158 = arith.constant 800 : i32
    %scan3A_159 = arith.addi %scan3A_157, %scan3A_158 : i32
    %scan3A_160 = arith.constant 1 : i32
    scf.for %scan3A_322 = %scan3A_157 to %scan3A_159 step %scan3A_160  : i32 {
      %mul3A_323 = arith.constant 16 : i32
      %mul3A_324 = arith.muli %scan3A_322, %mul3A_323 : i32
      %get3A = arith.index_cast %mul3A_324 : i32 to index
      %get3A_325 = tpu.vector_load %arg4[%get3A] {strides = array<i32>} : memref<12800xf32, #tpu.memory_space<vmem>>, vector<16xf32>,
      %get3A_326 = vector.shape_cast %get3A_325 : vector<16xf32> to vector<16xf32>
      %neg3A = arith.constant 0.000000e+00 : f32
      %neg3A_327 = vector.broadcast %neg3A : f32 to vector<16xf32>
      %neg3A_328 = arith.subf %neg3A_327, %get3A_326 : vector<16xf32>
      %exp3A = math.exp %neg3A_328 : vector<16xf32>
      %add3A_329 = arith.constant 1.000000e+00 : f32
      %add3A_330 = vector.broadcast %add3A_329 : f32 to vector<16xf32>
      %add3A_331 = arith.addf %add3A_330, %exp3A : vector<16xf32>
      %div3A = arith.constant 1.000000e+00 : f32
      %div3A_332 = vector.broadcast %div3A : f32 to vector<16xf32>
      %div3A_333 = arith.divf %div3A_332, %add3A_331 : vector<16xf32>
      %mul3A_334 = arith.constant 16 : i32
      %mul3A_335 = arith.muli %scan3A_322, %mul3A_334 : i32
      %swap3A = arith.index_cast %mul3A_335 : i32 to index
      %swap3A_336 = tpu.vector_load %arg5[%swap3A] {strides = array<i32>} : memref<12800xf32, #tpu.memory_space<vmem>>, vector<16xf32>,
      %swap3A_337 = vector.shape_cast %swap3A_336 : vector<16xf32> to vector<16xf32>
      %swap3A_338 = vector.shape_cast %div3A_333 : vector<16xf32> to vector<16xf32>
      tpu.vector_store %arg5[%swap3A], %swap3A_338 {strides = array<i32>} : memref<12800xf32, #tpu.memory_space<vmem>>, vector<16xf32>,
    }
    %scan3A_161 = arith.constant 800 : i32
    "tpu.region"() ({
      %run_scoped3A = tpu.sem_alloc : memref<!tpu.dma_semaphore, #tpu.memory_space<semaphore_mem>>
      %dma_start3A = tpu.memref_slice %arg3[%add3A_155] : memref<16384000xf32, #tpu.memory_space<hbm>> -> memref<12800xf32, #tpu.memory_space<hbm>>
      %dma_start3A_322 = tpu.memref_slice %arg3[%add3A_155] : memref<16384000xf32, #tpu.memory_space<hbm>> -> memref<12800xf32, #tpu.memory_space<hbm>>
      tpu.enqueue_dma source(%arg5 : memref<12800xf32, #tpu.memory_space<vmem>>) target(%dma_start3A_322 : memref<12800xf32, #tpu.memory_space<hbm>>) target_semaphore(%run_scoped3A : memref<!tpu.dma_semaphore, #tpu.memory_space<semaphore_mem>>)
      %dma_wait3A = tpu.memref_slice %arg3[%add3A_155] : memref<16384000xf32, #tpu.memory_space<hbm>> -> memref<12800xf32, #tpu.memory_space<hbm>>
      %dma_wait3A_323 = tpu.memref_slice %arg3[%add3A_155] : memref<16384000xf32, #tpu.memory_space<hbm>> -> memref<12800xf32, #tpu.memory_space<hbm>>
      tpu.wait_dma2 semaphore(%run_scoped3A : memref<!tpu.dma_semaphore, #tpu.memory_space<semaphore_mem>>) src(%arg5 : memref<12800xf32, #tpu.memory_space<vmem>>) dst(%dma_wait3A_323 : memref<12800xf32, #tpu.memory_space<hbm>>)
      tpu.yield
    }) : () -> ()
    %add3A_162 = arith.constant 256000 : i32
    %add3A_163 = arith.addi %mul3A_2, %add3A_162 : i32
    "tpu.region"() ({
      %run_scoped3A = tpu.sem_alloc : memref<!tpu.dma_semaphore, #tpu.memory_space<semaphore_mem>>
      %dma_start3A = tpu.memref_slice %arg2[%add3A_163] : memref<16384000xf32, #tpu.memory_space<hbm>> -> memref<12800xf32, #tpu.memory_space<hbm>>
      %dma_start3A_322 = tpu.memref_slice %arg2[%add3A_163] : memref<16384000xf32, #tpu.memory_space<hbm>> -> memref<12800xf32, #tpu.memory_space<hbm>>
      tpu.enqueue_dma source(%dma_start3A_322 : memref<12800xf32, #tpu.memory_space<hbm>>) target(%arg4 : memref<12800xf32, #tpu.memory_space<vmem>>) target_semaphore(%run_scoped3A : memref<!tpu.dma_semaphore, #tpu.memory_space<semaphore_mem>>)
      %dma_wait3A = tpu.memref_slice %arg2[%add3A_163] : memref<16384000xf32, #tpu.memory_space<hbm>> -> memref<12800xf32, #tpu.memory_space<hbm>>
      %dma_wait3A_323 = tpu.memref_slice %arg2[%add3A_163] : memref<16384000xf32, #tpu.memory_space<hbm>> -> memref<12800xf32, #tpu.memory_space<hbm>>
      tpu.wait_dma2 semaphore(%run_scoped3A : memref<!tpu.dma_semaphore, #tpu.memory_space<semaphore_mem>>) src(%dma_wait3A_323 : memref<12800xf32, #tpu.memory_space<hbm>>) dst(%arg4 : memref<12800xf32, #tpu.memory_space<vmem>>)
      tpu.yield
    }) : () -> ()
    %scan3A_164 = arith.constant 0 : i32
    %scan3A_165 = arith.constant 0 : i32
    %scan3A_166 = arith.constant 800 : i32
    %scan3A_167 = arith.addi %scan3A_165, %scan3A_166 : i32
    %scan3A_168 = arith.constant 1 : i32
    scf.for %scan3A_322 = %scan3A_165 to %scan3A_167 step %scan3A_168  : i32 {
      %mul3A_323 = arith.constant 16 : i32
      %mul3A_324 = arith.muli %scan3A_322, %mul3A_323 : i32
      %get3A = arith.index_cast %mul3A_324 : i32 to index
      %get3A_325 = tpu.vector_load %arg4[%get3A] {strides = array<i32>} : memref<12800xf32, #tpu.memory_space<vmem>>, vector<16xf32>,
      %get3A_326 = vector.shape_cast %get3A_325 : vector<16xf32> to vector<16xf32>
      %neg3A = arith.constant 0.000000e+00 : f32
      %neg3A_327 = vector.broadcast %neg3A : f32 to vector<16xf32>
      %neg3A_328 = arith.subf %neg3A_327, %get3A_326 : vector<16xf32>
      %exp3A = math.exp %neg3A_328 : vector<16xf32>
      %add3A_329 = arith.constant 1.000000e+00 : f32
      %add3A_330 = vector.broadcast %add3A_329 : f32 to vector<16xf32>
      %add3A_331 = arith.addf %add3A_330, %exp3A : vector<16xf32>
      %div3A = arith.constant 1.000000e+00 : f32
      %div3A_332 = vector.broadcast %div3A : f32 to vector<16xf32>
      %div3A_333 = arith.divf %div3A_332, %add3A_331 : vector<16xf32>
      %mul3A_334 = arith.constant 16 : i32
      %mul3A_335 = arith.muli %scan3A_322, %mul3A_334 : i32
      %swap3A = arith.index_cast %mul3A_335 : i32 to index
      %swap3A_336 = tpu.vector_load %arg5[%swap3A] {strides = array<i32>} : memref<12800xf32, #tpu.memory_space<vmem>>, vector<16xf32>,
      %swap3A_337 = vector.shape_cast %swap3A_336 : vector<16xf32> to vector<16xf32>
      %swap3A_338 = vector.shape_cast %div3A_333 : vector<16xf32> to vector<16xf32>
      tpu.vector_store %arg5[%swap3A], %swap3A_338 {strides = array<i32>} : memref<12800xf32, #tpu.memory_space<vmem>>, vector<16xf32>,
    }
    %scan3A_169 = arith.constant 800 : i32
    "tpu.region"() ({
      %run_scoped3A = tpu.sem_alloc : memref<!tpu.dma_semaphore, #tpu.memory_space<semaphore_mem>>
      %dma_start3A = tpu.memref_slice %arg3[%add3A_163] : memref<16384000xf32, #tpu.memory_space<hbm>> -> memref<12800xf32, #tpu.memory_space<hbm>>
      %dma_start3A_322 = tpu.memref_slice %arg3[%add3A_163] : memref<16384000xf32, #tpu.memory_space<hbm>> -> memref<12800xf32, #tpu.memory_space<hbm>>
      tpu.enqueue_dma source(%arg5 : memref<12800xf32, #tpu.memory_space<vmem>>) target(%dma_start3A_322 : memref<12800xf32, #tpu.memory_space<hbm>>) target_semaphore(%run_scoped3A : memref<!tpu.dma_semaphore, #tpu.memory_space<semaphore_mem>>)
      %dma_wait3A = tpu.memref_slice %arg3[%add3A_163] : memref<16384000xf32, #tpu.memory_space<hbm>> -> memref<12800xf32, #tpu.memory_space<hbm>>
      %dma_wait3A_323 = tpu.memref_slice %arg3[%add3A_163] : memref<16384000xf32, #tpu.memory_space<hbm>> -> memref<12800xf32, #tpu.memory_space<hbm>>
      tpu.wait_dma2 semaphore(%run_scoped3A : memref<!tpu.dma_semaphore, #tpu.memory_space<semaphore_mem>>) src(%arg5 : memref<12800xf32, #tpu.memory_space<vmem>>) dst(%dma_wait3A_323 : memref<12800xf32, #tpu.memory_space<hbm>>)
      tpu.yield
    }) : () -> ()
    %add3A_170 = arith.constant 268800 : i32
    %add3A_171 = arith.addi %mul3A_2, %add3A_170 : i32
    "tpu.region"() ({
      %run_scoped3A = tpu.sem_alloc : memref<!tpu.dma_semaphore, #tpu.memory_space<semaphore_mem>>
      %dma_start3A = tpu.memref_slice %arg2[%add3A_171] : memref<16384000xf32, #tpu.memory_space<hbm>> -> memref<12800xf32, #tpu.memory_space<hbm>>
      %dma_start3A_322 = tpu.memref_slice %arg2[%add3A_171] : memref<16384000xf32, #tpu.memory_space<hbm>> -> memref<12800xf32, #tpu.memory_space<hbm>>
      tpu.enqueue_dma source(%dma_start3A_322 : memref<12800xf32, #tpu.memory_space<hbm>>) target(%arg4 : memref<12800xf32, #tpu.memory_space<vmem>>) target_semaphore(%run_scoped3A : memref<!tpu.dma_semaphore, #tpu.memory_space<semaphore_mem>>)
      %dma_wait3A = tpu.memref_slice %arg2[%add3A_171] : memref<16384000xf32, #tpu.memory_space<hbm>> -> memref<12800xf32, #tpu.memory_space<hbm>>
      %dma_wait3A_323 = tpu.memref_slice %arg2[%add3A_171] : memref<16384000xf32, #tpu.memory_space<hbm>> -> memref<12800xf32, #tpu.memory_space<hbm>>
      tpu.wait_dma2 semaphore(%run_scoped3A : memref<!tpu.dma_semaphore, #tpu.memory_space<semaphore_mem>>) src(%dma_wait3A_323 : memref<12800xf32, #tpu.memory_space<hbm>>) dst(%arg4 : memref<12800xf32, #tpu.memory_space<vmem>>)
      tpu.yield
    }) : () -> ()
    %scan3A_172 = arith.constant 0 : i32
    %scan3A_173 = arith.constant 0 : i32
    %scan3A_174 = arith.constant 800 : i32
    %scan3A_175 = arith.addi %scan3A_173, %scan3A_174 : i32
    %scan3A_176 = arith.constant 1 : i32
    scf.for %scan3A_322 = %scan3A_173 to %scan3A_175 step %scan3A_176  : i32 {
      %mul3A_323 = arith.constant 16 : i32
      %mul3A_324 = arith.muli %scan3A_322, %mul3A_323 : i32
      %get3A = arith.index_cast %mul3A_324 : i32 to index
      %get3A_325 = tpu.vector_load %arg4[%get3A] {strides = array<i32>} : memref<12800xf32, #tpu.memory_space<vmem>>, vector<16xf32>,
      %get3A_326 = vector.shape_cast %get3A_325 : vector<16xf32> to vector<16xf32>
      %neg3A = arith.constant 0.000000e+00 : f32
      %neg3A_327 = vector.broadcast %neg3A : f32 to vector<16xf32>
      %neg3A_328 = arith.subf %neg3A_327, %get3A_326 : vector<16xf32>
      %exp3A = math.exp %neg3A_328 : vector<16xf32>
      %add3A_329 = arith.constant 1.000000e+00 : f32
      %add3A_330 = vector.broadcast %add3A_329 : f32 to vector<16xf32>
      %add3A_331 = arith.addf %add3A_330, %exp3A : vector<16xf32>
      %div3A = arith.constant 1.000000e+00 : f32
      %div3A_332 = vector.broadcast %div3A : f32 to vector<16xf32>
      %div3A_333 = arith.divf %div3A_332, %add3A_331 : vector<16xf32>
      %mul3A_334 = arith.constant 16 : i32
      %mul3A_335 = arith.muli %scan3A_322, %mul3A_334 : i32
      %swap3A = arith.index_cast %mul3A_335 : i32 to index
      %swap3A_336 = tpu.vector_load %arg5[%swap3A] {strides = array<i32>} : memref<12800xf32, #tpu.memory_space<vmem>>, vector<16xf32>,
      %swap3A_337 = vector.shape_cast %swap3A_336 : vector<16xf32> to vector<16xf32>
      %swap3A_338 = vector.shape_cast %div3A_333 : vector<16xf32> to vector<16xf32>
      tpu.vector_store %arg5[%swap3A], %swap3A_338 {strides = array<i32>} : memref<12800xf32, #tpu.memory_space<vmem>>, vector<16xf32>,
    }
    %scan3A_177 = arith.constant 800 : i32
    "tpu.region"() ({
      %run_scoped3A = tpu.sem_alloc : memref<!tpu.dma_semaphore, #tpu.memory_space<semaphore_mem>>
      %dma_start3A = tpu.memref_slice %arg3[%add3A_171] : memref<16384000xf32, #tpu.memory_space<hbm>> -> memref<12800xf32, #tpu.memory_space<hbm>>
      %dma_start3A_322 = tpu.memref_slice %arg3[%add3A_171] : memref<16384000xf32, #tpu.memory_space<hbm>> -> memref<12800xf32, #tpu.memory_space<hbm>>
      tpu.enqueue_dma source(%arg5 : memref<12800xf32, #tpu.memory_space<vmem>>) target(%dma_start3A_322 : memref<12800xf32, #tpu.memory_space<hbm>>) target_semaphore(%run_scoped3A : memref<!tpu.dma_semaphore, #tpu.memory_space<semaphore_mem>>)
      %dma_wait3A = tpu.memref_slice %arg3[%add3A_171] : memref<16384000xf32, #tpu.memory_space<hbm>> -> memref<12800xf32, #tpu.memory_space<hbm>>
      %dma_wait3A_323 = tpu.memref_slice %arg3[%add3A_171] : memref<16384000xf32, #tpu.memory_space<hbm>> -> memref<12800xf32, #tpu.memory_space<hbm>>
      tpu.wait_dma2 semaphore(%run_scoped3A : memref<!tpu.dma_semaphore, #tpu.memory_space<semaphore_mem>>) src(%arg5 : memref<12800xf32, #tpu.memory_space<vmem>>) dst(%dma_wait3A_323 : memref<12800xf32, #tpu.memory_space<hbm>>)
      tpu.yield
    }) : () -> ()
    %add3A_178 = arith.constant 281600 : i32
    %add3A_179 = arith.addi %mul3A_2, %add3A_178 : i32
    "tpu.region"() ({
      %run_scoped3A = tpu.sem_alloc : memref<!tpu.dma_semaphore, #tpu.memory_space<semaphore_mem>>
      %dma_start3A = tpu.memref_slice %arg2[%add3A_179] : memref<16384000xf32, #tpu.memory_space<hbm>> -> memref<12800xf32, #tpu.memory_space<hbm>>
      %dma_start3A_322 = tpu.memref_slice %arg2[%add3A_179] : memref<16384000xf32, #tpu.memory_space<hbm>> -> memref<12800xf32, #tpu.memory_space<hbm>>
      tpu.enqueue_dma source(%dma_start3A_322 : memref<12800xf32, #tpu.memory_space<hbm>>) target(%arg4 : memref<12800xf32, #tpu.memory_space<vmem>>) target_semaphore(%run_scoped3A : memref<!tpu.dma_semaphore, #tpu.memory_space<semaphore_mem>>)
      %dma_wait3A = tpu.memref_slice %arg2[%add3A_179] : memref<16384000xf32, #tpu.memory_space<hbm>> -> memref<12800xf32, #tpu.memory_space<hbm>>
      %dma_wait3A_323 = tpu.memref_slice %arg2[%add3A_179] : memref<16384000xf32, #tpu.memory_space<hbm>> -> memref<12800xf32, #tpu.memory_space<hbm>>
      tpu.wait_dma2 semaphore(%run_scoped3A : memref<!tpu.dma_semaphore, #tpu.memory_space<semaphore_mem>>) src(%dma_wait3A_323 : memref<12800xf32, #tpu.memory_space<hbm>>) dst(%arg4 : memref<12800xf32, #tpu.memory_space<vmem>>)
      tpu.yield
    }) : () -> ()
    %scan3A_180 = arith.constant 0 : i32
    %scan3A_181 = arith.constant 0 : i32
    %scan3A_182 = arith.constant 800 : i32
    %scan3A_183 = arith.addi %scan3A_181, %scan3A_182 : i32
    %scan3A_184 = arith.constant 1 : i32
    scf.for %scan3A_322 = %scan3A_181 to %scan3A_183 step %scan3A_184  : i32 {
      %mul3A_323 = arith.constant 16 : i32
      %mul3A_324 = arith.muli %scan3A_322, %mul3A_323 : i32
      %get3A = arith.index_cast %mul3A_324 : i32 to index
      %get3A_325 = tpu.vector_load %arg4[%get3A] {strides = array<i32>} : memref<12800xf32, #tpu.memory_space<vmem>>, vector<16xf32>,
      %get3A_326 = vector.shape_cast %get3A_325 : vector<16xf32> to vector<16xf32>
      %neg3A = arith.constant 0.000000e+00 : f32
      %neg3A_327 = vector.broadcast %neg3A : f32 to vector<16xf32>
      %neg3A_328 = arith.subf %neg3A_327, %get3A_326 : vector<16xf32>
      %exp3A = math.exp %neg3A_328 : vector<16xf32>
      %add3A_329 = arith.constant 1.000000e+00 : f32
      %add3A_330 = vector.broadcast %add3A_329 : f32 to vector<16xf32>
      %add3A_331 = arith.addf %add3A_330, %exp3A : vector<16xf32>
      %div3A = arith.constant 1.000000e+00 : f32
      %div3A_332 = vector.broadcast %div3A : f32 to vector<16xf32>
      %div3A_333 = arith.divf %div3A_332, %add3A_331 : vector<16xf32>
      %mul3A_334 = arith.constant 16 : i32
      %mul3A_335 = arith.muli %scan3A_322, %mul3A_334 : i32
      %swap3A = arith.index_cast %mul3A_335 : i32 to index
      %swap3A_336 = tpu.vector_load %arg5[%swap3A] {strides = array<i32>} : memref<12800xf32, #tpu.memory_space<vmem>>, vector<16xf32>,
      %swap3A_337 = vector.shape_cast %swap3A_336 : vector<16xf32> to vector<16xf32>
      %swap3A_338 = vector.shape_cast %div3A_333 : vector<16xf32> to vector<16xf32>
      tpu.vector_store %arg5[%swap3A], %swap3A_338 {strides = array<i32>} : memref<12800xf32, #tpu.memory_space<vmem>>, vector<16xf32>,
    }
    %scan3A_185 = arith.constant 800 : i32
    "tpu.region"() ({
      %run_scoped3A = tpu.sem_alloc : memref<!tpu.dma_semaphore, #tpu.memory_space<semaphore_mem>>
      %dma_start3A = tpu.memref_slice %arg3[%add3A_179] : memref<16384000xf32, #tpu.memory_space<hbm>> -> memref<12800xf32, #tpu.memory_space<hbm>>
      %dma_start3A_322 = tpu.memref_slice %arg3[%add3A_179] : memref<16384000xf32, #tpu.memory_space<hbm>> -> memref<12800xf32, #tpu.memory_space<hbm>>
      tpu.enqueue_dma source(%arg5 : memref<12800xf32, #tpu.memory_space<vmem>>) target(%dma_start3A_322 : memref<12800xf32, #tpu.memory_space<hbm>>) target_semaphore(%run_scoped3A : memref<!tpu.dma_semaphore, #tpu.memory_space<semaphore_mem>>)
      %dma_wait3A = tpu.memref_slice %arg3[%add3A_179] : memref<16384000xf32, #tpu.memory_space<hbm>> -> memref<12800xf32, #tpu.memory_space<hbm>>
      %dma_wait3A_323 = tpu.memref_slice %arg3[%add3A_179] : memref<16384000xf32, #tpu.memory_space<hbm>> -> memref<12800xf32, #tpu.memory_space<hbm>>
      tpu.wait_dma2 semaphore(%run_scoped3A : memref<!tpu.dma_semaphore, #tpu.memory_space<semaphore_mem>>) src(%arg5 : memref<12800xf32, #tpu.memory_space<vmem>>) dst(%dma_wait3A_323 : memref<12800xf32, #tpu.memory_space<hbm>>)
      tpu.yield
    }) : () -> ()
    %add3A_186 = arith.constant 294400 : i32
    %add3A_187 = arith.addi %mul3A_2, %add3A_186 : i32
    "tpu.region"() ({
      %run_scoped3A = tpu.sem_alloc : memref<!tpu.dma_semaphore, #tpu.memory_space<semaphore_mem>>
      %dma_start3A = tpu.memref_slice %arg2[%add3A_187] : memref<16384000xf32, #tpu.memory_space<hbm>> -> memref<12800xf32, #tpu.memory_space<hbm>>
      %dma_start3A_322 = tpu.memref_slice %arg2[%add3A_187] : memref<16384000xf32, #tpu.memory_space<hbm>> -> memref<12800xf32, #tpu.memory_space<hbm>>
      tpu.enqueue_dma source(%dma_start3A_322 : memref<12800xf32, #tpu.memory_space<hbm>>) target(%arg4 : memref<12800xf32, #tpu.memory_space<vmem>>) target_semaphore(%run_scoped3A : memref<!tpu.dma_semaphore, #tpu.memory_space<semaphore_mem>>)
      %dma_wait3A = tpu.memref_slice %arg2[%add3A_187] : memref<16384000xf32, #tpu.memory_space<hbm>> -> memref<12800xf32, #tpu.memory_space<hbm>>
      %dma_wait3A_323 = tpu.memref_slice %arg2[%add3A_187] : memref<16384000xf32, #tpu.memory_space<hbm>> -> memref<12800xf32, #tpu.memory_space<hbm>>
      tpu.wait_dma2 semaphore(%run_scoped3A : memref<!tpu.dma_semaphore, #tpu.memory_space<semaphore_mem>>) src(%dma_wait3A_323 : memref<12800xf32, #tpu.memory_space<hbm>>) dst(%arg4 : memref<12800xf32, #tpu.memory_space<vmem>>)
      tpu.yield
    }) : () -> ()
    %scan3A_188 = arith.constant 0 : i32
    %scan3A_189 = arith.constant 0 : i32
    %scan3A_190 = arith.constant 800 : i32
    %scan3A_191 = arith.addi %scan3A_189, %scan3A_190 : i32
    %scan3A_192 = arith.constant 1 : i32
    scf.for %scan3A_322 = %scan3A_189 to %scan3A_191 step %scan3A_192  : i32 {
      %mul3A_323 = arith.constant 16 : i32
      %mul3A_324 = arith.muli %scan3A_322, %mul3A_323 : i32
      %get3A = arith.index_cast %mul3A_324 : i32 to index
      %get3A_325 = tpu.vector_load %arg4[%get3A] {strides = array<i32>} : memref<12800xf32, #tpu.memory_space<vmem>>, vector<16xf32>,
      %get3A_326 = vector.shape_cast %get3A_325 : vector<16xf32> to vector<16xf32>
      %neg3A = arith.constant 0.000000e+00 : f32
      %neg3A_327 = vector.broadcast %neg3A : f32 to vector<16xf32>
      %neg3A_328 = arith.subf %neg3A_327, %get3A_326 : vector<16xf32>
      %exp3A = math.exp %neg3A_328 : vector<16xf32>
      %add3A_329 = arith.constant 1.000000e+00 : f32
      %add3A_330 = vector.broadcast %add3A_329 : f32 to vector<16xf32>
      %add3A_331 = arith.addf %add3A_330, %exp3A : vector<16xf32>
      %div3A = arith.constant 1.000000e+00 : f32
      %div3A_332 = vector.broadcast %div3A : f32 to vector<16xf32>
      %div3A_333 = arith.divf %div3A_332, %add3A_331 : vector<16xf32>
      %mul3A_334 = arith.constant 16 : i32
      %mul3A_335 = arith.muli %scan3A_322, %mul3A_334 : i32
      %swap3A = arith.index_cast %mul3A_335 : i32 to index
      %swap3A_336 = tpu.vector_load %arg5[%swap3A] {strides = array<i32>} : memref<12800xf32, #tpu.memory_space<vmem>>, vector<16xf32>,
      %swap3A_337 = vector.shape_cast %swap3A_336 : vector<16xf32> to vector<16xf32>
      %swap3A_338 = vector.shape_cast %div3A_333 : vector<16xf32> to vector<16xf32>
      tpu.vector_store %arg5[%swap3A], %swap3A_338 {strides = array<i32>} : memref<12800xf32, #tpu.memory_space<vmem>>, vector<16xf32>,
    }
    %scan3A_193 = arith.constant 800 : i32
    "tpu.region"() ({
      %run_scoped3A = tpu.sem_alloc : memref<!tpu.dma_semaphore, #tpu.memory_space<semaphore_mem>>
      %dma_start3A = tpu.memref_slice %arg3[%add3A_187] : memref<16384000xf32, #tpu.memory_space<hbm>> -> memref<12800xf32, #tpu.memory_space<hbm>>
      %dma_start3A_322 = tpu.memref_slice %arg3[%add3A_187] : memref<16384000xf32, #tpu.memory_space<hbm>> -> memref<12800xf32, #tpu.memory_space<hbm>>
      tpu.enqueue_dma source(%arg5 : memref<12800xf32, #tpu.memory_space<vmem>>) target(%dma_start3A_322 : memref<12800xf32, #tpu.memory_space<hbm>>) target_semaphore(%run_scoped3A : memref<!tpu.dma_semaphore, #tpu.memory_space<semaphore_mem>>)
      %dma_wait3A = tpu.memref_slice %arg3[%add3A_187] : memref<16384000xf32, #tpu.memory_space<hbm>> -> memref<12800xf32, #tpu.memory_space<hbm>>
      %dma_wait3A_323 = tpu.memref_slice %arg3[%add3A_187] : memref<16384000xf32, #tpu.memory_space<hbm>> -> memref<12800xf32, #tpu.memory_space<hbm>>
      tpu.wait_dma2 semaphore(%run_scoped3A : memref<!tpu.dma_semaphore, #tpu.memory_space<semaphore_mem>>) src(%arg5 : memref<12800xf32, #tpu.memory_space<vmem>>) dst(%dma_wait3A_323 : memref<12800xf32, #tpu.memory_space<hbm>>)
      tpu.yield
    }) : () -> ()
    %add3A_194 = arith.constant 307200 : i32
    %add3A_195 = arith.addi %mul3A_2, %add3A_194 : i32
    "tpu.region"() ({
      %run_scoped3A = tpu.sem_alloc : memref<!tpu.dma_semaphore, #tpu.memory_space<semaphore_mem>>
      %dma_start3A = tpu.memref_slice %arg2[%add3A_195] : memref<16384000xf32, #tpu.memory_space<hbm>> -> memref<12800xf32, #tpu.memory_space<hbm>>
      %dma_start3A_322 = tpu.memref_slice %arg2[%add3A_195] : memref<16384000xf32, #tpu.memory_space<hbm>> -> memref<12800xf32, #tpu.memory_space<hbm>>
      tpu.enqueue_dma source(%dma_start3A_322 : memref<12800xf32, #tpu.memory_space<hbm>>) target(%arg4 : memref<12800xf32, #tpu.memory_space<vmem>>) target_semaphore(%run_scoped3A : memref<!tpu.dma_semaphore, #tpu.memory_space<semaphore_mem>>)
      %dma_wait3A = tpu.memref_slice %arg2[%add3A_195] : memref<16384000xf32, #tpu.memory_space<hbm>> -> memref<12800xf32, #tpu.memory_space<hbm>>
      %dma_wait3A_323 = tpu.memref_slice %arg2[%add3A_195] : memref<16384000xf32, #tpu.memory_space<hbm>> -> memref<12800xf32, #tpu.memory_space<hbm>>
      tpu.wait_dma2 semaphore(%run_scoped3A : memref<!tpu.dma_semaphore, #tpu.memory_space<semaphore_mem>>) src(%dma_wait3A_323 : memref<12800xf32, #tpu.memory_space<hbm>>) dst(%arg4 : memref<12800xf32, #tpu.memory_space<vmem>>)
      tpu.yield
    }) : () -> ()
    %scan3A_196 = arith.constant 0 : i32
    %scan3A_197 = arith.constant 0 : i32
    %scan3A_198 = arith.constant 800 : i32
    %scan3A_199 = arith.addi %scan3A_197, %scan3A_198 : i32
    %scan3A_200 = arith.constant 1 : i32
    scf.for %scan3A_322 = %scan3A_197 to %scan3A_199 step %scan3A_200  : i32 {
      %mul3A_323 = arith.constant 16 : i32
      %mul3A_324 = arith.muli %scan3A_322, %mul3A_323 : i32
      %get3A = arith.index_cast %mul3A_324 : i32 to index
      %get3A_325 = tpu.vector_load %arg4[%get3A] {strides = array<i32>} : memref<12800xf32, #tpu.memory_space<vmem>>, vector<16xf32>,
      %get3A_326 = vector.shape_cast %get3A_325 : vector<16xf32> to vector<16xf32>
      %neg3A = arith.constant 0.000000e+00 : f32
      %neg3A_327 = vector.broadcast %neg3A : f32 to vector<16xf32>
      %neg3A_328 = arith.subf %neg3A_327, %get3A_326 : vector<16xf32>
      %exp3A = math.exp %neg3A_328 : vector<16xf32>
      %add3A_329 = arith.constant 1.000000e+00 : f32
      %add3A_330 = vector.broadcast %add3A_329 : f32 to vector<16xf32>
      %add3A_331 = arith.addf %add3A_330, %exp3A : vector<16xf32>
      %div3A = arith.constant 1.000000e+00 : f32
      %div3A_332 = vector.broadcast %div3A : f32 to vector<16xf32>
      %div3A_333 = arith.divf %div3A_332, %add3A_331 : vector<16xf32>
      %mul3A_334 = arith.constant 16 : i32
      %mul3A_335 = arith.muli %scan3A_322, %mul3A_334 : i32
      %swap3A = arith.index_cast %mul3A_335 : i32 to index
      %swap3A_336 = tpu.vector_load %arg5[%swap3A] {strides = array<i32>} : memref<12800xf32, #tpu.memory_space<vmem>>, vector<16xf32>,
      %swap3A_337 = vector.shape_cast %swap3A_336 : vector<16xf32> to vector<16xf32>
      %swap3A_338 = vector.shape_cast %div3A_333 : vector<16xf32> to vector<16xf32>
      tpu.vector_store %arg5[%swap3A], %swap3A_338 {strides = array<i32>} : memref<12800xf32, #tpu.memory_space<vmem>>, vector<16xf32>,
    }
    %scan3A_201 = arith.constant 800 : i32
    "tpu.region"() ({
      %run_scoped3A = tpu.sem_alloc : memref<!tpu.dma_semaphore, #tpu.memory_space<semaphore_mem>>
      %dma_start3A = tpu.memref_slice %arg3[%add3A_195] : memref<16384000xf32, #tpu.memory_space<hbm>> -> memref<12800xf32, #tpu.memory_space<hbm>>
      %dma_start3A_322 = tpu.memref_slice %arg3[%add3A_195] : memref<16384000xf32, #tpu.memory_space<hbm>> -> memref<12800xf32, #tpu.memory_space<hbm>>
      tpu.enqueue_dma source(%arg5 : memref<12800xf32, #tpu.memory_space<vmem>>) target(%dma_start3A_322 : memref<12800xf32, #tpu.memory_space<hbm>>) target_semaphore(%run_scoped3A : memref<!tpu.dma_semaphore, #tpu.memory_space<semaphore_mem>>)
      %dma_wait3A = tpu.memref_slice %arg3[%add3A_195] : memref<16384000xf32, #tpu.memory_space<hbm>> -> memref<12800xf32, #tpu.memory_space<hbm>>
      %dma_wait3A_323 = tpu.memref_slice %arg3[%add3A_195] : memref<16384000xf32, #tpu.memory_space<hbm>> -> memref<12800xf32, #tpu.memory_space<hbm>>
      tpu.wait_dma2 semaphore(%run_scoped3A : memref<!tpu.dma_semaphore, #tpu.memory_space<semaphore_mem>>) src(%arg5 : memref<12800xf32, #tpu.memory_space<vmem>>) dst(%dma_wait3A_323 : memref<12800xf32, #tpu.memory_space<hbm>>)
      tpu.yield
    }) : () -> ()
    %add3A_202 = arith.constant 320000 : i32
    %add3A_203 = arith.addi %mul3A_2, %add3A_202 : i32
    "tpu.region"() ({
      %run_scoped3A = tpu.sem_alloc : memref<!tpu.dma_semaphore, #tpu.memory_space<semaphore_mem>>
      %dma_start3A = tpu.memref_slice %arg2[%add3A_203] : memref<16384000xf32, #tpu.memory_space<hbm>> -> memref<12800xf32, #tpu.memory_space<hbm>>
      %dma_start3A_322 = tpu.memref_slice %arg2[%add3A_203] : memref<16384000xf32, #tpu.memory_space<hbm>> -> memref<12800xf32, #tpu.memory_space<hbm>>
      tpu.enqueue_dma source(%dma_start3A_322 : memref<12800xf32, #tpu.memory_space<hbm>>) target(%arg4 : memref<12800xf32, #tpu.memory_space<vmem>>) target_semaphore(%run_scoped3A : memref<!tpu.dma_semaphore, #tpu.memory_space<semaphore_mem>>)
      %dma_wait3A = tpu.memref_slice %arg2[%add3A_203] : memref<16384000xf32, #tpu.memory_space<hbm>> -> memref<12800xf32, #tpu.memory_space<hbm>>
      %dma_wait3A_323 = tpu.memref_slice %arg2[%add3A_203] : memref<16384000xf32, #tpu.memory_space<hbm>> -> memref<12800xf32, #tpu.memory_space<hbm>>
      tpu.wait_dma2 semaphore(%run_scoped3A : memref<!tpu.dma_semaphore, #tpu.memory_space<semaphore_mem>>) src(%dma_wait3A_323 : memref<12800xf32, #tpu.memory_space<hbm>>) dst(%arg4 : memref<12800xf32, #tpu.memory_space<vmem>>)
      tpu.yield
    }) : () -> ()
    %scan3A_204 = arith.constant 0 : i32
    %scan3A_205 = arith.constant 0 : i32
    %scan3A_206 = arith.constant 800 : i32
    %scan3A_207 = arith.addi %scan3A_205, %scan3A_206 : i32
    %scan3A_208 = arith.constant 1 : i32
    scf.for %scan3A_322 = %scan3A_205 to %scan3A_207 step %scan3A_208  : i32 {
      %mul3A_323 = arith.constant 16 : i32
      %mul3A_324 = arith.muli %scan3A_322, %mul3A_323 : i32
      %get3A = arith.index_cast %mul3A_324 : i32 to index
      %get3A_325 = tpu.vector_load %arg4[%get3A] {strides = array<i32>} : memref<12800xf32, #tpu.memory_space<vmem>>, vector<16xf32>,
      %get3A_326 = vector.shape_cast %get3A_325 : vector<16xf32> to vector<16xf32>
      %neg3A = arith.constant 0.000000e+00 : f32
      %neg3A_327 = vector.broadcast %neg3A : f32 to vector<16xf32>
      %neg3A_328 = arith.subf %neg3A_327, %get3A_326 : vector<16xf32>
      %exp3A = math.exp %neg3A_328 : vector<16xf32>
      %add3A_329 = arith.constant 1.000000e+00 : f32
      %add3A_330 = vector.broadcast %add3A_329 : f32 to vector<16xf32>
      %add3A_331 = arith.addf %add3A_330, %exp3A : vector<16xf32>
      %div3A = arith.constant 1.000000e+00 : f32
      %div3A_332 = vector.broadcast %div3A : f32 to vector<16xf32>
      %div3A_333 = arith.divf %div3A_332, %add3A_331 : vector<16xf32>
      %mul3A_334 = arith.constant 16 : i32
      %mul3A_335 = arith.muli %scan3A_322, %mul3A_334 : i32
      %swap3A = arith.index_cast %mul3A_335 : i32 to index
      %swap3A_336 = tpu.vector_load %arg5[%swap3A] {strides = array<i32>} : memref<12800xf32, #tpu.memory_space<vmem>>, vector<16xf32>,
      %swap3A_337 = vector.shape_cast %swap3A_336 : vector<16xf32> to vector<16xf32>
      %swap3A_338 = vector.shape_cast %div3A_333 : vector<16xf32> to vector<16xf32>
      tpu.vector_store %arg5[%swap3A], %swap3A_338 {strides = array<i32>} : memref<12800xf32, #tpu.memory_space<vmem>>, vector<16xf32>,
    }
    %scan3A_209 = arith.constant 800 : i32
    "tpu.region"() ({
      %run_scoped3A = tpu.sem_alloc : memref<!tpu.dma_semaphore, #tpu.memory_space<semaphore_mem>>
      %dma_start3A = tpu.memref_slice %arg3[%add3A_203] : memref<16384000xf32, #tpu.memory_space<hbm>> -> memref<12800xf32, #tpu.memory_space<hbm>>
      %dma_start3A_322 = tpu.memref_slice %arg3[%add3A_203] : memref<16384000xf32, #tpu.memory_space<hbm>> -> memref<12800xf32, #tpu.memory_space<hbm>>
      tpu.enqueue_dma source(%arg5 : memref<12800xf32, #tpu.memory_space<vmem>>) target(%dma_start3A_322 : memref<12800xf32, #tpu.memory_space<hbm>>) target_semaphore(%run_scoped3A : memref<!tpu.dma_semaphore, #tpu.memory_space<semaphore_mem>>)
      %dma_wait3A = tpu.memref_slice %arg3[%add3A_203] : memref<16384000xf32, #tpu.memory_space<hbm>> -> memref<12800xf32, #tpu.memory_space<hbm>>
      %dma_wait3A_323 = tpu.memref_slice %arg3[%add3A_203] : memref<16384000xf32, #tpu.memory_space<hbm>> -> memref<12800xf32, #tpu.memory_space<hbm>>
      tpu.wait_dma2 semaphore(%run_scoped3A : memref<!tpu.dma_semaphore, #tpu.memory_space<semaphore_mem>>) src(%arg5 : memref<12800xf32, #tpu.memory_space<vmem>>) dst(%dma_wait3A_323 : memref<12800xf32, #tpu.memory_space<hbm>>)
      tpu.yield
    }) : () -> ()
    %add3A_210 = arith.constant 332800 : i32
    %add3A_211 = arith.addi %mul3A_2, %add3A_210 : i32
    "tpu.region"() ({
      %run_scoped3A = tpu.sem_alloc : memref<!tpu.dma_semaphore, #tpu.memory_space<semaphore_mem>>
      %dma_start3A = tpu.memref_slice %arg2[%add3A_211] : memref<16384000xf32, #tpu.memory_space<hbm>> -> memref<12800xf32, #tpu.memory_space<hbm>>
      %dma_start3A_322 = tpu.memref_slice %arg2[%add3A_211] : memref<16384000xf32, #tpu.memory_space<hbm>> -> memref<12800xf32, #tpu.memory_space<hbm>>
      tpu.enqueue_dma source(%dma_start3A_322 : memref<12800xf32, #tpu.memory_space<hbm>>) target(%arg4 : memref<12800xf32, #tpu.memory_space<vmem>>) target_semaphore(%run_scoped3A : memref<!tpu.dma_semaphore, #tpu.memory_space<semaphore_mem>>)
      %dma_wait3A = tpu.memref_slice %arg2[%add3A_211] : memref<16384000xf32, #tpu.memory_space<hbm>> -> memref<12800xf32, #tpu.memory_space<hbm>>
      %dma_wait3A_323 = tpu.memref_slice %arg2[%add3A_211] : memref<16384000xf32, #tpu.memory_space<hbm>> -> memref<12800xf32, #tpu.memory_space<hbm>>
      tpu.wait_dma2 semaphore(%run_scoped3A : memref<!tpu.dma_semaphore, #tpu.memory_space<semaphore_mem>>) src(%dma_wait3A_323 : memref<12800xf32, #tpu.memory_space<hbm>>) dst(%arg4 : memref<12800xf32, #tpu.memory_space<vmem>>)
      tpu.yield
    }) : () -> ()
    %scan3A_212 = arith.constant 0 : i32
    %scan3A_213 = arith.constant 0 : i32
    %scan3A_214 = arith.constant 800 : i32
    %scan3A_215 = arith.addi %scan3A_213, %scan3A_214 : i32
    %scan3A_216 = arith.constant 1 : i32
    scf.for %scan3A_322 = %scan3A_213 to %scan3A_215 step %scan3A_216  : i32 {
      %mul3A_323 = arith.constant 16 : i32
      %mul3A_324 = arith.muli %scan3A_322, %mul3A_323 : i32
      %get3A = arith.index_cast %mul3A_324 : i32 to index
      %get3A_325 = tpu.vector_load %arg4[%get3A] {strides = array<i32>} : memref<12800xf32, #tpu.memory_space<vmem>>, vector<16xf32>,
      %get3A_326 = vector.shape_cast %get3A_325 : vector<16xf32> to vector<16xf32>
      %neg3A = arith.constant 0.000000e+00 : f32
      %neg3A_327 = vector.broadcast %neg3A : f32 to vector<16xf32>
      %neg3A_328 = arith.subf %neg3A_327, %get3A_326 : vector<16xf32>
      %exp3A = math.exp %neg3A_328 : vector<16xf32>
      %add3A_329 = arith.constant 1.000000e+00 : f32
      %add3A_330 = vector.broadcast %add3A_329 : f32 to vector<16xf32>
      %add3A_331 = arith.addf %add3A_330, %exp3A : vector<16xf32>
      %div3A = arith.constant 1.000000e+00 : f32
      %div3A_332 = vector.broadcast %div3A : f32 to vector<16xf32>
      %div3A_333 = arith.divf %div3A_332, %add3A_331 : vector<16xf32>
      %mul3A_334 = arith.constant 16 : i32
      %mul3A_335 = arith.muli %scan3A_322, %mul3A_334 : i32
      %swap3A = arith.index_cast %mul3A_335 : i32 to index
      %swap3A_336 = tpu.vector_load %arg5[%swap3A] {strides = array<i32>} : memref<12800xf32, #tpu.memory_space<vmem>>, vector<16xf32>,
      %swap3A_337 = vector.shape_cast %swap3A_336 : vector<16xf32> to vector<16xf32>
      %swap3A_338 = vector.shape_cast %div3A_333 : vector<16xf32> to vector<16xf32>
      tpu.vector_store %arg5[%swap3A], %swap3A_338 {strides = array<i32>} : memref<12800xf32, #tpu.memory_space<vmem>>, vector<16xf32>,
    }
    %scan3A_217 = arith.constant 800 : i32
    "tpu.region"() ({
      %run_scoped3A = tpu.sem_alloc : memref<!tpu.dma_semaphore, #tpu.memory_space<semaphore_mem>>
      %dma_start3A = tpu.memref_slice %arg3[%add3A_211] : memref<16384000xf32, #tpu.memory_space<hbm>> -> memref<12800xf32, #tpu.memory_space<hbm>>
      %dma_start3A_322 = tpu.memref_slice %arg3[%add3A_211] : memref<16384000xf32, #tpu.memory_space<hbm>> -> memref<12800xf32, #tpu.memory_space<hbm>>
      tpu.enqueue_dma source(%arg5 : memref<12800xf32, #tpu.memory_space<vmem>>) target(%dma_start3A_322 : memref<12800xf32, #tpu.memory_space<hbm>>) target_semaphore(%run_scoped3A : memref<!tpu.dma_semaphore, #tpu.memory_space<semaphore_mem>>)
      %dma_wait3A = tpu.memref_slice %arg3[%add3A_211] : memref<16384000xf32, #tpu.memory_space<hbm>> -> memref<12800xf32, #tpu.memory_space<hbm>>
      %dma_wait3A_323 = tpu.memref_slice %arg3[%add3A_211] : memref<16384000xf32, #tpu.memory_space<hbm>> -> memref<12800xf32, #tpu.memory_space<hbm>>
      tpu.wait_dma2 semaphore(%run_scoped3A : memref<!tpu.dma_semaphore, #tpu.memory_space<semaphore_mem>>) src(%arg5 : memref<12800xf32, #tpu.memory_space<vmem>>) dst(%dma_wait3A_323 : memref<12800xf32, #tpu.memory_space<hbm>>)
      tpu.yield
    }) : () -> ()
    %add3A_218 = arith.constant 345600 : i32
    %add3A_219 = arith.addi %mul3A_2, %add3A_218 : i32
    "tpu.region"() ({
      %run_scoped3A = tpu.sem_alloc : memref<!tpu.dma_semaphore, #tpu.memory_space<semaphore_mem>>
      %dma_start3A = tpu.memref_slice %arg2[%add3A_219] : memref<16384000xf32, #tpu.memory_space<hbm>> -> memref<12800xf32, #tpu.memory_space<hbm>>
      %dma_start3A_322 = tpu.memref_slice %arg2[%add3A_219] : memref<16384000xf32, #tpu.memory_space<hbm>> -> memref<12800xf32, #tpu.memory_space<hbm>>
      tpu.enqueue_dma source(%dma_start3A_322 : memref<12800xf32, #tpu.memory_space<hbm>>) target(%arg4 : memref<12800xf32, #tpu.memory_space<vmem>>) target_semaphore(%run_scoped3A : memref<!tpu.dma_semaphore, #tpu.memory_space<semaphore_mem>>)
      %dma_wait3A = tpu.memref_slice %arg2[%add3A_219] : memref<16384000xf32, #tpu.memory_space<hbm>> -> memref<12800xf32, #tpu.memory_space<hbm>>
      %dma_wait3A_323 = tpu.memref_slice %arg2[%add3A_219] : memref<16384000xf32, #tpu.memory_space<hbm>> -> memref<12800xf32, #tpu.memory_space<hbm>>
      tpu.wait_dma2 semaphore(%run_scoped3A : memref<!tpu.dma_semaphore, #tpu.memory_space<semaphore_mem>>) src(%dma_wait3A_323 : memref<12800xf32, #tpu.memory_space<hbm>>) dst(%arg4 : memref<12800xf32, #tpu.memory_space<vmem>>)
      tpu.yield
    }) : () -> ()
    %scan3A_220 = arith.constant 0 : i32
    %scan3A_221 = arith.constant 0 : i32
    %scan3A_222 = arith.constant 800 : i32
    %scan3A_223 = arith.addi %scan3A_221, %scan3A_222 : i32
    %scan3A_224 = arith.constant 1 : i32
    scf.for %scan3A_322 = %scan3A_221 to %scan3A_223 step %scan3A_224  : i32 {
      %mul3A_323 = arith.constant 16 : i32
      %mul3A_324 = arith.muli %scan3A_322, %mul3A_323 : i32
      %get3A = arith.index_cast %mul3A_324 : i32 to index
      %get3A_325 = tpu.vector_load %arg4[%get3A] {strides = array<i32>} : memref<12800xf32, #tpu.memory_space<vmem>>, vector<16xf32>,
      %get3A_326 = vector.shape_cast %get3A_325 : vector<16xf32> to vector<16xf32>
      %neg3A = arith.constant 0.000000e+00 : f32
      %neg3A_327 = vector.broadcast %neg3A : f32 to vector<16xf32>
      %neg3A_328 = arith.subf %neg3A_327, %get3A_326 : vector<16xf32>
      %exp3A = math.exp %neg3A_328 : vector<16xf32>
      %add3A_329 = arith.constant 1.000000e+00 : f32
      %add3A_330 = vector.broadcast %add3A_329 : f32 to vector<16xf32>
      %add3A_331 = arith.addf %add3A_330, %exp3A : vector<16xf32>
      %div3A = arith.constant 1.000000e+00 : f32
      %div3A_332 = vector.broadcast %div3A : f32 to vector<16xf32>
      %div3A_333 = arith.divf %div3A_332, %add3A_331 : vector<16xf32>
      %mul3A_334 = arith.constant 16 : i32
      %mul3A_335 = arith.muli %scan3A_322, %mul3A_334 : i32
      %swap3A = arith.index_cast %mul3A_335 : i32 to index
      %swap3A_336 = tpu.vector_load %arg5[%swap3A] {strides = array<i32>} : memref<12800xf32, #tpu.memory_space<vmem>>, vector<16xf32>,
      %swap3A_337 = vector.shape_cast %swap3A_336 : vector<16xf32> to vector<16xf32>
      %swap3A_338 = vector.shape_cast %div3A_333 : vector<16xf32> to vector<16xf32>
      tpu.vector_store %arg5[%swap3A], %swap3A_338 {strides = array<i32>} : memref<12800xf32, #tpu.memory_space<vmem>>, vector<16xf32>,
    }
    %scan3A_225 = arith.constant 800 : i32
    "tpu.region"() ({
      %run_scoped3A = tpu.sem_alloc : memref<!tpu.dma_semaphore, #tpu.memory_space<semaphore_mem>>
      %dma_start3A = tpu.memref_slice %arg3[%add3A_219] : memref<16384000xf32, #tpu.memory_space<hbm>> -> memref<12800xf32, #tpu.memory_space<hbm>>
      %dma_start3A_322 = tpu.memref_slice %arg3[%add3A_219] : memref<16384000xf32, #tpu.memory_space<hbm>> -> memref<12800xf32, #tpu.memory_space<hbm>>
      tpu.enqueue_dma source(%arg5 : memref<12800xf32, #tpu.memory_space<vmem>>) target(%dma_start3A_322 : memref<12800xf32, #tpu.memory_space<hbm>>) target_semaphore(%run_scoped3A : memref<!tpu.dma_semaphore, #tpu.memory_space<semaphore_mem>>)
      %dma_wait3A = tpu.memref_slice %arg3[%add3A_219] : memref<16384000xf32, #tpu.memory_space<hbm>> -> memref<12800xf32, #tpu.memory_space<hbm>>
      %dma_wait3A_323 = tpu.memref_slice %arg3[%add3A_219] : memref<16384000xf32, #tpu.memory_space<hbm>> -> memref<12800xf32, #tpu.memory_space<hbm>>
      tpu.wait_dma2 semaphore(%run_scoped3A : memref<!tpu.dma_semaphore, #tpu.memory_space<semaphore_mem>>) src(%arg5 : memref<12800xf32, #tpu.memory_space<vmem>>) dst(%dma_wait3A_323 : memref<12800xf32, #tpu.memory_space<hbm>>)
      tpu.yield
    }) : () -> ()
    %add3A_226 = arith.constant 358400 : i32
    %add3A_227 = arith.addi %mul3A_2, %add3A_226 : i32
    "tpu.region"() ({
      %run_scoped3A = tpu.sem_alloc : memref<!tpu.dma_semaphore, #tpu.memory_space<semaphore_mem>>
      %dma_start3A = tpu.memref_slice %arg2[%add3A_227] : memref<16384000xf32, #tpu.memory_space<hbm>> -> memref<12800xf32, #tpu.memory_space<hbm>>
      %dma_start3A_322 = tpu.memref_slice %arg2[%add3A_227] : memref<16384000xf32, #tpu.memory_space<hbm>> -> memref<12800xf32, #tpu.memory_space<hbm>>
      tpu.enqueue_dma source(%dma_start3A_322 : memref<12800xf32, #tpu.memory_space<hbm>>) target(%arg4 : memref<12800xf32, #tpu.memory_space<vmem>>) target_semaphore(%run_scoped3A : memref<!tpu.dma_semaphore, #tpu.memory_space<semaphore_mem>>)
      %dma_wait3A = tpu.memref_slice %arg2[%add3A_227] : memref<16384000xf32, #tpu.memory_space<hbm>> -> memref<12800xf32, #tpu.memory_space<hbm>>
      %dma_wait3A_323 = tpu.memref_slice %arg2[%add3A_227] : memref<16384000xf32, #tpu.memory_space<hbm>> -> memref<12800xf32, #tpu.memory_space<hbm>>
      tpu.wait_dma2 semaphore(%run_scoped3A : memref<!tpu.dma_semaphore, #tpu.memory_space<semaphore_mem>>) src(%dma_wait3A_323 : memref<12800xf32, #tpu.memory_space<hbm>>) dst(%arg4 : memref<12800xf32, #tpu.memory_space<vmem>>)
      tpu.yield
    }) : () -> ()
    %scan3A_228 = arith.constant 0 : i32
    %scan3A_229 = arith.constant 0 : i32
    %scan3A_230 = arith.constant 800 : i32
    %scan3A_231 = arith.addi %scan3A_229, %scan3A_230 : i32
    %scan3A_232 = arith.constant 1 : i32
    scf.for %scan3A_322 = %scan3A_229 to %scan3A_231 step %scan3A_232  : i32 {
      %mul3A_323 = arith.constant 16 : i32
      %mul3A_324 = arith.muli %scan3A_322, %mul3A_323 : i32
      %get3A = arith.index_cast %mul3A_324 : i32 to index
      %get3A_325 = tpu.vector_load %arg4[%get3A] {strides = array<i32>} : memref<12800xf32, #tpu.memory_space<vmem>>, vector<16xf32>,
      %get3A_326 = vector.shape_cast %get3A_325 : vector<16xf32> to vector<16xf32>
      %neg3A = arith.constant 0.000000e+00 : f32
      %neg3A_327 = vector.broadcast %neg3A : f32 to vector<16xf32>
      %neg3A_328 = arith.subf %neg3A_327, %get3A_326 : vector<16xf32>
      %exp3A = math.exp %neg3A_328 : vector<16xf32>
      %add3A_329 = arith.constant 1.000000e+00 : f32
      %add3A_330 = vector.broadcast %add3A_329 : f32 to vector<16xf32>
      %add3A_331 = arith.addf %add3A_330, %exp3A : vector<16xf32>
      %div3A = arith.constant 1.000000e+00 : f32
      %div3A_332 = vector.broadcast %div3A : f32 to vector<16xf32>
      %div3A_333 = arith.divf %div3A_332, %add3A_331 : vector<16xf32>
      %mul3A_334 = arith.constant 16 : i32
      %mul3A_335 = arith.muli %scan3A_322, %mul3A_334 : i32
      %swap3A = arith.index_cast %mul3A_335 : i32 to index
      %swap3A_336 = tpu.vector_load %arg5[%swap3A] {strides = array<i32>} : memref<12800xf32, #tpu.memory_space<vmem>>, vector<16xf32>,
      %swap3A_337 = vector.shape_cast %swap3A_336 : vector<16xf32> to vector<16xf32>
      %swap3A_338 = vector.shape_cast %div3A_333 : vector<16xf32> to vector<16xf32>
      tpu.vector_store %arg5[%swap3A], %swap3A_338 {strides = array<i32>} : memref<12800xf32, #tpu.memory_space<vmem>>, vector<16xf32>,
    }
    %scan3A_233 = arith.constant 800 : i32
    "tpu.region"() ({
      %run_scoped3A = tpu.sem_alloc : memref<!tpu.dma_semaphore, #tpu.memory_space<semaphore_mem>>
      %dma_start3A = tpu.memref_slice %arg3[%add3A_227] : memref<16384000xf32, #tpu.memory_space<hbm>> -> memref<12800xf32, #tpu.memory_space<hbm>>
      %dma_start3A_322 = tpu.memref_slice %arg3[%add3A_227] : memref<16384000xf32, #tpu.memory_space<hbm>> -> memref<12800xf32, #tpu.memory_space<hbm>>
      tpu.enqueue_dma source(%arg5 : memref<12800xf32, #tpu.memory_space<vmem>>) target(%dma_start3A_322 : memref<12800xf32, #tpu.memory_space<hbm>>) target_semaphore(%run_scoped3A : memref<!tpu.dma_semaphore, #tpu.memory_space<semaphore_mem>>)
      %dma_wait3A = tpu.memref_slice %arg3[%add3A_227] : memref<16384000xf32, #tpu.memory_space<hbm>> -> memref<12800xf32, #tpu.memory_space<hbm>>
      %dma_wait3A_323 = tpu.memref_slice %arg3[%add3A_227] : memref<16384000xf32, #tpu.memory_space<hbm>> -> memref<12800xf32, #tpu.memory_space<hbm>>
      tpu.wait_dma2 semaphore(%run_scoped3A : memref<!tpu.dma_semaphore, #tpu.memory_space<semaphore_mem>>) src(%arg5 : memref<12800xf32, #tpu.memory_space<vmem>>) dst(%dma_wait3A_323 : memref<12800xf32, #tpu.memory_space<hbm>>)
      tpu.yield
    }) : () -> ()
    %add3A_234 = arith.constant 371200 : i32
    %add3A_235 = arith.addi %mul3A_2, %add3A_234 : i32
    "tpu.region"() ({
      %run_scoped3A = tpu.sem_alloc : memref<!tpu.dma_semaphore, #tpu.memory_space<semaphore_mem>>
      %dma_start3A = tpu.memref_slice %arg2[%add3A_235] : memref<16384000xf32, #tpu.memory_space<hbm>> -> memref<12800xf32, #tpu.memory_space<hbm>>
      %dma_start3A_322 = tpu.memref_slice %arg2[%add3A_235] : memref<16384000xf32, #tpu.memory_space<hbm>> -> memref<12800xf32, #tpu.memory_space<hbm>>
      tpu.enqueue_dma source(%dma_start3A_322 : memref<12800xf32, #tpu.memory_space<hbm>>) target(%arg4 : memref<12800xf32, #tpu.memory_space<vmem>>) target_semaphore(%run_scoped3A : memref<!tpu.dma_semaphore, #tpu.memory_space<semaphore_mem>>)
      %dma_wait3A = tpu.memref_slice %arg2[%add3A_235] : memref<16384000xf32, #tpu.memory_space<hbm>> -> memref<12800xf32, #tpu.memory_space<hbm>>
      %dma_wait3A_323 = tpu.memref_slice %arg2[%add3A_235] : memref<16384000xf32, #tpu.memory_space<hbm>> -> memref<12800xf32, #tpu.memory_space<hbm>>
      tpu.wait_dma2 semaphore(%run_scoped3A : memref<!tpu.dma_semaphore, #tpu.memory_space<semaphore_mem>>) src(%dma_wait3A_323 : memref<12800xf32, #tpu.memory_space<hbm>>) dst(%arg4 : memref<12800xf32, #tpu.memory_space<vmem>>)
      tpu.yield
    }) : () -> ()
    %scan3A_236 = arith.constant 0 : i32
    %scan3A_237 = arith.constant 0 : i32
    %scan3A_238 = arith.constant 800 : i32
    %scan3A_239 = arith.addi %scan3A_237, %scan3A_238 : i32
    %scan3A_240 = arith.constant 1 : i32
    scf.for %scan3A_322 = %scan3A_237 to %scan3A_239 step %scan3A_240  : i32 {
      %mul3A_323 = arith.constant 16 : i32
      %mul3A_324 = arith.muli %scan3A_322, %mul3A_323 : i32
      %get3A = arith.index_cast %mul3A_324 : i32 to index
      %get3A_325 = tpu.vector_load %arg4[%get3A] {strides = array<i32>} : memref<12800xf32, #tpu.memory_space<vmem>>, vector<16xf32>,
      %get3A_326 = vector.shape_cast %get3A_325 : vector<16xf32> to vector<16xf32>
      %neg3A = arith.constant 0.000000e+00 : f32
      %neg3A_327 = vector.broadcast %neg3A : f32 to vector<16xf32>
      %neg3A_328 = arith.subf %neg3A_327, %get3A_326 : vector<16xf32>
      %exp3A = math.exp %neg3A_328 : vector<16xf32>
      %add3A_329 = arith.constant 1.000000e+00 : f32
      %add3A_330 = vector.broadcast %add3A_329 : f32 to vector<16xf32>
      %add3A_331 = arith.addf %add3A_330, %exp3A : vector<16xf32>
      %div3A = arith.constant 1.000000e+00 : f32
      %div3A_332 = vector.broadcast %div3A : f32 to vector<16xf32>
      %div3A_333 = arith.divf %div3A_332, %add3A_331 : vector<16xf32>
      %mul3A_334 = arith.constant 16 : i32
      %mul3A_335 = arith.muli %scan3A_322, %mul3A_334 : i32
      %swap3A = arith.index_cast %mul3A_335 : i32 to index
      %swap3A_336 = tpu.vector_load %arg5[%swap3A] {strides = array<i32>} : memref<12800xf32, #tpu.memory_space<vmem>>, vector<16xf32>,
      %swap3A_337 = vector.shape_cast %swap3A_336 : vector<16xf32> to vector<16xf32>
      %swap3A_338 = vector.shape_cast %div3A_333 : vector<16xf32> to vector<16xf32>
      tpu.vector_store %arg5[%swap3A], %swap3A_338 {strides = array<i32>} : memref<12800xf32, #tpu.memory_space<vmem>>, vector<16xf32>,
    }
    %scan3A_241 = arith.constant 800 : i32
    "tpu.region"() ({
      %run_scoped3A = tpu.sem_alloc : memref<!tpu.dma_semaphore, #tpu.memory_space<semaphore_mem>>
      %dma_start3A = tpu.memref_slice %arg3[%add3A_235] : memref<16384000xf32, #tpu.memory_space<hbm>> -> memref<12800xf32, #tpu.memory_space<hbm>>
      %dma_start3A_322 = tpu.memref_slice %arg3[%add3A_235] : memref<16384000xf32, #tpu.memory_space<hbm>> -> memref<12800xf32, #tpu.memory_space<hbm>>
      tpu.enqueue_dma source(%arg5 : memref<12800xf32, #tpu.memory_space<vmem>>) target(%dma_start3A_322 : memref<12800xf32, #tpu.memory_space<hbm>>) target_semaphore(%run_scoped3A : memref<!tpu.dma_semaphore, #tpu.memory_space<semaphore_mem>>)
      %dma_wait3A = tpu.memref_slice %arg3[%add3A_235] : memref<16384000xf32, #tpu.memory_space<hbm>> -> memref<12800xf32, #tpu.memory_space<hbm>>
      %dma_wait3A_323 = tpu.memref_slice %arg3[%add3A_235] : memref<16384000xf32, #tpu.memory_space<hbm>> -> memref<12800xf32, #tpu.memory_space<hbm>>
      tpu.wait_dma2 semaphore(%run_scoped3A : memref<!tpu.dma_semaphore, #tpu.memory_space<semaphore_mem>>) src(%arg5 : memref<12800xf32, #tpu.memory_space<vmem>>) dst(%dma_wait3A_323 : memref<12800xf32, #tpu.memory_space<hbm>>)
      tpu.yield
    }) : () -> ()
    %add3A_242 = arith.constant 384000 : i32
    %add3A_243 = arith.addi %mul3A_2, %add3A_242 : i32
    "tpu.region"() ({
      %run_scoped3A = tpu.sem_alloc : memref<!tpu.dma_semaphore, #tpu.memory_space<semaphore_mem>>
      %dma_start3A = tpu.memref_slice %arg2[%add3A_243] : memref<16384000xf32, #tpu.memory_space<hbm>> -> memref<12800xf32, #tpu.memory_space<hbm>>
      %dma_start3A_322 = tpu.memref_slice %arg2[%add3A_243] : memref<16384000xf32, #tpu.memory_space<hbm>> -> memref<12800xf32, #tpu.memory_space<hbm>>
      tpu.enqueue_dma source(%dma_start3A_322 : memref<12800xf32, #tpu.memory_space<hbm>>) target(%arg4 : memref<12800xf32, #tpu.memory_space<vmem>>) target_semaphore(%run_scoped3A : memref<!tpu.dma_semaphore, #tpu.memory_space<semaphore_mem>>)
      %dma_wait3A = tpu.memref_slice %arg2[%add3A_243] : memref<16384000xf32, #tpu.memory_space<hbm>> -> memref<12800xf32, #tpu.memory_space<hbm>>
      %dma_wait3A_323 = tpu.memref_slice %arg2[%add3A_243] : memref<16384000xf32, #tpu.memory_space<hbm>> -> memref<12800xf32, #tpu.memory_space<hbm>>
      tpu.wait_dma2 semaphore(%run_scoped3A : memref<!tpu.dma_semaphore, #tpu.memory_space<semaphore_mem>>) src(%dma_wait3A_323 : memref<12800xf32, #tpu.memory_space<hbm>>) dst(%arg4 : memref<12800xf32, #tpu.memory_space<vmem>>)
      tpu.yield
    }) : () -> ()
    %scan3A_244 = arith.constant 0 : i32
    %scan3A_245 = arith.constant 0 : i32
    %scan3A_246 = arith.constant 800 : i32
    %scan3A_247 = arith.addi %scan3A_245, %scan3A_246 : i32
    %scan3A_248 = arith.constant 1 : i32
    scf.for %scan3A_322 = %scan3A_245 to %scan3A_247 step %scan3A_248  : i32 {
      %mul3A_323 = arith.constant 16 : i32
      %mul3A_324 = arith.muli %scan3A_322, %mul3A_323 : i32
      %get3A = arith.index_cast %mul3A_324 : i32 to index
      %get3A_325 = tpu.vector_load %arg4[%get3A] {strides = array<i32>} : memref<12800xf32, #tpu.memory_space<vmem>>, vector<16xf32>,
      %get3A_326 = vector.shape_cast %get3A_325 : vector<16xf32> to vector<16xf32>
      %neg3A = arith.constant 0.000000e+00 : f32
      %neg3A_327 = vector.broadcast %neg3A : f32 to vector<16xf32>
      %neg3A_328 = arith.subf %neg3A_327, %get3A_326 : vector<16xf32>
      %exp3A = math.exp %neg3A_328 : vector<16xf32>
      %add3A_329 = arith.constant 1.000000e+00 : f32
      %add3A_330 = vector.broadcast %add3A_329 : f32 to vector<16xf32>
      %add3A_331 = arith.addf %add3A_330, %exp3A : vector<16xf32>
      %div3A = arith.constant 1.000000e+00 : f32
      %div3A_332 = vector.broadcast %div3A : f32 to vector<16xf32>
      %div3A_333 = arith.divf %div3A_332, %add3A_331 : vector<16xf32>
      %mul3A_334 = arith.constant 16 : i32
      %mul3A_335 = arith.muli %scan3A_322, %mul3A_334 : i32
      %swap3A = arith.index_cast %mul3A_335 : i32 to index
      %swap3A_336 = tpu.vector_load %arg5[%swap3A] {strides = array<i32>} : memref<12800xf32, #tpu.memory_space<vmem>>, vector<16xf32>,
      %swap3A_337 = vector.shape_cast %swap3A_336 : vector<16xf32> to vector<16xf32>
      %swap3A_338 = vector.shape_cast %div3A_333 : vector<16xf32> to vector<16xf32>
      tpu.vector_store %arg5[%swap3A], %swap3A_338 {strides = array<i32>} : memref<12800xf32, #tpu.memory_space<vmem>>, vector<16xf32>,
    }
    %scan3A_249 = arith.constant 800 : i32
    "tpu.region"() ({
      %run_scoped3A = tpu.sem_alloc : memref<!tpu.dma_semaphore, #tpu.memory_space<semaphore_mem>>
      %dma_start3A = tpu.memref_slice %arg3[%add3A_243] : memref<16384000xf32, #tpu.memory_space<hbm>> -> memref<12800xf32, #tpu.memory_space<hbm>>
      %dma_start3A_322 = tpu.memref_slice %arg3[%add3A_243] : memref<16384000xf32, #tpu.memory_space<hbm>> -> memref<12800xf32, #tpu.memory_space<hbm>>
      tpu.enqueue_dma source(%arg5 : memref<12800xf32, #tpu.memory_space<vmem>>) target(%dma_start3A_322 : memref<12800xf32, #tpu.memory_space<hbm>>) target_semaphore(%run_scoped3A : memref<!tpu.dma_semaphore, #tpu.memory_space<semaphore_mem>>)
      %dma_wait3A = tpu.memref_slice %arg3[%add3A_243] : memref<16384000xf32, #tpu.memory_space<hbm>> -> memref<12800xf32, #tpu.memory_space<hbm>>
      %dma_wait3A_323 = tpu.memref_slice %arg3[%add3A_243] : memref<16384000xf32, #tpu.memory_space<hbm>> -> memref<12800xf32, #tpu.memory_space<hbm>>
      tpu.wait_dma2 semaphore(%run_scoped3A : memref<!tpu.dma_semaphore, #tpu.memory_space<semaphore_mem>>) src(%arg5 : memref<12800xf32, #tpu.memory_space<vmem>>) dst(%dma_wait3A_323 : memref<12800xf32, #tpu.memory_space<hbm>>)
      tpu.yield
    }) : () -> ()
    %add3A_250 = arith.constant 396800 : i32
    %add3A_251 = arith.addi %mul3A_2, %add3A_250 : i32
    "tpu.region"() ({
      %run_scoped3A = tpu.sem_alloc : memref<!tpu.dma_semaphore, #tpu.memory_space<semaphore_mem>>
      %dma_start3A = tpu.memref_slice %arg2[%add3A_251] : memref<16384000xf32, #tpu.memory_space<hbm>> -> memref<12800xf32, #tpu.memory_space<hbm>>
      %dma_start3A_322 = tpu.memref_slice %arg2[%add3A_251] : memref<16384000xf32, #tpu.memory_space<hbm>> -> memref<12800xf32, #tpu.memory_space<hbm>>
      tpu.enqueue_dma source(%dma_start3A_322 : memref<12800xf32, #tpu.memory_space<hbm>>) target(%arg4 : memref<12800xf32, #tpu.memory_space<vmem>>) target_semaphore(%run_scoped3A : memref<!tpu.dma_semaphore, #tpu.memory_space<semaphore_mem>>)
      %dma_wait3A = tpu.memref_slice %arg2[%add3A_251] : memref<16384000xf32, #tpu.memory_space<hbm>> -> memref<12800xf32, #tpu.memory_space<hbm>>
      %dma_wait3A_323 = tpu.memref_slice %arg2[%add3A_251] : memref<16384000xf32, #tpu.memory_space<hbm>> -> memref<12800xf32, #tpu.memory_space<hbm>>
      tpu.wait_dma2 semaphore(%run_scoped3A : memref<!tpu.dma_semaphore, #tpu.memory_space<semaphore_mem>>) src(%dma_wait3A_323 : memref<12800xf32, #tpu.memory_space<hbm>>) dst(%arg4 : memref<12800xf32, #tpu.memory_space<vmem>>)
      tpu.yield
    }) : () -> ()
    %scan3A_252 = arith.constant 0 : i32
    %scan3A_253 = arith.constant 0 : i32
    %scan3A_254 = arith.constant 800 : i32
    %scan3A_255 = arith.addi %scan3A_253, %scan3A_254 : i32
    %scan3A_256 = arith.constant 1 : i32
    scf.for %scan3A_322 = %scan3A_253 to %scan3A_255 step %scan3A_256  : i32 {
      %mul3A_323 = arith.constant 16 : i32
      %mul3A_324 = arith.muli %scan3A_322, %mul3A_323 : i32
      %get3A = arith.index_cast %mul3A_324 : i32 to index
      %get3A_325 = tpu.vector_load %arg4[%get3A] {strides = array<i32>} : memref<12800xf32, #tpu.memory_space<vmem>>, vector<16xf32>,
      %get3A_326 = vector.shape_cast %get3A_325 : vector<16xf32> to vector<16xf32>
      %neg3A = arith.constant 0.000000e+00 : f32
      %neg3A_327 = vector.broadcast %neg3A : f32 to vector<16xf32>
      %neg3A_328 = arith.subf %neg3A_327, %get3A_326 : vector<16xf32>
      %exp3A = math.exp %neg3A_328 : vector<16xf32>
      %add3A_329 = arith.constant 1.000000e+00 : f32
      %add3A_330 = vector.broadcast %add3A_329 : f32 to vector<16xf32>
      %add3A_331 = arith.addf %add3A_330, %exp3A : vector<16xf32>
      %div3A = arith.constant 1.000000e+00 : f32
      %div3A_332 = vector.broadcast %div3A : f32 to vector<16xf32>
      %div3A_333 = arith.divf %div3A_332, %add3A_331 : vector<16xf32>
      %mul3A_334 = arith.constant 16 : i32
      %mul3A_335 = arith.muli %scan3A_322, %mul3A_334 : i32
      %swap3A = arith.index_cast %mul3A_335 : i32 to index
      %swap3A_336 = tpu.vector_load %arg5[%swap3A] {strides = array<i32>} : memref<12800xf32, #tpu.memory_space<vmem>>, vector<16xf32>,
      %swap3A_337 = vector.shape_cast %swap3A_336 : vector<16xf32> to vector<16xf32>
      %swap3A_338 = vector.shape_cast %div3A_333 : vector<16xf32> to vector<16xf32>
      tpu.vector_store %arg5[%swap3A], %swap3A_338 {strides = array<i32>} : memref<12800xf32, #tpu.memory_space<vmem>>, vector<16xf32>,
    }
    %scan3A_257 = arith.constant 800 : i32
    "tpu.region"() ({
      %run_scoped3A = tpu.sem_alloc : memref<!tpu.dma_semaphore, #tpu.memory_space<semaphore_mem>>
      %dma_start3A = tpu.memref_slice %arg3[%add3A_251] : memref<16384000xf32, #tpu.memory_space<hbm>> -> memref<12800xf32, #tpu.memory_space<hbm>>
      %dma_start3A_322 = tpu.memref_slice %arg3[%add3A_251] : memref<16384000xf32, #tpu.memory_space<hbm>> -> memref<12800xf32, #tpu.memory_space<hbm>>
      tpu.enqueue_dma source(%arg5 : memref<12800xf32, #tpu.memory_space<vmem>>) target(%dma_start3A_322 : memref<12800xf32, #tpu.memory_space<hbm>>) target_semaphore(%run_scoped3A : memref<!tpu.dma_semaphore, #tpu.memory_space<semaphore_mem>>)
      %dma_wait3A = tpu.memref_slice %arg3[%add3A_251] : memref<16384000xf32, #tpu.memory_space<hbm>> -> memref<12800xf32, #tpu.memory_space<hbm>>
      %dma_wait3A_323 = tpu.memref_slice %arg3[%add3A_251] : memref<16384000xf32, #tpu.memory_space<hbm>> -> memref<12800xf32, #tpu.memory_space<hbm>>
      tpu.wait_dma2 semaphore(%run_scoped3A : memref<!tpu.dma_semaphore, #tpu.memory_space<semaphore_mem>>) src(%arg5 : memref<12800xf32, #tpu.memory_space<vmem>>) dst(%dma_wait3A_323 : memref<12800xf32, #tpu.memory_space<hbm>>)
      tpu.yield
    }) : () -> ()
    %add3A_258 = arith.constant 409600 : i32
    %add3A_259 = arith.addi %mul3A_2, %add3A_258 : i32
    "tpu.region"() ({
      %run_scoped3A = tpu.sem_alloc : memref<!tpu.dma_semaphore, #tpu.memory_space<semaphore_mem>>
      %dma_start3A = tpu.memref_slice %arg2[%add3A_259] : memref<16384000xf32, #tpu.memory_space<hbm>> -> memref<12800xf32, #tpu.memory_space<hbm>>
      %dma_start3A_322 = tpu.memref_slice %arg2[%add3A_259] : memref<16384000xf32, #tpu.memory_space<hbm>> -> memref<12800xf32, #tpu.memory_space<hbm>>
      tpu.enqueue_dma source(%dma_start3A_322 : memref<12800xf32, #tpu.memory_space<hbm>>) target(%arg4 : memref<12800xf32, #tpu.memory_space<vmem>>) target_semaphore(%run_scoped3A : memref<!tpu.dma_semaphore, #tpu.memory_space<semaphore_mem>>)
      %dma_wait3A = tpu.memref_slice %arg2[%add3A_259] : memref<16384000xf32, #tpu.memory_space<hbm>> -> memref<12800xf32, #tpu.memory_space<hbm>>
      %dma_wait3A_323 = tpu.memref_slice %arg2[%add3A_259] : memref<16384000xf32, #tpu.memory_space<hbm>> -> memref<12800xf32, #tpu.memory_space<hbm>>
      tpu.wait_dma2 semaphore(%run_scoped3A : memref<!tpu.dma_semaphore, #tpu.memory_space<semaphore_mem>>) src(%dma_wait3A_323 : memref<12800xf32, #tpu.memory_space<hbm>>) dst(%arg4 : memref<12800xf32, #tpu.memory_space<vmem>>)
      tpu.yield
    }) : () -> ()
    %scan3A_260 = arith.constant 0 : i32
    %scan3A_261 = arith.constant 0 : i32
    %scan3A_262 = arith.constant 800 : i32
    %scan3A_263 = arith.addi %scan3A_261, %scan3A_262 : i32
    %scan3A_264 = arith.constant 1 : i32
    scf.for %scan3A_322 = %scan3A_261 to %scan3A_263 step %scan3A_264  : i32 {
      %mul3A_323 = arith.constant 16 : i32
      %mul3A_324 = arith.muli %scan3A_322, %mul3A_323 : i32
      %get3A = arith.index_cast %mul3A_324 : i32 to index
      %get3A_325 = tpu.vector_load %arg4[%get3A] {strides = array<i32>} : memref<12800xf32, #tpu.memory_space<vmem>>, vector<16xf32>,
      %get3A_326 = vector.shape_cast %get3A_325 : vector<16xf32> to vector<16xf32>
      %neg3A = arith.constant 0.000000e+00 : f32
      %neg3A_327 = vector.broadcast %neg3A : f32 to vector<16xf32>
      %neg3A_328 = arith.subf %neg3A_327, %get3A_326 : vector<16xf32>
      %exp3A = math.exp %neg3A_328 : vector<16xf32>
      %add3A_329 = arith.constant 1.000000e+00 : f32
      %add3A_330 = vector.broadcast %add3A_329 : f32 to vector<16xf32>
      %add3A_331 = arith.addf %add3A_330, %exp3A : vector<16xf32>
      %div3A = arith.constant 1.000000e+00 : f32
      %div3A_332 = vector.broadcast %div3A : f32 to vector<16xf32>
      %div3A_333 = arith.divf %div3A_332, %add3A_331 : vector<16xf32>
      %mul3A_334 = arith.constant 16 : i32
      %mul3A_335 = arith.muli %scan3A_322, %mul3A_334 : i32
      %swap3A = arith.index_cast %mul3A_335 : i32 to index
      %swap3A_336 = tpu.vector_load %arg5[%swap3A] {strides = array<i32>} : memref<12800xf32, #tpu.memory_space<vmem>>, vector<16xf32>,
      %swap3A_337 = vector.shape_cast %swap3A_336 : vector<16xf32> to vector<16xf32>
      %swap3A_338 = vector.shape_cast %div3A_333 : vector<16xf32> to vector<16xf32>
      tpu.vector_store %arg5[%swap3A], %swap3A_338 {strides = array<i32>} : memref<12800xf32, #tpu.memory_space<vmem>>, vector<16xf32>,
    }
    %scan3A_265 = arith.constant 800 : i32
    "tpu.region"() ({
      %run_scoped3A = tpu.sem_alloc : memref<!tpu.dma_semaphore, #tpu.memory_space<semaphore_mem>>
      %dma_start3A = tpu.memref_slice %arg3[%add3A_259] : memref<16384000xf32, #tpu.memory_space<hbm>> -> memref<12800xf32, #tpu.memory_space<hbm>>
      %dma_start3A_322 = tpu.memref_slice %arg3[%add3A_259] : memref<16384000xf32, #tpu.memory_space<hbm>> -> memref<12800xf32, #tpu.memory_space<hbm>>
      tpu.enqueue_dma source(%arg5 : memref<12800xf32, #tpu.memory_space<vmem>>) target(%dma_start3A_322 : memref<12800xf32, #tpu.memory_space<hbm>>) target_semaphore(%run_scoped3A : memref<!tpu.dma_semaphore, #tpu.memory_space<semaphore_mem>>)
      %dma_wait3A = tpu.memref_slice %arg3[%add3A_259] : memref<16384000xf32, #tpu.memory_space<hbm>> -> memref<12800xf32, #tpu.memory_space<hbm>>
      %dma_wait3A_323 = tpu.memref_slice %arg3[%add3A_259] : memref<16384000xf32, #tpu.memory_space<hbm>> -> memref<12800xf32, #tpu.memory_space<hbm>>
      tpu.wait_dma2 semaphore(%run_scoped3A : memref<!tpu.dma_semaphore, #tpu.memory_space<semaphore_mem>>) src(%arg5 : memref<12800xf32, #tpu.memory_space<vmem>>) dst(%dma_wait3A_323 : memref<12800xf32, #tpu.memory_space<hbm>>)
      tpu.yield
    }) : () -> ()
    %add3A_266 = arith.constant 422400 : i32
    %add3A_267 = arith.addi %mul3A_2, %add3A_266 : i32
    "tpu.region"() ({
      %run_scoped3A = tpu.sem_alloc : memref<!tpu.dma_semaphore, #tpu.memory_space<semaphore_mem>>
      %dma_start3A = tpu.memref_slice %arg2[%add3A_267] : memref<16384000xf32, #tpu.memory_space<hbm>> -> memref<12800xf32, #tpu.memory_space<hbm>>
      %dma_start3A_322 = tpu.memref_slice %arg2[%add3A_267] : memref<16384000xf32, #tpu.memory_space<hbm>> -> memref<12800xf32, #tpu.memory_space<hbm>>
      tpu.enqueue_dma source(%dma_start3A_322 : memref<12800xf32, #tpu.memory_space<hbm>>) target(%arg4 : memref<12800xf32, #tpu.memory_space<vmem>>) target_semaphore(%run_scoped3A : memref<!tpu.dma_semaphore, #tpu.memory_space<semaphore_mem>>)
      %dma_wait3A = tpu.memref_slice %arg2[%add3A_267] : memref<16384000xf32, #tpu.memory_space<hbm>> -> memref<12800xf32, #tpu.memory_space<hbm>>
      %dma_wait3A_323 = tpu.memref_slice %arg2[%add3A_267] : memref<16384000xf32, #tpu.memory_space<hbm>> -> memref<12800xf32, #tpu.memory_space<hbm>>
      tpu.wait_dma2 semaphore(%run_scoped3A : memref<!tpu.dma_semaphore, #tpu.memory_space<semaphore_mem>>) src(%dma_wait3A_323 : memref<12800xf32, #tpu.memory_space<hbm>>) dst(%arg4 : memref<12800xf32, #tpu.memory_space<vmem>>)
      tpu.yield
    }) : () -> ()
    %scan3A_268 = arith.constant 0 : i32
    %scan3A_269 = arith.constant 0 : i32
    %scan3A_270 = arith.constant 800 : i32
    %scan3A_271 = arith.addi %scan3A_269, %scan3A_270 : i32
    %scan3A_272 = arith.constant 1 : i32
    scf.for %scan3A_322 = %scan3A_269 to %scan3A_271 step %scan3A_272  : i32 {
      %mul3A_323 = arith.constant 16 : i32
      %mul3A_324 = arith.muli %scan3A_322, %mul3A_323 : i32
      %get3A = arith.index_cast %mul3A_324 : i32 to index
      %get3A_325 = tpu.vector_load %arg4[%get3A] {strides = array<i32>} : memref<12800xf32, #tpu.memory_space<vmem>>, vector<16xf32>,
      %get3A_326 = vector.shape_cast %get3A_325 : vector<16xf32> to vector<16xf32>
      %neg3A = arith.constant 0.000000e+00 : f32
      %neg3A_327 = vector.broadcast %neg3A : f32 to vector<16xf32>
      %neg3A_328 = arith.subf %neg3A_327, %get3A_326 : vector<16xf32>
      %exp3A = math.exp %neg3A_328 : vector<16xf32>
      %add3A_329 = arith.constant 1.000000e+00 : f32
      %add3A_330 = vector.broadcast %add3A_329 : f32 to vector<16xf32>
      %add3A_331 = arith.addf %add3A_330, %exp3A : vector<16xf32>
      %div3A = arith.constant 1.000000e+00 : f32
      %div3A_332 = vector.broadcast %div3A : f32 to vector<16xf32>
      %div3A_333 = arith.divf %div3A_332, %add3A_331 : vector<16xf32>
      %mul3A_334 = arith.constant 16 : i32
      %mul3A_335 = arith.muli %scan3A_322, %mul3A_334 : i32
      %swap3A = arith.index_cast %mul3A_335 : i32 to index
      %swap3A_336 = tpu.vector_load %arg5[%swap3A] {strides = array<i32>} : memref<12800xf32, #tpu.memory_space<vmem>>, vector<16xf32>,
      %swap3A_337 = vector.shape_cast %swap3A_336 : vector<16xf32> to vector<16xf32>
      %swap3A_338 = vector.shape_cast %div3A_333 : vector<16xf32> to vector<16xf32>
      tpu.vector_store %arg5[%swap3A], %swap3A_338 {strides = array<i32>} : memref<12800xf32, #tpu.memory_space<vmem>>, vector<16xf32>,
    }
    %scan3A_273 = arith.constant 800 : i32
    "tpu.region"() ({
      %run_scoped3A = tpu.sem_alloc : memref<!tpu.dma_semaphore, #tpu.memory_space<semaphore_mem>>
      %dma_start3A = tpu.memref_slice %arg3[%add3A_267] : memref<16384000xf32, #tpu.memory_space<hbm>> -> memref<12800xf32, #tpu.memory_space<hbm>>
      %dma_start3A_322 = tpu.memref_slice %arg3[%add3A_267] : memref<16384000xf32, #tpu.memory_space<hbm>> -> memref<12800xf32, #tpu.memory_space<hbm>>
      tpu.enqueue_dma source(%arg5 : memref<12800xf32, #tpu.memory_space<vmem>>) target(%dma_start3A_322 : memref<12800xf32, #tpu.memory_space<hbm>>) target_semaphore(%run_scoped3A : memref<!tpu.dma_semaphore, #tpu.memory_space<semaphore_mem>>)
      %dma_wait3A = tpu.memref_slice %arg3[%add3A_267] : memref<16384000xf32, #tpu.memory_space<hbm>> -> memref<12800xf32, #tpu.memory_space<hbm>>
      %dma_wait3A_323 = tpu.memref_slice %arg3[%add3A_267] : memref<16384000xf32, #tpu.memory_space<hbm>> -> memref<12800xf32, #tpu.memory_space<hbm>>
      tpu.wait_dma2 semaphore(%run_scoped3A : memref<!tpu.dma_semaphore, #tpu.memory_space<semaphore_mem>>) src(%arg5 : memref<12800xf32, #tpu.memory_space<vmem>>) dst(%dma_wait3A_323 : memref<12800xf32, #tpu.memory_space<hbm>>)
      tpu.yield
    }) : () -> ()
    %add3A_274 = arith.constant 435200 : i32
    %add3A_275 = arith.addi %mul3A_2, %add3A_274 : i32
    "tpu.region"() ({
      %run_scoped3A = tpu.sem_alloc : memref<!tpu.dma_semaphore, #tpu.memory_space<semaphore_mem>>
      %dma_start3A = tpu.memref_slice %arg2[%add3A_275] : memref<16384000xf32, #tpu.memory_space<hbm>> -> memref<12800xf32, #tpu.memory_space<hbm>>
      %dma_start3A_322 = tpu.memref_slice %arg2[%add3A_275] : memref<16384000xf32, #tpu.memory_space<hbm>> -> memref<12800xf32, #tpu.memory_space<hbm>>
      tpu.enqueue_dma source(%dma_start3A_322 : memref<12800xf32, #tpu.memory_space<hbm>>) target(%arg4 : memref<12800xf32, #tpu.memory_space<vmem>>) target_semaphore(%run_scoped3A : memref<!tpu.dma_semaphore, #tpu.memory_space<semaphore_mem>>)
      %dma_wait3A = tpu.memref_slice %arg2[%add3A_275] : memref<16384000xf32, #tpu.memory_space<hbm>> -> memref<12800xf32, #tpu.memory_space<hbm>>
      %dma_wait3A_323 = tpu.memref_slice %arg2[%add3A_275] : memref<16384000xf32, #tpu.memory_space<hbm>> -> memref<12800xf32, #tpu.memory_space<hbm>>
      tpu.wait_dma2 semaphore(%run_scoped3A : memref<!tpu.dma_semaphore, #tpu.memory_space<semaphore_mem>>) src(%dma_wait3A_323 : memref<12800xf32, #tpu.memory_space<hbm>>) dst(%arg4 : memref<12800xf32, #tpu.memory_space<vmem>>)
      tpu.yield
    }) : () -> ()
    %scan3A_276 = arith.constant 0 : i32
    %scan3A_277 = arith.constant 0 : i32
    %scan3A_278 = arith.constant 800 : i32
    %scan3A_279 = arith.addi %scan3A_277, %scan3A_278 : i32
    %scan3A_280 = arith.constant 1 : i32
    scf.for %scan3A_322 = %scan3A_277 to %scan3A_279 step %scan3A_280  : i32 {
      %mul3A_323 = arith.constant 16 : i32
      %mul3A_324 = arith.muli %scan3A_322, %mul3A_323 : i32
      %get3A = arith.index_cast %mul3A_324 : i32 to index
      %get3A_325 = tpu.vector_load %arg4[%get3A] {strides = array<i32>} : memref<12800xf32, #tpu.memory_space<vmem>>, vector<16xf32>,
      %get3A_326 = vector.shape_cast %get3A_325 : vector<16xf32> to vector<16xf32>
      %neg3A = arith.constant 0.000000e+00 : f32
      %neg3A_327 = vector.broadcast %neg3A : f32 to vector<16xf32>
      %neg3A_328 = arith.subf %neg3A_327, %get3A_326 : vector<16xf32>
      %exp3A = math.exp %neg3A_328 : vector<16xf32>
      %add3A_329 = arith.constant 1.000000e+00 : f32
      %add3A_330 = vector.broadcast %add3A_329 : f32 to vector<16xf32>
      %add3A_331 = arith.addf %add3A_330, %exp3A : vector<16xf32>
      %div3A = arith.constant 1.000000e+00 : f32
      %div3A_332 = vector.broadcast %div3A : f32 to vector<16xf32>
      %div3A_333 = arith.divf %div3A_332, %add3A_331 : vector<16xf32>
      %mul3A_334 = arith.constant 16 : i32
      %mul3A_335 = arith.muli %scan3A_322, %mul3A_334 : i32
      %swap3A = arith.index_cast %mul3A_335 : i32 to index
      %swap3A_336 = tpu.vector_load %arg5[%swap3A] {strides = array<i32>} : memref<12800xf32, #tpu.memory_space<vmem>>, vector<16xf32>,
      %swap3A_337 = vector.shape_cast %swap3A_336 : vector<16xf32> to vector<16xf32>
      %swap3A_338 = vector.shape_cast %div3A_333 : vector<16xf32> to vector<16xf32>
      tpu.vector_store %arg5[%swap3A], %swap3A_338 {strides = array<i32>} : memref<12800xf32, #tpu.memory_space<vmem>>, vector<16xf32>,
    }
    %scan3A_281 = arith.constant 800 : i32
    "tpu.region"() ({
      %run_scoped3A = tpu.sem_alloc : memref<!tpu.dma_semaphore, #tpu.memory_space<semaphore_mem>>
      %dma_start3A = tpu.memref_slice %arg3[%add3A_275] : memref<16384000xf32, #tpu.memory_space<hbm>> -> memref<12800xf32, #tpu.memory_space<hbm>>
      %dma_start3A_322 = tpu.memref_slice %arg3[%add3A_275] : memref<16384000xf32, #tpu.memory_space<hbm>> -> memref<12800xf32, #tpu.memory_space<hbm>>
      tpu.enqueue_dma source(%arg5 : memref<12800xf32, #tpu.memory_space<vmem>>) target(%dma_start3A_322 : memref<12800xf32, #tpu.memory_space<hbm>>) target_semaphore(%run_scoped3A : memref<!tpu.dma_semaphore, #tpu.memory_space<semaphore_mem>>)
      %dma_wait3A = tpu.memref_slice %arg3[%add3A_275] : memref<16384000xf32, #tpu.memory_space<hbm>> -> memref<12800xf32, #tpu.memory_space<hbm>>
      %dma_wait3A_323 = tpu.memref_slice %arg3[%add3A_275] : memref<16384000xf32, #tpu.memory_space<hbm>> -> memref<12800xf32, #tpu.memory_space<hbm>>
      tpu.wait_dma2 semaphore(%run_scoped3A : memref<!tpu.dma_semaphore, #tpu.memory_space<semaphore_mem>>) src(%arg5 : memref<12800xf32, #tpu.memory_space<vmem>>) dst(%dma_wait3A_323 : memref<12800xf32, #tpu.memory_space<hbm>>)
      tpu.yield
    }) : () -> ()
    %add3A_282 = arith.constant 448000 : i32
    %add3A_283 = arith.addi %mul3A_2, %add3A_282 : i32
    "tpu.region"() ({
      %run_scoped3A = tpu.sem_alloc : memref<!tpu.dma_semaphore, #tpu.memory_space<semaphore_mem>>
      %dma_start3A = tpu.memref_slice %arg2[%add3A_283] : memref<16384000xf32, #tpu.memory_space<hbm>> -> memref<12800xf32, #tpu.memory_space<hbm>>
      %dma_start3A_322 = tpu.memref_slice %arg2[%add3A_283] : memref<16384000xf32, #tpu.memory_space<hbm>> -> memref<12800xf32, #tpu.memory_space<hbm>>
      tpu.enqueue_dma source(%dma_start3A_322 : memref<12800xf32, #tpu.memory_space<hbm>>) target(%arg4 : memref<12800xf32, #tpu.memory_space<vmem>>) target_semaphore(%run_scoped3A : memref<!tpu.dma_semaphore, #tpu.memory_space<semaphore_mem>>)
      %dma_wait3A = tpu.memref_slice %arg2[%add3A_283] : memref<16384000xf32, #tpu.memory_space<hbm>> -> memref<12800xf32, #tpu.memory_space<hbm>>
      %dma_wait3A_323 = tpu.memref_slice %arg2[%add3A_283] : memref<16384000xf32, #tpu.memory_space<hbm>> -> memref<12800xf32, #tpu.memory_space<hbm>>
      tpu.wait_dma2 semaphore(%run_scoped3A : memref<!tpu.dma_semaphore, #tpu.memory_space<semaphore_mem>>) src(%dma_wait3A_323 : memref<12800xf32, #tpu.memory_space<hbm>>) dst(%arg4 : memref<12800xf32, #tpu.memory_space<vmem>>)
      tpu.yield
    }) : () -> ()
    %scan3A_284 = arith.constant 0 : i32
    %scan3A_285 = arith.constant 0 : i32
    %scan3A_286 = arith.constant 800 : i32
    %scan3A_287 = arith.addi %scan3A_285, %scan3A_286 : i32
    %scan3A_288 = arith.constant 1 : i32
    scf.for %scan3A_322 = %scan3A_285 to %scan3A_287 step %scan3A_288  : i32 {
      %mul3A_323 = arith.constant 16 : i32
      %mul3A_324 = arith.muli %scan3A_322, %mul3A_323 : i32
      %get3A = arith.index_cast %mul3A_324 : i32 to index
      %get3A_325 = tpu.vector_load %arg4[%get3A] {strides = array<i32>} : memref<12800xf32, #tpu.memory_space<vmem>>, vector<16xf32>,
      %get3A_326 = vector.shape_cast %get3A_325 : vector<16xf32> to vector<16xf32>
      %neg3A = arith.constant 0.000000e+00 : f32
      %neg3A_327 = vector.broadcast %neg3A : f32 to vector<16xf32>
      %neg3A_328 = arith.subf %neg3A_327, %get3A_326 : vector<16xf32>
      %exp3A = math.exp %neg3A_328 : vector<16xf32>
      %add3A_329 = arith.constant 1.000000e+00 : f32
      %add3A_330 = vector.broadcast %add3A_329 : f32 to vector<16xf32>
      %add3A_331 = arith.addf %add3A_330, %exp3A : vector<16xf32>
      %div3A = arith.constant 1.000000e+00 : f32
      %div3A_332 = vector.broadcast %div3A : f32 to vector<16xf32>
      %div3A_333 = arith.divf %div3A_332, %add3A_331 : vector<16xf32>
      %mul3A_334 = arith.constant 16 : i32
      %mul3A_335 = arith.muli %scan3A_322, %mul3A_334 : i32
      %swap3A = arith.index_cast %mul3A_335 : i32 to index
      %swap3A_336 = tpu.vector_load %arg5[%swap3A] {strides = array<i32>} : memref<12800xf32, #tpu.memory_space<vmem>>, vector<16xf32>,
      %swap3A_337 = vector.shape_cast %swap3A_336 : vector<16xf32> to vector<16xf32>
      %swap3A_338 = vector.shape_cast %div3A_333 : vector<16xf32> to vector<16xf32>
      tpu.vector_store %arg5[%swap3A], %swap3A_338 {strides = array<i32>} : memref<12800xf32, #tpu.memory_space<vmem>>, vector<16xf32>,
    }
    %scan3A_289 = arith.constant 800 : i32
    "tpu.region"() ({
      %run_scoped3A = tpu.sem_alloc : memref<!tpu.dma_semaphore, #tpu.memory_space<semaphore_mem>>
      %dma_start3A = tpu.memref_slice %arg3[%add3A_283] : memref<16384000xf32, #tpu.memory_space<hbm>> -> memref<12800xf32, #tpu.memory_space<hbm>>
      %dma_start3A_322 = tpu.memref_slice %arg3[%add3A_283] : memref<16384000xf32, #tpu.memory_space<hbm>> -> memref<12800xf32, #tpu.memory_space<hbm>>
      tpu.enqueue_dma source(%arg5 : memref<12800xf32, #tpu.memory_space<vmem>>) target(%dma_start3A_322 : memref<12800xf32, #tpu.memory_space<hbm>>) target_semaphore(%run_scoped3A : memref<!tpu.dma_semaphore, #tpu.memory_space<semaphore_mem>>)
      %dma_wait3A = tpu.memref_slice %arg3[%add3A_283] : memref<16384000xf32, #tpu.memory_space<hbm>> -> memref<12800xf32, #tpu.memory_space<hbm>>
      %dma_wait3A_323 = tpu.memref_slice %arg3[%add3A_283] : memref<16384000xf32, #tpu.memory_space<hbm>> -> memref<12800xf32, #tpu.memory_space<hbm>>
      tpu.wait_dma2 semaphore(%run_scoped3A : memref<!tpu.dma_semaphore, #tpu.memory_space<semaphore_mem>>) src(%arg5 : memref<12800xf32, #tpu.memory_space<vmem>>) dst(%dma_wait3A_323 : memref<12800xf32, #tpu.memory_space<hbm>>)
      tpu.yield
    }) : () -> ()
    %add3A_290 = arith.constant 460800 : i32
    %add3A_291 = arith.addi %mul3A_2, %add3A_290 : i32
    "tpu.region"() ({
      %run_scoped3A = tpu.sem_alloc : memref<!tpu.dma_semaphore, #tpu.memory_space<semaphore_mem>>
      %dma_start3A = tpu.memref_slice %arg2[%add3A_291] : memref<16384000xf32, #tpu.memory_space<hbm>> -> memref<12800xf32, #tpu.memory_space<hbm>>
      %dma_start3A_322 = tpu.memref_slice %arg2[%add3A_291] : memref<16384000xf32, #tpu.memory_space<hbm>> -> memref<12800xf32, #tpu.memory_space<hbm>>
      tpu.enqueue_dma source(%dma_start3A_322 : memref<12800xf32, #tpu.memory_space<hbm>>) target(%arg4 : memref<12800xf32, #tpu.memory_space<vmem>>) target_semaphore(%run_scoped3A : memref<!tpu.dma_semaphore, #tpu.memory_space<semaphore_mem>>)
      %dma_wait3A = tpu.memref_slice %arg2[%add3A_291] : memref<16384000xf32, #tpu.memory_space<hbm>> -> memref<12800xf32, #tpu.memory_space<hbm>>
      %dma_wait3A_323 = tpu.memref_slice %arg2[%add3A_291] : memref<16384000xf32, #tpu.memory_space<hbm>> -> memref<12800xf32, #tpu.memory_space<hbm>>
      tpu.wait_dma2 semaphore(%run_scoped3A : memref<!tpu.dma_semaphore, #tpu.memory_space<semaphore_mem>>) src(%dma_wait3A_323 : memref<12800xf32, #tpu.memory_space<hbm>>) dst(%arg4 : memref<12800xf32, #tpu.memory_space<vmem>>)
      tpu.yield
    }) : () -> ()
    %scan3A_292 = arith.constant 0 : i32
    %scan3A_293 = arith.constant 0 : i32
    %scan3A_294 = arith.constant 800 : i32
    %scan3A_295 = arith.addi %scan3A_293, %scan3A_294 : i32
    %scan3A_296 = arith.constant 1 : i32
    scf.for %scan3A_322 = %scan3A_293 to %scan3A_295 step %scan3A_296  : i32 {
      %mul3A_323 = arith.constant 16 : i32
      %mul3A_324 = arith.muli %scan3A_322, %mul3A_323 : i32
      %get3A = arith.index_cast %mul3A_324 : i32 to index
      %get3A_325 = tpu.vector_load %arg4[%get3A] {strides = array<i32>} : memref<12800xf32, #tpu.memory_space<vmem>>, vector<16xf32>,
      %get3A_326 = vector.shape_cast %get3A_325 : vector<16xf32> to vector<16xf32>
      %neg3A = arith.constant 0.000000e+00 : f32
      %neg3A_327 = vector.broadcast %neg3A : f32 to vector<16xf32>
      %neg3A_328 = arith.subf %neg3A_327, %get3A_326 : vector<16xf32>
      %exp3A = math.exp %neg3A_328 : vector<16xf32>
      %add3A_329 = arith.constant 1.000000e+00 : f32
      %add3A_330 = vector.broadcast %add3A_329 : f32 to vector<16xf32>
      %add3A_331 = arith.addf %add3A_330, %exp3A : vector<16xf32>
      %div3A = arith.constant 1.000000e+00 : f32
      %div3A_332 = vector.broadcast %div3A : f32 to vector<16xf32>
      %div3A_333 = arith.divf %div3A_332, %add3A_331 : vector<16xf32>
      %mul3A_334 = arith.constant 16 : i32
      %mul3A_335 = arith.muli %scan3A_322, %mul3A_334 : i32
      %swap3A = arith.index_cast %mul3A_335 : i32 to index
      %swap3A_336 = tpu.vector_load %arg5[%swap3A] {strides = array<i32>} : memref<12800xf32, #tpu.memory_space<vmem>>, vector<16xf32>,
      %swap3A_337 = vector.shape_cast %swap3A_336 : vector<16xf32> to vector<16xf32>
      %swap3A_338 = vector.shape_cast %div3A_333 : vector<16xf32> to vector<16xf32>
      tpu.vector_store %arg5[%swap3A], %swap3A_338 {strides = array<i32>} : memref<12800xf32, #tpu.memory_space<vmem>>, vector<16xf32>,
    }
    %scan3A_297 = arith.constant 800 : i32
    "tpu.region"() ({
      %run_scoped3A = tpu.sem_alloc : memref<!tpu.dma_semaphore, #tpu.memory_space<semaphore_mem>>
      %dma_start3A = tpu.memref_slice %arg3[%add3A_291] : memref<16384000xf32, #tpu.memory_space<hbm>> -> memref<12800xf32, #tpu.memory_space<hbm>>
      %dma_start3A_322 = tpu.memref_slice %arg3[%add3A_291] : memref<16384000xf32, #tpu.memory_space<hbm>> -> memref<12800xf32, #tpu.memory_space<hbm>>
      tpu.enqueue_dma source(%arg5 : memref<12800xf32, #tpu.memory_space<vmem>>) target(%dma_start3A_322 : memref<12800xf32, #tpu.memory_space<hbm>>) target_semaphore(%run_scoped3A : memref<!tpu.dma_semaphore, #tpu.memory_space<semaphore_mem>>)
      %dma_wait3A = tpu.memref_slice %arg3[%add3A_291] : memref<16384000xf32, #tpu.memory_space<hbm>> -> memref<12800xf32, #tpu.memory_space<hbm>>
      %dma_wait3A_323 = tpu.memref_slice %arg3[%add3A_291] : memref<16384000xf32, #tpu.memory_space<hbm>> -> memref<12800xf32, #tpu.memory_space<hbm>>
      tpu.wait_dma2 semaphore(%run_scoped3A : memref<!tpu.dma_semaphore, #tpu.memory_space<semaphore_mem>>) src(%arg5 : memref<12800xf32, #tpu.memory_space<vmem>>) dst(%dma_wait3A_323 : memref<12800xf32, #tpu.memory_space<hbm>>)
      tpu.yield
    }) : () -> ()
    %add3A_298 = arith.constant 473600 : i32
    %add3A_299 = arith.addi %mul3A_2, %add3A_298 : i32
    "tpu.region"() ({
      %run_scoped3A = tpu.sem_alloc : memref<!tpu.dma_semaphore, #tpu.memory_space<semaphore_mem>>
      %dma_start3A = tpu.memref_slice %arg2[%add3A_299] : memref<16384000xf32, #tpu.memory_space<hbm>> -> memref<12800xf32, #tpu.memory_space<hbm>>
      %dma_start3A_322 = tpu.memref_slice %arg2[%add3A_299] : memref<16384000xf32, #tpu.memory_space<hbm>> -> memref<12800xf32, #tpu.memory_space<hbm>>
      tpu.enqueue_dma source(%dma_start3A_322 : memref<12800xf32, #tpu.memory_space<hbm>>) target(%arg4 : memref<12800xf32, #tpu.memory_space<vmem>>) target_semaphore(%run_scoped3A : memref<!tpu.dma_semaphore, #tpu.memory_space<semaphore_mem>>)
      %dma_wait3A = tpu.memref_slice %arg2[%add3A_299] : memref<16384000xf32, #tpu.memory_space<hbm>> -> memref<12800xf32, #tpu.memory_space<hbm>>
      %dma_wait3A_323 = tpu.memref_slice %arg2[%add3A_299] : memref<16384000xf32, #tpu.memory_space<hbm>> -> memref<12800xf32, #tpu.memory_space<hbm>>
      tpu.wait_dma2 semaphore(%run_scoped3A : memref<!tpu.dma_semaphore, #tpu.memory_space<semaphore_mem>>) src(%dma_wait3A_323 : memref<12800xf32, #tpu.memory_space<hbm>>) dst(%arg4 : memref<12800xf32, #tpu.memory_space<vmem>>)
      tpu.yield
    }) : () -> ()
    %scan3A_300 = arith.constant 0 : i32
    %scan3A_301 = arith.constant 0 : i32
    %scan3A_302 = arith.constant 800 : i32
    %scan3A_303 = arith.addi %scan3A_301, %scan3A_302 : i32
    %scan3A_304 = arith.constant 1 : i32
    scf.for %scan3A_322 = %scan3A_301 to %scan3A_303 step %scan3A_304  : i32 {
      %mul3A_323 = arith.constant 16 : i32
      %mul3A_324 = arith.muli %scan3A_322, %mul3A_323 : i32
      %get3A = arith.index_cast %mul3A_324 : i32 to index
      %get3A_325 = tpu.vector_load %arg4[%get3A] {strides = array<i32>} : memref<12800xf32, #tpu.memory_space<vmem>>, vector<16xf32>,
      %get3A_326 = vector.shape_cast %get3A_325 : vector<16xf32> to vector<16xf32>
      %neg3A = arith.constant 0.000000e+00 : f32
      %neg3A_327 = vector.broadcast %neg3A : f32 to vector<16xf32>
      %neg3A_328 = arith.subf %neg3A_327, %get3A_326 : vector<16xf32>
      %exp3A = math.exp %neg3A_328 : vector<16xf32>
      %add3A_329 = arith.constant 1.000000e+00 : f32
      %add3A_330 = vector.broadcast %add3A_329 : f32 to vector<16xf32>
      %add3A_331 = arith.addf %add3A_330, %exp3A : vector<16xf32>
      %div3A = arith.constant 1.000000e+00 : f32
      %div3A_332 = vector.broadcast %div3A : f32 to vector<16xf32>
      %div3A_333 = arith.divf %div3A_332, %add3A_331 : vector<16xf32>
      %mul3A_334 = arith.constant 16 : i32
      %mul3A_335 = arith.muli %scan3A_322, %mul3A_334 : i32
      %swap3A = arith.index_cast %mul3A_335 : i32 to index
      %swap3A_336 = tpu.vector_load %arg5[%swap3A] {strides = array<i32>} : memref<12800xf32, #tpu.memory_space<vmem>>, vector<16xf32>,
      %swap3A_337 = vector.shape_cast %swap3A_336 : vector<16xf32> to vector<16xf32>
      %swap3A_338 = vector.shape_cast %div3A_333 : vector<16xf32> to vector<16xf32>
      tpu.vector_store %arg5[%swap3A], %swap3A_338 {strides = array<i32>} : memref<12800xf32, #tpu.memory_space<vmem>>, vector<16xf32>,
    }
    %scan3A_305 = arith.constant 800 : i32
    "tpu.region"() ({
      %run_scoped3A = tpu.sem_alloc : memref<!tpu.dma_semaphore, #tpu.memory_space<semaphore_mem>>
      %dma_start3A = tpu.memref_slice %arg3[%add3A_299] : memref<16384000xf32, #tpu.memory_space<hbm>> -> memref<12800xf32, #tpu.memory_space<hbm>>
      %dma_start3A_322 = tpu.memref_slice %arg3[%add3A_299] : memref<16384000xf32, #tpu.memory_space<hbm>> -> memref<12800xf32, #tpu.memory_space<hbm>>
      tpu.enqueue_dma source(%arg5 : memref<12800xf32, #tpu.memory_space<vmem>>) target(%dma_start3A_322 : memref<12800xf32, #tpu.memory_space<hbm>>) target_semaphore(%run_scoped3A : memref<!tpu.dma_semaphore, #tpu.memory_space<semaphore_mem>>)
      %dma_wait3A = tpu.memref_slice %arg3[%add3A_299] : memref<16384000xf32, #tpu.memory_space<hbm>> -> memref<12800xf32, #tpu.memory_space<hbm>>
      %dma_wait3A_323 = tpu.memref_slice %arg3[%add3A_299] : memref<16384000xf32, #tpu.memory_space<hbm>> -> memref<12800xf32, #tpu.memory_space<hbm>>
      tpu.wait_dma2 semaphore(%run_scoped3A : memref<!tpu.dma_semaphore, #tpu.memory_space<semaphore_mem>>) src(%arg5 : memref<12800xf32, #tpu.memory_space<vmem>>) dst(%dma_wait3A_323 : memref<12800xf32, #tpu.memory_space<hbm>>)
      tpu.yield
    }) : () -> ()
    %add3A_306 = arith.constant 486400 : i32
    %add3A_307 = arith.addi %mul3A_2, %add3A_306 : i32
    "tpu.region"() ({
      %run_scoped3A = tpu.sem_alloc : memref<!tpu.dma_semaphore, #tpu.memory_space<semaphore_mem>>
      %dma_start3A = tpu.memref_slice %arg2[%add3A_307] : memref<16384000xf32, #tpu.memory_space<hbm>> -> memref<12800xf32, #tpu.memory_space<hbm>>
      %dma_start3A_322 = tpu.memref_slice %arg2[%add3A_307] : memref<16384000xf32, #tpu.memory_space<hbm>> -> memref<12800xf32, #tpu.memory_space<hbm>>
      tpu.enqueue_dma source(%dma_start3A_322 : memref<12800xf32, #tpu.memory_space<hbm>>) target(%arg4 : memref<12800xf32, #tpu.memory_space<vmem>>) target_semaphore(%run_scoped3A : memref<!tpu.dma_semaphore, #tpu.memory_space<semaphore_mem>>)
      %dma_wait3A = tpu.memref_slice %arg2[%add3A_307] : memref<16384000xf32, #tpu.memory_space<hbm>> -> memref<12800xf32, #tpu.memory_space<hbm>>
      %dma_wait3A_323 = tpu.memref_slice %arg2[%add3A_307] : memref<16384000xf32, #tpu.memory_space<hbm>> -> memref<12800xf32, #tpu.memory_space<hbm>>
      tpu.wait_dma2 semaphore(%run_scoped3A : memref<!tpu.dma_semaphore, #tpu.memory_space<semaphore_mem>>) src(%dma_wait3A_323 : memref<12800xf32, #tpu.memory_space<hbm>>) dst(%arg4 : memref<12800xf32, #tpu.memory_space<vmem>>)
      tpu.yield
    }) : () -> ()
    %scan3A_308 = arith.constant 0 : i32
    %scan3A_309 = arith.constant 0 : i32
    %scan3A_310 = arith.constant 800 : i32
    %scan3A_311 = arith.addi %scan3A_309, %scan3A_310 : i32
    %scan3A_312 = arith.constant 1 : i32
    scf.for %scan3A_322 = %scan3A_309 to %scan3A_311 step %scan3A_312  : i32 {
      %mul3A_323 = arith.constant 16 : i32
      %mul3A_324 = arith.muli %scan3A_322, %mul3A_323 : i32
      %get3A = arith.index_cast %mul3A_324 : i32 to index
      %get3A_325 = tpu.vector_load %arg4[%get3A] {strides = array<i32>} : memref<12800xf32, #tpu.memory_space<vmem>>, vector<16xf32>,
      %get3A_326 = vector.shape_cast %get3A_325 : vector<16xf32> to vector<16xf32>
      %neg3A = arith.constant 0.000000e+00 : f32
      %neg3A_327 = vector.broadcast %neg3A : f32 to vector<16xf32>
      %neg3A_328 = arith.subf %neg3A_327, %get3A_326 : vector<16xf32>
      %exp3A = math.exp %neg3A_328 : vector<16xf32>
      %add3A_329 = arith.constant 1.000000e+00 : f32
      %add3A_330 = vector.broadcast %add3A_329 : f32 to vector<16xf32>
      %add3A_331 = arith.addf %add3A_330, %exp3A : vector<16xf32>
      %div3A = arith.constant 1.000000e+00 : f32
      %div3A_332 = vector.broadcast %div3A : f32 to vector<16xf32>
      %div3A_333 = arith.divf %div3A_332, %add3A_331 : vector<16xf32>
      %mul3A_334 = arith.constant 16 : i32
      %mul3A_335 = arith.muli %scan3A_322, %mul3A_334 : i32
      %swap3A = arith.index_cast %mul3A_335 : i32 to index
      %swap3A_336 = tpu.vector_load %arg5[%swap3A] {strides = array<i32>} : memref<12800xf32, #tpu.memory_space<vmem>>, vector<16xf32>,
      %swap3A_337 = vector.shape_cast %swap3A_336 : vector<16xf32> to vector<16xf32>
      %swap3A_338 = vector.shape_cast %div3A_333 : vector<16xf32> to vector<16xf32>
      tpu.vector_store %arg5[%swap3A], %swap3A_338 {strides = array<i32>} : memref<12800xf32, #tpu.memory_space<vmem>>, vector<16xf32>,
    }
    %scan3A_313 = arith.constant 800 : i32
    "tpu.region"() ({
      %run_scoped3A = tpu.sem_alloc : memref<!tpu.dma_semaphore, #tpu.memory_space<semaphore_mem>>
      %dma_start3A = tpu.memref_slice %arg3[%add3A_307] : memref<16384000xf32, #tpu.memory_space<hbm>> -> memref<12800xf32, #tpu.memory_space<hbm>>
      %dma_start3A_322 = tpu.memref_slice %arg3[%add3A_307] : memref<16384000xf32, #tpu.memory_space<hbm>> -> memref<12800xf32, #tpu.memory_space<hbm>>
      tpu.enqueue_dma source(%arg5 : memref<12800xf32, #tpu.memory_space<vmem>>) target(%dma_start3A_322 : memref<12800xf32, #tpu.memory_space<hbm>>) target_semaphore(%run_scoped3A : memref<!tpu.dma_semaphore, #tpu.memory_space<semaphore_mem>>)
      %dma_wait3A = tpu.memref_slice %arg3[%add3A_307] : memref<16384000xf32, #tpu.memory_space<hbm>> -> memref<12800xf32, #tpu.memory_space<hbm>>
      %dma_wait3A_323 = tpu.memref_slice %arg3[%add3A_307] : memref<16384000xf32, #tpu.memory_space<hbm>> -> memref<12800xf32, #tpu.memory_space<hbm>>
      tpu.wait_dma2 semaphore(%run_scoped3A : memref<!tpu.dma_semaphore, #tpu.memory_space<semaphore_mem>>) src(%arg5 : memref<12800xf32, #tpu.memory_space<vmem>>) dst(%dma_wait3A_323 : memref<12800xf32, #tpu.memory_space<hbm>>)
      tpu.yield
    }) : () -> ()
    %add3A_314 = arith.constant 499200 : i32
    %add3A_315 = arith.addi %mul3A_2, %add3A_314 : i32
    "tpu.region"() ({
      %run_scoped3A = tpu.sem_alloc : memref<!tpu.dma_semaphore, #tpu.memory_space<semaphore_mem>>
      %dma_start3A = tpu.memref_slice %arg2[%add3A_315] : memref<16384000xf32, #tpu.memory_space<hbm>> -> memref<12800xf32, #tpu.memory_space<hbm>>
      %dma_start3A_322 = tpu.memref_slice %arg2[%add3A_315] : memref<16384000xf32, #tpu.memory_space<hbm>> -> memref<12800xf32, #tpu.memory_space<hbm>>
      tpu.enqueue_dma source(%dma_start3A_322 : memref<12800xf32, #tpu.memory_space<hbm>>) target(%arg4 : memref<12800xf32, #tpu.memory_space<vmem>>) target_semaphore(%run_scoped3A : memref<!tpu.dma_semaphore, #tpu.memory_space<semaphore_mem>>)
      %dma_wait3A = tpu.memref_slice %arg2[%add3A_315] : memref<16384000xf32, #tpu.memory_space<hbm>> -> memref<12800xf32, #tpu.memory_space<hbm>>
      %dma_wait3A_323 = tpu.memref_slice %arg2[%add3A_315] : memref<16384000xf32, #tpu.memory_space<hbm>> -> memref<12800xf32, #tpu.memory_space<hbm>>
      tpu.wait_dma2 semaphore(%run_scoped3A : memref<!tpu.dma_semaphore, #tpu.memory_space<semaphore_mem>>) src(%dma_wait3A_323 : memref<12800xf32, #tpu.memory_space<hbm>>) dst(%arg4 : memref<12800xf32, #tpu.memory_space<vmem>>)
      tpu.yield
    }) : () -> ()
    %scan3A_316 = arith.constant 0 : i32
    %scan3A_317 = arith.constant 0 : i32
    %scan3A_318 = arith.constant 800 : i32
    %scan3A_319 = arith.addi %scan3A_317, %scan3A_318 : i32
    %scan3A_320 = arith.constant 1 : i32
    scf.for %scan3A_322 = %scan3A_317 to %scan3A_319 step %scan3A_320  : i32 {
      %mul3A_323 = arith.constant 16 : i32
      %mul3A_324 = arith.muli %scan3A_322, %mul3A_323 : i32
      %get3A = arith.index_cast %mul3A_324 : i32 to index
      %get3A_325 = tpu.vector_load %arg4[%get3A] {strides = array<i32>} : memref<12800xf32, #tpu.memory_space<vmem>>, vector<16xf32>,
      %get3A_326 = vector.shape_cast %get3A_325 : vector<16xf32> to vector<16xf32>
      %neg3A = arith.constant 0.000000e+00 : f32
      %neg3A_327 = vector.broadcast %neg3A : f32 to vector<16xf32>
      %neg3A_328 = arith.subf %neg3A_327, %get3A_326 : vector<16xf32>
      %exp3A = math.exp %neg3A_328 : vector<16xf32>
      %add3A_329 = arith.constant 1.000000e+00 : f32
      %add3A_330 = vector.broadcast %add3A_329 : f32 to vector<16xf32>
      %add3A_331 = arith.addf %add3A_330, %exp3A : vector<16xf32>
      %div3A = arith.constant 1.000000e+00 : f32
      %div3A_332 = vector.broadcast %div3A : f32 to vector<16xf32>
      %div3A_333 = arith.divf %div3A_332, %add3A_331 : vector<16xf32>
      %mul3A_334 = arith.constant 16 : i32
      %mul3A_335 = arith.muli %scan3A_322, %mul3A_334 : i32
      %swap3A = arith.index_cast %mul3A_335 : i32 to index
      %swap3A_336 = tpu.vector_load %arg5[%swap3A] {strides = array<i32>} : memref<12800xf32, #tpu.memory_space<vmem>>, vector<16xf32>,
      %swap3A_337 = vector.shape_cast %swap3A_336 : vector<16xf32> to vector<16xf32>
      %swap3A_338 = vector.shape_cast %div3A_333 : vector<16xf32> to vector<16xf32>
      tpu.vector_store %arg5[%swap3A], %swap3A_338 {strides = array<i32>} : memref<12800xf32, #tpu.memory_space<vmem>>, vector<16xf32>,
    }
    %scan3A_321 = arith.constant 800 : i32
    "tpu.region"() ({
      %run_scoped3A = tpu.sem_alloc : memref<!tpu.dma_semaphore, #tpu.memory_space<semaphore_mem>>
      %dma_start3A = tpu.memref_slice %arg3[%add3A_315] : memref<16384000xf32, #tpu.memory_space<hbm>> -> memref<12800xf32, #tpu.memory_space<hbm>>
      %dma_start3A_322 = tpu.memref_slice %arg3[%add3A_315] : memref<16384000xf32, #tpu.memory_space<hbm>> -> memref<12800xf32, #tpu.memory_space<hbm>>
      tpu.enqueue_dma source(%arg5 : memref<12800xf32, #tpu.memory_space<vmem>>) target(%dma_start3A_322 : memref<12800xf32, #tpu.memory_space<hbm>>) target_semaphore(%run_scoped3A : memref<!tpu.dma_semaphore, #tpu.memory_space<semaphore_mem>>)
      %dma_wait3A = tpu.memref_slice %arg3[%add3A_315] : memref<16384000xf32, #tpu.memory_space<hbm>> -> memref<12800xf32, #tpu.memory_space<hbm>>
      %dma_wait3A_323 = tpu.memref_slice %arg3[%add3A_315] : memref<16384000xf32, #tpu.memory_space<hbm>> -> memref<12800xf32, #tpu.memory_space<hbm>>
      tpu.wait_dma2 semaphore(%run_scoped3A : memref<!tpu.dma_semaphore, #tpu.memory_space<semaphore_mem>>) src(%arg5 : memref<12800xf32, #tpu.memory_space<vmem>>) dst(%dma_wait3A_323 : memref<12800xf32, #tpu.memory_space<hbm>>)
      tpu.yield
    }) : () -> ()
    return
  }
}

</mosaic_0001>

<sc_bundles>
// kernel: kernel.3.cloned.1.call-start
scs
__scs_entry_jumppad:
0x0: {  	(pc) =	sbr.rel $0x88, $3  }
0x1: {  	(tag) =	ssettag $0x0;
	lr =	simm.s32 $0x1  }
0x2: {  	[smem:$0x3FA0] =	sst lr;
	_ =	strace $0xD0000000  }
0x3: {  	_ = 	snop  }
0x4: {  	_ = 	snop  }
0x5: {  	_ = 	snop  }
0x6: {  	_ = 	snop  }
0x7: {  	_ = 	snop  }
__scs_overlays_trampoline_lowered:
0x8: {  	[smem:$0x3FAF] =	sst s0  }
0x9: {  	[smem:$0x3FB0] =	sst s1  }
0xa: {  	[smem:$0x3FB1] =	sst s2  }
0xb: {  	[smem:$0x3FB2] =	sst s3  }
0xc: {  	[smem:$0x3FB3] =	sst s4  }
0xd: {  	[smem:$0x3FB4] =	sst s5  }
0xe: {  	[smem:$0x3FB5] =	sst s6  }
0xf: {  	[smem:$0x3FB6] =	sst s7  }
0x10: {  	[smem:$0x3FB7] =	sst s8  }
0x11: {  	[smem:$0x3FB8] =	sst s9;
	s0 =	simm.s32 @!p0 $0x0  }
0x12: {  	s1 =	sld [smem:$0x3F9E];
	s0 =	simm.s32 @p0 $0x1  }
0x13: {  	[smem:$0x3FB9] =	sst s0;
	s0 =	simm.s32 @!p1 $0x0  }
0x14: {  	s2 =	sld [smem:$0x3F9D];
	s0 =	simm.s32 @p1 $0x1  }
0x15: {  	[smem:$0x3FBA] =	sst s0;
	s0 =	simm.s32 @!p2 $0x0  }
0x16: {  	s3 =	sld [smem:$0x3FDB];
	s0 =	simm.s32 @p2 $0x1  }
0x17: {  	s4 =	simm.s32 $0x1BF5;
	[smem:$0x3FBC] =	sst s0  }
0x18: {  	s0 =	sld [smem:$0x3F9F];
	_ =	swait.ge [sflag:s4], $0x0  }
0x19: {  	s7 =	sld [smem:$0x3FA0]  }
0x1a: {  	s8 =	sadd.s32 $0xFFFFE003, lr  }
0x1b: {  	s9 =	sadd.s32 $0xFFFFFEF7, lr;
	s5 =	simm.s32 $0xFFFFFFFF;
	p2 =	slt.u32 s8, $0xFFFFF086  }
0x1c: {  	p1 =	slt.u32 s9, $0xF7A;
	s5 =	simm.s32 @!p2 $0x0  }
0x1d: {  	s5 =	simm.s32 @p1 $0x1;
	p0 =	seq.s32 s7, s2  }
0x1e: {  	s7 =	smul.u32 @!p0 $0xF7A, s2;
	p2 =	seq.s32 @!p0 s5, $0x0  }
0x1f: {  	s9 =	smul.u32 $0xF7A, s1;
	s8 =	simm.s32 @!p0 $0x1BF5;
	p2 =	por !p2, p0  }
0x20: {  	[sflag:s8] =	ssyncset.s32 @!p0 $0xFFFFF086;
	s6 =	sadd.s32 @!p0 s3, s7;
	s7 =	simm.s32 @!p0 $0x108  }
0x21: {  	s3 =	sadd.s32 s3, s9;
	s6 =	sadd.s32 @!p0 $0x88, s6;
	s7 =	simm.s32 @p2 $0x1082  }
0x22: {  	[simem:s7], [sflag:s8] =	dma.local @!p0 [hbm:s6], $0xF7A  }
0x23: {  	s9 =	sor.u32 $0xD0000000, s2;
	s6 =	simm.s32 $0x108;
	_ =	swait.ge @!p0 [sflag:s8], $0x0  }
0x24: {  	s3 =	sadd.s32 $0x88, s3;
	s6 =	simm.s32 @!p1 $0x1082;
	[sflag:s4] =	ssyncset.s32 $0xFFFFF086  }
0x25: {  	[simem:s6], [sflag:s4] =	dma.local [hbm:s3], $0xF7A  }
0x26: {  	[smem:$0x3FA0] =	sst s1;
	(tag) =	ssettag s2;
	_ =	strace s9  }
0x27: {  	s1 =	sld [smem:$0x3FB0]  }
0x28: {  	s2 =	sld [smem:$0x3FB1]  }
0x29: {  	s4 =	sld [smem:$0x3FB3]  }
0x2a: {  	p0 =	seq.s32 s5, $0x0;
	s5 =	sld [smem:$0x3FB4]  }
0x2b: {  	s6 =	sld [smem:$0x3FB5]  }
0x2c: {  	s7 =	sld [smem:$0x3FB6]  }
0x2d: {  	s3 =	simm.s32 $0x108;
	s8 =	sld [smem:$0x3FB7]  }
0x2e: {  	s3 =	simm.s32 @!p0 $0x1082;
	s9 =	sld [smem:$0x3FB8]  }
0x2f: {  	lr =	sadd.s32 s0, s3;
	s0 =	sld [smem:$0x3FAF]  }
0x30: {  	s3 =	sld [smem:$0x3FB2]  }
0x31: {  	[smem:$0x3FBB] =	sst s10  }
0x32: {  	s10 =	sld [smem:$0x3FB9];
	_ =	sdelay $0x3  }
0x33: {  	p0 =	seq.s32 s10, $0x1;
	s10 =	sld [smem:$0x3FBB];
	_ =	sdelay $0x3  }
0x34: {  	[smem:$0x3FBB] =	sst s10  }
0x35: {  	s10 =	sld [smem:$0x3FBA];
	_ =	sdelay $0x3  }
0x36: {  	p1 =	seq.s32 s10, $0x1;
	s10 =	sld [smem:$0x3FBB];
	_ =	sdelay $0x3  }
0x37: {  	[smem:$0x3FBB] =	sst s10  }
0x38: {  	s10 =	sld [smem:$0x3FBC]  }
0x39: {  	_ = 	snop;
	(pc) =	sbr.ind lr, $3  }
0x3a: {  	_ = 	snop  }
0x3b: {  	_ = 	snop  }
0x3c: {  	p2 =	seq.s32 s10, $0x1;
	s10 =	sld [smem:$0x3FBB]  }
0x3d: {  	_ =	shalt  }
0x3e: {  	_ =	shalt  }
0x3f: {  	_ =	shalt  }
0x40: {  	_ =	shalt  }
0x41: {  	_ =	shalt  }
0x42: {  	_ =	shalt  }
0x43: {  	_ =	shalt  }
0x44: {  	_ =	shalt  }
0x45: {  	_ =	shalt  }
0x46: {  	_ =	shalt  }
0x47: {  	_ =	shalt  }
0x48: {  	_ =	shalt  }
0x49: {  	_ =	shalt  }
0x4a: {  	_ =	shalt  }
0x4b: {  	_ =	shalt  }
0x4c: {  	_ =	shalt  }
0x4d: {  	_ =	shalt  }
0x4e: {  	_ =	shalt  }
0x4f: {  	_ =	shalt  }
0x50: {  	_ =	shalt  }
0x51: {  	_ =	shalt  }
0x52: {  	_ =	shalt  }
0x53: {  	_ =	shalt  }
0x54: {  	_ =	shalt  }
0x55: {  	_ =	shalt  }
0x56: {  	_ =	shalt  }
0x57: {  	_ =	shalt  }
0x58: {  	_ =	shalt  }
0x59: {  	_ =	shalt  }
0x5a: {  	_ =	shalt  }
0x5b: {  	_ =	shalt  }
0x5c: {  	_ =	shalt  }
0x5d: {  	_ =	shalt  }
0x5e: {  	_ =	shalt  }
0x5f: {  	_ =	shalt  }
0x60: {  	_ =	shalt  }
0x61: {  	_ =	shalt  }
0x62: {  	_ =	shalt  }
0x63: {  	_ =	shalt  }
0x64: {  	_ =	shalt  }
0x65: {  	_ =	shalt  }
0x66: {  	_ =	shalt  }
0x67: {  	_ =	shalt  }
0x68: {  	_ =	shalt  }
0x69: {  	_ =	shalt  }
0x6a: {  	_ =	shalt  }
0x6b: {  	_ =	shalt  }
0x6c: {  	_ =	shalt  }
0x6d: {  	_ =	shalt  }
0x6e: {  	_ =	shalt  }
0x6f: {  	_ =	shalt  }
0x70: {  	_ =	shalt  }
0x71: {  	_ =	shalt  }
0x72: {  	_ =	shalt  }
0x73: {  	_ =	shalt  }
0x74: {  	_ =	shalt  }
0x75: {  	_ =	shalt  }
0x76: {  	_ =	shalt  }
0x77: {  	_ =	shalt  }
0x78: {  	_ =	shalt  }
0x79: {  	_ =	shalt  }
0x7a: {  	_ =	shalt  }
0x7b: {  	_ =	shalt  }
0x7c: {  	_ =	shalt  }
0x7d: {  	_ =	shalt  }
0x7e: {  	_ =	shalt  }
0x7f: {  	_ =	shalt  }
0x80: {  	_ =	shalt  }
0x81: {  	_ =	shalt  }
0x82: {  	_ =	shalt  }
0x83: {  	_ =	shalt  }
0x84: {  	_ =	shalt  }
0x85: {  	_ =	shalt  }
0x86: {  	_ =	shalt  }
0x87: {  	_ =	shalt  }
.Lfunc_end0:
.L_simem_size_0:
called_computation.1_lowered:
.L_overlay_start_0:
0x88: {  	s2 =	sld [smem:$0x3FD9]  }
0x89: {  	s3 =	sld [smem:$0x3FFE];
	_ =	sdelay $0x1  }
0x8a: {  	s1 =	srdreg.scid  }
0x8b: {  	s0 =	sand.u32 $0x1, s1  }
0x8c: {  	s17 =	sshll.u32 s0, $0xA;
	s2 =	sadd.s32 s3, s2  }
0x8d: {  	s2 =	sadd.s32 s2, s17  }
0x8e: {  	[smem:$0x3FC7] =	sst s2  }
0x8f: {  	_ = 	snop  }
0x90: {  	s2 =	sld [smem:$0x3FD0];
	(tm) =	ssettm $0x1  }
0x91: {  	s18 =	sld [smem:$0x3FFB];
	_ =	sdelay $0x3  }
0x92: {  	_ =	strace s18  }
0x93: {  	s3 =	sld [smem:$0x3FFC];
	_ =	sdelay $0x3  }
0x94: {  	_ =	strace s3  }
0x95: {  	s3 =	sld [smem:$0x3FFD];
	_ =	sdelay $0x3  }
0x96: {  	_ =	strace s3  }
0x97: {  	_ =	strace $0x8FFFFFFF  }
0x98: {  	s19 =	sld [smem:$0x3FDB];
	_ =	sdelay $0x1  }
0x99: {  	s4 =	simm.s32 $_scs_section_size  }
0x9a: {  	s5 =	simm.s32 $_size__tile_overlayer_lowered;
	s6 =	simm.s32 $_tile_overlayer_lowered  }
0x9b: {  	s22 =	simm.s32 $0x1BFF;
	s21 =	sshll.u32 s6, $0x1;
	s3 =	sadd.s32 s4, s19  }
0x9c: {  	s7 =	simm.s32 $0x0;
	s20 =	sshll.u32 s5, $0x1;
	s5 =	sadd.s32 s21, s3  }
0x9d: {  	[timem:s7], [sflag:s22] =	dma.local [hbm:s5], s20  }
0x9e: {  	_ =	swait.ge [sflag:s22], s20  }
0x9f: {  	s4 =	ssub.s32 $0x0, s20;
	[sflag:s22] =	ssyncset.done $0x0  }
0xa0: {  	[sflag:s22] =	ssyncadd.s32 s4;
	_ =	sdelay $0x1  }
0xa1: {  	s23 =	simm.s32 $0x1B8B  }
0xa2: {  	_ =	swait.ge [sflag:s23], $0x1  }
0xa3: {  	[sflag:s23] =	ssyncset.done $0x0  }
0xa4: {  	s25 =	simm.s32 $0x1B8E;
	s24 =	sld [smem:$0x3FFE];
	[sflag:s23] =	ssyncadd.s32 $0xFFFFFFFF  }
0xa5: {  	s26 =	simm.s32 $execute0_lowered;
	[smem:$0x3FD2] =	sst s25  }
0xa6: {  	s5 =	sshll.u32 s26, $0x1;
	_ =	strace $0x80000049;
	[dreg:$0x1] =	wrdreg $0xFFFFFFFF  }
0xa7: {  	s28 =	simm.s32 $_size_execute0_lowered;
	s3 =	sadd.s32 s3, s5;
	[dreg:$0x0] =	wrdreg $0x0  }
0xa8: {  	s5 =	sshll.u32 s28, $0x1;
	[dreg:$0x2] =	wrdreg s3  }
0xa9: {  	[dreg:$0x3] =	wrdreg s5  }
0xaa: {  	[dreg:$0x4] =	wrdreg $0xC0  }
0xab: {  	_ =	task [dreg:s7], $0x5FFFF  }
0xac: {  	[dreg:$0x1] =	wrdreg $0xFFFFFFFF  }
0xad: {  	[dreg:$0x0] =	wrdreg $0x60  }
0xae: {  	[dreg:$0x2] =	wrdreg s2  }
0xaf: {  	[dreg:$0x3] =	wrdreg s24  }
0xb0: {  	[dreg:$0x4] =	wrdreg $0x9  }
0xb1: {  	_ =	task.clear_ibuf [dreg:s7], $0x5FFFF;
	_ =	strace $0x90000049  }
0xb2: {  	s29 =	simm.s32 $0x9;
	_ =	strace $0x8000004B  }
0xb3: {  	_ =	swait.ge [sflag:s29], $0x1  }
0xb4: {  	[sflag:s29] =	ssyncadd.s32 $0xFFFFFFFF  }
0xb5: {  	_ =	strace $0x9000004B  }
0xb6: {  	_ =	sfence  }
0xb7: {  	s30 =	sld [smem:$0x0];
	_ =	sdelay $0x2  }
0xb8: {  	s31 =	sshll.u32 s1, $0xD;
	s1 =	sshrl.u32 s1, $0x2  }
0xb9: {  	s3 =	sand.u32 $0x4000, s31;
	s1 =	sadd.s32 s1, s30  }
0xba: {  	s0 =	sor.u32 s3, s0;
	s1 =	sshll.u32 s1, $0x11  }
0xbb: {  	s0 =	sor.u32 s1, s0  }
0xbc: {  	s0 =	sadd.s32 $0x8F2B, s0  }
0xbd: {  	[sflag:s0] =	ssyncadd.remote.s32 $0x1  }
0xbe: {  	_ =	sfence.sel $0xFFFF  }
0xbf: {  	[dreg:$0x0] =	wrdreg $0xFFFFFFFF;
	(pc) =	sbr.abs _section_cstart, $3  }
0xc0: {  	[dreg:$0x1] =	wrdreg $0xFFFFFFFF  }
0xc1: {  	_ =	task.clear_ibuf [dreg:s7], $0x2FFFF;
	_ =	strace $0x9FFFFFFF  }
0xc2: {  	(tm) =	ssettm $0x7FFFFFFF  }
0xc3: {  	_ =	shalt  }
tec
execute0_lowered:
.L_overlay_start_1:
0x0: {  	(tag) =	ssettag $0x1  }
0x1: {  	s0 =	srdreg.scid;
	s1 =	stileid.u32  }
0x2: {  	s0 =	sand.u32 $0x1, s0;
	s1 =	sshll.u32 s1, $0x1  }
0x3: {  	s1 =	sor.u32 s0, s1  }
0x4: {  	s1 =	smul.u32 $0x7D000, s1  }
0x5: {  	s18 =	rddreg [dreg:$0x0]  }
0x6: {  	s2 =	rddreg [dreg:$0x1];
	s24 =	simm.s32 $0x0;
	s16 =	sshrl.u32 s1, $0x3  }
0x7: {  	[smem:$0x7FF] =	sst s24;
	s0 =	ssub.s32 $0x2, s0;
	s3 =	sadd.s32 $0x640, s16  }
0x8: {  	s19 =	sadd.s32 $0x800, s2;
	s25 =	sshrl.u32 s0, $0x1;
	s26 =	sadd.s32 s18, s3  }
0x9: {  	s29 =	sadd.s32 $0xC80, s16;
	s28 =	sadd.s32 s19, s3;
	[dreg:$0x3] =	wrdreg s26  }
0xa: {  	s20 =	ssub.s32 s0, s25;
	s31 =	sadd.s32 s18, s29;
	[dreg:$0x4] =	wrdreg s28  }
0xb: {  	s30 =	sadd.s32 $0x12C0, s16;
	s0 =	sadd.s32 s19, s29;
	[dreg:$0x5] =	wrdreg s31  }
0xc: {  	s2 =	sadd.s32 s18, s30;
	[dreg:$0x6] =	wrdreg s0  }
0xd: {  	s4 =	sadd.s32 $0x1900, s16;
	s3 =	sadd.s32 s19, s30;
	[dreg:$0x7] =	wrdreg s2  }
0xe: {  	s5 =	sadd.s32 $0x1F40, s16;
	s6 =	sadd.s32 s18, s4;
	[dreg:$0x8] =	wrdreg s3  }
0xf: {  	s7 =	sadd.s32 s18, s5;
	[dreg:$0x9] =	wrdreg s6  }
0x10: {  	s9 =	sadd.s32 $0x2580, s16;
	s8 =	sadd.s32 s19, s5;
	[dreg:$0xb] =	wrdreg s7  }
0x11: {  	s10 =	sadd.s32 $0x2BC0, s16;
	s11 =	sadd.s32 s18, s9;
	[dreg:$0xc] =	wrdreg s8  }
0x12: {  	s12 =	sadd.s32 s18, s10;
	[dreg:$0xd] =	wrdreg s11  }
0x13: {  	s14 =	sadd.s32 $0x3200, s16;
	s13 =	sadd.s32 s19, s10;
	[dreg:$0xf] =	wrdreg s12  }
0x14: {  	s15 =	sadd.s32 $0x3840, s16;
	s17 =	sadd.s32 s18, s14;
	[dreg:$0x10] =	wrdreg s13  }
0x15: {  	s21 =	sadd.s32 s18, s15;
	[dreg:$0x11] =	wrdreg s17  }
0x16: {  	s25 =	sadd.s32 $0x44C0, s16;
	s22 =	sadd.s32 s19, s15;
	[dreg:$0x13] =	wrdreg s21  }
0x17: {  	s29 =	sadd.s32 s19, s25;
	[dreg:$0x14] =	wrdreg s22  }
0x18: {  	s23 =	sadd.s32 $0x3E80, s16;
	s0 =	sadd.s32 s19, s4;
	[dreg:$0x18] =	wrdreg s29  }
0x19: {  	s26 =	sadd.s32 s18, s23;
	[dreg:$0xa] =	wrdreg s0  }
0x1a: {  	s30 =	sadd.s32 $0x4B00, s16;
	s28 =	sadd.s32 s18, s25;
	[dreg:$0x15] =	wrdreg s26  }
0x1b: {  	s20 =	smax.u32 s20, $0x1;
	s3 =	sadd.s32 s18, s30;
	[dreg:$0x17] =	wrdreg s28  }
0x1c: {  	s31 =	sadd.s32 $0x5140, s16;
	s0 =	sadd.s32 s19, s9;
	[dreg:$0x19] =	wrdreg s3  }
0x1d: {  	s1 =	sadd.s32 $0x8980, s16;
	s4 =	sadd.s32 s18, s31;
	[dreg:$0xe] =	wrdreg s0  }
0x1e: {  	s6 =	sadd.s32 $0x5780, s16;
	s5 =	sadd.s32 s19, s31;
	[dreg:$0x1b] =	wrdreg s4  }
0x1f: {  	s7 =	sadd.s32 $0x5DC0, s16;
	s8 =	sadd.s32 s18, s6;
	[dreg:$0x1c] =	wrdreg s5  }
0x20: {  	s11 =	sadd.s32 $0x6400, s16;
	s9 =	sadd.s32 s18, s7;
	[dreg:$0x1d] =	wrdreg s8  }
0x21: {  	s12 =	sadd.s32 $0x6A40, s16;
	s10 =	sadd.s32 s19, s7;
	[dreg:$0x1f] =	wrdreg s9  }
0x22: {  	s17 =	sadd.s32 $0x7080, s16;
	s13 =	sadd.s32 s18, s11;
	[smem:$0x7DF] =	sst s10  }
0x23: {  	s21 =	sadd.s32 $0x76C0, s16;
	s15 =	sadd.s32 s19, s12;
	[smem:$0x7E0] =	sst s13  }
0x24: {  	s22 =	sadd.s32 s18, s17;
	s25 =	sadd.s32 s19, s21;
	[smem:$0x7E3] =	sst s15  }
0x25: {  	s26 =	sadd.s32 $0x7D00, s16;
	s28 =	sadd.s32 $0x8340, s16;
	[smem:$0x7E4] =	sst s22  }
0x26: {  	s3 =	sadd.s32 $0x8FC0, s16;
	s0 =	sadd.s32 s19, s14;
	[smem:$0x7E7] =	sst s25  }
0x27: {  	s7 =	sadd.s32 $0x9600, s16;
	s14 =	sadd.s32 s18, s12;
	[dreg:$0x12] =	wrdreg s0  }
0x28: {  	s29 =	sadd.s32 s18, s26;
	s31 =	sadd.s32 s19, s28;
	[smem:$0x7E2] =	sst s14  }
0x29: {  	s4 =	sadd.s32 s18, s1;
	s5 =	sadd.s32 s18, s3;
	[smem:$0x7E8] =	sst s29  }
0x2a: {  	s8 =	sadd.s32 $0x9C40, s16;
	s9 =	sadd.s32 s18, s7;
	[smem:$0x7EB] =	sst s31  }
0x2b: {  	s12 =	sadd.s32 $0xA280, s16;
	s13 =	sadd.s32 $0xA8C0, s16;
	[smem:$0x7EC] =	sst s4  }
0x2c: {  	s22 =	sadd.s32 $0xB540, s16;
	s0 =	sadd.s32 s19, s23;
	[smem:$0x7EE] =	sst s5  }
0x2d: {  	s23 =	sadd.s32 s18, s21;
	[smem:$0x7F0] =	sst s9;
	s10 =	sadd.s32 s18, s8  }
0x2e: {  	s14 =	sadd.s32 s18, s12;
	s15 =	sadd.s32 s18, s13;
	[dreg:$0x16] =	wrdreg s0  }
0x2f: {  	s21 =	sadd.s32 $0xAF00, s16;
	s25 =	sadd.s32 s18, s22;
	[smem:$0x7E6] =	sst s23  }
0x30: {  	s29 =	sadd.s32 $0xC1C0, s16;
	s31 =	sadd.s32 $0xC800, s16;
	[smem:$0x7F2] =	sst s10  }
0x31: {  	s5 =	sadd.s32 $0xCE40, s16;
	s9 =	sadd.s32 $0xDAC0, s16;
	[smem:$0x7F4] =	sst s14  }
0x32: {  	s0 =	sadd.s32 s19, s30;
	s30 =	sadd.s32 s18, s28;
	[smem:$0x7F6] =	sst s15  }
0x33: {  	s23 =	sadd.s32 s18, s21;
	[smem:$0x7FA] =	sst s25;
	s28 =	sadd.s32 $0xBB80, s16  }
0x34: {  	s2 =	sadd.s32 s18, s31;
	s4 =	sadd.s32 s18, s5;
	[dreg:$0x1a] =	wrdreg s0  }
0x35: {  	s5 =	sadd.s32 s19, s5;
	s14 =	sadd.s32 s18, s16;
	[smem:$0x7EA] =	sst s30  }
0x36: {  	s15 =	sadd.s32 s19, s16;
	s0 =	sadd.s32 s19, s6;
	[smem:$0x7F8] =	sst s23  }
0x37: {  	s6 =	sadd.s32 s19, s3;
	s30 =	sadd.s32 s18, s28;
	[dreg:$0x1e] =	wrdreg s0  }
0x38: {  	s3 =	sadd.s32 s19, s31;
	s23 =	simm.s32 $0x0;
	[smem:$0x7EF] =	sst s6  }
0x39: {  	s0 =	sadd.s32 s19, s11;
	s11 =	sadd.s32 s19, s8;
	[smem:$0x7FC] =	sst s30  }
0x3a: {  	s8 =	sadd.s32 s18, s9;
	s9 =	sadd.s32 s19, s9;
	[smem:$0x7E1] =	sst s0  }
0x3b: {  	s0 =	sadd.s32 s19, s17;
	[smem:$0x7F3] =	sst s11;
	s17 =	sadd.s32 s19, s13  }
0x3c: {  	s11 =	sadd.s32 $0xE100, s16;
	s13 =	sadd.s32 $0xE740, s16;
	[smem:$0x7E5] =	sst s0  }
0x3d: {  	s0 =	sadd.s32 s19, s26;
	[smem:$0x7F7] =	sst s17;
	s26 =	sadd.s32 s19, s22  }
0x3e: {  	s10 =	sadd.s32 s18, s11;
	s11 =	sadd.s32 s19, s11;
	[smem:$0x7E9] =	sst s0  }
0x3f: {  	s17 =	sadd.s32 $0xED80, s16;
	s0 =	sadd.s32 s19, s1;
	[smem:$0x7FB] =	sst s26  }
0x40: {  	s22 =	simm.s32 $0x3200;
	[smem:$0x7ED] =	sst s0;
	s0 =	sadd.s32 s19, s7  }
0x41: {  	s1 =	sadd.s32 s19, s29;
	s7 =	sadd.s32 $0xD480, s16;
	[smem:$0x7F1] =	sst s0  }
0x42: {  	s0 =	sadd.s32 s19, s12;
	s6 =	sadd.s32 s18, s7;
	s7 =	sadd.s32 s19, s7  }
0x43: {  	s12 =	sadd.s32 s18, s13;
	s13 =	sadd.s32 s19, s13;
	[smem:$0x7F5] =	sst s0  }
0x44: {  	s0 =	sadd.s32 s19, s21;
	s21 =	sadd.s32 $0xF3C0, s16;
	s16 =	sadd.s32 s18, s17  }
0x45: {  	s17 =	sadd.s32 s19, s17;
	[smem:$0x7F9] =	sst s0;
	s0 =	sadd.s32 s19, s28  }
0x46: {  	s19 =	sadd.s32 s19, s21;
	[smem:$0x7FD] =	sst s0;
	s0 =	sadd.s32 s18, s29  }
0x47: {  	s18 =	sadd.s32 s18, s21;
	s21 =	simm.s32 $0x1;
	_ =	strace $0x8000004A  }
.LBB2_1:
0x48: {  	[tilespmem:s24], [sflag:$0x1] =	stream.linear.gather [hbm4b:s14+s24], $0x3200, $0x38;
	[tilespmem:$0x6400] =	vst v63  }
0x49: {  	_ =	swait.ge [sflag:s21], $0x3200  }
0x4a: {  	[sflag:s21] =	ssyncset.done $0x0  }
0x4b: {  	s24 =	simm.s32 $0x0;
	[sflag:s21] =	ssyncadd.s32 $0xFFFFCE00  }
0x4c: {  	v0 =	vld [tilespmem:s24+$0x0];
	_ =	sdelay $0x1  }
0x4d: {  	s25 =	simm.s32 $0x10  }
0x4e: {  	v1 =	vld [tilespmem:s25+$0x0];
	_ =	sdelay $0x1  }
0x4f: {  	v0 =	vsub.f32 $0.0e+00, v0;
	_ =	sdelay $0x1  }
0x50: {  	v0 =	vmul.f32 $1.442695020e+00, v0  }
0x51: {  	v1 =	vsub.f32 $0.0e+00, v1  }
0x52: {  	s26 =	simm.s32 $0x20;
	(erf) = vpow2.f32 v0  }
0x53: {  	v0 =	vmul.f32 $1.442695020e+00, v1;
	v1 =	vld [tilespmem:s26+$0x0];
	_ =	sdelay $0x1  }
0x54: {  	(erf) = vpow2.f32 v0  }
0x55: {  	s28 =	simm.s32 $0x30  }
0x56: {  	v0 =	vld [tilespmem:s28+$0x0]  }
0x57: {  	v1 =	vsub.f32 $0.0e+00, v1;
	_ =	sdelay $0x1  }
0x58: {  	v1 =	vmul.f32 $1.442695020e+00, v1  }
0x59: {  	v2 =	vpop (erf)  }
0x5a: {  	v0 =	vsub.f32 $0.0e+00, v0;
	v2 =	vadd.f32 $1.000000000e+00, v2  }
0x5b: {  	(erf) = vpow2.f32 v1  }
0x5c: {  	v0 =	vmul.f32 $1.442695020e+00, v0;
	v1 =	vpop (erf);
	(erf) = vrcp.f32 v2  }
0x5d: {  	s29 =	simm.s32 $0x40;
	v1 =	vadd.f32 $1.000000000e+00, v1  }
0x5e: {  	(erf) = vpow2.f32 v0;
	v0 =	vld [tilespmem:s29+$0x0]  }
0x5f: {  	(erf) = vrcp.f32 v1;
	_ =	sdelay $0x2  }
0x60: {  	s30 =	simm.s32 $0x140  }
.LBB2_2:
0x61: {  	s31 =	sshra.s32 s30, $0x2;
	v1 =	vsub.f32 $0.0e+00, v0;
	p0 =	sne.s32 s30, $0xC7C0  }
.Ltmp0:
0x62: {  	s30 =	sadd.s32 $0x40, s30;
	v0 =	vld [tilespmem:s31+$0x0];
	v2 =	vpop (erf);
	(pc) =	sbr.rel @p0 .LBB2_2-.Ltmp0, $4  }
0x63: {  	v1 =	vmul.f32 $1.442695020e+00, v1;
	v3 =	vpop (erf)  }
0x64: {  	v2 =	vadd.f32 $1.000000000e+00, v2;
	[tilespmem:s24+$0x3200] =	vst v3;
	s24 =	smov.u32 s25;
	s25 =	smov.u32 s26;
	s26 =	smov.u32 s28  }
0x65: {  	s28 =	smov.u32 s29;
	s29 =	smov.u32 s31;
	(erf) = vpow2.f32 v1  }
0x66: {  	(erf) = vrcp.f32 v2  }
0x67: {  	v0 =	vsub.f32 $0.0e+00, v0;
	_ =	sdelay $0x1  }
0x68: {  	v0 =	vmul.f32 $1.442695020e+00, v0;
	_ =	sdelay $0x1  }
0x69: {  	(erf) = vpow2.f32 v0;
	_ =	sdelay $0x4  }
0x6a: {  	v0 =	vpop (erf)  }
0x6b: {  	v1 =	vpop (erf)  }
0x6c: {  	v2 =	vpop (erf)  }
0x6d: {  	v0 =	vadd.f32 $1.000000000e+00, v0;
	v3 =	vpop (erf)  }
0x6e: {  	v2 =	vadd.f32 $1.000000000e+00, v2;
	v4 =	vpop (erf)  }
0x6f: {  	(erf) = vrcp.f32 v0;
	v0 =	vadd.f32 $1.000000000e+00, v4  }
0x70: {  	(erf) = vrcp.f32 v2  }
0x71: {  	(erf) = vrcp.f32 v0;
	_ =	sdelay $0x5  }
0x72: {  	[tilespmem:s24+$0x3200] =	vst v1  }
0x73: {  	[tilespmem:s25+$0x3200] =	vst v3;
	v0 =	vpop (erf)  }
0x74: {  	[tilespmem:s26+$0x3200] =	vst v0;
	v0 =	vpop (erf)  }
0x75: {  	[tilespmem:s28+$0x3200] =	vst v0;
	v0 =	vpop (erf)  }
0x76: {  	s26 =	simm.s32 $0x0;
	[tilespmem:s29+$0x3200] =	vst v0  }
0x77: {  	[hbm4b:s15+s26] =	stream.linear.scatter [tilespmem:s22], [sflag:$0x1], $0x3200, $0x38;
	[tilespmem:$0x6400] =	vst v63  }
0x78: {  	_ =	swait.ge [sflag:s21], $0x3200  }
0x79: {  	[sflag:s21] =	ssyncset.done $0x0  }
0x7a: {  	s31 =	rddreg [dreg:$0x3];
	[sflag:s21] =	ssyncadd.s32 $0xFFFFCE00  }
0x7b: {  	[tilespmem:s26], [sflag:$0x1] =	stream.linear.gather [hbm4b:s31+s26], $0x3200, $0x38;
	[tilespmem:$0x6400] =	vst v63  }
0x7c: {  	_ =	swait.ge [sflag:s21], $0x3200  }
0x7d: {  	[sflag:s21] =	ssyncset.done $0x0  }
0x7e: {  	s24 =	simm.s32 $0x0;
	[sflag:s21] =	ssyncadd.s32 $0xFFFFCE00  }
0x7f: {  	v0 =	vld [tilespmem:s24+$0x0];
	_ =	sdelay $0x1  }
0x80: {  	s25 =	simm.s32 $0x10  }
0x81: {  	v1 =	vld [tilespmem:s25+$0x0];
	_ =	sdelay $0x1  }
0x82: {  	v0 =	vsub.f32 $0.0e+00, v0;
	_ =	sdelay $0x1  }
0x83: {  	v0 =	vmul.f32 $1.442695020e+00, v0  }
0x84: {  	v1 =	vsub.f32 $0.0e+00, v1  }
0x85: {  	s26 =	simm.s32 $0x20;
	(erf) = vpow2.f32 v0  }
0x86: {  	v0 =	vmul.f32 $1.442695020e+00, v1;
	v1 =	vld [tilespmem:s26+$0x0];
	_ =	sdelay $0x1  }
0x87: {  	(erf) = vpow2.f32 v0  }
0x88: {  	s28 =	simm.s32 $0x30  }
0x89: {  	v0 =	vld [tilespmem:s28+$0x0]  }
0x8a: {  	v1 =	vsub.f32 $0.0e+00, v1;
	_ =	sdelay $0x1  }
0x8b: {  	v1 =	vmul.f32 $1.442695020e+00, v1  }
0x8c: {  	v2 =	vpop (erf)  }
0x8d: {  	v0 =	vsub.f32 $0.0e+00, v0;
	v2 =	vadd.f32 $1.000000000e+00, v2  }
0x8e: {  	(erf) = vpow2.f32 v1  }
0x8f: {  	v0 =	vmul.f32 $1.442695020e+00, v0;
	v1 =	vpop (erf);
	(erf) = vrcp.f32 v2  }
0x90: {  	s29 =	simm.s32 $0x40;
	v1 =	vadd.f32 $1.000000000e+00, v1  }
0x91: {  	(erf) = vpow2.f32 v0;
	v0 =	vld [tilespmem:s29+$0x0]  }
0x92: {  	(erf) = vrcp.f32 v1;
	_ =	sdelay $0x2  }
0x93: {  	s30 =	simm.s32 $0x140  }
.LBB2_4:
0x94: {  	s31 =	sshra.s32 s30, $0x2;
	v1 =	vsub.f32 $0.0e+00, v0;
	p0 =	sne.s32 s30, $0xC7C0  }
.Ltmp1:
0x95: {  	s30 =	sadd.s32 $0x40, s30;
	v0 =	vld [tilespmem:s31+$0x0];
	v2 =	vpop (erf);
	(pc) =	sbr.rel @p0 .LBB2_4-.Ltmp1, $4  }
0x96: {  	v1 =	vmul.f32 $1.442695020e+00, v1;
	v3 =	vpop (erf)  }
0x97: {  	v2 =	vadd.f32 $1.000000000e+00, v2;
	[tilespmem:s24+$0x3200] =	vst v3;
	s24 =	smov.u32 s25;
	s25 =	smov.u32 s26;
	s26 =	smov.u32 s28  }
0x98: {  	s28 =	smov.u32 s29;
	s29 =	smov.u32 s31;
	(erf) = vpow2.f32 v1  }
0x99: {  	(erf) = vrcp.f32 v2  }
0x9a: {  	v0 =	vsub.f32 $0.0e+00, v0;
	_ =	sdelay $0x1  }
0x9b: {  	v0 =	vmul.f32 $1.442695020e+00, v0;
	_ =	sdelay $0x1  }
0x9c: {  	(erf) = vpow2.f32 v0;
	_ =	sdelay $0x4  }
0x9d: {  	v0 =	vpop (erf)  }
0x9e: {  	v1 =	vpop (erf)  }
0x9f: {  	v2 =	vpop (erf)  }
0xa0: {  	v0 =	vadd.f32 $1.000000000e+00, v0;
	v3 =	vpop (erf)  }
0xa1: {  	v2 =	vadd.f32 $1.000000000e+00, v2;
	v4 =	vpop (erf)  }
0xa2: {  	(erf) = vrcp.f32 v0;
	v0 =	vadd.f32 $1.000000000e+00, v4  }
0xa3: {  	(erf) = vrcp.f32 v2  }
0xa4: {  	(erf) = vrcp.f32 v0;
	_ =	sdelay $0x5  }
0xa5: {  	[tilespmem:s24+$0x3200] =	vst v1  }
0xa6: {  	[tilespmem:s25+$0x3200] =	vst v3;
	v0 =	vpop (erf)  }
0xa7: {  	[tilespmem:s26+$0x3200] =	vst v0;
	v0 =	vpop (erf)  }
0xa8: {  	[tilespmem:s28+$0x3200] =	vst v0;
	v0 =	vpop (erf)  }
0xa9: {  	s24 =	simm.s32 $0x0;
	s26 =	rddreg [dreg:$0x4];
	[tilespmem:s29+$0x3200] =	vst v0  }
0xaa: {  	[hbm4b:s26+s24] =	stream.linear.scatter [tilespmem:s22], [sflag:$0x1], $0x3200, $0x38;
	[tilespmem:$0x6400] =	vst v63  }
0xab: {  	_ =	swait.ge [sflag:s21], $0x3200  }
0xac: {  	[sflag:s21] =	ssyncset.done $0x0  }
0xad: {  	s31 =	rddreg [dreg:$0x5];
	[sflag:s21] =	ssyncadd.s32 $0xFFFFCE00  }
0xae: {  	[tilespmem:s24], [sflag:$0x1] =	stream.linear.gather [hbm4b:s31+s24], $0x3200, $0x38;
	[tilespmem:$0x6400] =	vst v63  }
0xaf: {  	_ =	swait.ge [sflag:s21], $0x3200  }
0xb0: {  	[sflag:s21] =	ssyncset.done $0x0  }
0xb1: {  	s24 =	simm.s32 $0x0;
	[sflag:s21] =	ssyncadd.s32 $0xFFFFCE00  }
0xb2: {  	v0 =	vld [tilespmem:s24+$0x0];
	_ =	sdelay $0x1  }
0xb3: {  	s25 =	simm.s32 $0x10  }
0xb4: {  	v1 =	vld [tilespmem:s25+$0x0];
	_ =	sdelay $0x1  }
0xb5: {  	v0 =	vsub.f32 $0.0e+00, v0;
	_ =	sdelay $0x1  }
0xb6: {  	v0 =	vmul.f32 $1.442695020e+00, v0  }
0xb7: {  	v1 =	vsub.f32 $0.0e+00, v1  }
0xb8: {  	s26 =	simm.s32 $0x20;
	(erf) = vpow2.f32 v0  }
0xb9: {  	v0 =	vmul.f32 $1.442695020e+00, v1;
	v1 =	vld [tilespmem:s26+$0x0];
	_ =	sdelay $0x1  }
0xba: {  	(erf) = vpow2.f32 v0  }
0xbb: {  	s28 =	simm.s32 $0x30  }
0xbc: {  	v0 =	vld [tilespmem:s28+$0x0]  }
0xbd: {  	v1 =	vsub.f32 $0.0e+00, v1;
	_ =	sdelay $0x1  }
0xbe: {  	v1 =	vmul.f32 $1.442695020e+00, v1  }
0xbf: {  	v2 =	vpop (erf)  }
0xc0: {  	v0 =	vsub.f32 $0.0e+00, v0;
	v2 =	vadd.f32 $1.000000000e+00, v2  }
0xc1: {  	(erf) = vpow2.f32 v1  }
0xc2: {  	v0 =	vmul.f32 $1.442695020e+00, v0;
	v1 =	vpop (erf);
	(erf) = vrcp.f32 v2  }
0xc3: {  	s29 =	simm.s32 $0x40;
	v1 =	vadd.f32 $1.000000000e+00, v1  }
0xc4: {  	(erf) = vpow2.f32 v0;
	v0 =	vld [tilespmem:s29+$0x0]  }
0xc5: {  	(erf) = vrcp.f32 v1;
	_ =	sdelay $0x2  }
0xc6: {  	s30 =	simm.s32 $0x140  }
.LBB2_6:
0xc7: {  	s31 =	sshra.s32 s30, $0x2;
	v1 =	vsub.f32 $0.0e+00, v0;
	p0 =	sne.s32 s30, $0xC7C0  }
.Ltmp2:
0xc8: {  	s30 =	sadd.s32 $0x40, s30;
	v0 =	vld [tilespmem:s31+$0x0];
	v2 =	vpop (erf);
	(pc) =	sbr.rel @p0 .LBB2_6-.Ltmp2, $4  }
0xc9: {  	v1 =	vmul.f32 $1.442695020e+00, v1;
	v3 =	vpop (erf)  }
0xca: {  	v2 =	vadd.f32 $1.000000000e+00, v2;
	[tilespmem:s24+$0x3200] =	vst v3;
	s24 =	smov.u32 s25;
	s25 =	smov.u32 s26;
	s26 =	smov.u32 s28  }
0xcb: {  	s28 =	smov.u32 s29;
	s29 =	smov.u32 s31;
	(erf) = vpow2.f32 v1  }
0xcc: {  	(erf) = vrcp.f32 v2  }
0xcd: {  	v0 =	vsub.f32 $0.0e+00, v0;
	_ =	sdelay $0x1  }
0xce: {  	v0 =	vmul.f32 $1.442695020e+00, v0;
	_ =	sdelay $0x1  }
0xcf: {  	(erf) = vpow2.f32 v0;
	_ =	sdelay $0x4  }
0xd0: {  	v0 =	vpop (erf)  }
0xd1: {  	v1 =	vpop (erf)  }
0xd2: {  	v2 =	vpop (erf)  }
0xd3: {  	v0 =	vadd.f32 $1.000000000e+00, v0;
	v3 =	vpop (erf)  }
0xd4: {  	v2 =	vadd.f32 $1.000000000e+00, v2;
	v4 =	vpop (erf)  }
0xd5: {  	(erf) = vrcp.f32 v0;
	v0 =	vadd.f32 $1.000000000e+00, v4  }
0xd6: {  	(erf) = vrcp.f32 v2  }
0xd7: {  	(erf) = vrcp.f32 v0;
	_ =	sdelay $0x5  }
0xd8: {  	[tilespmem:s24+$0x3200] =	vst v1  }
0xd9: {  	[tilespmem:s25+$0x3200] =	vst v3;
	v0 =	vpop (erf)  }
0xda: {  	[tilespmem:s26+$0x3200] =	vst v0;
	v0 =	vpop (erf)  }
0xdb: {  	[tilespmem:s28+$0x3200] =	vst v0;
	v0 =	vpop (erf)  }
0xdc: {  	s24 =	simm.s32 $0x0;
	s26 =	rddreg [dreg:$0x6];
	[tilespmem:s29+$0x3200] =	vst v0  }
0xdd: {  	[hbm4b:s26+s24] =	stream.linear.scatter [tilespmem:s22], [sflag:$0x1], $0x3200, $0x38;
	[tilespmem:$0x6400] =	vst v63  }
0xde: {  	_ =	swait.ge [sflag:s21], $0x3200  }
0xdf: {  	[sflag:s21] =	ssyncset.done $0x0  }
0xe0: {  	s31 =	rddreg [dreg:$0x7];
	[sflag:s21] =	ssyncadd.s32 $0xFFFFCE00  }
0xe1: {  	[tilespmem:s24], [sflag:$0x1] =	stream.linear.gather [hbm4b:s31+s24], $0x3200, $0x38;
	[tilespmem:$0x6400] =	vst v63  }
0xe2: {  	_ =	swait.ge [sflag:s21], $0x3200  }
0xe3: {  	[sflag:s21] =	ssyncset.done $0x0  }
0xe4: {  	s24 =	simm.s32 $0x0;
	[sflag:s21] =	ssyncadd.s32 $0xFFFFCE00  }
0xe5: {  	v0 =	vld [tilespmem:s24+$0x0];
	_ =	sdelay $0x1  }
0xe6: {  	s25 =	simm.s32 $0x10  }
0xe7: {  	v1 =	vld [tilespmem:s25+$0x0];
	_ =	sdelay $0x1  }
0xe8: {  	v0 =	vsub.f32 $0.0e+00, v0;
	_ =	sdelay $0x1  }
0xe9: {  	v0 =	vmul.f32 $1.442695020e+00, v0  }
0xea: {  	v1 =	vsub.f32 $0.0e+00, v1  }
0xeb: {  	s26 =	simm.s32 $0x20;
	(erf) = vpow2.f32 v0  }
0xec: {  	v0 =	vmul.f32 $1.442695020e+00, v1;
	v1 =	vld [tilespmem:s26+$0x0];
	_ =	sdelay $0x1  }
0xed: {  	(erf) = vpow2.f32 v0  }
0xee: {  	s28 =	simm.s32 $0x30  }
0xef: {  	v0 =	vld [tilespmem:s28+$0x0]  }
0xf0: {  	v1 =	vsub.f32 $0.0e+00, v1;
	_ =	sdelay $0x1  }
0xf1: {  	v1 =	vmul.f32 $1.442695020e+00, v1  }
0xf2: {  	v2 =	vpop (erf)  }
0xf3: {  	v0 =	vsub.f32 $0.0e+00, v0;
	v2 =	vadd.f32 $1.000000000e+00, v2  }
0xf4: {  	(erf) = vpow2.f32 v1  }
0xf5: {  	v0 =	vmul.f32 $1.442695020e+00, v0;
	v1 =	vpop (erf);
	(erf) = vrcp.f32 v2  }
0xf6: {  	s29 =	simm.s32 $0x40;
	v1 =	vadd.f32 $1.000000000e+00, v1  }
0xf7: {  	(erf) = vpow2.f32 v0;
	v0 =	vld [tilespmem:s29+$0x0]  }
0xf8: {  	(erf) = vrcp.f32 v1;
	_ =	sdelay $0x2  }
0xf9: {  	s30 =	simm.s32 $0x140  }
.LBB2_8:
0xfa: {  	s31 =	sshra.s32 s30, $0x2;
	v1 =	vsub.f32 $0.0e+00, v0;
	p0 =	sne.s32 s30, $0xC7C0  }
.Ltmp3:
0xfb: {  	s30 =	sadd.s32 $0x40, s30;
	v0 =	vld [tilespmem:s31+$0x0];
	v2 =	vpop (erf);
	(pc) =	sbr.rel @p0 .LBB2_8-.Ltmp3, $4  }
0xfc: {  	v1 =	vmul.f32 $1.442695020e+00, v1;
	v3 =	vpop (erf)  }
0xfd: {  	v2 =	vadd.f32 $1.000000000e+00, v2;
	[tilespmem:s24+$0x3200] =	vst v3;
	s24 =	smov.u32 s25;
	s25 =	smov.u32 s26;
	s26 =	smov.u32 s28  }
0xfe: {  	s28 =	smov.u32 s29;
	s29 =	smov.u32 s31;
	(erf) = vpow2.f32 v1  }
0xff: {  	(erf) = vrcp.f32 v2  }
0x100: {  	v0 =	vsub.f32 $0.0e+00, v0;
	_ =	sdelay $0x1  }
0x101: {  	v0 =	vmul.f32 $1.442695020e+00, v0;
	_ =	sdelay $0x1  }
0x102: {  	(erf) = vpow2.f32 v0;
	_ =	sdelay $0x4  }
0x103: {  	v0 =	vpop (erf)  }
0x104: {  	v1 =	vpop (erf)  }
0x105: {  	v2 =	vpop (erf)  }
0x106: {  	v0 =	vadd.f32 $1.000000000e+00, v0;
	v3 =	vpop (erf)  }
0x107: {  	v2 =	vadd.f32 $1.000000000e+00, v2;
	v4 =	vpop (erf)  }
0x108: {  	(erf) = vrcp.f32 v0;
	v0 =	vadd.f32 $1.000000000e+00, v4  }
0x109: {  	(erf) = vrcp.f32 v2  }
0x10a: {  	(erf) = vrcp.f32 v0;
	_ =	sdelay $0x5  }
0x10b: {  	[tilespmem:s24+$0x3200] =	vst v1  }
0x10c: {  	[tilespmem:s25+$0x3200] =	vst v3;
	v0 =	vpop (erf)  }
0x10d: {  	[tilespmem:s26+$0x3200] =	vst v0;
	v0 =	vpop (erf)  }
0x10e: {  	[tilespmem:s28+$0x3200] =	vst v0;
	v0 =	vpop (erf)  }
0x10f: {  	s24 =	simm.s32 $0x0;
	s26 =	rddreg [dreg:$0x8];
	[tilespmem:s29+$0x3200] =	vst v0  }
0x110: {  	[hbm4b:s26+s24] =	stream.linear.scatter [tilespmem:s22], [sflag:$0x1], $0x3200, $0x38;
	[tilespmem:$0x6400] =	vst v63  }
0x111: {  	_ =	swait.ge [sflag:s21], $0x3200  }
0x112: {  	[sflag:s21] =	ssyncset.done $0x0  }
0x113: {  	s31 =	rddreg [dreg:$0x9];
	[sflag:s21] =	ssyncadd.s32 $0xFFFFCE00  }
0x114: {  	[tilespmem:s24], [sflag:$0x1] =	stream.linear.gather [hbm4b:s31+s24], $0x3200, $0x38;
	[tilespmem:$0x6400] =	vst v63  }
0x115: {  	_ =	swait.ge [sflag:s21], $0x3200  }
0x116: {  	[sflag:s21] =	ssyncset.done $0x0  }
0x117: {  	s24 =	simm.s32 $0x0;
	[sflag:s21] =	ssyncadd.s32 $0xFFFFCE00  }
0x118: {  	v0 =	vld [tilespmem:s24+$0x0];
	_ =	sdelay $0x1  }
0x119: {  	s25 =	simm.s32 $0x10  }
0x11a: {  	v1 =	vld [tilespmem:s25+$0x0];
	_ =	sdelay $0x1  }
0x11b: {  	v0 =	vsub.f32 $0.0e+00, v0;
	_ =	sdelay $0x1  }
0x11c: {  	v0 =	vmul.f32 $1.442695020e+00, v0  }
0x11d: {  	v1 =	vsub.f32 $0.0e+00, v1  }
0x11e: {  	s26 =	simm.s32 $0x20;
	(erf) = vpow2.f32 v0  }
0x11f: {  	v0 =	vmul.f32 $1.442695020e+00, v1;
	v1 =	vld [tilespmem:s26+$0x0];
	_ =	sdelay $0x1  }
0x120: {  	(erf) = vpow2.f32 v0  }
0x121: {  	s28 =	simm.s32 $0x30  }
0x122: {  	v0 =	vld [tilespmem:s28+$0x0]  }
0x123: {  	v1 =	vsub.f32 $0.0e+00, v1;
	_ =	sdelay $0x1  }
0x124: {  	v1 =	vmul.f32 $1.442695020e+00, v1  }
0x125: {  	v2 =	vpop (erf)  }
0x126: {  	v0 =	vsub.f32 $0.0e+00, v0;
	v2 =	vadd.f32 $1.000000000e+00, v2  }
0x127: {  	(erf) = vpow2.f32 v1  }
0x128: {  	v0 =	vmul.f32 $1.442695020e+00, v0;
	v1 =	vpop (erf);
	(erf) = vrcp.f32 v2  }
0x129: {  	s29 =	simm.s32 $0x40;
	v1 =	vadd.f32 $1.000000000e+00, v1  }
0x12a: {  	(erf) = vpow2.f32 v0;
	v0 =	vld [tilespmem:s29+$0x0]  }
0x12b: {  	(erf) = vrcp.f32 v1;
	_ =	sdelay $0x2  }
0x12c: {  	s30 =	simm.s32 $0x140  }
.LBB2_10:
0x12d: {  	s31 =	sshra.s32 s30, $0x2;
	v1 =	vsub.f32 $0.0e+00, v0;
	p0 =	sne.s32 s30, $0xC7C0  }
.Ltmp4:
0x12e: {  	s30 =	sadd.s32 $0x40, s30;
	v0 =	vld [tilespmem:s31+$0x0];
	v2 =	vpop (erf);
	(pc) =	sbr.rel @p0 .LBB2_10-.Ltmp4, $4  }
0x12f: {  	v1 =	vmul.f32 $1.442695020e+00, v1;
	v3 =	vpop (erf)  }
0x130: {  	v2 =	vadd.f32 $1.000000000e+00, v2;
	[tilespmem:s24+$0x3200] =	vst v3;
	s24 =	smov.u32 s25;
	s25 =	smov.u32 s26;
	s26 =	smov.u32 s28  }
0x131: {  	s28 =	smov.u32 s29;
	s29 =	smov.u32 s31;
	(erf) = vpow2.f32 v1  }
0x132: {  	(erf) = vrcp.f32 v2  }
0x133: {  	v0 =	vsub.f32 $0.0e+00, v0;
	_ =	sdelay $0x1  }
0x134: {  	v0 =	vmul.f32 $1.442695020e+00, v0;
	_ =	sdelay $0x1  }
0x135: {  	(erf) = vpow2.f32 v0;
	_ =	sdelay $0x4  }
0x136: {  	v0 =	vpop (erf)  }
0x137: {  	v1 =	vpop (erf)  }
0x138: {  	v2 =	vpop (erf)  }
0x139: {  	v0 =	vadd.f32 $1.000000000e+00, v0;
	v3 =	vpop (erf)  }
0x13a: {  	v2 =	vadd.f32 $1.000000000e+00, v2;
	v4 =	vpop (erf)  }
0x13b: {  	(erf) = vrcp.f32 v0;
	v0 =	vadd.f32 $1.000000000e+00, v4  }
0x13c: {  	(erf) = vrcp.f32 v2  }
0x13d: {  	(erf) = vrcp.f32 v0;
	_ =	sdelay $0x5  }
0x13e: {  	[tilespmem:s24+$0x3200] =	vst v1  }
0x13f: {  	[tilespmem:s25+$0x3200] =	vst v3;
	v0 =	vpop (erf)  }
0x140: {  	[tilespmem:s26+$0x3200] =	vst v0;
	v0 =	vpop (erf)  }
0x141: {  	[tilespmem:s28+$0x3200] =	vst v0;
	v0 =	vpop (erf)  }
0x142: {  	s24 =	simm.s32 $0x0;
	s26 =	rddreg [dreg:$0xa];
	[tilespmem:s29+$0x3200] =	vst v0  }
0x143: {  	[hbm4b:s26+s24] =	stream.linear.scatter [tilespmem:s22], [sflag:$0x1], $0x3200, $0x38;
	[tilespmem:$0x6400] =	vst v63  }
0x144: {  	_ =	swait.ge [sflag:s21], $0x3200  }
0x145: {  	[sflag:s21] =	ssyncset.done $0x0  }
0x146: {  	s31 =	rddreg [dreg:$0xb];
	[sflag:s21] =	ssyncadd.s32 $0xFFFFCE00  }
0x147: {  	[tilespmem:s24], [sflag:$0x1] =	stream.linear.gather [hbm4b:s31+s24], $0x3200, $0x38;
	[tilespmem:$0x6400] =	vst v63  }
0x148: {  	_ =	swait.ge [sflag:s21], $0x3200  }
0x149: {  	[sflag:s21] =	ssyncset.done $0x0  }
0x14a: {  	s24 =	simm.s32 $0x0;
	[sflag:s21] =	ssyncadd.s32 $0xFFFFCE00  }
0x14b: {  	v0 =	vld [tilespmem:s24+$0x0];
	_ =	sdelay $0x1  }
0x14c: {  	s25 =	simm.s32 $0x10  }
0x14d: {  	v1 =	vld [tilespmem:s25+$0x0];
	_ =	sdelay $0x1  }
0x14e: {  	v0 =	vsub.f32 $0.0e+00, v0;
	_ =	sdelay $0x1  }
0x14f: {  	v0 =	vmul.f32 $1.442695020e+00, v0  }
0x150: {  	v1 =	vsub.f32 $0.0e+00, v1  }
0x151: {  	s26 =	simm.s32 $0x20;
	(erf) = vpow2.f32 v0  }
0x152: {  	v0 =	vmul.f32 $1.442695020e+00, v1;
	v1 =	vld [tilespmem:s26+$0x0];
	_ =	sdelay $0x1  }
0x153: {  	(erf) = vpow2.f32 v0  }
0x154: {  	s28 =	simm.s32 $0x30  }
0x155: {  	v0 =	vld [tilespmem:s28+$0x0]  }
0x156: {  	v1 =	vsub.f32 $0.0e+00, v1;
	_ =	sdelay $0x1  }
0x157: {  	v1 =	vmul.f32 $1.442695020e+00, v1  }
0x158: {  	v2 =	vpop (erf)  }
0x159: {  	v0 =	vsub.f32 $0.0e+00, v0;
	v2 =	vadd.f32 $1.000000000e+00, v2  }
0x15a: {  	(erf) = vpow2.f32 v1  }
0x15b: {  	v0 =	vmul.f32 $1.442695020e+00, v0;
	v1 =	vpop (erf);
	(erf) = vrcp.f32 v2  }
0x15c: {  	s29 =	simm.s32 $0x40;
	v1 =	vadd.f32 $1.000000000e+00, v1  }
0x15d: {  	(erf) = vpow2.f32 v0;
	v0 =	vld [tilespmem:s29+$0x0]  }
0x15e: {  	(erf) = vrcp.f32 v1;
	_ =	sdelay $0x2  }
0x15f: {  	s30 =	simm.s32 $0x140  }
.LBB2_12:
0x160: {  	s31 =	sshra.s32 s30, $0x2;
	v1 =	vsub.f32 $0.0e+00, v0;
	p0 =	sne.s32 s30, $0xC7C0  }
.Ltmp5:
0x161: {  	s30 =	sadd.s32 $0x40, s30;
	v0 =	vld [tilespmem:s31+$0x0];
	v2 =	vpop (erf);
	(pc) =	sbr.rel @p0 .LBB2_12-.Ltmp5, $4  }
0x162: {  	v1 =	vmul.f32 $1.442695020e+00, v1;
	v3 =	vpop (erf)  }
0x163: {  	v2 =	vadd.f32 $1.000000000e+00, v2;
	[tilespmem:s24+$0x3200] =	vst v3;
	s24 =	smov.u32 s25;
	s25 =	smov.u32 s26;
	s26 =	smov.u32 s28  }
0x164: {  	s28 =	smov.u32 s29;
	s29 =	smov.u32 s31;
	(erf) = vpow2.f32 v1  }
0x165: {  	(erf) = vrcp.f32 v2  }
0x166: {  	v0 =	vsub.f32 $0.0e+00, v0;
	_ =	sdelay $0x1  }
0x167: {  	v0 =	vmul.f32 $1.442695020e+00, v0;
	_ =	sdelay $0x1  }
0x168: {  	(erf) = vpow2.f32 v0;
	_ =	sdelay $0x4  }
0x169: {  	v0 =	vpop (erf)  }
0x16a: {  	v1 =	vpop (erf)  }
0x16b: {  	v2 =	vpop (erf)  }
0x16c: {  	v0 =	vadd.f32 $1.000000000e+00, v0;
	v3 =	vpop (erf)  }
0x16d: {  	v2 =	vadd.f32 $1.000000000e+00, v2;
	v4 =	vpop (erf)  }
0x16e: {  	(erf) = vrcp.f32 v0;
	v0 =	vadd.f32 $1.000000000e+00, v4  }
0x16f: {  	(erf) = vrcp.f32 v2  }
0x170: {  	(erf) = vrcp.f32 v0;
	_ =	sdelay $0x5  }
0x171: {  	[tilespmem:s24+$0x3200] =	vst v1  }
0x172: {  	[tilespmem:s25+$0x3200] =	vst v3;
	v0 =	vpop (erf)  }
0x173: {  	[tilespmem:s26+$0x3200] =	vst v0;
	v0 =	vpop (erf)  }
0x174: {  	[tilespmem:s28+$0x3200] =	vst v0;
	v0 =	vpop (erf)  }
0x175: {  	s24 =	simm.s32 $0x0;
	s26 =	rddreg [dreg:$0xc];
	[tilespmem:s29+$0x3200] =	vst v0  }
0x176: {  	[hbm4b:s26+s24] =	stream.linear.scatter [tilespmem:s22], [sflag:$0x1], $0x3200, $0x38;
	[tilespmem:$0x6400] =	vst v63  }
0x177: {  	_ =	swait.ge [sflag:s21], $0x3200  }
0x178: {  	[sflag:s21] =	ssyncset.done $0x0  }
0x179: {  	s31 =	rddreg [dreg:$0xd];
	[sflag:s21] =	ssyncadd.s32 $0xFFFFCE00  }
0x17a: {  	[tilespmem:s24], [sflag:$0x1] =	stream.linear.gather [hbm4b:s31+s24], $0x3200, $0x38;
	[tilespmem:$0x6400] =	vst v63  }
0x17b: {  	_ =	swait.ge [sflag:s21], $0x3200  }
0x17c: {  	[sflag:s21] =	ssyncset.done $0x0  }
0x17d: {  	s24 =	simm.s32 $0x0;
	[sflag:s21] =	ssyncadd.s32 $0xFFFFCE00  }
0x17e: {  	v0 =	vld [tilespmem:s24+$0x0];
	_ =	sdelay $0x1  }
0x17f: {  	s25 =	simm.s32 $0x10  }
0x180: {  	v1 =	vld [tilespmem:s25+$0x0];
	_ =	sdelay $0x1  }
0x181: {  	v0 =	vsub.f32 $0.0e+00, v0;
	_ =	sdelay $0x1  }
0x182: {  	v0 =	vmul.f32 $1.442695020e+00, v0  }
0x183: {  	v1 =	vsub.f32 $0.0e+00, v1  }
0x184: {  	s26 =	simm.s32 $0x20;
	(erf) = vpow2.f32 v0  }
0x185: {  	v0 =	vmul.f32 $1.442695020e+00, v1;
	v1 =	vld [tilespmem:s26+$0x0];
	_ =	sdelay $0x1  }
0x186: {  	(erf) = vpow2.f32 v0  }
0x187: {  	s28 =	simm.s32 $0x30  }
0x188: {  	v0 =	vld [tilespmem:s28+$0x0]  }
0x189: {  	v1 =	vsub.f32 $0.0e+00, v1;
	_ =	sdelay $0x1  }
0x18a: {  	v1 =	vmul.f32 $1.442695020e+00, v1  }
0x18b: {  	v2 =	vpop (erf)  }
0x18c: {  	v0 =	vsub.f32 $0.0e+00, v0;
	v2 =	vadd.f32 $1.000000000e+00, v2  }
0x18d: {  	(erf) = vpow2.f32 v1  }
0x18e: {  	v0 =	vmul.f32 $1.442695020e+00, v0;
	v1 =	vpop (erf);
	(erf) = vrcp.f32 v2  }
0x18f: {  	s29 =	simm.s32 $0x40;
	v1 =	vadd.f32 $1.000000000e+00, v1  }
0x190: {  	(erf) = vpow2.f32 v0;
	v0 =	vld [tilespmem:s29+$0x0]  }
0x191: {  	(erf) = vrcp.f32 v1;
	_ =	sdelay $0x2  }
0x192: {  	s30 =	simm.s32 $0x140  }
.LBB2_14:
0x193: {  	s31 =	sshra.s32 s30, $0x2;
	v1 =	vsub.f32 $0.0e+00, v0;
	p0 =	sne.s32 s30, $0xC7C0  }
.Ltmp6:
0x194: {  	s30 =	sadd.s32 $0x40, s30;
	v0 =	vld [tilespmem:s31+$0x0];
	v2 =	vpop (erf);
	(pc) =	sbr.rel @p0 .LBB2_14-.Ltmp6, $4  }
0x195: {  	v1 =	vmul.f32 $1.442695020e+00, v1;
	v3 =	vpop (erf)  }
0x196: {  	v2 =	vadd.f32 $1.000000000e+00, v2;
	[tilespmem:s24+$0x3200] =	vst v3;
	s24 =	smov.u32 s25;
	s25 =	smov.u32 s26;
	s26 =	smov.u32 s28  }
0x197: {  	s28 =	smov.u32 s29;
	s29 =	smov.u32 s31;
	(erf) = vpow2.f32 v1  }
0x198: {  	(erf) = vrcp.f32 v2  }
0x199: {  	v0 =	vsub.f32 $0.0e+00, v0;
	_ =	sdelay $0x1  }
0x19a: {  	v0 =	vmul.f32 $1.442695020e+00, v0;
	_ =	sdelay $0x1  }
0x19b: {  	(erf) = vpow2.f32 v0;
	_ =	sdelay $0x4  }
0x19c: {  	v0 =	vpop (erf)  }
0x19d: {  	v1 =	vpop (erf)  }
0x19e: {  	v2 =	vpop (erf)  }
0x19f: {  	v0 =	vadd.f32 $1.000000000e+00, v0;
	v3 =	vpop (erf)  }
0x1a0: {  	v2 =	vadd.f32 $1.000000000e+00, v2;
	v4 =	vpop (erf)  }
0x1a1: {  	(erf) = vrcp.f32 v0;
	v0 =	vadd.f32 $1.000000000e+00, v4  }
0x1a2: {  	(erf) = vrcp.f32 v2  }
0x1a3: {  	(erf) = vrcp.f32 v0;
	_ =	sdelay $0x5  }
0x1a4: {  	[tilespmem:s24+$0x3200] =	vst v1  }
0x1a5: {  	[tilespmem:s25+$0x3200] =	vst v3;
	v0 =	vpop (erf)  }
0x1a6: {  	[tilespmem:s26+$0x3200] =	vst v0;
	v0 =	vpop (erf)  }
0x1a7: {  	[tilespmem:s28+$0x3200] =	vst v0;
	v0 =	vpop (erf)  }
0x1a8: {  	s24 =	simm.s32 $0x0;
	s26 =	rddreg [dreg:$0xe];
	[tilespmem:s29+$0x3200] =	vst v0  }
0x1a9: {  	[hbm4b:s26+s24] =	stream.linear.scatter [tilespmem:s22], [sflag:$0x1], $0x3200, $0x38;
	[tilespmem:$0x6400] =	vst v63  }
0x1aa: {  	_ =	swait.ge [sflag:s21], $0x3200  }
0x1ab: {  	[sflag:s21] =	ssyncset.done $0x0  }
0x1ac: {  	s31 =	rddreg [dreg:$0xf];
	[sflag:s21] =	ssyncadd.s32 $0xFFFFCE00  }
0x1ad: {  	[tilespmem:s24], [sflag:$0x1] =	stream.linear.gather [hbm4b:s31+s24], $0x3200, $0x38;
	[tilespmem:$0x6400] =	vst v63  }
0x1ae: {  	_ =	swait.ge [sflag:s21], $0x3200  }
0x1af: {  	[sflag:s21] =	ssyncset.done $0x0  }
0x1b0: {  	s24 =	simm.s32 $0x0;
	[sflag:s21] =	ssyncadd.s32 $0xFFFFCE00  }
0x1b1: {  	v0 =	vld [tilespmem:s24+$0x0];
	_ =	sdelay $0x1  }
0x1b2: {  	s25 =	simm.s32 $0x10  }
0x1b3: {  	v1 =	vld [tilespmem:s25+$0x0];
	_ =	sdelay $0x1  }
0x1b4: {  	v0 =	vsub.f32 $0.0e+00, v0;
	_ =	sdelay $0x1  }
0x1b5: {  	v0 =	vmul.f32 $1.442695020e+00, v0  }
0x1b6: {  	v1 =	vsub.f32 $0.0e+00, v1  }
0x1b7: {  	s26 =	simm.s32 $0x20;
	(erf) = vpow2.f32 v0  }
0x1b8: {  	v0 =	vmul.f32 $1.442695020e+00, v1;
	v1 =	vld [tilespmem:s26+$0x0];
	_ =	sdelay $0x1  }
0x1b9: {  	(erf) = vpow2.f32 v0  }
0x1ba: {  	s28 =	simm.s32 $0x30  }
0x1bb: {  	v0 =	vld [tilespmem:s28+$0x0]  }
0x1bc: {  	v1 =	vsub.f32 $0.0e+00, v1;
	_ =	sdelay $0x1  }
0x1bd: {  	v1 =	vmul.f32 $1.442695020e+00, v1  }
0x1be: {  	v2 =	vpop (erf)  }
0x1bf: {  	v0 =	vsub.f32 $0.0e+00, v0;
	v2 =	vadd.f32 $1.000000000e+00, v2  }
0x1c0: {  	(erf) = vpow2.f32 v1  }
0x1c1: {  	v0 =	vmul.f32 $1.442695020e+00, v0;
	v1 =	vpop (erf);
	(erf) = vrcp.f32 v2  }
0x1c2: {  	s29 =	simm.s32 $0x40;
	v1 =	vadd.f32 $1.000000000e+00, v1  }
0x1c3: {  	(erf) = vpow2.f32 v0;
	v0 =	vld [tilespmem:s29+$0x0]  }
0x1c4: {  	(erf) = vrcp.f32 v1;
	_ =	sdelay $0x2  }
0x1c5: {  	s30 =	simm.s32 $0x140  }
.LBB2_16:
0x1c6: {  	s31 =	sshra.s32 s30, $0x2;
	v1 =	vsub.f32 $0.0e+00, v0;
	p0 =	sne.s32 s30, $0xC7C0  }
.Ltmp7:
0x1c7: {  	s30 =	sadd.s32 $0x40, s30;
	v0 =	vld [tilespmem:s31+$0x0];
	v2 =	vpop (erf);
	(pc) =	sbr.rel @p0 .LBB2_16-.Ltmp7, $4  }
0x1c8: {  	v1 =	vmul.f32 $1.442695020e+00, v1;
	v3 =	vpop (erf)  }
0x1c9: {  	v2 =	vadd.f32 $1.000000000e+00, v2;
	[tilespmem:s24+$0x3200] =	vst v3;
	s24 =	smov.u32 s25;
	s25 =	smov.u32 s26;
	s26 =	smov.u32 s28  }
0x1ca: {  	s28 =	smov.u32 s29;
	s29 =	smov.u32 s31;
	(erf) = vpow2.f32 v1  }
0x1cb: {  	(erf) = vrcp.f32 v2  }
0x1cc: {  	v0 =	vsub.f32 $0.0e+00, v0;
	_ =	sdelay $0x1  }
0x1cd: {  	v0 =	vmul.f32 $1.442695020e+00, v0;
	_ =	sdelay $0x1  }
0x1ce: {  	(erf) = vpow2.f32 v0;
	_ =	sdelay $0x4  }
0x1cf: {  	v0 =	vpop (erf)  }
0x1d0: {  	v1 =	vpop (erf)  }
0x1d1: {  	v2 =	vpop (erf)  }
0x1d2: {  	v0 =	vadd.f32 $1.000000000e+00, v0;
	v3 =	vpop (erf)  }
0x1d3: {  	v2 =	vadd.f32 $1.000000000e+00, v2;
	v4 =	vpop (erf)  }
0x1d4: {  	(erf) = vrcp.f32 v0;
	v0 =	vadd.f32 $1.000000000e+00, v4  }
0x1d5: {  	(erf) = vrcp.f32 v2  }
0x1d6: {  	(erf) = vrcp.f32 v0;
	_ =	sdelay $0x5  }
0x1d7: {  	[tilespmem:s24+$0x3200] =	vst v1  }
0x1d8: {  	[tilespmem:s25+$0x3200] =	vst v3;
	v0 =	vpop (erf)  }
0x1d9: {  	[tilespmem:s26+$0x3200] =	vst v0;
	v0 =	vpop (erf)  }
0x1da: {  	[tilespmem:s28+$0x3200] =	vst v0;
	v0 =	vpop (erf)  }
0x1db: {  	s24 =	simm.s32 $0x0;
	s26 =	rddreg [dreg:$0x10];
	[tilespmem:s29+$0x3200] =	vst v0  }
0x1dc: {  	[hbm4b:s26+s24] =	stream.linear.scatter [tilespmem:s22], [sflag:$0x1], $0x3200, $0x38;
	[tilespmem:$0x6400] =	vst v63  }
0x1dd: {  	_ =	swait.ge [sflag:s21], $0x3200  }
0x1de: {  	[sflag:s21] =	ssyncset.done $0x0  }
0x1df: {  	s31 =	rddreg [dreg:$0x11];
	[sflag:s21] =	ssyncadd.s32 $0xFFFFCE00  }
0x1e0: {  	[tilespmem:s24], [sflag:$0x1] =	stream.linear.gather [hbm4b:s31+s24], $0x3200, $0x38;
	[tilespmem:$0x6400] =	vst v63  }
0x1e1: {  	_ =	swait.ge [sflag:s21], $0x3200  }
0x1e2: {  	[sflag:s21] =	ssyncset.done $0x0  }
0x1e3: {  	s24 =	simm.s32 $0x0;
	[sflag:s21] =	ssyncadd.s32 $0xFFFFCE00  }
0x1e4: {  	v0 =	vld [tilespmem:s24+$0x0];
	_ =	sdelay $0x1  }
0x1e5: {  	s25 =	simm.s32 $0x10  }
0x1e6: {  	v1 =	vld [tilespmem:s25+$0x0];
	_ =	sdelay $0x1  }
0x1e7: {  	v0 =	vsub.f32 $0.0e+00, v0;
	_ =	sdelay $0x1  }
0x1e8: {  	v0 =	vmul.f32 $1.442695020e+00, v0  }
0x1e9: {  	v1 =	vsub.f32 $0.0e+00, v1  }
0x1ea: {  	s26 =	simm.s32 $0x20;
	(erf) = vpow2.f32 v0  }
0x1eb: {  	v0 =	vmul.f32 $1.442695020e+00, v1;
	v1 =	vld [tilespmem:s26+$0x0];
	_ =	sdelay $0x1  }
0x1ec: {  	(erf) = vpow2.f32 v0  }
0x1ed: {  	s28 =	simm.s32 $0x30  }
0x1ee: {  	v0 =	vld [tilespmem:s28+$0x0]  }
0x1ef: {  	v1 =	vsub.f32 $0.0e+00, v1;
	_ =	sdelay $0x1  }
0x1f0: {  	v1 =	vmul.f32 $1.442695020e+00, v1  }
0x1f1: {  	v2 =	vpop (erf)  }
0x1f2: {  	v0 =	vsub.f32 $0.0e+00, v0;
	v2 =	vadd.f32 $1.000000000e+00, v2  }
0x1f3: {  	(erf) = vpow2.f32 v1  }
0x1f4: {  	v0 =	vmul.f32 $1.442695020e+00, v0;
	v1 =	vpop (erf);
	(erf) = vrcp.f32 v2  }
0x1f5: {  	s29 =	simm.s32 $0x40;
	v1 =	vadd.f32 $1.000000000e+00, v1  }
0x1f6: {  	(erf) = vpow2.f32 v0;
	v0 =	vld [tilespmem:s29+$0x0]  }
0x1f7: {  	(erf) = vrcp.f32 v1;
	_ =	sdelay $0x2  }
0x1f8: {  	s30 =	simm.s32 $0x140  }
.LBB2_18:
0x1f9: {  	s31 =	sshra.s32 s30, $0x2;
	v1 =	vsub.f32 $0.0e+00, v0;
	p0 =	sne.s32 s30, $0xC7C0  }
.Ltmp8:
0x1fa: {  	s30 =	sadd.s32 $0x40, s30;
	v0 =	vld [tilespmem:s31+$0x0];
	v2 =	vpop (erf);
	(pc) =	sbr.rel @p0 .LBB2_18-.Ltmp8, $4  }
0x1fb: {  	v1 =	vmul.f32 $1.442695020e+00, v1;
	v3 =	vpop (erf)  }
0x1fc: {  	v2 =	vadd.f32 $1.000000000e+00, v2;
	[tilespmem:s24+$0x3200] =	vst v3;
	s24 =	smov.u32 s25;
	s25 =	smov.u32 s26;
	s26 =	smov.u32 s28  }
0x1fd: {  	s28 =	smov.u32 s29;
	s29 =	smov.u32 s31;
	(erf) = vpow2.f32 v1  }
0x1fe: {  	(erf) = vrcp.f32 v2  }
0x1ff: {  	v0 =	vsub.f32 $0.0e+00, v0;
	_ =	sdelay $0x1  }
0x200: {  	v0 =	vmul.f32 $1.442695020e+00, v0;
	_ =	sdelay $0x1  }
0x201: {  	(erf) = vpow2.f32 v0;
	_ =	sdelay $0x4  }
0x202: {  	v0 =	vpop (erf)  }
0x203: {  	v1 =	vpop (erf)  }
0x204: {  	v2 =	vpop (erf)  }
0x205: {  	v0 =	vadd.f32 $1.000000000e+00, v0;
	v3 =	vpop (erf)  }
0x206: {  	v2 =	vadd.f32 $1.000000000e+00, v2;
	v4 =	vpop (erf)  }
0x207: {  	(erf) = vrcp.f32 v0;
	v0 =	vadd.f32 $1.000000000e+00, v4  }
0x208: {  	(erf) = vrcp.f32 v2  }
0x209: {  	(erf) = vrcp.f32 v0;
	_ =	sdelay $0x5  }
0x20a: {  	[tilespmem:s24+$0x3200] =	vst v1  }
0x20b: {  	[tilespmem:s25+$0x3200] =	vst v3;
	v0 =	vpop (erf)  }
0x20c: {  	[tilespmem:s26+$0x3200] =	vst v0;
	v0 =	vpop (erf)  }
0x20d: {  	[tilespmem:s28+$0x3200] =	vst v0;
	v0 =	vpop (erf)  }
0x20e: {  	s24 =	simm.s32 $0x0;
	s26 =	rddreg [dreg:$0x12];
	[tilespmem:s29+$0x3200] =	vst v0  }
0x20f: {  	[hbm4b:s26+s24] =	stream.linear.scatter [tilespmem:s22], [sflag:$0x1], $0x3200, $0x38;
	[tilespmem:$0x6400] =	vst v63  }
0x210: {  	_ =	swait.ge [sflag:s21], $0x3200  }
0x211: {  	[sflag:s21] =	ssyncset.done $0x0  }
0x212: {  	s31 =	rddreg [dreg:$0x13];
	[sflag:s21] =	ssyncadd.s32 $0xFFFFCE00  }
0x213: {  	[tilespmem:s24], [sflag:$0x1] =	stream.linear.gather [hbm4b:s31+s24], $0x3200, $0x38;
	[tilespmem:$0x6400] =	vst v63  }
0x214: {  	_ =	swait.ge [sflag:s21], $0x3200  }
0x215: {  	[sflag:s21] =	ssyncset.done $0x0  }
0x216: {  	s24 =	simm.s32 $0x0;
	[sflag:s21] =	ssyncadd.s32 $0xFFFFCE00  }
0x217: {  	v0 =	vld [tilespmem:s24+$0x0];
	_ =	sdelay $0x1  }
0x218: {  	s25 =	simm.s32 $0x10  }
0x219: {  	v1 =	vld [tilespmem:s25+$0x0];
	_ =	sdelay $0x1  }
0x21a: {  	v0 =	vsub.f32 $0.0e+00, v0;
	_ =	sdelay $0x1  }
0x21b: {  	v0 =	vmul.f32 $1.442695020e+00, v0  }
0x21c: {  	v1 =	vsub.f32 $0.0e+00, v1  }
0x21d: {  	s26 =	simm.s32 $0x20;
	(erf) = vpow2.f32 v0  }
0x21e: {  	v0 =	vmul.f32 $1.442695020e+00, v1;
	v1 =	vld [tilespmem:s26+$0x0];
	_ =	sdelay $0x1  }
0x21f: {  	(erf) = vpow2.f32 v0  }
0x220: {  	s28 =	simm.s32 $0x30  }
0x221: {  	v0 =	vld [tilespmem:s28+$0x0]  }
0x222: {  	v1 =	vsub.f32 $0.0e+00, v1;
	_ =	sdelay $0x1  }
0x223: {  	v1 =	vmul.f32 $1.442695020e+00, v1  }
0x224: {  	v2 =	vpop (erf)  }
0x225: {  	v0 =	vsub.f32 $0.0e+00, v0;
	v2 =	vadd.f32 $1.000000000e+00, v2  }
0x226: {  	(erf) = vpow2.f32 v1  }
0x227: {  	v0 =	vmul.f32 $1.442695020e+00, v0;
	v1 =	vpop (erf);
	(erf) = vrcp.f32 v2  }
0x228: {  	s29 =	simm.s32 $0x40;
	v1 =	vadd.f32 $1.000000000e+00, v1  }
0x229: {  	(erf) = vpow2.f32 v0;
	v0 =	vld [tilespmem:s29+$0x0]  }
0x22a: {  	(erf) = vrcp.f32 v1;
	_ =	sdelay $0x2  }
0x22b: {  	s30 =	simm.s32 $0x140  }
.LBB2_20:
0x22c: {  	s31 =	sshra.s32 s30, $0x2;
	v1 =	vsub.f32 $0.0e+00, v0;
	p0 =	sne.s32 s30, $0xC7C0  }
.Ltmp9:
0x22d: {  	s30 =	sadd.s32 $0x40, s30;
	v0 =	vld [tilespmem:s31+$0x0];
	v2 =	vpop (erf);
	(pc) =	sbr.rel @p0 .LBB2_20-.Ltmp9, $4  }
0x22e: {  	v1 =	vmul.f32 $1.442695020e+00, v1;
	v3 =	vpop (erf)  }
0x22f: {  	v2 =	vadd.f32 $1.000000000e+00, v2;
	[tilespmem:s24+$0x3200] =	vst v3;
	s24 =	smov.u32 s25;
	s25 =	smov.u32 s26;
	s26 =	smov.u32 s28  }
0x230: {  	s28 =	smov.u32 s29;
	s29 =	smov.u32 s31;
	(erf) = vpow2.f32 v1  }
0x231: {  	(erf) = vrcp.f32 v2  }
0x232: {  	v0 =	vsub.f32 $0.0e+00, v0;
	_ =	sdelay $0x1  }
0x233: {  	v0 =	vmul.f32 $1.442695020e+00, v0;
	_ =	sdelay $0x1  }
0x234: {  	(erf) = vpow2.f32 v0;
	_ =	sdelay $0x4  }
0x235: {  	v0 =	vpop (erf)  }
0x236: {  	v1 =	vpop (erf)  }
0x237: {  	v2 =	vpop (erf)  }
0x238: {  	v0 =	vadd.f32 $1.000000000e+00, v0;
	v3 =	vpop (erf)  }
0x239: {  	v2 =	vadd.f32 $1.000000000e+00, v2;
	v4 =	vpop (erf)  }
0x23a: {  	(erf) = vrcp.f32 v0;
	v0 =	vadd.f32 $1.000000000e+00, v4  }
0x23b: {  	(erf) = vrcp.f32 v2  }
0x23c: {  	(erf) = vrcp.f32 v0;
	_ =	sdelay $0x5  }
0x23d: {  	[tilespmem:s24+$0x3200] =	vst v1  }
0x23e: {  	[tilespmem:s25+$0x3200] =	vst v3;
	v0 =	vpop (erf)  }
0x23f: {  	[tilespmem:s26+$0x3200] =	vst v0;
	v0 =	vpop (erf)  }
0x240: {  	[tilespmem:s28+$0x3200] =	vst v0;
	v0 =	vpop (erf)  }
0x241: {  	s24 =	simm.s32 $0x0;
	s26 =	rddreg [dreg:$0x14];
	[tilespmem:s29+$0x3200] =	vst v0  }
0x242: {  	[hbm4b:s26+s24] =	stream.linear.scatter [tilespmem:s22], [sflag:$0x1], $0x3200, $0x38;
	[tilespmem:$0x6400] =	vst v63  }
0x243: {  	_ =	swait.ge [sflag:s21], $0x3200  }
0x244: {  	[sflag:s21] =	ssyncset.done $0x0  }
0x245: {  	s31 =	rddreg [dreg:$0x15];
	[sflag:s21] =	ssyncadd.s32 $0xFFFFCE00  }
0x246: {  	[tilespmem:s24], [sflag:$0x1] =	stream.linear.gather [hbm4b:s31+s24], $0x3200, $0x38;
	[tilespmem:$0x6400] =	vst v63  }
0x247: {  	_ =	swait.ge [sflag:s21], $0x3200  }
0x248: {  	[sflag:s21] =	ssyncset.done $0x0  }
0x249: {  	s24 =	simm.s32 $0x0;
	[sflag:s21] =	ssyncadd.s32 $0xFFFFCE00  }
0x24a: {  	v0 =	vld [tilespmem:s24+$0x0];
	_ =	sdelay $0x1  }
0x24b: {  	s25 =	simm.s32 $0x10  }
0x24c: {  	v1 =	vld [tilespmem:s25+$0x0];
	_ =	sdelay $0x1  }
0x24d: {  	v0 =	vsub.f32 $0.0e+00, v0;
	_ =	sdelay $0x1  }
0x24e: {  	v0 =	vmul.f32 $1.442695020e+00, v0  }
0x24f: {  	v1 =	vsub.f32 $0.0e+00, v1  }
0x250: {  	s26 =	simm.s32 $0x20;
	(erf) = vpow2.f32 v0  }
0x251: {  	v0 =	vmul.f32 $1.442695020e+00, v1;
	v1 =	vld [tilespmem:s26+$0x0];
	_ =	sdelay $0x1  }
0x252: {  	(erf) = vpow2.f32 v0  }
0x253: {  	s28 =	simm.s32 $0x30  }
0x254: {  	v0 =	vld [tilespmem:s28+$0x0]  }
0x255: {  	v1 =	vsub.f32 $0.0e+00, v1;
	_ =	sdelay $0x1  }
0x256: {  	v1 =	vmul.f32 $1.442695020e+00, v1  }
0x257: {  	v2 =	vpop (erf)  }
0x258: {  	v0 =	vsub.f32 $0.0e+00, v0;
	v2 =	vadd.f32 $1.000000000e+00, v2  }
0x259: {  	(erf) = vpow2.f32 v1  }
0x25a: {  	v0 =	vmul.f32 $1.442695020e+00, v0;
	v1 =	vpop (erf);
	(erf) = vrcp.f32 v2  }
0x25b: {  	s29 =	simm.s32 $0x40;
	v1 =	vadd.f32 $1.000000000e+00, v1  }
0x25c: {  	(erf) = vpow2.f32 v0;
	v0 =	vld [tilespmem:s29+$0x0]  }
0x25d: {  	(erf) = vrcp.f32 v1;
	_ =	sdelay $0x2  }
0x25e: {  	s30 =	simm.s32 $0x140  }
.LBB2_22:
0x25f: {  	s31 =	sshra.s32 s30, $0x2;
	v1 =	vsub.f32 $0.0e+00, v0;
	p0 =	sne.s32 s30, $0xC7C0  }
.Ltmp10:
0x260: {  	s30 =	sadd.s32 $0x40, s30;
	v0 =	vld [tilespmem:s31+$0x0];
	v2 =	vpop (erf);
	(pc) =	sbr.rel @p0 .LBB2_22-.Ltmp10, $4  }
0x261: {  	v1 =	vmul.f32 $1.442695020e+00, v1;
	v3 =	vpop (erf)  }
0x262: {  	v2 =	vadd.f32 $1.000000000e+00, v2;
	[tilespmem:s24+$0x3200] =	vst v3;
	s24 =	smov.u32 s25;
	s25 =	smov.u32 s26;
	s26 =	smov.u32 s28  }
0x263: {  	s28 =	smov.u32 s29;
	s29 =	smov.u32 s31;
	(erf) = vpow2.f32 v1  }
0x264: {  	(erf) = vrcp.f32 v2  }
0x265: {  	v0 =	vsub.f32 $0.0e+00, v0;
	_ =	sdelay $0x1  }
0x266: {  	v0 =	vmul.f32 $1.442695020e+00, v0;
	_ =	sdelay $0x1  }
0x267: {  	(erf) = vpow2.f32 v0;
	_ =	sdelay $0x4  }
0x268: {  	v0 =	vpop (erf)  }
0x269: {  	v1 =	vpop (erf)  }
0x26a: {  	v2 =	vpop (erf)  }
0x26b: {  	v0 =	vadd.f32 $1.000000000e+00, v0;
	v3 =	vpop (erf)  }
0x26c: {  	v2 =	vadd.f32 $1.000000000e+00, v2;
	v4 =	vpop (erf)  }
0x26d: {  	(erf) = vrcp.f32 v0;
	v0 =	vadd.f32 $1.000000000e+00, v4  }
0x26e: {  	(erf) = vrcp.f32 v2  }
0x26f: {  	(erf) = vrcp.f32 v0;
	_ =	sdelay $0x5  }
0x270: {  	[tilespmem:s24+$0x3200] =	vst v1  }
0x271: {  	[tilespmem:s25+$0x3200] =	vst v3;
	v0 =	vpop (erf)  }
0x272: {  	[tilespmem:s26+$0x3200] =	vst v0;
	v0 =	vpop (erf)  }
0x273: {  	[tilespmem:s28+$0x3200] =	vst v0;
	v0 =	vpop (erf)  }
0x274: {  	s24 =	simm.s32 $0x0;
	s26 =	rddreg [dreg:$0x16];
	[tilespmem:s29+$0x3200] =	vst v0  }
0x275: {  	[hbm4b:s26+s24] =	stream.linear.scatter [tilespmem:s22], [sflag:$0x1], $0x3200, $0x38;
	[tilespmem:$0x6400] =	vst v63  }
0x276: {  	_ =	swait.ge [sflag:s21], $0x3200  }
0x277: {  	[sflag:s21] =	ssyncset.done $0x0  }
0x278: {  	s31 =	rddreg [dreg:$0x17];
	[sflag:s21] =	ssyncadd.s32 $0xFFFFCE00  }
0x279: {  	[tilespmem:s24], [sflag:$0x1] =	stream.linear.gather [hbm4b:s31+s24], $0x3200, $0x38;
	[tilespmem:$0x6400] =	vst v63  }
0x27a: {  	_ =	swait.ge [sflag:s21], $0x3200  }
0x27b: {  	[sflag:s21] =	ssyncset.done $0x0  }
0x27c: {  	s24 =	simm.s32 $0x0;
	[sflag:s21] =	ssyncadd.s32 $0xFFFFCE00  }
0x27d: {  	v0 =	vld [tilespmem:s24+$0x0];
	_ =	sdelay $0x1  }
0x27e: {  	s25 =	simm.s32 $0x10  }
0x27f: {  	v1 =	vld [tilespmem:s25+$0x0];
	_ =	sdelay $0x1  }
0x280: {  	v0 =	vsub.f32 $0.0e+00, v0;
	_ =	sdelay $0x1  }
0x281: {  	v0 =	vmul.f32 $1.442695020e+00, v0  }
0x282: {  	v1 =	vsub.f32 $0.0e+00, v1  }
0x283: {  	s26 =	simm.s32 $0x20;
	(erf) = vpow2.f32 v0  }
0x284: {  	v0 =	vmul.f32 $1.442695020e+00, v1;
	v1 =	vld [tilespmem:s26+$0x0];
	_ =	sdelay $0x1  }
0x285: {  	(erf) = vpow2.f32 v0  }
0x286: {  	s28 =	simm.s32 $0x30  }
0x287: {  	v0 =	vld [tilespmem:s28+$0x0]  }
0x288: {  	v1 =	vsub.f32 $0.0e+00, v1;
	_ =	sdelay $0x1  }
0x289: {  	v1 =	vmul.f32 $1.442695020e+00, v1  }
0x28a: {  	v2 =	vpop (erf)  }
0x28b: {  	v0 =	vsub.f32 $0.0e+00, v0;
	v2 =	vadd.f32 $1.000000000e+00, v2  }
0x28c: {  	(erf) = vpow2.f32 v1  }
0x28d: {  	v0 =	vmul.f32 $1.442695020e+00, v0;
	v1 =	vpop (erf);
	(erf) = vrcp.f32 v2  }
0x28e: {  	s29 =	simm.s32 $0x40;
	v1 =	vadd.f32 $1.000000000e+00, v1  }
0x28f: {  	(erf) = vpow2.f32 v0;
	v0 =	vld [tilespmem:s29+$0x0]  }
0x290: {  	(erf) = vrcp.f32 v1;
	_ =	sdelay $0x2  }
0x291: {  	s30 =	simm.s32 $0x140  }
.LBB2_24:
0x292: {  	s31 =	sshra.s32 s30, $0x2;
	v1 =	vsub.f32 $0.0e+00, v0;
	p0 =	sne.s32 s30, $0xC7C0  }
.Ltmp11:
0x293: {  	s30 =	sadd.s32 $0x40, s30;
	v0 =	vld [tilespmem:s31+$0x0];
	v2 =	vpop (erf);
	(pc) =	sbr.rel @p0 .LBB2_24-.Ltmp11, $4  }
0x294: {  	v1 =	vmul.f32 $1.442695020e+00, v1;
	v3 =	vpop (erf)  }
0x295: {  	v2 =	vadd.f32 $1.000000000e+00, v2;
	[tilespmem:s24+$0x3200] =	vst v3;
	s24 =	smov.u32 s25;
	s25 =	smov.u32 s26;
	s26 =	smov.u32 s28  }
0x296: {  	s28 =	smov.u32 s29;
	s29 =	smov.u32 s31;
	(erf) = vpow2.f32 v1  }
0x297: {  	(erf) = vrcp.f32 v2  }
0x298: {  	v0 =	vsub.f32 $0.0e+00, v0;
	_ =	sdelay $0x1  }
0x299: {  	v0 =	vmul.f32 $1.442695020e+00, v0;
	_ =	sdelay $0x1  }
0x29a: {  	(erf) = vpow2.f32 v0;
	_ =	sdelay $0x4  }
0x29b: {  	v0 =	vpop (erf)  }
0x29c: {  	v1 =	vpop (erf)  }
0x29d: {  	v2 =	vpop (erf)  }
0x29e: {  	v0 =	vadd.f32 $1.000000000e+00, v0;
	v3 =	vpop (erf)  }
0x29f: {  	v2 =	vadd.f32 $1.000000000e+00, v2;
	v4 =	vpop (erf)  }
0x2a0: {  	(erf) = vrcp.f32 v0;
	v0 =	vadd.f32 $1.000000000e+00, v4  }
0x2a1: {  	(erf) = vrcp.f32 v2  }
0x2a2: {  	(erf) = vrcp.f32 v0;
	_ =	sdelay $0x5  }
0x2a3: {  	[tilespmem:s24+$0x3200] =	vst v1  }
0x2a4: {  	[tilespmem:s25+$0x3200] =	vst v3;
	v0 =	vpop (erf)  }
0x2a5: {  	[tilespmem:s26+$0x3200] =	vst v0;
	v0 =	vpop (erf)  }
0x2a6: {  	[tilespmem:s28+$0x3200] =	vst v0;
	v0 =	vpop (erf)  }
0x2a7: {  	s24 =	simm.s32 $0x0;
	s26 =	rddreg [dreg:$0x18];
	[tilespmem:s29+$0x3200] =	vst v0  }
0x2a8: {  	[hbm4b:s26+s24] =	stream.linear.scatter [tilespmem:s22], [sflag:$0x1], $0x3200, $0x38;
	[tilespmem:$0x6400] =	vst v63  }
0x2a9: {  	_ =	swait.ge [sflag:s21], $0x3200  }
0x2aa: {  	[sflag:s21] =	ssyncset.done $0x0  }
0x2ab: {  	s31 =	rddreg [dreg:$0x19];
	[sflag:s21] =	ssyncadd.s32 $0xFFFFCE00  }
0x2ac: {  	[tilespmem:s24], [sflag:$0x1] =	stream.linear.gather [hbm4b:s31+s24], $0x3200, $0x38;
	[tilespmem:$0x6400] =	vst v63  }
0x2ad: {  	_ =	swait.ge [sflag:s21], $0x3200  }
0x2ae: {  	[sflag:s21] =	ssyncset.done $0x0  }
0x2af: {  	s24 =	simm.s32 $0x0;
	[sflag:s21] =	ssyncadd.s32 $0xFFFFCE00  }
0x2b0: {  	v0 =	vld [tilespmem:s24+$0x0];
	_ =	sdelay $0x1  }
0x2b1: {  	s25 =	simm.s32 $0x10  }
0x2b2: {  	v1 =	vld [tilespmem:s25+$0x0];
	_ =	sdelay $0x1  }
0x2b3: {  	v0 =	vsub.f32 $0.0e+00, v0;
	_ =	sdelay $0x1  }
0x2b4: {  	v0 =	vmul.f32 $1.442695020e+00, v0  }
0x2b5: {  	v1 =	vsub.f32 $0.0e+00, v1  }
0x2b6: {  	s26 =	simm.s32 $0x20;
	(erf) = vpow2.f32 v0  }
0x2b7: {  	v0 =	vmul.f32 $1.442695020e+00, v1;
	v1 =	vld [tilespmem:s26+$0x0];
	_ =	sdelay $0x1  }
0x2b8: {  	(erf) = vpow2.f32 v0  }
0x2b9: {  	s28 =	simm.s32 $0x30  }
0x2ba: {  	v0 =	vld [tilespmem:s28+$0x0]  }
0x2bb: {  	v1 =	vsub.f32 $0.0e+00, v1;
	_ =	sdelay $0x1  }
0x2bc: {  	v1 =	vmul.f32 $1.442695020e+00, v1  }
0x2bd: {  	v2 =	vpop (erf)  }
0x2be: {  	v0 =	vsub.f32 $0.0e+00, v0;
	v2 =	vadd.f32 $1.000000000e+00, v2  }
0x2bf: {  	(erf) = vpow2.f32 v1  }
0x2c0: {  	v0 =	vmul.f32 $1.442695020e+00, v0;
	v1 =	vpop (erf);
	(erf) = vrcp.f32 v2  }
0x2c1: {  	s29 =	simm.s32 $0x40;
	v1 =	vadd.f32 $1.000000000e+00, v1  }
0x2c2: {  	(erf) = vpow2.f32 v0;
	v0 =	vld [tilespmem:s29+$0x0]  }
0x2c3: {  	(erf) = vrcp.f32 v1;
	_ =	sdelay $0x2  }
0x2c4: {  	s30 =	simm.s32 $0x140  }
.LBB2_26:
0x2c5: {  	s31 =	sshra.s32 s30, $0x2;
	v1 =	vsub.f32 $0.0e+00, v0;
	p0 =	sne.s32 s30, $0xC7C0  }
.Ltmp12:
0x2c6: {  	s30 =	sadd.s32 $0x40, s30;
	v0 =	vld [tilespmem:s31+$0x0];
	v2 =	vpop (erf);
	(pc) =	sbr.rel @p0 .LBB2_26-.Ltmp12, $4  }
0x2c7: {  	v1 =	vmul.f32 $1.442695020e+00, v1;
	v3 =	vpop (erf)  }
0x2c8: {  	v2 =	vadd.f32 $1.000000000e+00, v2;
	[tilespmem:s24+$0x3200] =	vst v3;
	s24 =	smov.u32 s25;
	s25 =	smov.u32 s26;
	s26 =	smov.u32 s28  }
0x2c9: {  	s28 =	smov.u32 s29;
	s29 =	smov.u32 s31;
	(erf) = vpow2.f32 v1  }
0x2ca: {  	(erf) = vrcp.f32 v2  }
0x2cb: {  	v0 =	vsub.f32 $0.0e+00, v0;
	_ =	sdelay $0x1  }
0x2cc: {  	v0 =	vmul.f32 $1.442695020e+00, v0;
	_ =	sdelay $0x1  }
0x2cd: {  	(erf) = vpow2.f32 v0;
	_ =	sdelay $0x4  }
0x2ce: {  	v0 =	vpop (erf)  }
0x2cf: {  	v1 =	vpop (erf)  }
0x2d0: {  	v2 =	vpop (erf)  }
0x2d1: {  	v0 =	vadd.f32 $1.000000000e+00, v0;
	v3 =	vpop (erf)  }
0x2d2: {  	v2 =	vadd.f32 $1.000000000e+00, v2;
	v4 =	vpop (erf)  }
0x2d3: {  	(erf) = vrcp.f32 v0;
	v0 =	vadd.f32 $1.000000000e+00, v4  }
0x2d4: {  	(erf) = vrcp.f32 v2  }
0x2d5: {  	(erf) = vrcp.f32 v0;
	_ =	sdelay $0x5  }
0x2d6: {  	[tilespmem:s24+$0x3200] =	vst v1  }
0x2d7: {  	[tilespmem:s25+$0x3200] =	vst v3;
	v0 =	vpop (erf)  }
0x2d8: {  	[tilespmem:s26+$0x3200] =	vst v0;
	v0 =	vpop (erf)  }
0x2d9: {  	[tilespmem:s28+$0x3200] =	vst v0;
	v0 =	vpop (erf)  }
0x2da: {  	s24 =	simm.s32 $0x0;
	s26 =	rddreg [dreg:$0x1a];
	[tilespmem:s29+$0x3200] =	vst v0  }
0x2db: {  	[hbm4b:s26+s24] =	stream.linear.scatter [tilespmem:s22], [sflag:$0x1], $0x3200, $0x38;
	[tilespmem:$0x6400] =	vst v63  }
0x2dc: {  	_ =	swait.ge [sflag:s21], $0x3200  }
0x2dd: {  	[sflag:s21] =	ssyncset.done $0x0  }
0x2de: {  	s31 =	rddreg [dreg:$0x1b];
	[sflag:s21] =	ssyncadd.s32 $0xFFFFCE00  }
0x2df: {  	[tilespmem:s24], [sflag:$0x1] =	stream.linear.gather [hbm4b:s31+s24], $0x3200, $0x38;
	[tilespmem:$0x6400] =	vst v63  }
0x2e0: {  	_ =	swait.ge [sflag:s21], $0x3200  }
0x2e1: {  	[sflag:s21] =	ssyncset.done $0x0  }
0x2e2: {  	s24 =	simm.s32 $0x0;
	[sflag:s21] =	ssyncadd.s32 $0xFFFFCE00  }
0x2e3: {  	v0 =	vld [tilespmem:s24+$0x0];
	_ =	sdelay $0x1  }
0x2e4: {  	s25 =	simm.s32 $0x10  }
0x2e5: {  	v1 =	vld [tilespmem:s25+$0x0];
	_ =	sdelay $0x1  }
0x2e6: {  	v0 =	vsub.f32 $0.0e+00, v0;
	_ =	sdelay $0x1  }
0x2e7: {  	v0 =	vmul.f32 $1.442695020e+00, v0  }
0x2e8: {  	v1 =	vsub.f32 $0.0e+00, v1  }
0x2e9: {  	s26 =	simm.s32 $0x20;
	(erf) = vpow2.f32 v0  }
0x2ea: {  	v0 =	vmul.f32 $1.442695020e+00, v1;
	v1 =	vld [tilespmem:s26+$0x0];
	_ =	sdelay $0x1  }
0x2eb: {  	(erf) = vpow2.f32 v0  }
0x2ec: {  	s28 =	simm.s32 $0x30  }
0x2ed: {  	v0 =	vld [tilespmem:s28+$0x0]  }
0x2ee: {  	v1 =	vsub.f32 $0.0e+00, v1;
	_ =	sdelay $0x1  }
0x2ef: {  	v1 =	vmul.f32 $1.442695020e+00, v1  }
0x2f0: {  	v2 =	vpop (erf)  }
0x2f1: {  	v0 =	vsub.f32 $0.0e+00, v0;
	v2 =	vadd.f32 $1.000000000e+00, v2  }
0x2f2: {  	(erf) = vpow2.f32 v1  }
0x2f3: {  	v0 =	vmul.f32 $1.442695020e+00, v0;
	v1 =	vpop (erf);
	(erf) = vrcp.f32 v2  }
0x2f4: {  	s29 =	simm.s32 $0x40;
	v1 =	vadd.f32 $1.000000000e+00, v1  }
0x2f5: {  	(erf) = vpow2.f32 v0;
	v0 =	vld [tilespmem:s29+$0x0]  }
0x2f6: {  	(erf) = vrcp.f32 v1;
	_ =	sdelay $0x2  }
0x2f7: {  	s30 =	simm.s32 $0x140  }
.LBB2_28:
0x2f8: {  	s31 =	sshra.s32 s30, $0x2;
	v1 =	vsub.f32 $0.0e+00, v0;
	p0 =	sne.s32 s30, $0xC7C0  }
.Ltmp13:
0x2f9: {  	s30 =	sadd.s32 $0x40, s30;
	v0 =	vld [tilespmem:s31+$0x0];
	v2 =	vpop (erf);
	(pc) =	sbr.rel @p0 .LBB2_28-.Ltmp13, $4  }
0x2fa: {  	v1 =	vmul.f32 $1.442695020e+00, v1;
	v3 =	vpop (erf)  }
0x2fb: {  	v2 =	vadd.f32 $1.000000000e+00, v2;
	[tilespmem:s24+$0x3200] =	vst v3;
	s24 =	smov.u32 s25;
	s25 =	smov.u32 s26;
	s26 =	smov.u32 s28  }
0x2fc: {  	s28 =	smov.u32 s29;
	s29 =	smov.u32 s31;
	(erf) = vpow2.f32 v1  }
0x2fd: {  	(erf) = vrcp.f32 v2  }
0x2fe: {  	v0 =	vsub.f32 $0.0e+00, v0;
	_ =	sdelay $0x1  }
0x2ff: {  	v0 =	vmul.f32 $1.442695020e+00, v0;
	_ =	sdelay $0x1  }
0x300: {  	(erf) = vpow2.f32 v0;
	_ =	sdelay $0x4  }
0x301: {  	v0 =	vpop (erf)  }
0x302: {  	v1 =	vpop (erf)  }
0x303: {  	v2 =	vpop (erf)  }
0x304: {  	v0 =	vadd.f32 $1.000000000e+00, v0;
	v3 =	vpop (erf)  }
0x305: {  	v2 =	vadd.f32 $1.000000000e+00, v2;
	v4 =	vpop (erf)  }
0x306: {  	(erf) = vrcp.f32 v0;
	v0 =	vadd.f32 $1.000000000e+00, v4  }
0x307: {  	(erf) = vrcp.f32 v2  }
0x308: {  	(erf) = vrcp.f32 v0;
	_ =	sdelay $0x5  }
0x309: {  	[tilespmem:s24+$0x3200] =	vst v1  }
0x30a: {  	[tilespmem:s25+$0x3200] =	vst v3;
	v0 =	vpop (erf)  }
0x30b: {  	[tilespmem:s26+$0x3200] =	vst v0;
	v0 =	vpop (erf)  }
0x30c: {  	[tilespmem:s28+$0x3200] =	vst v0;
	v0 =	vpop (erf)  }
0x30d: {  	s24 =	simm.s32 $0x0;
	s26 =	rddreg [dreg:$0x1c];
	[tilespmem:s29+$0x3200] =	vst v0  }
0x30e: {  	[hbm4b:s26+s24] =	stream.linear.scatter [tilespmem:s22], [sflag:$0x1], $0x3200, $0x38;
	[tilespmem:$0x6400] =	vst v63  }
0x30f: {  	_ =	swait.ge [sflag:s21], $0x3200  }
0x310: {  	[sflag:s21] =	ssyncset.done $0x0  }
0x311: {  	s31 =	rddreg [dreg:$0x1d];
	[sflag:s21] =	ssyncadd.s32 $0xFFFFCE00  }
0x312: {  	[tilespmem:s24], [sflag:$0x1] =	stream.linear.gather [hbm4b:s31+s24], $0x3200, $0x38;
	[tilespmem:$0x6400] =	vst v63  }
0x313: {  	_ =	swait.ge [sflag:s21], $0x3200  }
0x314: {  	[sflag:s21] =	ssyncset.done $0x0  }
0x315: {  	s24 =	simm.s32 $0x0;
	[sflag:s21] =	ssyncadd.s32 $0xFFFFCE00  }
0x316: {  	v0 =	vld [tilespmem:s24+$0x0];
	_ =	sdelay $0x1  }
0x317: {  	s25 =	simm.s32 $0x10  }
0x318: {  	v1 =	vld [tilespmem:s25+$0x0];
	_ =	sdelay $0x1  }
0x319: {  	v0 =	vsub.f32 $0.0e+00, v0;
	_ =	sdelay $0x1  }
0x31a: {  	v0 =	vmul.f32 $1.442695020e+00, v0  }
0x31b: {  	v1 =	vsub.f32 $0.0e+00, v1  }
0x31c: {  	s26 =	simm.s32 $0x20;
	(erf) = vpow2.f32 v0  }
0x31d: {  	v0 =	vmul.f32 $1.442695020e+00, v1;
	v1 =	vld [tilespmem:s26+$0x0];
	_ =	sdelay $0x1  }
0x31e: {  	(erf) = vpow2.f32 v0  }
0x31f: {  	s28 =	simm.s32 $0x30  }
0x320: {  	v0 =	vld [tilespmem:s28+$0x0]  }
0x321: {  	v1 =	vsub.f32 $0.0e+00, v1;
	_ =	sdelay $0x1  }
0x322: {  	v1 =	vmul.f32 $1.442695020e+00, v1  }
0x323: {  	v2 =	vpop (erf)  }
0x324: {  	v0 =	vsub.f32 $0.0e+00, v0;
	v2 =	vadd.f32 $1.000000000e+00, v2  }
0x325: {  	(erf) = vpow2.f32 v1  }
0x326: {  	v0 =	vmul.f32 $1.442695020e+00, v0;
	v1 =	vpop (erf);
	(erf) = vrcp.f32 v2  }
0x327: {  	s29 =	simm.s32 $0x40;
	v1 =	vadd.f32 $1.000000000e+00, v1  }
0x328: {  	(erf) = vpow2.f32 v0;
	v0 =	vld [tilespmem:s29+$0x0]  }
0x329: {  	(erf) = vrcp.f32 v1;
	_ =	sdelay $0x2  }
0x32a: {  	s30 =	simm.s32 $0x140  }
.LBB2_30:
0x32b: {  	s31 =	sshra.s32 s30, $0x2;
	v1 =	vsub.f32 $0.0e+00, v0;
	p0 =	sne.s32 s30, $0xC7C0  }
.Ltmp14:
0x32c: {  	s30 =	sadd.s32 $0x40, s30;
	v0 =	vld [tilespmem:s31+$0x0];
	v2 =	vpop (erf);
	(pc) =	sbr.rel @p0 .LBB2_30-.Ltmp14, $4  }
0x32d: {  	v1 =	vmul.f32 $1.442695020e+00, v1;
	v3 =	vpop (erf)  }
0x32e: {  	v2 =	vadd.f32 $1.000000000e+00, v2;
	[tilespmem:s24+$0x3200] =	vst v3;
	s24 =	smov.u32 s25;
	s25 =	smov.u32 s26;
	s26 =	smov.u32 s28  }
0x32f: {  	s28 =	smov.u32 s29;
	s29 =	smov.u32 s31;
	(erf) = vpow2.f32 v1  }
0x330: {  	(erf) = vrcp.f32 v2  }
0x331: {  	v0 =	vsub.f32 $0.0e+00, v0;
	_ =	sdelay $0x1  }
0x332: {  	v0 =	vmul.f32 $1.442695020e+00, v0;
	_ =	sdelay $0x1  }
0x333: {  	(erf) = vpow2.f32 v0;
	_ =	sdelay $0x4  }
0x334: {  	v0 =	vpop (erf)  }
0x335: {  	v1 =	vpop (erf)  }
0x336: {  	v2 =	vpop (erf)  }
0x337: {  	v0 =	vadd.f32 $1.000000000e+00, v0;
	v3 =	vpop (erf)  }
0x338: {  	v2 =	vadd.f32 $1.000000000e+00, v2;
	v4 =	vpop (erf)  }
0x339: {  	(erf) = vrcp.f32 v0;
	v0 =	vadd.f32 $1.000000000e+00, v4  }
0x33a: {  	(erf) = vrcp.f32 v2  }
0x33b: {  	(erf) = vrcp.f32 v0;
	_ =	sdelay $0x5  }
0x33c: {  	[tilespmem:s24+$0x3200] =	vst v1  }
0x33d: {  	[tilespmem:s25+$0x3200] =	vst v3;
	v0 =	vpop (erf)  }
0x33e: {  	[tilespmem:s26+$0x3200] =	vst v0;
	v0 =	vpop (erf)  }
0x33f: {  	[tilespmem:s28+$0x3200] =	vst v0;
	v0 =	vpop (erf)  }
0x340: {  	s24 =	simm.s32 $0x0;
	s26 =	rddreg [dreg:$0x1e];
	[tilespmem:s29+$0x3200] =	vst v0  }
0x341: {  	[hbm4b:s26+s24] =	stream.linear.scatter [tilespmem:s22], [sflag:$0x1], $0x3200, $0x38;
	[tilespmem:$0x6400] =	vst v63  }
0x342: {  	_ =	swait.ge [sflag:s21], $0x3200  }
0x343: {  	[sflag:s21] =	ssyncset.done $0x0  }
0x344: {  	s31 =	rddreg [dreg:$0x1f];
	[sflag:s21] =	ssyncadd.s32 $0xFFFFCE00  }
0x345: {  	[tilespmem:s24], [sflag:$0x1] =	stream.linear.gather [hbm4b:s31+s24], $0x3200, $0x38;
	[tilespmem:$0x6400] =	vst v63  }
0x346: {  	_ =	swait.ge [sflag:s21], $0x3200  }
0x347: {  	[sflag:s21] =	ssyncset.done $0x0  }
0x348: {  	s24 =	simm.s32 $0x0;
	[sflag:s21] =	ssyncadd.s32 $0xFFFFCE00  }
0x349: {  	v0 =	vld [tilespmem:s24+$0x0];
	_ =	sdelay $0x1  }
0x34a: {  	s25 =	simm.s32 $0x10  }
0x34b: {  	v1 =	vld [tilespmem:s25+$0x0];
	_ =	sdelay $0x1  }
0x34c: {  	v0 =	vsub.f32 $0.0e+00, v0;
	_ =	sdelay $0x1  }
0x34d: {  	v0 =	vmul.f32 $1.442695020e+00, v0  }
0x34e: {  	v1 =	vsub.f32 $0.0e+00, v1  }
0x34f: {  	s26 =	simm.s32 $0x20;
	(erf) = vpow2.f32 v0  }
0x350: {  	v0 =	vmul.f32 $1.442695020e+00, v1;
	v1 =	vld [tilespmem:s26+$0x0];
	_ =	sdelay $0x1  }
0x351: {  	(erf) = vpow2.f32 v0  }
0x352: {  	s28 =	simm.s32 $0x30  }
0x353: {  	v0 =	vld [tilespmem:s28+$0x0]  }
0x354: {  	v1 =	vsub.f32 $0.0e+00, v1;
	_ =	sdelay $0x1  }
0x355: {  	v1 =	vmul.f32 $1.442695020e+00, v1  }
0x356: {  	v2 =	vpop (erf)  }
0x357: {  	v0 =	vsub.f32 $0.0e+00, v0;
	v2 =	vadd.f32 $1.000000000e+00, v2  }
0x358: {  	(erf) = vpow2.f32 v1  }
0x359: {  	v0 =	vmul.f32 $1.442695020e+00, v0;
	v1 =	vpop (erf);
	(erf) = vrcp.f32 v2  }
0x35a: {  	s29 =	simm.s32 $0x40;
	v1 =	vadd.f32 $1.000000000e+00, v1  }
0x35b: {  	(erf) = vpow2.f32 v0;
	v0 =	vld [tilespmem:s29+$0x0]  }
0x35c: {  	(erf) = vrcp.f32 v1;
	_ =	sdelay $0x2  }
0x35d: {  	s30 =	simm.s32 $0x140  }
.LBB2_32:
0x35e: {  	s31 =	sshra.s32 s30, $0x2;
	v1 =	vsub.f32 $0.0e+00, v0;
	p0 =	sne.s32 s30, $0xC7C0  }
.Ltmp15:
0x35f: {  	s30 =	sadd.s32 $0x40, s30;
	v0 =	vld [tilespmem:s31+$0x0];
	v2 =	vpop (erf);
	(pc) =	sbr.rel @p0 .LBB2_32-.Ltmp15, $4  }
0x360: {  	v1 =	vmul.f32 $1.442695020e+00, v1;
	v3 =	vpop (erf)  }
0x361: {  	v2 =	vadd.f32 $1.000000000e+00, v2;
	[tilespmem:s24+$0x3200] =	vst v3;
	s24 =	smov.u32 s25;
	s25 =	smov.u32 s26;
	s26 =	smov.u32 s28  }
0x362: {  	s28 =	smov.u32 s29;
	s29 =	smov.u32 s31;
	(erf) = vpow2.f32 v1  }
0x363: {  	(erf) = vrcp.f32 v2  }
0x364: {  	v0 =	vsub.f32 $0.0e+00, v0;
	_ =	sdelay $0x1  }
0x365: {  	v0 =	vmul.f32 $1.442695020e+00, v0;
	_ =	sdelay $0x1  }
0x366: {  	(erf) = vpow2.f32 v0;
	_ =	sdelay $0x4  }
0x367: {  	v0 =	vpop (erf)  }
0x368: {  	v1 =	vpop (erf)  }
0x369: {  	v2 =	vpop (erf)  }
0x36a: {  	v0 =	vadd.f32 $1.000000000e+00, v0;
	v3 =	vpop (erf)  }
0x36b: {  	v2 =	vadd.f32 $1.000000000e+00, v2;
	v4 =	vpop (erf)  }
0x36c: {  	(erf) = vrcp.f32 v0;
	v0 =	vadd.f32 $1.000000000e+00, v4  }
0x36d: {  	(erf) = vrcp.f32 v2  }
0x36e: {  	(erf) = vrcp.f32 v0;
	_ =	sdelay $0x5  }
0x36f: {  	[tilespmem:s24+$0x3200] =	vst v1  }
0x370: {  	[tilespmem:s25+$0x3200] =	vst v3;
	v0 =	vpop (erf)  }
0x371: {  	[tilespmem:s26+$0x3200] =	vst v0;
	s26 =	sld [smem:$0x7DF];
	v0 =	vpop (erf)  }
0x372: {  	[tilespmem:s28+$0x3200] =	vst v0;
	v0 =	vpop (erf)  }
0x373: {  	s24 =	simm.s32 $0x0;
	[tilespmem:s29+$0x3200] =	vst v0  }
0x374: {  	[hbm4b:s26+s24] =	stream.linear.scatter [tilespmem:s22], [sflag:$0x1], $0x3200, $0x38;
	[tilespmem:$0x6400] =	vst v63  }
0x375: {  	_ =	swait.ge [sflag:s21], $0x3200  }
0x376: {  	s31 =	sld [smem:$0x7E0]  }
0x377: {  	[sflag:s21] =	ssyncset.done $0x0  }
0x378: {  	[sflag:s21] =	ssyncadd.s32 $0xFFFFCE00  }
0x379: {  	[tilespmem:s24], [sflag:$0x1] =	stream.linear.gather [hbm4b:s31+s24], $0x3200, $0x38;
	[tilespmem:$0x6400] =	vst v63  }
0x37a: {  	_ =	swait.ge [sflag:s21], $0x3200  }
0x37b: {  	[sflag:s21] =	ssyncset.done $0x0  }
0x37c: {  	s24 =	simm.s32 $0x0;
	[sflag:s21] =	ssyncadd.s32 $0xFFFFCE00  }
0x37d: {  	v0 =	vld [tilespmem:s24+$0x0];
	_ =	sdelay $0x1  }
0x37e: {  	s25 =	simm.s32 $0x10  }
0x37f: {  	v1 =	vld [tilespmem:s25+$0x0];
	_ =	sdelay $0x1  }
0x380: {  	v0 =	vsub.f32 $0.0e+00, v0;
	_ =	sdelay $0x1  }
0x381: {  	v0 =	vmul.f32 $1.442695020e+00, v0  }
0x382: {  	v1 =	vsub.f32 $0.0e+00, v1  }
0x383: {  	s26 =	simm.s32 $0x20;
	(erf) = vpow2.f32 v0  }
0x384: {  	v0 =	vmul.f32 $1.442695020e+00, v1;
	v1 =	vld [tilespmem:s26+$0x0];
	_ =	sdelay $0x1  }
0x385: {  	(erf) = vpow2.f32 v0  }
0x386: {  	s28 =	simm.s32 $0x30  }
0x387: {  	v0 =	vld [tilespmem:s28+$0x0]  }
0x388: {  	v1 =	vsub.f32 $0.0e+00, v1;
	_ =	sdelay $0x1  }
0x389: {  	v1 =	vmul.f32 $1.442695020e+00, v1  }
0x38a: {  	v2 =	vpop (erf)  }
0x38b: {  	v0 =	vsub.f32 $0.0e+00, v0;
	v2 =	vadd.f32 $1.000000000e+00, v2  }
0x38c: {  	(erf) = vpow2.f32 v1  }
0x38d: {  	v0 =	vmul.f32 $1.442695020e+00, v0;
	v1 =	vpop (erf);
	(erf) = vrcp.f32 v2  }
0x38e: {  	s29 =	simm.s32 $0x40;
	v1 =	vadd.f32 $1.000000000e+00, v1  }
0x38f: {  	(erf) = vpow2.f32 v0;
	v0 =	vld [tilespmem:s29+$0x0]  }
0x390: {  	(erf) = vrcp.f32 v1;
	_ =	sdelay $0x2  }
0x391: {  	s30 =	simm.s32 $0x140  }
.LBB2_34:
0x392: {  	s31 =	sshra.s32 s30, $0x2;
	v1 =	vsub.f32 $0.0e+00, v0;
	p0 =	sne.s32 s30, $0xC7C0  }
.Ltmp16:
0x393: {  	s30 =	sadd.s32 $0x40, s30;
	v0 =	vld [tilespmem:s31+$0x0];
	v2 =	vpop (erf);
	(pc) =	sbr.rel @p0 .LBB2_34-.Ltmp16, $4  }
0x394: {  	v1 =	vmul.f32 $1.442695020e+00, v1;
	v3 =	vpop (erf)  }
0x395: {  	v2 =	vadd.f32 $1.000000000e+00, v2;
	[tilespmem:s24+$0x3200] =	vst v3;
	s24 =	smov.u32 s25;
	s25 =	smov.u32 s26;
	s26 =	smov.u32 s28  }
0x396: {  	s28 =	smov.u32 s29;
	s29 =	smov.u32 s31;
	(erf) = vpow2.f32 v1  }
0x397: {  	(erf) = vrcp.f32 v2  }
0x398: {  	v0 =	vsub.f32 $0.0e+00, v0;
	_ =	sdelay $0x1  }
0x399: {  	v0 =	vmul.f32 $1.442695020e+00, v0;
	_ =	sdelay $0x1  }
0x39a: {  	(erf) = vpow2.f32 v0;
	_ =	sdelay $0x4  }
0x39b: {  	v0 =	vpop (erf)  }
0x39c: {  	v1 =	vpop (erf)  }
0x39d: {  	v2 =	vpop (erf)  }
0x39e: {  	v0 =	vadd.f32 $1.000000000e+00, v0;
	v3 =	vpop (erf)  }
0x39f: {  	v2 =	vadd.f32 $1.000000000e+00, v2;
	v4 =	vpop (erf)  }
0x3a0: {  	(erf) = vrcp.f32 v0;
	v0 =	vadd.f32 $1.000000000e+00, v4  }
0x3a1: {  	(erf) = vrcp.f32 v2  }
0x3a2: {  	(erf) = vrcp.f32 v0;
	_ =	sdelay $0x5  }
0x3a3: {  	[tilespmem:s24+$0x3200] =	vst v1  }
0x3a4: {  	[tilespmem:s25+$0x3200] =	vst v3;
	v0 =	vpop (erf)  }
0x3a5: {  	[tilespmem:s26+$0x3200] =	vst v0;
	s26 =	sld [smem:$0x7E1];
	v0 =	vpop (erf)  }
0x3a6: {  	[tilespmem:s28+$0x3200] =	vst v0;
	v0 =	vpop (erf)  }
0x3a7: {  	s24 =	simm.s32 $0x0;
	[tilespmem:s29+$0x3200] =	vst v0  }
0x3a8: {  	[hbm4b:s26+s24] =	stream.linear.scatter [tilespmem:s22], [sflag:$0x1], $0x3200, $0x38;
	[tilespmem:$0x6400] =	vst v63  }
0x3a9: {  	_ =	swait.ge [sflag:s21], $0x3200  }
0x3aa: {  	s31 =	sld [smem:$0x7E2]  }
0x3ab: {  	[sflag:s21] =	ssyncset.done $0x0  }
0x3ac: {  	[sflag:s21] =	ssyncadd.s32 $0xFFFFCE00  }
0x3ad: {  	[tilespmem:s24], [sflag:$0x1] =	stream.linear.gather [hbm4b:s31+s24], $0x3200, $0x38;
	[tilespmem:$0x6400] =	vst v63  }
0x3ae: {  	_ =	swait.ge [sflag:s21], $0x3200  }
0x3af: {  	[sflag:s21] =	ssyncset.done $0x0  }
0x3b0: {  	s24 =	simm.s32 $0x0;
	[sflag:s21] =	ssyncadd.s32 $0xFFFFCE00  }
0x3b1: {  	v0 =	vld [tilespmem:s24+$0x0];
	_ =	sdelay $0x1  }
0x3b2: {  	s25 =	simm.s32 $0x10  }
0x3b3: {  	v1 =	vld [tilespmem:s25+$0x0];
	_ =	sdelay $0x1  }
0x3b4: {  	v0 =	vsub.f32 $0.0e+00, v0;
	_ =	sdelay $0x1  }
0x3b5: {  	v0 =	vmul.f32 $1.442695020e+00, v0  }
0x3b6: {  	v1 =	vsub.f32 $0.0e+00, v1  }
0x3b7: {  	s26 =	simm.s32 $0x20;
	(erf) = vpow2.f32 v0  }
0x3b8: {  	v0 =	vmul.f32 $1.442695020e+00, v1;
	v1 =	vld [tilespmem:s26+$0x0];
	_ =	sdelay $0x1  }
0x3b9: {  	(erf) = vpow2.f32 v0  }
0x3ba: {  	s28 =	simm.s32 $0x30  }
0x3bb: {  	v0 =	vld [tilespmem:s28+$0x0]  }
0x3bc: {  	v1 =	vsub.f32 $0.0e+00, v1;
	_ =	sdelay $0x1  }
0x3bd: {  	v1 =	vmul.f32 $1.442695020e+00, v1  }
0x3be: {  	v2 =	vpop (erf)  }
0x3bf: {  	v0 =	vsub.f32 $0.0e+00, v0;
	v2 =	vadd.f32 $1.000000000e+00, v2  }
0x3c0: {  	(erf) = vpow2.f32 v1  }
0x3c1: {  	v0 =	vmul.f32 $1.442695020e+00, v0;
	v1 =	vpop (erf);
	(erf) = vrcp.f32 v2  }
0x3c2: {  	s29 =	simm.s32 $0x40;
	v1 =	vadd.f32 $1.000000000e+00, v1  }
0x3c3: {  	(erf) = vpow2.f32 v0;
	v0 =	vld [tilespmem:s29+$0x0]  }
0x3c4: {  	(erf) = vrcp.f32 v1;
	_ =	sdelay $0x2  }
0x3c5: {  	s30 =	simm.s32 $0x140  }
.LBB2_36:
0x3c6: {  	s31 =	sshra.s32 s30, $0x2;
	v1 =	vsub.f32 $0.0e+00, v0;
	p0 =	sne.s32 s30, $0xC7C0  }
.Ltmp17:
0x3c7: {  	s30 =	sadd.s32 $0x40, s30;
	v0 =	vld [tilespmem:s31+$0x0];
	v2 =	vpop (erf);
	(pc) =	sbr.rel @p0 .LBB2_36-.Ltmp17, $4  }
0x3c8: {  	v1 =	vmul.f32 $1.442695020e+00, v1;
	v3 =	vpop (erf)  }
0x3c9: {  	v2 =	vadd.f32 $1.000000000e+00, v2;
	[tilespmem:s24+$0x3200] =	vst v3;
	s24 =	smov.u32 s25;
	s25 =	smov.u32 s26;
	s26 =	smov.u32 s28  }
0x3ca: {  	s28 =	smov.u32 s29;
	s29 =	smov.u32 s31;
	(erf) = vpow2.f32 v1  }
0x3cb: {  	(erf) = vrcp.f32 v2  }
0x3cc: {  	v0 =	vsub.f32 $0.0e+00, v0;
	_ =	sdelay $0x1  }
0x3cd: {  	v0 =	vmul.f32 $1.442695020e+00, v0;
	_ =	sdelay $0x1  }
0x3ce: {  	(erf) = vpow2.f32 v0;
	_ =	sdelay $0x4  }
0x3cf: {  	v0 =	vpop (erf)  }
0x3d0: {  	v1 =	vpop (erf)  }
0x3d1: {  	v2 =	vpop (erf)  }
0x3d2: {  	v0 =	vadd.f32 $1.000000000e+00, v0;
	v3 =	vpop (erf)  }
0x3d3: {  	v2 =	vadd.f32 $1.000000000e+00, v2;
	v4 =	vpop (erf)  }
0x3d4: {  	(erf) = vrcp.f32 v0;
	v0 =	vadd.f32 $1.000000000e+00, v4  }
0x3d5: {  	(erf) = vrcp.f32 v2  }
0x3d6: {  	(erf) = vrcp.f32 v0;
	_ =	sdelay $0x5  }
0x3d7: {  	[tilespmem:s24+$0x3200] =	vst v1  }
0x3d8: {  	[tilespmem:s25+$0x3200] =	vst v3;
	v0 =	vpop (erf)  }
0x3d9: {  	[tilespmem:s26+$0x3200] =	vst v0;
	s26 =	sld [smem:$0x7E3];
	v0 =	vpop (erf)  }
0x3da: {  	[tilespmem:s28+$0x3200] =	vst v0;
	v0 =	vpop (erf)  }
0x3db: {  	s24 =	simm.s32 $0x0;
	[tilespmem:s29+$0x3200] =	vst v0  }
0x3dc: {  	[hbm4b:s26+s24] =	stream.linear.scatter [tilespmem:s22], [sflag:$0x1], $0x3200, $0x38;
	[tilespmem:$0x6400] =	vst v63  }
0x3dd: {  	_ =	swait.ge [sflag:s21], $0x3200  }
0x3de: {  	s31 =	sld [smem:$0x7E4]  }
0x3df: {  	[sflag:s21] =	ssyncset.done $0x0  }
0x3e0: {  	[sflag:s21] =	ssyncadd.s32 $0xFFFFCE00  }
0x3e1: {  	[tilespmem:s24], [sflag:$0x1] =	stream.linear.gather [hbm4b:s31+s24], $0x3200, $0x38;
	[tilespmem:$0x6400] =	vst v63  }
0x3e2: {  	_ =	swait.ge [sflag:s21], $0x3200  }
0x3e3: {  	[sflag:s21] =	ssyncset.done $0x0  }
0x3e4: {  	s24 =	simm.s32 $0x0;
	[sflag:s21] =	ssyncadd.s32 $0xFFFFCE00  }
0x3e5: {  	v0 =	vld [tilespmem:s24+$0x0];
	_ =	sdelay $0x1  }
0x3e6: {  	s25 =	simm.s32 $0x10  }
0x3e7: {  	v1 =	vld [tilespmem:s25+$0x0];
	_ =	sdelay $0x1  }
0x3e8: {  	v0 =	vsub.f32 $0.0e+00, v0;
	_ =	sdelay $0x1  }
0x3e9: {  	v0 =	vmul.f32 $1.442695020e+00, v0  }
0x3ea: {  	v1 =	vsub.f32 $0.0e+00, v1  }
0x3eb: {  	s26 =	simm.s32 $0x20;
	(erf) = vpow2.f32 v0  }
0x3ec: {  	v0 =	vmul.f32 $1.442695020e+00, v1;
	v1 =	vld [tilespmem:s26+$0x0];
	_ =	sdelay $0x1  }
0x3ed: {  	(erf) = vpow2.f32 v0  }
0x3ee: {  	s28 =	simm.s32 $0x30  }
0x3ef: {  	v0 =	vld [tilespmem:s28+$0x0]  }
0x3f0: {  	v1 =	vsub.f32 $0.0e+00, v1;
	_ =	sdelay $0x1  }
0x3f1: {  	v1 =	vmul.f32 $1.442695020e+00, v1  }
0x3f2: {  	v2 =	vpop (erf)  }
0x3f3: {  	v0 =	vsub.f32 $0.0e+00, v0;
	v2 =	vadd.f32 $1.000000000e+00, v2  }
0x3f4: {  	(erf) = vpow2.f32 v1  }
0x3f5: {  	v0 =	vmul.f32 $1.442695020e+00, v0;
	v1 =	vpop (erf);
	(erf) = vrcp.f32 v2  }
0x3f6: {  	s29 =	simm.s32 $0x40;
	v1 =	vadd.f32 $1.000000000e+00, v1  }
0x3f7: {  	(erf) = vpow2.f32 v0;
	v0 =	vld [tilespmem:s29+$0x0]  }
0x3f8: {  	(erf) = vrcp.f32 v1;
	_ =	sdelay $0x2  }
0x3f9: {  	s30 =	simm.s32 $0x140  }
.LBB2_38:
0x3fa: {  	s31 =	sshra.s32 s30, $0x2;
	v1 =	vsub.f32 $0.0e+00, v0;
	p0 =	sne.s32 s30, $0xC7C0  }
.Ltmp18:
0x3fb: {  	s30 =	sadd.s32 $0x40, s30;
	v0 =	vld [tilespmem:s31+$0x0];
	v2 =	vpop (erf);
	(pc) =	sbr.rel @p0 .LBB2_38-.Ltmp18, $4  }
0x3fc: {  	v1 =	vmul.f32 $1.442695020e+00, v1;
	v3 =	vpop (erf)  }
0x3fd: {  	v2 =	vadd.f32 $1.000000000e+00, v2;
	[tilespmem:s24+$0x3200] =	vst v3;
	s24 =	smov.u32 s25;
	s25 =	smov.u32 s26;
	s26 =	smov.u32 s28  }
0x3fe: {  	s28 =	smov.u32 s29;
	s29 =	smov.u32 s31;
	(erf) = vpow2.f32 v1  }
0x3ff: {  	(erf) = vrcp.f32 v2  }
0x400: {  	v0 =	vsub.f32 $0.0e+00, v0;
	_ =	sdelay $0x1  }
0x401: {  	v0 =	vmul.f32 $1.442695020e+00, v0;
	_ =	sdelay $0x1  }
0x402: {  	(erf) = vpow2.f32 v0;
	_ =	sdelay $0x4  }
0x403: {  	v0 =	vpop (erf)  }
0x404: {  	v1 =	vpop (erf)  }
0x405: {  	v2 =	vpop (erf)  }
0x406: {  	v0 =	vadd.f32 $1.000000000e+00, v0;
	v3 =	vpop (erf)  }
0x407: {  	v2 =	vadd.f32 $1.000000000e+00, v2;
	v4 =	vpop (erf)  }
0x408: {  	(erf) = vrcp.f32 v0;
	v0 =	vadd.f32 $1.000000000e+00, v4  }
0x409: {  	(erf) = vrcp.f32 v2  }
0x40a: {  	(erf) = vrcp.f32 v0;
	_ =	sdelay $0x5  }
0x40b: {  	[tilespmem:s24+$0x3200] =	vst v1  }
0x40c: {  	[tilespmem:s25+$0x3200] =	vst v3;
	v0 =	vpop (erf)  }
0x40d: {  	[tilespmem:s26+$0x3200] =	vst v0;
	s26 =	sld [smem:$0x7E5];
	v0 =	vpop (erf)  }
0x40e: {  	[tilespmem:s28+$0x3200] =	vst v0;
	v0 =	vpop (erf)  }
0x40f: {  	s24 =	simm.s32 $0x0;
	[tilespmem:s29+$0x3200] =	vst v0  }
0x410: {  	[hbm4b:s26+s24] =	stream.linear.scatter [tilespmem:s22], [sflag:$0x1], $0x3200, $0x38;
	[tilespmem:$0x6400] =	vst v63  }
0x411: {  	_ =	swait.ge [sflag:s21], $0x3200  }
0x412: {  	s31 =	sld [smem:$0x7E6]  }
0x413: {  	[sflag:s21] =	ssyncset.done $0x0  }
0x414: {  	[sflag:s21] =	ssyncadd.s32 $0xFFFFCE00  }
0x415: {  	[tilespmem:s24], [sflag:$0x1] =	stream.linear.gather [hbm4b:s31+s24], $0x3200, $0x38;
	[tilespmem:$0x6400] =	vst v63  }
0x416: {  	_ =	swait.ge [sflag:s21], $0x3200  }
0x417: {  	[sflag:s21] =	ssyncset.done $0x0  }
0x418: {  	s24 =	simm.s32 $0x0;
	[sflag:s21] =	ssyncadd.s32 $0xFFFFCE00  }
0x419: {  	v0 =	vld [tilespmem:s24+$0x0];
	_ =	sdelay $0x1  }
0x41a: {  	s25 =	simm.s32 $0x10  }
0x41b: {  	v1 =	vld [tilespmem:s25+$0x0];
	_ =	sdelay $0x1  }
0x41c: {  	v0 =	vsub.f32 $0.0e+00, v0;
	_ =	sdelay $0x1  }
0x41d: {  	v0 =	vmul.f32 $1.442695020e+00, v0  }
0x41e: {  	v1 =	vsub.f32 $0.0e+00, v1  }
0x41f: {  	s26 =	simm.s32 $0x20;
	(erf) = vpow2.f32 v0  }
0x420: {  	v0 =	vmul.f32 $1.442695020e+00, v1;
	v1 =	vld [tilespmem:s26+$0x0];
	_ =	sdelay $0x1  }
0x421: {  	(erf) = vpow2.f32 v0  }
0x422: {  	s28 =	simm.s32 $0x30  }
0x423: {  	v0 =	vld [tilespmem:s28+$0x0]  }
0x424: {  	v1 =	vsub.f32 $0.0e+00, v1;
	_ =	sdelay $0x1  }
0x425: {  	v1 =	vmul.f32 $1.442695020e+00, v1  }
0x426: {  	v2 =	vpop (erf)  }
0x427: {  	v0 =	vsub.f32 $0.0e+00, v0;
	v2 =	vadd.f32 $1.000000000e+00, v2  }
0x428: {  	(erf) = vpow2.f32 v1  }
0x429: {  	v0 =	vmul.f32 $1.442695020e+00, v0;
	v1 =	vpop (erf);
	(erf) = vrcp.f32 v2  }
0x42a: {  	s29 =	simm.s32 $0x40;
	v1 =	vadd.f32 $1.000000000e+00, v1  }
0x42b: {  	(erf) = vpow2.f32 v0;
	v0 =	vld [tilespmem:s29+$0x0]  }
0x42c: {  	(erf) = vrcp.f32 v1;
	_ =	sdelay $0x2  }
0x42d: {  	s30 =	simm.s32 $0x140  }
.LBB2_40:
0x42e: {  	s31 =	sshra.s32 s30, $0x2;
	v1 =	vsub.f32 $0.0e+00, v0;
	p0 =	sne.s32 s30, $0xC7C0  }
.Ltmp19:
0x42f: {  	s30 =	sadd.s32 $0x40, s30;
	v0 =	vld [tilespmem:s31+$0x0];
	v2 =	vpop (erf);
	(pc) =	sbr.rel @p0 .LBB2_40-.Ltmp19, $4  }
0x430: {  	v1 =	vmul.f32 $1.442695020e+00, v1;
	v3 =	vpop (erf)  }
0x431: {  	v2 =	vadd.f32 $1.000000000e+00, v2;
	[tilespmem:s24+$0x3200] =	vst v3;
	s24 =	smov.u32 s25;
	s25 =	smov.u32 s26;
	s26 =	smov.u32 s28  }
0x432: {  	s28 =	smov.u32 s29;
	s29 =	smov.u32 s31;
	(erf) = vpow2.f32 v1  }
0x433: {  	(erf) = vrcp.f32 v2  }
0x434: {  	v0 =	vsub.f32 $0.0e+00, v0;
	_ =	sdelay $0x1  }
0x435: {  	v0 =	vmul.f32 $1.442695020e+00, v0;
	_ =	sdelay $0x1  }
0x436: {  	(erf) = vpow2.f32 v0;
	_ =	sdelay $0x4  }
0x437: {  	v0 =	vpop (erf)  }
0x438: {  	v1 =	vpop (erf)  }
0x439: {  	v2 =	vpop (erf)  }
0x43a: {  	v0 =	vadd.f32 $1.000000000e+00, v0;
	v3 =	vpop (erf)  }
0x43b: {  	v2 =	vadd.f32 $1.000000000e+00, v2;
	v4 =	vpop (erf)  }
0x43c: {  	(erf) = vrcp.f32 v0;
	v0 =	vadd.f32 $1.000000000e+00, v4  }
0x43d: {  	(erf) = vrcp.f32 v2  }
0x43e: {  	(erf) = vrcp.f32 v0;
	_ =	sdelay $0x5  }
0x43f: {  	[tilespmem:s24+$0x3200] =	vst v1  }
0x440: {  	[tilespmem:s25+$0x3200] =	vst v3;
	v0 =	vpop (erf)  }
0x441: {  	[tilespmem:s26+$0x3200] =	vst v0;
	s26 =	sld [smem:$0x7E7];
	v0 =	vpop (erf)  }
0x442: {  	[tilespmem:s28+$0x3200] =	vst v0;
	v0 =	vpop (erf)  }
0x443: {  	s24 =	simm.s32 $0x0;
	[tilespmem:s29+$0x3200] =	vst v0  }
0x444: {  	[hbm4b:s26+s24] =	stream.linear.scatter [tilespmem:s22], [sflag:$0x1], $0x3200, $0x38;
	[tilespmem:$0x6400] =	vst v63  }
0x445: {  	_ =	swait.ge [sflag:s21], $0x3200  }
0x446: {  	s31 =	sld [smem:$0x7E8]  }
0x447: {  	[sflag:s21] =	ssyncset.done $0x0  }
0x448: {  	[sflag:s21] =	ssyncadd.s32 $0xFFFFCE00  }
0x449: {  	[tilespmem:s24], [sflag:$0x1] =	stream.linear.gather [hbm4b:s31+s24], $0x3200, $0x38;
	[tilespmem:$0x6400] =	vst v63  }
0x44a: {  	_ =	swait.ge [sflag:s21], $0x3200  }
0x44b: {  	[sflag:s21] =	ssyncset.done $0x0  }
0x44c: {  	s24 =	simm.s32 $0x0;
	[sflag:s21] =	ssyncadd.s32 $0xFFFFCE00  }
0x44d: {  	v0 =	vld [tilespmem:s24+$0x0];
	_ =	sdelay $0x1  }
0x44e: {  	s25 =	simm.s32 $0x10  }
0x44f: {  	v1 =	vld [tilespmem:s25+$0x0];
	_ =	sdelay $0x1  }
0x450: {  	v0 =	vsub.f32 $0.0e+00, v0;
	_ =	sdelay $0x1  }
0x451: {  	v0 =	vmul.f32 $1.442695020e+00, v0  }
0x452: {  	v1 =	vsub.f32 $0.0e+00, v1  }
0x453: {  	s26 =	simm.s32 $0x20;
	(erf) = vpow2.f32 v0  }
0x454: {  	v0 =	vmul.f32 $1.442695020e+00, v1;
	v1 =	vld [tilespmem:s26+$0x0];
	_ =	sdelay $0x1  }
0x455: {  	(erf) = vpow2.f32 v0  }
0x456: {  	s28 =	simm.s32 $0x30  }
0x457: {  	v0 =	vld [tilespmem:s28+$0x0]  }
0x458: {  	v1 =	vsub.f32 $0.0e+00, v1;
	_ =	sdelay $0x1  }
0x459: {  	v1 =	vmul.f32 $1.442695020e+00, v1  }
0x45a: {  	v2 =	vpop (erf)  }
0x45b: {  	v0 =	vsub.f32 $0.0e+00, v0;
	v2 =	vadd.f32 $1.000000000e+00, v2  }
0x45c: {  	(erf) = vpow2.f32 v1  }
0x45d: {  	v0 =	vmul.f32 $1.442695020e+00, v0;
	v1 =	vpop (erf);
	(erf) = vrcp.f32 v2  }
0x45e: {  	s29 =	simm.s32 $0x40;
	v1 =	vadd.f32 $1.000000000e+00, v1  }
0x45f: {  	(erf) = vpow2.f32 v0;
	v0 =	vld [tilespmem:s29+$0x0]  }
0x460: {  	(erf) = vrcp.f32 v1;
	_ =	sdelay $0x2  }
0x461: {  	s30 =	simm.s32 $0x140  }
.LBB2_42:
0x462: {  	s31 =	sshra.s32 s30, $0x2;
	v1 =	vsub.f32 $0.0e+00, v0;
	p0 =	sne.s32 s30, $0xC7C0  }
.Ltmp20:
0x463: {  	s30 =	sadd.s32 $0x40, s30;
	v0 =	vld [tilespmem:s31+$0x0];
	v2 =	vpop (erf);
	(pc) =	sbr.rel @p0 .LBB2_42-.Ltmp20, $4  }
0x464: {  	v1 =	vmul.f32 $1.442695020e+00, v1;
	v3 =	vpop (erf)  }
0x465: {  	v2 =	vadd.f32 $1.000000000e+00, v2;
	[tilespmem:s24+$0x3200] =	vst v3;
	s24 =	smov.u32 s25;
	s25 =	smov.u32 s26;
	s26 =	smov.u32 s28  }
0x466: {  	s28 =	smov.u32 s29;
	s29 =	smov.u32 s31;
	(erf) = vpow2.f32 v1  }
0x467: {  	(erf) = vrcp.f32 v2  }
0x468: {  	v0 =	vsub.f32 $0.0e+00, v0;
	_ =	sdelay $0x1  }
0x469: {  	v0 =	vmul.f32 $1.442695020e+00, v0;
	_ =	sdelay $0x1  }
0x46a: {  	(erf) = vpow2.f32 v0;
	_ =	sdelay $0x4  }
0x46b: {  	v0 =	vpop (erf)  }
0x46c: {  	v1 =	vpop (erf)  }
0x46d: {  	v2 =	vpop (erf)  }
0x46e: {  	v0 =	vadd.f32 $1.000000000e+00, v0;
	v3 =	vpop (erf)  }
0x46f: {  	v2 =	vadd.f32 $1.000000000e+00, v2;
	v4 =	vpop (erf)  }
0x470: {  	(erf) = vrcp.f32 v0;
	v0 =	vadd.f32 $1.000000000e+00, v4  }
0x471: {  	(erf) = vrcp.f32 v2  }
0x472: {  	(erf) = vrcp.f32 v0;
	_ =	sdelay $0x5  }
0x473: {  	[tilespmem:s24+$0x3200] =	vst v1  }
0x474: {  	[tilespmem:s25+$0x3200] =	vst v3;
	v0 =	vpop (erf)  }
0x475: {  	[tilespmem:s26+$0x3200] =	vst v0;
	s26 =	sld [smem:$0x7E9];
	v0 =	vpop (erf)  }
0x476: {  	[tilespmem:s28+$0x3200] =	vst v0;
	v0 =	vpop (erf)  }
0x477: {  	s24 =	simm.s32 $0x0;
	[tilespmem:s29+$0x3200] =	vst v0  }
0x478: {  	[hbm4b:s26+s24] =	stream.linear.scatter [tilespmem:s22], [sflag:$0x1], $0x3200, $0x38;
	[tilespmem:$0x6400] =	vst v63  }
0x479: {  	_ =	swait.ge [sflag:s21], $0x3200  }
0x47a: {  	s31 =	sld [smem:$0x7EA]  }
0x47b: {  	[sflag:s21] =	ssyncset.done $0x0  }
0x47c: {  	[sflag:s21] =	ssyncadd.s32 $0xFFFFCE00  }
0x47d: {  	[tilespmem:s24], [sflag:$0x1] =	stream.linear.gather [hbm4b:s31+s24], $0x3200, $0x38;
	[tilespmem:$0x6400] =	vst v63  }
0x47e: {  	_ =	swait.ge [sflag:s21], $0x3200  }
0x47f: {  	[sflag:s21] =	ssyncset.done $0x0  }
0x480: {  	s24 =	simm.s32 $0x0;
	[sflag:s21] =	ssyncadd.s32 $0xFFFFCE00  }
0x481: {  	v0 =	vld [tilespmem:s24+$0x0];
	_ =	sdelay $0x1  }
0x482: {  	s25 =	simm.s32 $0x10  }
0x483: {  	v1 =	vld [tilespmem:s25+$0x0];
	_ =	sdelay $0x1  }
0x484: {  	v0 =	vsub.f32 $0.0e+00, v0;
	_ =	sdelay $0x1  }
0x485: {  	v0 =	vmul.f32 $1.442695020e+00, v0  }
0x486: {  	v1 =	vsub.f32 $0.0e+00, v1  }
0x487: {  	s26 =	simm.s32 $0x20;
	(erf) = vpow2.f32 v0  }
0x488: {  	v0 =	vmul.f32 $1.442695020e+00, v1;
	v1 =	vld [tilespmem:s26+$0x0];
	_ =	sdelay $0x1  }
0x489: {  	(erf) = vpow2.f32 v0  }
0x48a: {  	s28 =	simm.s32 $0x30  }
0x48b: {  	v0 =	vld [tilespmem:s28+$0x0]  }
0x48c: {  	v1 =	vsub.f32 $0.0e+00, v1;
	_ =	sdelay $0x1  }
0x48d: {  	v1 =	vmul.f32 $1.442695020e+00, v1  }
0x48e: {  	v2 =	vpop (erf)  }
0x48f: {  	v0 =	vsub.f32 $0.0e+00, v0;
	v2 =	vadd.f32 $1.000000000e+00, v2  }
0x490: {  	(erf) = vpow2.f32 v1  }
0x491: {  	v0 =	vmul.f32 $1.442695020e+00, v0;
	v1 =	vpop (erf);
	(erf) = vrcp.f32 v2  }
0x492: {  	s29 =	simm.s32 $0x40;
	v1 =	vadd.f32 $1.000000000e+00, v1  }
0x493: {  	(erf) = vpow2.f32 v0;
	v0 =	vld [tilespmem:s29+$0x0]  }
0x494: {  	(erf) = vrcp.f32 v1;
	_ =	sdelay $0x2  }
0x495: {  	s30 =	simm.s32 $0x140  }
.LBB2_44:
0x496: {  	s31 =	sshra.s32 s30, $0x2;
	v1 =	vsub.f32 $0.0e+00, v0;
	p0 =	sne.s32 s30, $0xC7C0  }
.Ltmp21:
0x497: {  	s30 =	sadd.s32 $0x40, s30;
	v0 =	vld [tilespmem:s31+$0x0];
	v2 =	vpop (erf);
	(pc) =	sbr.rel @p0 .LBB2_44-.Ltmp21, $4  }
0x498: {  	v1 =	vmul.f32 $1.442695020e+00, v1;
	v3 =	vpop (erf)  }
0x499: {  	v2 =	vadd.f32 $1.000000000e+00, v2;
	[tilespmem:s24+$0x3200] =	vst v3;
	s24 =	smov.u32 s25;
	s25 =	smov.u32 s26;
	s26 =	smov.u32 s28  }
0x49a: {  	s28 =	smov.u32 s29;
	s29 =	smov.u32 s31;
	(erf) = vpow2.f32 v1  }
0x49b: {  	(erf) = vrcp.f32 v2  }
0x49c: {  	v0 =	vsub.f32 $0.0e+00, v0;
	_ =	sdelay $0x1  }
0x49d: {  	v0 =	vmul.f32 $1.442695020e+00, v0;
	_ =	sdelay $0x1  }
0x49e: {  	(erf) = vpow2.f32 v0;
	_ =	sdelay $0x4  }
0x49f: {  	v0 =	vpop (erf)  }
0x4a0: {  	v1 =	vpop (erf)  }
0x4a1: {  	v2 =	vpop (erf)  }
0x4a2: {  	v0 =	vadd.f32 $1.000000000e+00, v0;
	v3 =	vpop (erf)  }
0x4a3: {  	v2 =	vadd.f32 $1.000000000e+00, v2;
	v4 =	vpop (erf)  }
0x4a4: {  	(erf) = vrcp.f32 v0;
	v0 =	vadd.f32 $1.000000000e+00, v4  }
0x4a5: {  	(erf) = vrcp.f32 v2  }
0x4a6: {  	(erf) = vrcp.f32 v0;
	_ =	sdelay $0x5  }
0x4a7: {  	[tilespmem:s24+$0x3200] =	vst v1  }
0x4a8: {  	[tilespmem:s25+$0x3200] =	vst v3;
	v0 =	vpop (erf)  }
0x4a9: {  	[tilespmem:s26+$0x3200] =	vst v0;
	s26 =	sld [smem:$0x7EB];
	v0 =	vpop (erf)  }
0x4aa: {  	[tilespmem:s28+$0x3200] =	vst v0;
	v0 =	vpop (erf)  }
0x4ab: {  	s24 =	simm.s32 $0x0;
	[tilespmem:s29+$0x3200] =	vst v0  }
0x4ac: {  	[hbm4b:s26+s24] =	stream.linear.scatter [tilespmem:s22], [sflag:$0x1], $0x3200, $0x38;
	[tilespmem:$0x6400] =	vst v63  }
0x4ad: {  	_ =	swait.ge [sflag:s21], $0x3200  }
0x4ae: {  	s31 =	sld [smem:$0x7EC]  }
0x4af: {  	[sflag:s21] =	ssyncset.done $0x0  }
0x4b0: {  	[sflag:s21] =	ssyncadd.s32 $0xFFFFCE00  }
0x4b1: {  	[tilespmem:s24], [sflag:$0x1] =	stream.linear.gather [hbm4b:s31+s24], $0x3200, $0x38;
	[tilespmem:$0x6400] =	vst v63  }
0x4b2: {  	_ =	swait.ge [sflag:s21], $0x3200  }
0x4b3: {  	[sflag:s21] =	ssyncset.done $0x0  }
0x4b4: {  	s24 =	simm.s32 $0x0;
	[sflag:s21] =	ssyncadd.s32 $0xFFFFCE00  }
0x4b5: {  	v0 =	vld [tilespmem:s24+$0x0];
	_ =	sdelay $0x1  }
0x4b6: {  	s25 =	simm.s32 $0x10  }
0x4b7: {  	v1 =	vld [tilespmem:s25+$0x0];
	_ =	sdelay $0x1  }
0x4b8: {  	v0 =	vsub.f32 $0.0e+00, v0;
	_ =	sdelay $0x1  }
0x4b9: {  	v0 =	vmul.f32 $1.442695020e+00, v0  }
0x4ba: {  	v1 =	vsub.f32 $0.0e+00, v1  }
0x4bb: {  	s26 =	simm.s32 $0x20;
	(erf) = vpow2.f32 v0  }
0x4bc: {  	v0 =	vmul.f32 $1.442695020e+00, v1;
	v1 =	vld [tilespmem:s26+$0x0];
	_ =	sdelay $0x1  }
0x4bd: {  	(erf) = vpow2.f32 v0  }
0x4be: {  	s28 =	simm.s32 $0x30  }
0x4bf: {  	v0 =	vld [tilespmem:s28+$0x0]  }
0x4c0: {  	v1 =	vsub.f32 $0.0e+00, v1;
	_ =	sdelay $0x1  }
0x4c1: {  	v1 =	vmul.f32 $1.442695020e+00, v1  }
0x4c2: {  	v2 =	vpop (erf)  }
0x4c3: {  	v0 =	vsub.f32 $0.0e+00, v0;
	v2 =	vadd.f32 $1.000000000e+00, v2  }
0x4c4: {  	(erf) = vpow2.f32 v1  }
0x4c5: {  	v0 =	vmul.f32 $1.442695020e+00, v0;
	v1 =	vpop (erf);
	(erf) = vrcp.f32 v2  }
0x4c6: {  	s29 =	simm.s32 $0x40;
	v1 =	vadd.f32 $1.000000000e+00, v1  }
0x4c7: {  	(erf) = vpow2.f32 v0;
	v0 =	vld [tilespmem:s29+$0x0]  }
0x4c8: {  	(erf) = vrcp.f32 v1;
	_ =	sdelay $0x2  }
0x4c9: {  	s30 =	simm.s32 $0x140  }
.LBB2_46:
0x4ca: {  	s31 =	sshra.s32 s30, $0x2;
	v1 =	vsub.f32 $0.0e+00, v0;
	p0 =	sne.s32 s30, $0xC7C0  }
.Ltmp22:
0x4cb: {  	s30 =	sadd.s32 $0x40, s30;
	v0 =	vld [tilespmem:s31+$0x0];
	v2 =	vpop (erf);
	(pc) =	sbr.rel @p0 .LBB2_46-.Ltmp22, $4  }
0x4cc: {  	v1 =	vmul.f32 $1.442695020e+00, v1;
	v3 =	vpop (erf)  }
0x4cd: {  	v2 =	vadd.f32 $1.000000000e+00, v2;
	[tilespmem:s24+$0x3200] =	vst v3;
	s24 =	smov.u32 s25;
	s25 =	smov.u32 s26;
	s26 =	smov.u32 s28  }
0x4ce: {  	s28 =	smov.u32 s29;
	s29 =	smov.u32 s31;
	(erf) = vpow2.f32 v1  }
0x4cf: {  	(erf) = vrcp.f32 v2  }
0x4d0: {  	v0 =	vsub.f32 $0.0e+00, v0;
	_ =	sdelay $0x1  }
0x4d1: {  	v0 =	vmul.f32 $1.442695020e+00, v0;
	_ =	sdelay $0x1  }
0x4d2: {  	(erf) = vpow2.f32 v0;
	_ =	sdelay $0x4  }
0x4d3: {  	v0 =	vpop (erf)  }
0x4d4: {  	v1 =	vpop (erf)  }
0x4d5: {  	v2 =	vpop (erf)  }
0x4d6: {  	v0 =	vadd.f32 $1.000000000e+00, v0;
	v3 =	vpop (erf)  }
0x4d7: {  	v2 =	vadd.f32 $1.000000000e+00, v2;
	v4 =	vpop (erf)  }
0x4d8: {  	(erf) = vrcp.f32 v0;
	v0 =	vadd.f32 $1.000000000e+00, v4  }
0x4d9: {  	(erf) = vrcp.f32 v2  }
0x4da: {  	(erf) = vrcp.f32 v0;
	_ =	sdelay $0x5  }
0x4db: {  	[tilespmem:s24+$0x3200] =	vst v1  }
0x4dc: {  	[tilespmem:s25+$0x3200] =	vst v3;
	v0 =	vpop (erf)  }
0x4dd: {  	[tilespmem:s26+$0x3200] =	vst v0;
	s26 =	sld [smem:$0x7ED];
	v0 =	vpop (erf)  }
0x4de: {  	[tilespmem:s28+$0x3200] =	vst v0;
	v0 =	vpop (erf)  }
0x4df: {  	s24 =	simm.s32 $0x0;
	[tilespmem:s29+$0x3200] =	vst v0  }
0x4e0: {  	[hbm4b:s26+s24] =	stream.linear.scatter [tilespmem:s22], [sflag:$0x1], $0x3200, $0x38;
	[tilespmem:$0x6400] =	vst v63  }
0x4e1: {  	_ =	swait.ge [sflag:s21], $0x3200  }
0x4e2: {  	s31 =	sld [smem:$0x7EE]  }
0x4e3: {  	[sflag:s21] =	ssyncset.done $0x0  }
0x4e4: {  	[sflag:s21] =	ssyncadd.s32 $0xFFFFCE00  }
0x4e5: {  	[tilespmem:s24], [sflag:$0x1] =	stream.linear.gather [hbm4b:s31+s24], $0x3200, $0x38;
	[tilespmem:$0x6400] =	vst v63  }
0x4e6: {  	_ =	swait.ge [sflag:s21], $0x3200  }
0x4e7: {  	[sflag:s21] =	ssyncset.done $0x0  }
0x4e8: {  	s24 =	simm.s32 $0x0;
	[sflag:s21] =	ssyncadd.s32 $0xFFFFCE00  }
0x4e9: {  	v0 =	vld [tilespmem:s24+$0x0];
	_ =	sdelay $0x1  }
0x4ea: {  	s25 =	simm.s32 $0x10  }
0x4eb: {  	v1 =	vld [tilespmem:s25+$0x0];
	_ =	sdelay $0x1  }
0x4ec: {  	v0 =	vsub.f32 $0.0e+00, v0;
	_ =	sdelay $0x1  }
0x4ed: {  	v0 =	vmul.f32 $1.442695020e+00, v0  }
0x4ee: {  	v1 =	vsub.f32 $0.0e+00, v1  }
0x4ef: {  	s26 =	simm.s32 $0x20;
	(erf) = vpow2.f32 v0  }
0x4f0: {  	v0 =	vmul.f32 $1.442695020e+00, v1;
	v1 =	vld [tilespmem:s26+$0x0];
	_ =	sdelay $0x1  }
0x4f1: {  	(erf) = vpow2.f32 v0  }
0x4f2: {  	s28 =	simm.s32 $0x30  }
0x4f3: {  	v0 =	vld [tilespmem:s28+$0x0]  }
0x4f4: {  	v1 =	vsub.f32 $0.0e+00, v1;
	_ =	sdelay $0x1  }
0x4f5: {  	v1 =	vmul.f32 $1.442695020e+00, v1  }
0x4f6: {  	v2 =	vpop (erf)  }
0x4f7: {  	v0 =	vsub.f32 $0.0e+00, v0;
	v2 =	vadd.f32 $1.000000000e+00, v2  }
0x4f8: {  	(erf) = vpow2.f32 v1  }
0x4f9: {  	v0 =	vmul.f32 $1.442695020e+00, v0;
	v1 =	vpop (erf);
	(erf) = vrcp.f32 v2  }
0x4fa: {  	s29 =	simm.s32 $0x40;
	v1 =	vadd.f32 $1.000000000e+00, v1  }
0x4fb: {  	(erf) = vpow2.f32 v0;
	v0 =	vld [tilespmem:s29+$0x0]  }
0x4fc: {  	(erf) = vrcp.f32 v1;
	_ =	sdelay $0x2  }
0x4fd: {  	s30 =	simm.s32 $0x140  }
.LBB2_48:
0x4fe: {  	s31 =	sshra.s32 s30, $0x2;
	v1 =	vsub.f32 $0.0e+00, v0;
	p0 =	sne.s32 s30, $0xC7C0  }
.Ltmp23:
0x4ff: {  	s30 =	sadd.s32 $0x40, s30;
	v0 =	vld [tilespmem:s31+$0x0];
	v2 =	vpop (erf);
	(pc) =	sbr.rel @p0 .LBB2_48-.Ltmp23, $4  }
0x500: {  	v1 =	vmul.f32 $1.442695020e+00, v1;
	v3 =	vpop (erf)  }
0x501: {  	v2 =	vadd.f32 $1.000000000e+00, v2;
	[tilespmem:s24+$0x3200] =	vst v3;
	s24 =	smov.u32 s25;
	s25 =	smov.u32 s26;
	s26 =	smov.u32 s28  }
0x502: {  	s28 =	smov.u32 s29;
	s29 =	smov.u32 s31;
	(erf) = vpow2.f32 v1  }
0x503: {  	(erf) = vrcp.f32 v2  }
0x504: {  	v0 =	vsub.f32 $0.0e+00, v0;
	_ =	sdelay $0x1  }
0x505: {  	v0 =	vmul.f32 $1.442695020e+00, v0;
	_ =	sdelay $0x1  }
0x506: {  	(erf) = vpow2.f32 v0;
	_ =	sdelay $0x4  }
0x507: {  	v0 =	vpop (erf)  }
0x508: {  	v1 =	vpop (erf)  }
0x509: {  	v2 =	vpop (erf)  }
0x50a: {  	v0 =	vadd.f32 $1.000000000e+00, v0;
	v3 =	vpop (erf)  }
0x50b: {  	v2 =	vadd.f32 $1.000000000e+00, v2;
	v4 =	vpop (erf)  }
0x50c: {  	(erf) = vrcp.f32 v0;
	v0 =	vadd.f32 $1.000000000e+00, v4  }
0x50d: {  	(erf) = vrcp.f32 v2  }
0x50e: {  	(erf) = vrcp.f32 v0;
	_ =	sdelay $0x5  }
0x50f: {  	[tilespmem:s24+$0x3200] =	vst v1  }
0x510: {  	[tilespmem:s25+$0x3200] =	vst v3;
	v0 =	vpop (erf)  }
0x511: {  	[tilespmem:s26+$0x3200] =	vst v0;
	s26 =	sld [smem:$0x7EF];
	v0 =	vpop (erf)  }
0x512: {  	[tilespmem:s28+$0x3200] =	vst v0;
	v0 =	vpop (erf)  }
0x513: {  	s24 =	simm.s32 $0x0;
	[tilespmem:s29+$0x3200] =	vst v0  }
0x514: {  	[hbm4b:s26+s24] =	stream.linear.scatter [tilespmem:s22], [sflag:$0x1], $0x3200, $0x38;
	[tilespmem:$0x6400] =	vst v63  }
0x515: {  	_ =	swait.ge [sflag:s21], $0x3200  }
0x516: {  	s31 =	sld [smem:$0x7F0]  }
0x517: {  	[sflag:s21] =	ssyncset.done $0x0  }
0x518: {  	[sflag:s21] =	ssyncadd.s32 $0xFFFFCE00  }
0x519: {  	[tilespmem:s24], [sflag:$0x1] =	stream.linear.gather [hbm4b:s31+s24], $0x3200, $0x38;
	[tilespmem:$0x6400] =	vst v63  }
0x51a: {  	_ =	swait.ge [sflag:s21], $0x3200  }
0x51b: {  	[sflag:s21] =	ssyncset.done $0x0  }
0x51c: {  	s24 =	simm.s32 $0x0;
	[sflag:s21] =	ssyncadd.s32 $0xFFFFCE00  }
0x51d: {  	v0 =	vld [tilespmem:s24+$0x0];
	_ =	sdelay $0x1  }
0x51e: {  	s25 =	simm.s32 $0x10  }
0x51f: {  	v1 =	vld [tilespmem:s25+$0x0];
	_ =	sdelay $0x1  }
0x520: {  	v0 =	vsub.f32 $0.0e+00, v0;
	_ =	sdelay $0x1  }
0x521: {  	v0 =	vmul.f32 $1.442695020e+00, v0  }
0x522: {  	v1 =	vsub.f32 $0.0e+00, v1  }
0x523: {  	s26 =	simm.s32 $0x20;
	(erf) = vpow2.f32 v0  }
0x524: {  	v0 =	vmul.f32 $1.442695020e+00, v1;
	v1 =	vld [tilespmem:s26+$0x0];
	_ =	sdelay $0x1  }
0x525: {  	(erf) = vpow2.f32 v0  }
0x526: {  	s28 =	simm.s32 $0x30  }
0x527: {  	v0 =	vld [tilespmem:s28+$0x0]  }
0x528: {  	v1 =	vsub.f32 $0.0e+00, v1;
	_ =	sdelay $0x1  }
0x529: {  	v1 =	vmul.f32 $1.442695020e+00, v1  }
0x52a: {  	v2 =	vpop (erf)  }
0x52b: {  	v0 =	vsub.f32 $0.0e+00, v0;
	v2 =	vadd.f32 $1.000000000e+00, v2  }
0x52c: {  	(erf) = vpow2.f32 v1  }
0x52d: {  	v0 =	vmul.f32 $1.442695020e+00, v0;
	v1 =	vpop (erf);
	(erf) = vrcp.f32 v2  }
0x52e: {  	s29 =	simm.s32 $0x40;
	v1 =	vadd.f32 $1.000000000e+00, v1  }
0x52f: {  	(erf) = vpow2.f32 v0;
	v0 =	vld [tilespmem:s29+$0x0]  }
0x530: {  	(erf) = vrcp.f32 v1;
	_ =	sdelay $0x2  }
0x531: {  	s30 =	simm.s32 $0x140  }
.LBB2_50:
0x532: {  	s31 =	sshra.s32 s30, $0x2;
	v1 =	vsub.f32 $0.0e+00, v0;
	p0 =	sne.s32 s30, $0xC7C0  }
.Ltmp24:
0x533: {  	s30 =	sadd.s32 $0x40, s30;
	v0 =	vld [tilespmem:s31+$0x0];
	v2 =	vpop (erf);
	(pc) =	sbr.rel @p0 .LBB2_50-.Ltmp24, $4  }
0x534: {  	v1 =	vmul.f32 $1.442695020e+00, v1;
	v3 =	vpop (erf)  }
0x535: {  	v2 =	vadd.f32 $1.000000000e+00, v2;
	[tilespmem:s24+$0x3200] =	vst v3;
	s24 =	smov.u32 s25;
	s25 =	smov.u32 s26;
	s26 =	smov.u32 s28  }
0x536: {  	s28 =	smov.u32 s29;
	s29 =	smov.u32 s31;
	(erf) = vpow2.f32 v1  }
0x537: {  	(erf) = vrcp.f32 v2  }
0x538: {  	v0 =	vsub.f32 $0.0e+00, v0;
	_ =	sdelay $0x1  }
0x539: {  	v0 =	vmul.f32 $1.442695020e+00, v0;
	_ =	sdelay $0x1  }
0x53a: {  	(erf) = vpow2.f32 v0;
	_ =	sdelay $0x4  }
0x53b: {  	v0 =	vpop (erf)  }
0x53c: {  	v1 =	vpop (erf)  }
0x53d: {  	v2 =	vpop (erf)  }
0x53e: {  	v0 =	vadd.f32 $1.000000000e+00, v0;
	v3 =	vpop (erf)  }
0x53f: {  	v2 =	vadd.f32 $1.000000000e+00, v2;
	v4 =	vpop (erf)  }
0x540: {  	(erf) = vrcp.f32 v0;
	v0 =	vadd.f32 $1.000000000e+00, v4  }
0x541: {  	(erf) = vrcp.f32 v2  }
0x542: {  	(erf) = vrcp.f32 v0;
	_ =	sdelay $0x5  }
0x543: {  	[tilespmem:s24+$0x3200] =	vst v1  }
0x544: {  	[tilespmem:s25+$0x3200] =	vst v3;
	v0 =	vpop (erf)  }
0x545: {  	[tilespmem:s26+$0x3200] =	vst v0;
	s26 =	sld [smem:$0x7F1];
	v0 =	vpop (erf)  }
0x546: {  	[tilespmem:s28+$0x3200] =	vst v0;
	v0 =	vpop (erf)  }
0x547: {  	s24 =	simm.s32 $0x0;
	[tilespmem:s29+$0x3200] =	vst v0  }
0x548: {  	[hbm4b:s26+s24] =	stream.linear.scatter [tilespmem:s22], [sflag:$0x1], $0x3200, $0x38;
	[tilespmem:$0x6400] =	vst v63  }
0x549: {  	_ =	swait.ge [sflag:s21], $0x3200  }
0x54a: {  	s31 =	sld [smem:$0x7F2]  }
0x54b: {  	[sflag:s21] =	ssyncset.done $0x0  }
0x54c: {  	[sflag:s21] =	ssyncadd.s32 $0xFFFFCE00  }
0x54d: {  	[tilespmem:s24], [sflag:$0x1] =	stream.linear.gather [hbm4b:s31+s24], $0x3200, $0x38;
	[tilespmem:$0x6400] =	vst v63  }
0x54e: {  	_ =	swait.ge [sflag:s21], $0x3200  }
0x54f: {  	[sflag:s21] =	ssyncset.done $0x0  }
0x550: {  	s24 =	simm.s32 $0x0;
	[sflag:s21] =	ssyncadd.s32 $0xFFFFCE00  }
0x551: {  	v0 =	vld [tilespmem:s24+$0x0];
	_ =	sdelay $0x1  }
0x552: {  	s25 =	simm.s32 $0x10  }
0x553: {  	v1 =	vld [tilespmem:s25+$0x0];
	_ =	sdelay $0x1  }
0x554: {  	v0 =	vsub.f32 $0.0e+00, v0;
	_ =	sdelay $0x1  }
0x555: {  	v0 =	vmul.f32 $1.442695020e+00, v0  }
0x556: {  	v1 =	vsub.f32 $0.0e+00, v1  }
0x557: {  	s26 =	simm.s32 $0x20;
	(erf) = vpow2.f32 v0  }
0x558: {  	v0 =	vmul.f32 $1.442695020e+00, v1;
	v1 =	vld [tilespmem:s26+$0x0];
	_ =	sdelay $0x1  }
0x559: {  	(erf) = vpow2.f32 v0  }
0x55a: {  	s28 =	simm.s32 $0x30  }
0x55b: {  	v0 =	vld [tilespmem:s28+$0x0]  }
0x55c: {  	v1 =	vsub.f32 $0.0e+00, v1;
	_ =	sdelay $0x1  }
0x55d: {  	v1 =	vmul.f32 $1.442695020e+00, v1  }
0x55e: {  	v2 =	vpop (erf)  }
0x55f: {  	v0 =	vsub.f32 $0.0e+00, v0;
	v2 =	vadd.f32 $1.000000000e+00, v2  }
0x560: {  	(erf) = vpow2.f32 v1  }
0x561: {  	v0 =	vmul.f32 $1.442695020e+00, v0;
	v1 =	vpop (erf);
	(erf) = vrcp.f32 v2  }
0x562: {  	s29 =	simm.s32 $0x40;
	v1 =	vadd.f32 $1.000000000e+00, v1  }
0x563: {  	(erf) = vpow2.f32 v0;
	v0 =	vld [tilespmem:s29+$0x0]  }
0x564: {  	(erf) = vrcp.f32 v1;
	_ =	sdelay $0x2  }
0x565: {  	s30 =	simm.s32 $0x140  }
.LBB2_52:
0x566: {  	s31 =	sshra.s32 s30, $0x2;
	v1 =	vsub.f32 $0.0e+00, v0;
	p0 =	sne.s32 s30, $0xC7C0  }
.Ltmp25:
0x567: {  	s30 =	sadd.s32 $0x40, s30;
	v0 =	vld [tilespmem:s31+$0x0];
	v2 =	vpop (erf);
	(pc) =	sbr.rel @p0 .LBB2_52-.Ltmp25, $4  }
0x568: {  	v1 =	vmul.f32 $1.442695020e+00, v1;
	v3 =	vpop (erf)  }
0x569: {  	v2 =	vadd.f32 $1.000000000e+00, v2;
	[tilespmem:s24+$0x3200] =	vst v3;
	s24 =	smov.u32 s25;
	s25 =	smov.u32 s26;
	s26 =	smov.u32 s28  }
0x56a: {  	s28 =	smov.u32 s29;
	s29 =	smov.u32 s31;
	(erf) = vpow2.f32 v1  }
0x56b: {  	(erf) = vrcp.f32 v2  }
0x56c: {  	v0 =	vsub.f32 $0.0e+00, v0;
	_ =	sdelay $0x1  }
0x56d: {  	v0 =	vmul.f32 $1.442695020e+00, v0;
	_ =	sdelay $0x1  }
0x56e: {  	(erf) = vpow2.f32 v0;
	_ =	sdelay $0x4  }
0x56f: {  	v0 =	vpop (erf)  }
0x570: {  	v1 =	vpop (erf)  }
0x571: {  	v2 =	vpop (erf)  }
0x572: {  	v0 =	vadd.f32 $1.000000000e+00, v0;
	v3 =	vpop (erf)  }
0x573: {  	v2 =	vadd.f32 $1.000000000e+00, v2;
	v4 =	vpop (erf)  }
0x574: {  	(erf) = vrcp.f32 v0;
	v0 =	vadd.f32 $1.000000000e+00, v4  }
0x575: {  	(erf) = vrcp.f32 v2  }
0x576: {  	(erf) = vrcp.f32 v0;
	_ =	sdelay $0x5  }
0x577: {  	[tilespmem:s24+$0x3200] =	vst v1  }
0x578: {  	[tilespmem:s25+$0x3200] =	vst v3;
	v0 =	vpop (erf)  }
0x579: {  	[tilespmem:s26+$0x3200] =	vst v0;
	s26 =	sld [smem:$0x7F3];
	v0 =	vpop (erf)  }
0x57a: {  	[tilespmem:s28+$0x3200] =	vst v0;
	v0 =	vpop (erf)  }
0x57b: {  	s24 =	simm.s32 $0x0;
	[tilespmem:s29+$0x3200] =	vst v0  }
0x57c: {  	[hbm4b:s26+s24] =	stream.linear.scatter [tilespmem:s22], [sflag:$0x1], $0x3200, $0x38;
	[tilespmem:$0x6400] =	vst v63  }
0x57d: {  	_ =	swait.ge [sflag:s21], $0x3200  }
0x57e: {  	s31 =	sld [smem:$0x7F4]  }
0x57f: {  	[sflag:s21] =	ssyncset.done $0x0  }
0x580: {  	[sflag:s21] =	ssyncadd.s32 $0xFFFFCE00  }
0x581: {  	[tilespmem:s24], [sflag:$0x1] =	stream.linear.gather [hbm4b:s31+s24], $0x3200, $0x38;
	[tilespmem:$0x6400] =	vst v63  }
0x582: {  	_ =	swait.ge [sflag:s21], $0x3200  }
0x583: {  	[sflag:s21] =	ssyncset.done $0x0  }
0x584: {  	s24 =	simm.s32 $0x0;
	[sflag:s21] =	ssyncadd.s32 $0xFFFFCE00  }
0x585: {  	v0 =	vld [tilespmem:s24+$0x0];
	_ =	sdelay $0x1  }
0x586: {  	s25 =	simm.s32 $0x10  }
0x587: {  	v1 =	vld [tilespmem:s25+$0x0];
	_ =	sdelay $0x1  }
0x588: {  	v0 =	vsub.f32 $0.0e+00, v0;
	_ =	sdelay $0x1  }
0x589: {  	v0 =	vmul.f32 $1.442695020e+00, v0  }
0x58a: {  	v1 =	vsub.f32 $0.0e+00, v1  }
0x58b: {  	s26 =	simm.s32 $0x20;
	(erf) = vpow2.f32 v0  }
0x58c: {  	v0 =	vmul.f32 $1.442695020e+00, v1;
	v1 =	vld [tilespmem:s26+$0x0];
	_ =	sdelay $0x1  }
0x58d: {  	(erf) = vpow2.f32 v0  }
0x58e: {  	s28 =	simm.s32 $0x30  }
0x58f: {  	v0 =	vld [tilespmem:s28+$0x0]  }
0x590: {  	v1 =	vsub.f32 $0.0e+00, v1;
	_ =	sdelay $0x1  }
0x591: {  	v1 =	vmul.f32 $1.442695020e+00, v1  }
0x592: {  	v2 =	vpop (erf)  }
0x593: {  	v0 =	vsub.f32 $0.0e+00, v0;
	v2 =	vadd.f32 $1.000000000e+00, v2  }
0x594: {  	(erf) = vpow2.f32 v1  }
0x595: {  	v0 =	vmul.f32 $1.442695020e+00, v0;
	v1 =	vpop (erf);
	(erf) = vrcp.f32 v2  }
0x596: {  	s29 =	simm.s32 $0x40;
	v1 =	vadd.f32 $1.000000000e+00, v1  }
0x597: {  	(erf) = vpow2.f32 v0;
	v0 =	vld [tilespmem:s29+$0x0]  }
0x598: {  	(erf) = vrcp.f32 v1;
	_ =	sdelay $0x2  }
0x599: {  	s30 =	simm.s32 $0x140  }
.LBB2_54:
0x59a: {  	s31 =	sshra.s32 s30, $0x2;
	v1 =	vsub.f32 $0.0e+00, v0;
	p0 =	sne.s32 s30, $0xC7C0  }
.Ltmp26:
0x59b: {  	s30 =	sadd.s32 $0x40, s30;
	v0 =	vld [tilespmem:s31+$0x0];
	v2 =	vpop (erf);
	(pc) =	sbr.rel @p0 .LBB2_54-.Ltmp26, $4  }
0x59c: {  	v1 =	vmul.f32 $1.442695020e+00, v1;
	v3 =	vpop (erf)  }
0x59d: {  	v2 =	vadd.f32 $1.000000000e+00, v2;
	[tilespmem:s24+$0x3200] =	vst v3;
	s24 =	smov.u32 s25;
	s25 =	smov.u32 s26;
	s26 =	smov.u32 s28  }
0x59e: {  	s28 =	smov.u32 s29;
	s29 =	smov.u32 s31;
	(erf) = vpow2.f32 v1  }
0x59f: {  	(erf) = vrcp.f32 v2  }
0x5a0: {  	v0 =	vsub.f32 $0.0e+00, v0;
	_ =	sdelay $0x1  }
0x5a1: {  	v0 =	vmul.f32 $1.442695020e+00, v0;
	_ =	sdelay $0x1  }
0x5a2: {  	(erf) = vpow2.f32 v0;
	_ =	sdelay $0x4  }
0x5a3: {  	v0 =	vpop (erf)  }
0x5a4: {  	v1 =	vpop (erf)  }
0x5a5: {  	v2 =	vpop (erf)  }
0x5a6: {  	v0 =	vadd.f32 $1.000000000e+00, v0;
	v3 =	vpop (erf)  }
0x5a7: {  	v2 =	vadd.f32 $1.000000000e+00, v2;
	v4 =	vpop (erf)  }
0x5a8: {  	(erf) = vrcp.f32 v0;
	v0 =	vadd.f32 $1.000000000e+00, v4  }
0x5a9: {  	(erf) = vrcp.f32 v2  }
0x5aa: {  	(erf) = vrcp.f32 v0;
	_ =	sdelay $0x5  }
0x5ab: {  	[tilespmem:s24+$0x3200] =	vst v1  }
0x5ac: {  	[tilespmem:s25+$0x3200] =	vst v3;
	v0 =	vpop (erf)  }
0x5ad: {  	[tilespmem:s26+$0x3200] =	vst v0;
	s26 =	sld [smem:$0x7F5];
	v0 =	vpop (erf)  }
0x5ae: {  	[tilespmem:s28+$0x3200] =	vst v0;
	v0 =	vpop (erf)  }
0x5af: {  	s24 =	simm.s32 $0x0;
	[tilespmem:s29+$0x3200] =	vst v0  }
0x5b0: {  	[hbm4b:s26+s24] =	stream.linear.scatter [tilespmem:s22], [sflag:$0x1], $0x3200, $0x38;
	[tilespmem:$0x6400] =	vst v63  }
0x5b1: {  	_ =	swait.ge [sflag:s21], $0x3200  }
0x5b2: {  	s31 =	sld [smem:$0x7F6]  }
0x5b3: {  	[sflag:s21] =	ssyncset.done $0x0  }
0x5b4: {  	[sflag:s21] =	ssyncadd.s32 $0xFFFFCE00  }
0x5b5: {  	[tilespmem:s24], [sflag:$0x1] =	stream.linear.gather [hbm4b:s31+s24], $0x3200, $0x38;
	[tilespmem:$0x6400] =	vst v63  }
0x5b6: {  	_ =	swait.ge [sflag:s21], $0x3200  }
0x5b7: {  	[sflag:s21] =	ssyncset.done $0x0  }
0x5b8: {  	s24 =	simm.s32 $0x0;
	[sflag:s21] =	ssyncadd.s32 $0xFFFFCE00  }
0x5b9: {  	v0 =	vld [tilespmem:s24+$0x0];
	_ =	sdelay $0x1  }
0x5ba: {  	s25 =	simm.s32 $0x10  }
0x5bb: {  	v1 =	vld [tilespmem:s25+$0x0];
	_ =	sdelay $0x1  }
0x5bc: {  	v0 =	vsub.f32 $0.0e+00, v0;
	_ =	sdelay $0x1  }
0x5bd: {  	v0 =	vmul.f32 $1.442695020e+00, v0  }
0x5be: {  	v1 =	vsub.f32 $0.0e+00, v1  }
0x5bf: {  	s26 =	simm.s32 $0x20;
	(erf) = vpow2.f32 v0  }
0x5c0: {  	v0 =	vmul.f32 $1.442695020e+00, v1;
	v1 =	vld [tilespmem:s26+$0x0];
	_ =	sdelay $0x1  }
0x5c1: {  	(erf) = vpow2.f32 v0  }
0x5c2: {  	s28 =	simm.s32 $0x30  }
0x5c3: {  	v0 =	vld [tilespmem:s28+$0x0]  }
0x5c4: {  	v1 =	vsub.f32 $0.0e+00, v1;
	_ =	sdelay $0x1  }
0x5c5: {  	v1 =	vmul.f32 $1.442695020e+00, v1  }
0x5c6: {  	v2 =	vpop (erf)  }
0x5c7: {  	v0 =	vsub.f32 $0.0e+00, v0;
	v2 =	vadd.f32 $1.000000000e+00, v2  }
0x5c8: {  	(erf) = vpow2.f32 v1  }
0x5c9: {  	v0 =	vmul.f32 $1.442695020e+00, v0;
	v1 =	vpop (erf);
	(erf) = vrcp.f32 v2  }
0x5ca: {  	s29 =	simm.s32 $0x40;
	v1 =	vadd.f32 $1.000000000e+00, v1  }
0x5cb: {  	(erf) = vpow2.f32 v0;
	v0 =	vld [tilespmem:s29+$0x0]  }
0x5cc: {  	(erf) = vrcp.f32 v1;
	_ =	sdelay $0x2  }
0x5cd: {  	s30 =	simm.s32 $0x140  }
.LBB2_56:
0x5ce: {  	s31 =	sshra.s32 s30, $0x2;
	v1 =	vsub.f32 $0.0e+00, v0;
	p0 =	sne.s32 s30, $0xC7C0  }
.Ltmp27:
0x5cf: {  	s30 =	sadd.s32 $0x40, s30;
	v0 =	vld [tilespmem:s31+$0x0];
	v2 =	vpop (erf);
	(pc) =	sbr.rel @p0 .LBB2_56-.Ltmp27, $4  }
0x5d0: {  	v1 =	vmul.f32 $1.442695020e+00, v1;
	v3 =	vpop (erf)  }
0x5d1: {  	v2 =	vadd.f32 $1.000000000e+00, v2;
	[tilespmem:s24+$0x3200] =	vst v3;
	s24 =	smov.u32 s25;
	s25 =	smov.u32 s26;
	s26 =	smov.u32 s28  }
0x5d2: {  	s28 =	smov.u32 s29;
	s29 =	smov.u32 s31;
	(erf) = vpow2.f32 v1  }
0x5d3: {  	(erf) = vrcp.f32 v2  }
0x5d4: {  	v0 =	vsub.f32 $0.0e+00, v0;
	_ =	sdelay $0x1  }
0x5d5: {  	v0 =	vmul.f32 $1.442695020e+00, v0;
	_ =	sdelay $0x1  }
0x5d6: {  	(erf) = vpow2.f32 v0;
	_ =	sdelay $0x4  }
0x5d7: {  	v0 =	vpop (erf)  }
0x5d8: {  	v1 =	vpop (erf)  }
0x5d9: {  	v2 =	vpop (erf)  }
0x5da: {  	v0 =	vadd.f32 $1.000000000e+00, v0;
	v3 =	vpop (erf)  }
0x5db: {  	v2 =	vadd.f32 $1.000000000e+00, v2;
	v4 =	vpop (erf)  }
0x5dc: {  	(erf) = vrcp.f32 v0;
	v0 =	vadd.f32 $1.000000000e+00, v4  }
0x5dd: {  	(erf) = vrcp.f32 v2  }
0x5de: {  	(erf) = vrcp.f32 v0;
	_ =	sdelay $0x5  }
0x5df: {  	[tilespmem:s24+$0x3200] =	vst v1  }
0x5e0: {  	[tilespmem:s25+$0x3200] =	vst v3;
	v0 =	vpop (erf)  }
0x5e1: {  	[tilespmem:s26+$0x3200] =	vst v0;
	s26 =	sld [smem:$0x7F7];
	v0 =	vpop (erf)  }
0x5e2: {  	[tilespmem:s28+$0x3200] =	vst v0;
	v0 =	vpop (erf)  }
0x5e3: {  	s24 =	simm.s32 $0x0;
	[tilespmem:s29+$0x3200] =	vst v0  }
0x5e4: {  	[hbm4b:s26+s24] =	stream.linear.scatter [tilespmem:s22], [sflag:$0x1], $0x3200, $0x38;
	[tilespmem:$0x6400] =	vst v63  }
0x5e5: {  	_ =	swait.ge [sflag:s21], $0x3200  }
0x5e6: {  	s31 =	sld [smem:$0x7F8]  }
0x5e7: {  	[sflag:s21] =	ssyncset.done $0x0  }
0x5e8: {  	[sflag:s21] =	ssyncadd.s32 $0xFFFFCE00  }
0x5e9: {  	[tilespmem:s24], [sflag:$0x1] =	stream.linear.gather [hbm4b:s31+s24], $0x3200, $0x38;
	[tilespmem:$0x6400] =	vst v63  }
0x5ea: {  	_ =	swait.ge [sflag:s21], $0x3200  }
0x5eb: {  	[sflag:s21] =	ssyncset.done $0x0  }
0x5ec: {  	s24 =	simm.s32 $0x0;
	[sflag:s21] =	ssyncadd.s32 $0xFFFFCE00  }
0x5ed: {  	v0 =	vld [tilespmem:s24+$0x0];
	_ =	sdelay $0x1  }
0x5ee: {  	s25 =	simm.s32 $0x10  }
0x5ef: {  	v1 =	vld [tilespmem:s25+$0x0];
	_ =	sdelay $0x1  }
0x5f0: {  	v0 =	vsub.f32 $0.0e+00, v0;
	_ =	sdelay $0x1  }
0x5f1: {  	v0 =	vmul.f32 $1.442695020e+00, v0  }
0x5f2: {  	v1 =	vsub.f32 $0.0e+00, v1  }
0x5f3: {  	s26 =	simm.s32 $0x20;
	(erf) = vpow2.f32 v0  }
0x5f4: {  	v0 =	vmul.f32 $1.442695020e+00, v1;
	v1 =	vld [tilespmem:s26+$0x0];
	_ =	sdelay $0x1  }
0x5f5: {  	(erf) = vpow2.f32 v0  }
0x5f6: {  	s28 =	simm.s32 $0x30  }
0x5f7: {  	v0 =	vld [tilespmem:s28+$0x0]  }
0x5f8: {  	v1 =	vsub.f32 $0.0e+00, v1;
	_ =	sdelay $0x1  }
0x5f9: {  	v1 =	vmul.f32 $1.442695020e+00, v1  }
0x5fa: {  	v2 =	vpop (erf)  }
0x5fb: {  	v0 =	vsub.f32 $0.0e+00, v0;
	v2 =	vadd.f32 $1.000000000e+00, v2  }
0x5fc: {  	(erf) = vpow2.f32 v1  }
0x5fd: {  	v0 =	vmul.f32 $1.442695020e+00, v0;
	v1 =	vpop (erf);
	(erf) = vrcp.f32 v2  }
0x5fe: {  	s29 =	simm.s32 $0x40;
	v1 =	vadd.f32 $1.000000000e+00, v1  }
0x5ff: {  	(erf) = vpow2.f32 v0;
	v0 =	vld [tilespmem:s29+$0x0]  }
0x600: {  	(erf) = vrcp.f32 v1;
	_ =	sdelay $0x2  }
0x601: {  	s30 =	simm.s32 $0x140  }
.LBB2_58:
0x602: {  	s31 =	sshra.s32 s30, $0x2;
	v1 =	vsub.f32 $0.0e+00, v0;
	p0 =	sne.s32 s30, $0xC7C0  }
.Ltmp28:
0x603: {  	s30 =	sadd.s32 $0x40, s30;
	v0 =	vld [tilespmem:s31+$0x0];
	v2 =	vpop (erf);
	(pc) =	sbr.rel @p0 .LBB2_58-.Ltmp28, $4  }
0x604: {  	v1 =	vmul.f32 $1.442695020e+00, v1;
	v3 =	vpop (erf)  }
0x605: {  	v2 =	vadd.f32 $1.000000000e+00, v2;
	[tilespmem:s24+$0x3200] =	vst v3;
	s24 =	smov.u32 s25;
	s25 =	smov.u32 s26;
	s26 =	smov.u32 s28  }
0x606: {  	s28 =	smov.u32 s29;
	s29 =	smov.u32 s31;
	(erf) = vpow2.f32 v1  }
0x607: {  	(erf) = vrcp.f32 v2  }
0x608: {  	v0 =	vsub.f32 $0.0e+00, v0;
	_ =	sdelay $0x1  }
0x609: {  	v0 =	vmul.f32 $1.442695020e+00, v0;
	_ =	sdelay $0x1  }
0x60a: {  	(erf) = vpow2.f32 v0;
	_ =	sdelay $0x4  }
0x60b: {  	v0 =	vpop (erf)  }
0x60c: {  	v1 =	vpop (erf)  }
0x60d: {  	v2 =	vpop (erf)  }
0x60e: {  	v0 =	vadd.f32 $1.000000000e+00, v0;
	v3 =	vpop (erf)  }
0x60f: {  	v2 =	vadd.f32 $1.000000000e+00, v2;
	v4 =	vpop (erf)  }
0x610: {  	(erf) = vrcp.f32 v0;
	v0 =	vadd.f32 $1.000000000e+00, v4  }
0x611: {  	(erf) = vrcp.f32 v2  }
0x612: {  	(erf) = vrcp.f32 v0;
	_ =	sdelay $0x5  }
0x613: {  	[tilespmem:s24+$0x3200] =	vst v1  }
0x614: {  	[tilespmem:s25+$0x3200] =	vst v3;
	v0 =	vpop (erf)  }
0x615: {  	[tilespmem:s26+$0x3200] =	vst v0;
	s26 =	sld [smem:$0x7F9];
	v0 =	vpop (erf)  }
0x616: {  	[tilespmem:s28+$0x3200] =	vst v0;
	v0 =	vpop (erf)  }
0x617: {  	s24 =	simm.s32 $0x0;
	[tilespmem:s29+$0x3200] =	vst v0  }
0x618: {  	[hbm4b:s26+s24] =	stream.linear.scatter [tilespmem:s22], [sflag:$0x1], $0x3200, $0x38;
	[tilespmem:$0x6400] =	vst v63  }
0x619: {  	_ =	swait.ge [sflag:s21], $0x3200  }
0x61a: {  	s31 =	sld [smem:$0x7FA]  }
0x61b: {  	[sflag:s21] =	ssyncset.done $0x0  }
0x61c: {  	[sflag:s21] =	ssyncadd.s32 $0xFFFFCE00  }
0x61d: {  	[tilespmem:s24], [sflag:$0x1] =	stream.linear.gather [hbm4b:s31+s24], $0x3200, $0x38;
	[tilespmem:$0x6400] =	vst v63  }
0x61e: {  	_ =	swait.ge [sflag:s21], $0x3200  }
0x61f: {  	[sflag:s21] =	ssyncset.done $0x0  }
0x620: {  	s24 =	simm.s32 $0x0;
	[sflag:s21] =	ssyncadd.s32 $0xFFFFCE00  }
0x621: {  	v0 =	vld [tilespmem:s24+$0x0];
	_ =	sdelay $0x1  }
0x622: {  	s25 =	simm.s32 $0x10  }
0x623: {  	v1 =	vld [tilespmem:s25+$0x0];
	_ =	sdelay $0x1  }
0x624: {  	v0 =	vsub.f32 $0.0e+00, v0;
	_ =	sdelay $0x1  }
0x625: {  	v0 =	vmul.f32 $1.442695020e+00, v0  }
0x626: {  	v1 =	vsub.f32 $0.0e+00, v1  }
0x627: {  	s26 =	simm.s32 $0x20;
	(erf) = vpow2.f32 v0  }
0x628: {  	v0 =	vmul.f32 $1.442695020e+00, v1;
	v1 =	vld [tilespmem:s26+$0x0];
	_ =	sdelay $0x1  }
0x629: {  	(erf) = vpow2.f32 v0  }
0x62a: {  	s28 =	simm.s32 $0x30  }
0x62b: {  	v0 =	vld [tilespmem:s28+$0x0]  }
0x62c: {  	v1 =	vsub.f32 $0.0e+00, v1;
	_ =	sdelay $0x1  }
0x62d: {  	v1 =	vmul.f32 $1.442695020e+00, v1  }
0x62e: {  	v2 =	vpop (erf)  }
0x62f: {  	v0 =	vsub.f32 $0.0e+00, v0;
	v2 =	vadd.f32 $1.000000000e+00, v2  }
0x630: {  	(erf) = vpow2.f32 v1  }
0x631: {  	v0 =	vmul.f32 $1.442695020e+00, v0;
	v1 =	vpop (erf);
	(erf) = vrcp.f32 v2  }
0x632: {  	s29 =	simm.s32 $0x40;
	v1 =	vadd.f32 $1.000000000e+00, v1  }
0x633: {  	(erf) = vpow2.f32 v0;
	v0 =	vld [tilespmem:s29+$0x0]  }
0x634: {  	(erf) = vrcp.f32 v1;
	_ =	sdelay $0x2  }
0x635: {  	s30 =	simm.s32 $0x140  }
.LBB2_60:
0x636: {  	s31 =	sshra.s32 s30, $0x2;
	v1 =	vsub.f32 $0.0e+00, v0;
	p0 =	sne.s32 s30, $0xC7C0  }
.Ltmp29:
0x637: {  	s30 =	sadd.s32 $0x40, s30;
	v0 =	vld [tilespmem:s31+$0x0];
	v2 =	vpop (erf);
	(pc) =	sbr.rel @p0 .LBB2_60-.Ltmp29, $4  }
0x638: {  	v1 =	vmul.f32 $1.442695020e+00, v1;
	v3 =	vpop (erf)  }
0x639: {  	v2 =	vadd.f32 $1.000000000e+00, v2;
	[tilespmem:s24+$0x3200] =	vst v3;
	s24 =	smov.u32 s25;
	s25 =	smov.u32 s26;
	s26 =	smov.u32 s28  }
0x63a: {  	s28 =	smov.u32 s29;
	s29 =	smov.u32 s31;
	(erf) = vpow2.f32 v1  }
0x63b: {  	(erf) = vrcp.f32 v2  }
0x63c: {  	v0 =	vsub.f32 $0.0e+00, v0;
	_ =	sdelay $0x1  }
0x63d: {  	v0 =	vmul.f32 $1.442695020e+00, v0;
	_ =	sdelay $0x1  }
0x63e: {  	(erf) = vpow2.f32 v0;
	_ =	sdelay $0x4  }
0x63f: {  	v0 =	vpop (erf)  }
0x640: {  	v1 =	vpop (erf)  }
0x641: {  	v2 =	vpop (erf)  }
0x642: {  	v0 =	vadd.f32 $1.000000000e+00, v0;
	v3 =	vpop (erf)  }
0x643: {  	v2 =	vadd.f32 $1.000000000e+00, v2;
	v4 =	vpop (erf)  }
0x644: {  	(erf) = vrcp.f32 v0;
	v0 =	vadd.f32 $1.000000000e+00, v4  }
0x645: {  	(erf) = vrcp.f32 v2  }
0x646: {  	(erf) = vrcp.f32 v0;
	_ =	sdelay $0x5  }
0x647: {  	[tilespmem:s24+$0x3200] =	vst v1  }
0x648: {  	[tilespmem:s25+$0x3200] =	vst v3;
	v0 =	vpop (erf)  }
0x649: {  	[tilespmem:s26+$0x3200] =	vst v0;
	s26 =	sld [smem:$0x7FB];
	v0 =	vpop (erf)  }
0x64a: {  	[tilespmem:s28+$0x3200] =	vst v0;
	v0 =	vpop (erf)  }
0x64b: {  	s24 =	simm.s32 $0x0;
	[tilespmem:s29+$0x3200] =	vst v0  }
0x64c: {  	[hbm4b:s26+s24] =	stream.linear.scatter [tilespmem:s22], [sflag:$0x1], $0x3200, $0x38;
	[tilespmem:$0x6400] =	vst v63  }
0x64d: {  	_ =	swait.ge [sflag:s21], $0x3200  }
0x64e: {  	s31 =	sld [smem:$0x7FC]  }
0x64f: {  	[sflag:s21] =	ssyncset.done $0x0  }
0x650: {  	[sflag:s21] =	ssyncadd.s32 $0xFFFFCE00  }
0x651: {  	[tilespmem:s24], [sflag:$0x1] =	stream.linear.gather [hbm4b:s31+s24], $0x3200, $0x38;
	[tilespmem:$0x6400] =	vst v63  }
0x652: {  	_ =	swait.ge [sflag:s21], $0x3200  }
0x653: {  	[sflag:s21] =	ssyncset.done $0x0  }
0x654: {  	s24 =	simm.s32 $0x0;
	[sflag:s21] =	ssyncadd.s32 $0xFFFFCE00  }
0x655: {  	v0 =	vld [tilespmem:s24+$0x0];
	_ =	sdelay $0x1  }
0x656: {  	s25 =	simm.s32 $0x10  }
0x657: {  	v1 =	vld [tilespmem:s25+$0x0];
	_ =	sdelay $0x1  }
0x658: {  	v0 =	vsub.f32 $0.0e+00, v0;
	_ =	sdelay $0x1  }
0x659: {  	v0 =	vmul.f32 $1.442695020e+00, v0  }
0x65a: {  	v1 =	vsub.f32 $0.0e+00, v1  }
0x65b: {  	s26 =	simm.s32 $0x20;
	(erf) = vpow2.f32 v0  }
0x65c: {  	v0 =	vmul.f32 $1.442695020e+00, v1;
	v1 =	vld [tilespmem:s26+$0x0];
	_ =	sdelay $0x1  }
0x65d: {  	(erf) = vpow2.f32 v0  }
0x65e: {  	s28 =	simm.s32 $0x30  }
0x65f: {  	v0 =	vld [tilespmem:s28+$0x0]  }
0x660: {  	v1 =	vsub.f32 $0.0e+00, v1;
	_ =	sdelay $0x1  }
0x661: {  	v1 =	vmul.f32 $1.442695020e+00, v1  }
0x662: {  	v2 =	vpop (erf)  }
0x663: {  	v0 =	vsub.f32 $0.0e+00, v0;
	v2 =	vadd.f32 $1.000000000e+00, v2  }
0x664: {  	(erf) = vpow2.f32 v1  }
0x665: {  	v0 =	vmul.f32 $1.442695020e+00, v0;
	v1 =	vpop (erf);
	(erf) = vrcp.f32 v2  }
0x666: {  	s29 =	simm.s32 $0x40;
	v1 =	vadd.f32 $1.000000000e+00, v1  }
0x667: {  	(erf) = vpow2.f32 v0;
	v0 =	vld [tilespmem:s29+$0x0]  }
0x668: {  	(erf) = vrcp.f32 v1;
	_ =	sdelay $0x2  }
0x669: {  	s30 =	simm.s32 $0x140  }
.LBB2_62:
0x66a: {  	s31 =	sshra.s32 s30, $0x2;
	v1 =	vsub.f32 $0.0e+00, v0;
	p0 =	sne.s32 s30, $0xC7C0  }
.Ltmp30:
0x66b: {  	s30 =	sadd.s32 $0x40, s30;
	v0 =	vld [tilespmem:s31+$0x0];
	v2 =	vpop (erf);
	(pc) =	sbr.rel @p0 .LBB2_62-.Ltmp30, $4  }
0x66c: {  	v1 =	vmul.f32 $1.442695020e+00, v1;
	v3 =	vpop (erf)  }
0x66d: {  	v2 =	vadd.f32 $1.000000000e+00, v2;
	[tilespmem:s24+$0x3200] =	vst v3;
	s24 =	smov.u32 s25;
	s25 =	smov.u32 s26;
	s26 =	smov.u32 s28  }
0x66e: {  	s28 =	smov.u32 s29;
	s29 =	smov.u32 s31;
	(erf) = vpow2.f32 v1  }
0x66f: {  	(erf) = vrcp.f32 v2  }
0x670: {  	v0 =	vsub.f32 $0.0e+00, v0;
	_ =	sdelay $0x1  }
0x671: {  	v0 =	vmul.f32 $1.442695020e+00, v0;
	_ =	sdelay $0x1  }
0x672: {  	(erf) = vpow2.f32 v0;
	_ =	sdelay $0x4  }
0x673: {  	v0 =	vpop (erf)  }
0x674: {  	v1 =	vpop (erf)  }
0x675: {  	v2 =	vpop (erf)  }
0x676: {  	v0 =	vadd.f32 $1.000000000e+00, v0;
	v3 =	vpop (erf)  }
0x677: {  	v2 =	vadd.f32 $1.000000000e+00, v2;
	v4 =	vpop (erf)  }
0x678: {  	(erf) = vrcp.f32 v0;
	v0 =	vadd.f32 $1.000000000e+00, v4  }
0x679: {  	(erf) = vrcp.f32 v2  }
0x67a: {  	(erf) = vrcp.f32 v0;
	_ =	sdelay $0x5  }
0x67b: {  	[tilespmem:s24+$0x3200] =	vst v1  }
0x67c: {  	[tilespmem:s25+$0x3200] =	vst v3;
	v0 =	vpop (erf)  }
0x67d: {  	s31 =	sld [smem:$0x7FD];
	[tilespmem:s26+$0x3200] =	vst v0;
	v0 =	vpop (erf)  }
0x67e: {  	[tilespmem:s28+$0x3200] =	vst v0;
	v0 =	vpop (erf)  }
0x67f: {  	s26 =	simm.s32 $0x0;
	[tilespmem:s29+$0x3200] =	vst v0  }
0x680: {  	[hbm4b:s31+s26] =	stream.linear.scatter [tilespmem:s22], [sflag:$0x1], $0x3200, $0x38;
	[tilespmem:$0x6400] =	vst v63  }
0x681: {  	_ =	swait.ge [sflag:s21], $0x3200  }
0x682: {  	[sflag:s21] =	ssyncset.done $0x0  }
0x683: {  	[sflag:s21] =	ssyncadd.s32 $0xFFFFCE00  }
0x684: {  	[tilespmem:s26], [sflag:$0x1] =	stream.linear.gather [hbm4b:s0+s26], $0x3200, $0x38;
	[tilespmem:$0x6400] =	vst v63  }
0x685: {  	_ =	swait.ge [sflag:s21], $0x3200  }
0x686: {  	[sflag:s21] =	ssyncset.done $0x0  }
0x687: {  	s24 =	simm.s32 $0x0;
	[sflag:s21] =	ssyncadd.s32 $0xFFFFCE00  }
0x688: {  	v0 =	vld [tilespmem:s24+$0x0];
	_ =	sdelay $0x1  }
0x689: {  	s25 =	simm.s32 $0x10  }
0x68a: {  	v1 =	vld [tilespmem:s25+$0x0];
	_ =	sdelay $0x1  }
0x68b: {  	v0 =	vsub.f32 $0.0e+00, v0;
	_ =	sdelay $0x1  }
0x68c: {  	v0 =	vmul.f32 $1.442695020e+00, v0  }
0x68d: {  	v1 =	vsub.f32 $0.0e+00, v1  }
0x68e: {  	s26 =	simm.s32 $0x20;
	(erf) = vpow2.f32 v0  }
0x68f: {  	v0 =	vmul.f32 $1.442695020e+00, v1;
	v1 =	vld [tilespmem:s26+$0x0];
	_ =	sdelay $0x1  }
0x690: {  	(erf) = vpow2.f32 v0  }
0x691: {  	s28 =	simm.s32 $0x30  }
0x692: {  	v0 =	vld [tilespmem:s28+$0x0]  }
0x693: {  	v1 =	vsub.f32 $0.0e+00, v1;
	_ =	sdelay $0x1  }
0x694: {  	v1 =	vmul.f32 $1.442695020e+00, v1  }
0x695: {  	v2 =	vpop (erf)  }
0x696: {  	v0 =	vsub.f32 $0.0e+00, v0;
	v2 =	vadd.f32 $1.000000000e+00, v2  }
0x697: {  	(erf) = vpow2.f32 v1  }
0x698: {  	v0 =	vmul.f32 $1.442695020e+00, v0;
	v1 =	vpop (erf);
	(erf) = vrcp.f32 v2  }
0x699: {  	s29 =	simm.s32 $0x40;
	v1 =	vadd.f32 $1.000000000e+00, v1  }
0x69a: {  	(erf) = vpow2.f32 v0;
	v0 =	vld [tilespmem:s29+$0x0]  }
0x69b: {  	(erf) = vrcp.f32 v1;
	_ =	sdelay $0x2  }
0x69c: {  	s30 =	simm.s32 $0x140  }
.LBB2_64:
0x69d: {  	s31 =	sshra.s32 s30, $0x2;
	v1 =	vsub.f32 $0.0e+00, v0;
	p0 =	sne.s32 s30, $0xC7C0  }
.Ltmp31:
0x69e: {  	s30 =	sadd.s32 $0x40, s30;
	v0 =	vld [tilespmem:s31+$0x0];
	v2 =	vpop (erf);
	(pc) =	sbr.rel @p0 .LBB2_64-.Ltmp31, $4  }
0x69f: {  	v1 =	vmul.f32 $1.442695020e+00, v1;
	v3 =	vpop (erf)  }
0x6a0: {  	v2 =	vadd.f32 $1.000000000e+00, v2;
	[tilespmem:s24+$0x3200] =	vst v3;
	s24 =	smov.u32 s25;
	s25 =	smov.u32 s26;
	s26 =	smov.u32 s28  }
0x6a1: {  	s28 =	smov.u32 s29;
	s29 =	smov.u32 s31;
	(erf) = vpow2.f32 v1  }
0x6a2: {  	(erf) = vrcp.f32 v2  }
0x6a3: {  	v0 =	vsub.f32 $0.0e+00, v0;
	_ =	sdelay $0x1  }
0x6a4: {  	v0 =	vmul.f32 $1.442695020e+00, v0;
	_ =	sdelay $0x1  }
0x6a5: {  	(erf) = vpow2.f32 v0;
	_ =	sdelay $0x4  }
0x6a6: {  	v0 =	vpop (erf)  }
0x6a7: {  	v1 =	vpop (erf)  }
0x6a8: {  	v2 =	vpop (erf)  }
0x6a9: {  	v0 =	vadd.f32 $1.000000000e+00, v0;
	v3 =	vpop (erf)  }
0x6aa: {  	v2 =	vadd.f32 $1.000000000e+00, v2;
	v4 =	vpop (erf)  }
0x6ab: {  	(erf) = vrcp.f32 v0;
	v0 =	vadd.f32 $1.000000000e+00, v4  }
0x6ac: {  	(erf) = vrcp.f32 v2  }
0x6ad: {  	(erf) = vrcp.f32 v0;
	_ =	sdelay $0x5  }
0x6ae: {  	[tilespmem:s24+$0x3200] =	vst v1  }
0x6af: {  	[tilespmem:s25+$0x3200] =	vst v3;
	v0 =	vpop (erf)  }
0x6b0: {  	[tilespmem:s26+$0x3200] =	vst v0;
	v0 =	vpop (erf)  }
0x6b1: {  	[tilespmem:s28+$0x3200] =	vst v0;
	v0 =	vpop (erf)  }
0x6b2: {  	s31 =	simm.s32 $0x0;
	[tilespmem:s29+$0x3200] =	vst v0  }
0x6b3: {  	[hbm4b:s1+s31] =	stream.linear.scatter [tilespmem:s22], [sflag:$0x1], $0x3200, $0x38;
	[tilespmem:$0x6400] =	vst v63  }
0x6b4: {  	_ =	swait.ge [sflag:s21], $0x3200  }
0x6b5: {  	[sflag:s21] =	ssyncset.done $0x0  }
0x6b6: {  	[sflag:s21] =	ssyncadd.s32 $0xFFFFCE00  }
0x6b7: {  	[tilespmem:s31], [sflag:$0x1] =	stream.linear.gather [hbm4b:s2+s31], $0x3200, $0x38;
	[tilespmem:$0x6400] =	vst v63  }
0x6b8: {  	_ =	swait.ge [sflag:s21], $0x3200  }
0x6b9: {  	[sflag:s21] =	ssyncset.done $0x0  }
0x6ba: {  	s24 =	simm.s32 $0x0;
	[sflag:s21] =	ssyncadd.s32 $0xFFFFCE00  }
0x6bb: {  	v0 =	vld [tilespmem:s24+$0x0];
	_ =	sdelay $0x1  }
0x6bc: {  	s25 =	simm.s32 $0x10  }
0x6bd: {  	v1 =	vld [tilespmem:s25+$0x0];
	_ =	sdelay $0x1  }
0x6be: {  	v0 =	vsub.f32 $0.0e+00, v0;
	_ =	sdelay $0x1  }
0x6bf: {  	v0 =	vmul.f32 $1.442695020e+00, v0  }
0x6c0: {  	v1 =	vsub.f32 $0.0e+00, v1  }
0x6c1: {  	s26 =	simm.s32 $0x20;
	(erf) = vpow2.f32 v0  }
0x6c2: {  	v0 =	vmul.f32 $1.442695020e+00, v1;
	v1 =	vld [tilespmem:s26+$0x0];
	_ =	sdelay $0x1  }
0x6c3: {  	(erf) = vpow2.f32 v0  }
0x6c4: {  	s28 =	simm.s32 $0x30  }
0x6c5: {  	v0 =	vld [tilespmem:s28+$0x0]  }
0x6c6: {  	v1 =	vsub.f32 $0.0e+00, v1;
	_ =	sdelay $0x1  }
0x6c7: {  	v1 =	vmul.f32 $1.442695020e+00, v1  }
0x6c8: {  	v2 =	vpop (erf)  }
0x6c9: {  	v0 =	vsub.f32 $0.0e+00, v0;
	v2 =	vadd.f32 $1.000000000e+00, v2  }
0x6ca: {  	(erf) = vpow2.f32 v1  }
0x6cb: {  	v0 =	vmul.f32 $1.442695020e+00, v0;
	v1 =	vpop (erf);
	(erf) = vrcp.f32 v2  }
0x6cc: {  	s29 =	simm.s32 $0x40;
	v1 =	vadd.f32 $1.000000000e+00, v1  }
0x6cd: {  	(erf) = vpow2.f32 v0;
	v0 =	vld [tilespmem:s29+$0x0]  }
0x6ce: {  	(erf) = vrcp.f32 v1;
	_ =	sdelay $0x2  }
0x6cf: {  	s30 =	simm.s32 $0x140  }
.LBB2_66:
0x6d0: {  	s31 =	sshra.s32 s30, $0x2;
	v1 =	vsub.f32 $0.0e+00, v0;
	p0 =	sne.s32 s30, $0xC7C0  }
.Ltmp32:
0x6d1: {  	s30 =	sadd.s32 $0x40, s30;
	v0 =	vld [tilespmem:s31+$0x0];
	v2 =	vpop (erf);
	(pc) =	sbr.rel @p0 .LBB2_66-.Ltmp32, $4  }
0x6d2: {  	v1 =	vmul.f32 $1.442695020e+00, v1;
	v3 =	vpop (erf)  }
0x6d3: {  	v2 =	vadd.f32 $1.000000000e+00, v2;
	[tilespmem:s24+$0x3200] =	vst v3;
	s24 =	smov.u32 s25;
	s25 =	smov.u32 s26;
	s26 =	smov.u32 s28  }
0x6d4: {  	s28 =	smov.u32 s29;
	s29 =	smov.u32 s31;
	(erf) = vpow2.f32 v1  }
0x6d5: {  	(erf) = vrcp.f32 v2  }
0x6d6: {  	v0 =	vsub.f32 $0.0e+00, v0;
	_ =	sdelay $0x1  }
0x6d7: {  	v0 =	vmul.f32 $1.442695020e+00, v0;
	_ =	sdelay $0x1  }
0x6d8: {  	(erf) = vpow2.f32 v0;
	_ =	sdelay $0x4  }
0x6d9: {  	v0 =	vpop (erf)  }
0x6da: {  	v1 =	vpop (erf)  }
0x6db: {  	v2 =	vpop (erf)  }
0x6dc: {  	v0 =	vadd.f32 $1.000000000e+00, v0;
	v3 =	vpop (erf)  }
0x6dd: {  	v2 =	vadd.f32 $1.000000000e+00, v2;
	v4 =	vpop (erf)  }
0x6de: {  	(erf) = vrcp.f32 v0;
	v0 =	vadd.f32 $1.000000000e+00, v4  }
0x6df: {  	(erf) = vrcp.f32 v2  }
0x6e0: {  	(erf) = vrcp.f32 v0;
	_ =	sdelay $0x5  }
0x6e1: {  	[tilespmem:s24+$0x3200] =	vst v1  }
0x6e2: {  	[tilespmem:s25+$0x3200] =	vst v3;
	v0 =	vpop (erf)  }
0x6e3: {  	[tilespmem:s26+$0x3200] =	vst v0;
	v0 =	vpop (erf)  }
0x6e4: {  	[tilespmem:s28+$0x3200] =	vst v0;
	v0 =	vpop (erf)  }
0x6e5: {  	s31 =	simm.s32 $0x0;
	[tilespmem:s29+$0x3200] =	vst v0  }
0x6e6: {  	[hbm4b:s3+s31] =	stream.linear.scatter [tilespmem:s22], [sflag:$0x1], $0x3200, $0x38;
	[tilespmem:$0x6400] =	vst v63  }
0x6e7: {  	_ =	swait.ge [sflag:s21], $0x3200  }
0x6e8: {  	[sflag:s21] =	ssyncset.done $0x0  }
0x6e9: {  	[sflag:s21] =	ssyncadd.s32 $0xFFFFCE00  }
0x6ea: {  	[tilespmem:s31], [sflag:$0x1] =	stream.linear.gather [hbm4b:s4+s31], $0x3200, $0x38;
	[tilespmem:$0x6400] =	vst v63  }
0x6eb: {  	_ =	swait.ge [sflag:s21], $0x3200  }
0x6ec: {  	[sflag:s21] =	ssyncset.done $0x0  }
0x6ed: {  	s24 =	simm.s32 $0x0;
	[sflag:s21] =	ssyncadd.s32 $0xFFFFCE00  }
0x6ee: {  	v0 =	vld [tilespmem:s24+$0x0];
	_ =	sdelay $0x1  }
0x6ef: {  	s25 =	simm.s32 $0x10  }
0x6f0: {  	v1 =	vld [tilespmem:s25+$0x0];
	_ =	sdelay $0x1  }
0x6f1: {  	v0 =	vsub.f32 $0.0e+00, v0;
	_ =	sdelay $0x1  }
0x6f2: {  	v0 =	vmul.f32 $1.442695020e+00, v0  }
0x6f3: {  	v1 =	vsub.f32 $0.0e+00, v1  }
0x6f4: {  	s26 =	simm.s32 $0x20;
	(erf) = vpow2.f32 v0  }
0x6f5: {  	v0 =	vmul.f32 $1.442695020e+00, v1;
	v1 =	vld [tilespmem:s26+$0x0];
	_ =	sdelay $0x1  }
0x6f6: {  	(erf) = vpow2.f32 v0  }
0x6f7: {  	s28 =	simm.s32 $0x30  }
0x6f8: {  	v0 =	vld [tilespmem:s28+$0x0]  }
0x6f9: {  	v1 =	vsub.f32 $0.0e+00, v1;
	_ =	sdelay $0x1  }
0x6fa: {  	v1 =	vmul.f32 $1.442695020e+00, v1  }
0x6fb: {  	v2 =	vpop (erf)  }
0x6fc: {  	v0 =	vsub.f32 $0.0e+00, v0;
	v2 =	vadd.f32 $1.000000000e+00, v2  }
0x6fd: {  	(erf) = vpow2.f32 v1  }
0x6fe: {  	v0 =	vmul.f32 $1.442695020e+00, v0;
	v1 =	vpop (erf);
	(erf) = vrcp.f32 v2  }
0x6ff: {  	s29 =	simm.s32 $0x40;
	v1 =	vadd.f32 $1.000000000e+00, v1  }
0x700: {  	(erf) = vpow2.f32 v0;
	v0 =	vld [tilespmem:s29+$0x0]  }
0x701: {  	(erf) = vrcp.f32 v1;
	_ =	sdelay $0x2  }
0x702: {  	s30 =	simm.s32 $0x140  }
.LBB2_68:
0x703: {  	s31 =	sshra.s32 s30, $0x2;
	v1 =	vsub.f32 $0.0e+00, v0;
	p0 =	sne.s32 s30, $0xC7C0  }
.Ltmp33:
0x704: {  	s30 =	sadd.s32 $0x40, s30;
	v0 =	vld [tilespmem:s31+$0x0];
	v2 =	vpop (erf);
	(pc) =	sbr.rel @p0 .LBB2_68-.Ltmp33, $4  }
0x705: {  	v1 =	vmul.f32 $1.442695020e+00, v1;
	v3 =	vpop (erf)  }
0x706: {  	v2 =	vadd.f32 $1.000000000e+00, v2;
	[tilespmem:s24+$0x3200] =	vst v3;
	s24 =	smov.u32 s25;
	s25 =	smov.u32 s26;
	s26 =	smov.u32 s28  }
0x707: {  	s28 =	smov.u32 s29;
	s29 =	smov.u32 s31;
	(erf) = vpow2.f32 v1  }
0x708: {  	(erf) = vrcp.f32 v2  }
0x709: {  	v0 =	vsub.f32 $0.0e+00, v0;
	_ =	sdelay $0x1  }
0x70a: {  	v0 =	vmul.f32 $1.442695020e+00, v0;
	_ =	sdelay $0x1  }
0x70b: {  	(erf) = vpow2.f32 v0;
	_ =	sdelay $0x4  }
0x70c: {  	v0 =	vpop (erf)  }
0x70d: {  	v1 =	vpop (erf)  }
0x70e: {  	v2 =	vpop (erf)  }
0x70f: {  	v0 =	vadd.f32 $1.000000000e+00, v0;
	v3 =	vpop (erf)  }
0x710: {  	v2 =	vadd.f32 $1.000000000e+00, v2;
	v4 =	vpop (erf)  }
0x711: {  	(erf) = vrcp.f32 v0;
	v0 =	vadd.f32 $1.000000000e+00, v4  }
0x712: {  	(erf) = vrcp.f32 v2  }
0x713: {  	(erf) = vrcp.f32 v0;
	_ =	sdelay $0x5  }
0x714: {  	[tilespmem:s24+$0x3200] =	vst v1  }
0x715: {  	[tilespmem:s25+$0x3200] =	vst v3;
	v0 =	vpop (erf)  }
0x716: {  	[tilespmem:s26+$0x3200] =	vst v0;
	v0 =	vpop (erf)  }
0x717: {  	[tilespmem:s28+$0x3200] =	vst v0;
	v0 =	vpop (erf)  }
0x718: {  	s31 =	simm.s32 $0x0;
	[tilespmem:s29+$0x3200] =	vst v0  }
0x719: {  	[hbm4b:s5+s31] =	stream.linear.scatter [tilespmem:s22], [sflag:$0x1], $0x3200, $0x38;
	[tilespmem:$0x6400] =	vst v63  }
0x71a: {  	_ =	swait.ge [sflag:s21], $0x3200  }
0x71b: {  	[sflag:s21] =	ssyncset.done $0x0  }
0x71c: {  	[sflag:s21] =	ssyncadd.s32 $0xFFFFCE00  }
0x71d: {  	[tilespmem:s31], [sflag:$0x1] =	stream.linear.gather [hbm4b:s6+s31], $0x3200, $0x38;
	[tilespmem:$0x6400] =	vst v63  }
0x71e: {  	_ =	swait.ge [sflag:s21], $0x3200  }
0x71f: {  	[sflag:s21] =	ssyncset.done $0x0  }
0x720: {  	s24 =	simm.s32 $0x0;
	[sflag:s21] =	ssyncadd.s32 $0xFFFFCE00  }
0x721: {  	v0 =	vld [tilespmem:s24+$0x0];
	_ =	sdelay $0x1  }
0x722: {  	s25 =	simm.s32 $0x10  }
0x723: {  	v1 =	vld [tilespmem:s25+$0x0];
	_ =	sdelay $0x1  }
0x724: {  	v0 =	vsub.f32 $0.0e+00, v0;
	_ =	sdelay $0x1  }
0x725: {  	v0 =	vmul.f32 $1.442695020e+00, v0  }
0x726: {  	v1 =	vsub.f32 $0.0e+00, v1  }
0x727: {  	s26 =	simm.s32 $0x20;
	(erf) = vpow2.f32 v0  }
0x728: {  	v0 =	vmul.f32 $1.442695020e+00, v1;
	v1 =	vld [tilespmem:s26+$0x0];
	_ =	sdelay $0x1  }
0x729: {  	(erf) = vpow2.f32 v0  }
0x72a: {  	s28 =	simm.s32 $0x30  }
0x72b: {  	v0 =	vld [tilespmem:s28+$0x0]  }
0x72c: {  	v1 =	vsub.f32 $0.0e+00, v1;
	_ =	sdelay $0x1  }
0x72d: {  	v1 =	vmul.f32 $1.442695020e+00, v1  }
0x72e: {  	v2 =	vpop (erf)  }
0x72f: {  	v0 =	vsub.f32 $0.0e+00, v0;
	v2 =	vadd.f32 $1.000000000e+00, v2  }
0x730: {  	(erf) = vpow2.f32 v1  }
0x731: {  	v0 =	vmul.f32 $1.442695020e+00, v0;
	v1 =	vpop (erf);
	(erf) = vrcp.f32 v2  }
0x732: {  	s29 =	simm.s32 $0x40;
	v1 =	vadd.f32 $1.000000000e+00, v1  }
0x733: {  	(erf) = vpow2.f32 v0;
	v0 =	vld [tilespmem:s29+$0x0]  }
0x734: {  	(erf) = vrcp.f32 v1;
	_ =	sdelay $0x2  }
0x735: {  	s30 =	simm.s32 $0x140  }
.LBB2_70:
0x736: {  	s31 =	sshra.s32 s30, $0x2;
	v1 =	vsub.f32 $0.0e+00, v0;
	p0 =	sne.s32 s30, $0xC7C0  }
.Ltmp34:
0x737: {  	s30 =	sadd.s32 $0x40, s30;
	v0 =	vld [tilespmem:s31+$0x0];
	v2 =	vpop (erf);
	(pc) =	sbr.rel @p0 .LBB2_70-.Ltmp34, $4  }
0x738: {  	v1 =	vmul.f32 $1.442695020e+00, v1;
	v3 =	vpop (erf)  }
0x739: {  	v2 =	vadd.f32 $1.000000000e+00, v2;
	[tilespmem:s24+$0x3200] =	vst v3;
	s24 =	smov.u32 s25;
	s25 =	smov.u32 s26;
	s26 =	smov.u32 s28  }
0x73a: {  	s28 =	smov.u32 s29;
	s29 =	smov.u32 s31;
	(erf) = vpow2.f32 v1  }
0x73b: {  	(erf) = vrcp.f32 v2  }
0x73c: {  	v0 =	vsub.f32 $0.0e+00, v0;
	_ =	sdelay $0x1  }
0x73d: {  	v0 =	vmul.f32 $1.442695020e+00, v0;
	_ =	sdelay $0x1  }
0x73e: {  	(erf) = vpow2.f32 v0;
	_ =	sdelay $0x4  }
0x73f: {  	v0 =	vpop (erf)  }
0x740: {  	v1 =	vpop (erf)  }
0x741: {  	v2 =	vpop (erf)  }
0x742: {  	v0 =	vadd.f32 $1.000000000e+00, v0;
	v3 =	vpop (erf)  }
0x743: {  	v2 =	vadd.f32 $1.000000000e+00, v2;
	v4 =	vpop (erf)  }
0x744: {  	(erf) = vrcp.f32 v0;
	v0 =	vadd.f32 $1.000000000e+00, v4  }
0x745: {  	(erf) = vrcp.f32 v2  }
0x746: {  	(erf) = vrcp.f32 v0;
	_ =	sdelay $0x5  }
0x747: {  	[tilespmem:s24+$0x3200] =	vst v1  }
0x748: {  	[tilespmem:s25+$0x3200] =	vst v3;
	v0 =	vpop (erf)  }
0x749: {  	[tilespmem:s26+$0x3200] =	vst v0;
	v0 =	vpop (erf)  }
0x74a: {  	[tilespmem:s28+$0x3200] =	vst v0;
	v0 =	vpop (erf)  }
0x74b: {  	s31 =	simm.s32 $0x0;
	[tilespmem:s29+$0x3200] =	vst v0  }
0x74c: {  	[hbm4b:s7+s31] =	stream.linear.scatter [tilespmem:s22], [sflag:$0x1], $0x3200, $0x38;
	[tilespmem:$0x6400] =	vst v63  }
0x74d: {  	_ =	swait.ge [sflag:s21], $0x3200  }
0x74e: {  	[sflag:s21] =	ssyncset.done $0x0  }
0x74f: {  	[sflag:s21] =	ssyncadd.s32 $0xFFFFCE00  }
0x750: {  	[tilespmem:s31], [sflag:$0x1] =	stream.linear.gather [hbm4b:s8+s31], $0x3200, $0x38;
	[tilespmem:$0x6400] =	vst v63  }
0x751: {  	_ =	swait.ge [sflag:s21], $0x3200  }
0x752: {  	[sflag:s21] =	ssyncset.done $0x0  }
0x753: {  	s24 =	simm.s32 $0x0;
	[sflag:s21] =	ssyncadd.s32 $0xFFFFCE00  }
0x754: {  	v0 =	vld [tilespmem:s24+$0x0];
	_ =	sdelay $0x1  }
0x755: {  	s25 =	simm.s32 $0x10  }
0x756: {  	v1 =	vld [tilespmem:s25+$0x0];
	_ =	sdelay $0x1  }
0x757: {  	v0 =	vsub.f32 $0.0e+00, v0;
	_ =	sdelay $0x1  }
0x758: {  	v0 =	vmul.f32 $1.442695020e+00, v0  }
0x759: {  	v1 =	vsub.f32 $0.0e+00, v1  }
0x75a: {  	s26 =	simm.s32 $0x20;
	(erf) = vpow2.f32 v0  }
0x75b: {  	v0 =	vmul.f32 $1.442695020e+00, v1;
	v1 =	vld [tilespmem:s26+$0x0];
	_ =	sdelay $0x1  }
0x75c: {  	(erf) = vpow2.f32 v0  }
0x75d: {  	s28 =	simm.s32 $0x30  }
0x75e: {  	v0 =	vld [tilespmem:s28+$0x0]  }
0x75f: {  	v1 =	vsub.f32 $0.0e+00, v1;
	_ =	sdelay $0x1  }
0x760: {  	v1 =	vmul.f32 $1.442695020e+00, v1  }
0x761: {  	v2 =	vpop (erf)  }
0x762: {  	v0 =	vsub.f32 $0.0e+00, v0;
	v2 =	vadd.f32 $1.000000000e+00, v2  }
0x763: {  	(erf) = vpow2.f32 v1  }
0x764: {  	v0 =	vmul.f32 $1.442695020e+00, v0;
	v1 =	vpop (erf);
	(erf) = vrcp.f32 v2  }
0x765: {  	s29 =	simm.s32 $0x40;
	v1 =	vadd.f32 $1.000000000e+00, v1  }
0x766: {  	(erf) = vpow2.f32 v0;
	v0 =	vld [tilespmem:s29+$0x0]  }
0x767: {  	(erf) = vrcp.f32 v1;
	_ =	sdelay $0x2  }
0x768: {  	s30 =	simm.s32 $0x140  }
.LBB2_72:
0x769: {  	s31 =	sshra.s32 s30, $0x2;
	v1 =	vsub.f32 $0.0e+00, v0;
	p0 =	sne.s32 s30, $0xC7C0  }
.Ltmp35:
0x76a: {  	s30 =	sadd.s32 $0x40, s30;
	v0 =	vld [tilespmem:s31+$0x0];
	v2 =	vpop (erf);
	(pc) =	sbr.rel @p0 .LBB2_72-.Ltmp35, $4  }
0x76b: {  	v1 =	vmul.f32 $1.442695020e+00, v1;
	v3 =	vpop (erf)  }
0x76c: {  	v2 =	vadd.f32 $1.000000000e+00, v2;
	[tilespmem:s24+$0x3200] =	vst v3;
	s24 =	smov.u32 s25;
	s25 =	smov.u32 s26;
	s26 =	smov.u32 s28  }
0x76d: {  	s28 =	smov.u32 s29;
	s29 =	smov.u32 s31;
	(erf) = vpow2.f32 v1  }
0x76e: {  	(erf) = vrcp.f32 v2  }
0x76f: {  	v0 =	vsub.f32 $0.0e+00, v0;
	_ =	sdelay $0x1  }
0x770: {  	v0 =	vmul.f32 $1.442695020e+00, v0;
	_ =	sdelay $0x1  }
0x771: {  	(erf) = vpow2.f32 v0;
	_ =	sdelay $0x4  }
0x772: {  	v0 =	vpop (erf)  }
0x773: {  	v1 =	vpop (erf)  }
0x774: {  	v2 =	vpop (erf)  }
0x775: {  	v0 =	vadd.f32 $1.000000000e+00, v0;
	v3 =	vpop (erf)  }
0x776: {  	v2 =	vadd.f32 $1.000000000e+00, v2;
	v4 =	vpop (erf)  }
0x777: {  	(erf) = vrcp.f32 v0;
	v0 =	vadd.f32 $1.000000000e+00, v4  }
0x778: {  	(erf) = vrcp.f32 v2  }
0x779: {  	(erf) = vrcp.f32 v0;
	_ =	sdelay $0x5  }
0x77a: {  	[tilespmem:s24+$0x3200] =	vst v1  }
0x77b: {  	[tilespmem:s25+$0x3200] =	vst v3;
	v0 =	vpop (erf)  }
0x77c: {  	[tilespmem:s26+$0x3200] =	vst v0;
	v0 =	vpop (erf)  }
0x77d: {  	[tilespmem:s28+$0x3200] =	vst v0;
	v0 =	vpop (erf)  }
0x77e: {  	s31 =	simm.s32 $0x0;
	[tilespmem:s29+$0x3200] =	vst v0  }
0x77f: {  	[hbm4b:s9+s31] =	stream.linear.scatter [tilespmem:s22], [sflag:$0x1], $0x3200, $0x38;
	[tilespmem:$0x6400] =	vst v63  }
0x780: {  	_ =	swait.ge [sflag:s21], $0x3200  }
0x781: {  	[sflag:s21] =	ssyncset.done $0x0  }
0x782: {  	[sflag:s21] =	ssyncadd.s32 $0xFFFFCE00  }
0x783: {  	[tilespmem:s31], [sflag:$0x1] =	stream.linear.gather [hbm4b:s10+s31], $0x3200, $0x38;
	[tilespmem:$0x6400] =	vst v63  }
0x784: {  	_ =	swait.ge [sflag:s21], $0x3200  }
0x785: {  	[sflag:s21] =	ssyncset.done $0x0  }
0x786: {  	s24 =	simm.s32 $0x0;
	[sflag:s21] =	ssyncadd.s32 $0xFFFFCE00  }
0x787: {  	v0 =	vld [tilespmem:s24+$0x0];
	_ =	sdelay $0x1  }
0x788: {  	s25 =	simm.s32 $0x10  }
0x789: {  	v1 =	vld [tilespmem:s25+$0x0];
	_ =	sdelay $0x1  }
0x78a: {  	v0 =	vsub.f32 $0.0e+00, v0;
	_ =	sdelay $0x1  }
0x78b: {  	v0 =	vmul.f32 $1.442695020e+00, v0  }
0x78c: {  	v1 =	vsub.f32 $0.0e+00, v1  }
0x78d: {  	s26 =	simm.s32 $0x20;
	(erf) = vpow2.f32 v0  }
0x78e: {  	v0 =	vmul.f32 $1.442695020e+00, v1;
	v1 =	vld [tilespmem:s26+$0x0];
	_ =	sdelay $0x1  }
0x78f: {  	(erf) = vpow2.f32 v0  }
0x790: {  	s28 =	simm.s32 $0x30  }
0x791: {  	v0 =	vld [tilespmem:s28+$0x0]  }
0x792: {  	v1 =	vsub.f32 $0.0e+00, v1;
	_ =	sdelay $0x1  }
0x793: {  	v1 =	vmul.f32 $1.442695020e+00, v1  }
0x794: {  	v2 =	vpop (erf)  }
0x795: {  	v0 =	vsub.f32 $0.0e+00, v0;
	v2 =	vadd.f32 $1.000000000e+00, v2  }
0x796: {  	(erf) = vpow2.f32 v1  }
0x797: {  	v0 =	vmul.f32 $1.442695020e+00, v0;
	v1 =	vpop (erf);
	(erf) = vrcp.f32 v2  }
0x798: {  	s29 =	simm.s32 $0x40;
	v1 =	vadd.f32 $1.000000000e+00, v1  }
0x799: {  	(erf) = vpow2.f32 v0;
	v0 =	vld [tilespmem:s29+$0x0]  }
0x79a: {  	(erf) = vrcp.f32 v1;
	_ =	sdelay $0x2  }
0x79b: {  	s30 =	simm.s32 $0x140  }
.LBB2_74:
0x79c: {  	s31 =	sshra.s32 s30, $0x2;
	v1 =	vsub.f32 $0.0e+00, v0;
	p0 =	sne.s32 s30, $0xC7C0  }
.Ltmp36:
0x79d: {  	s30 =	sadd.s32 $0x40, s30;
	v0 =	vld [tilespmem:s31+$0x0];
	v2 =	vpop (erf);
	(pc) =	sbr.rel @p0 .LBB2_74-.Ltmp36, $4  }
0x79e: {  	v1 =	vmul.f32 $1.442695020e+00, v1;
	v3 =	vpop (erf)  }
0x79f: {  	v2 =	vadd.f32 $1.000000000e+00, v2;
	[tilespmem:s24+$0x3200] =	vst v3;
	s24 =	smov.u32 s25;
	s25 =	smov.u32 s26;
	s26 =	smov.u32 s28  }
0x7a0: {  	s28 =	smov.u32 s29;
	s29 =	smov.u32 s31;
	(erf) = vpow2.f32 v1  }
0x7a1: {  	(erf) = vrcp.f32 v2  }
0x7a2: {  	v0 =	vsub.f32 $0.0e+00, v0;
	_ =	sdelay $0x1  }
0x7a3: {  	v0 =	vmul.f32 $1.442695020e+00, v0;
	_ =	sdelay $0x1  }
0x7a4: {  	(erf) = vpow2.f32 v0;
	_ =	sdelay $0x4  }
0x7a5: {  	v0 =	vpop (erf)  }
0x7a6: {  	v1 =	vpop (erf)  }
0x7a7: {  	v2 =	vpop (erf)  }
0x7a8: {  	v0 =	vadd.f32 $1.000000000e+00, v0;
	v3 =	vpop (erf)  }
0x7a9: {  	v2 =	vadd.f32 $1.000000000e+00, v2;
	v4 =	vpop (erf)  }
0x7aa: {  	(erf) = vrcp.f32 v0;
	v0 =	vadd.f32 $1.000000000e+00, v4  }
0x7ab: {  	(erf) = vrcp.f32 v2  }
0x7ac: {  	(erf) = vrcp.f32 v0;
	_ =	sdelay $0x5  }
0x7ad: {  	[tilespmem:s24+$0x3200] =	vst v1  }
0x7ae: {  	[tilespmem:s25+$0x3200] =	vst v3;
	v0 =	vpop (erf)  }
0x7af: {  	[tilespmem:s26+$0x3200] =	vst v0;
	v0 =	vpop (erf)  }
0x7b0: {  	[tilespmem:s28+$0x3200] =	vst v0;
	v0 =	vpop (erf)  }
0x7b1: {  	s31 =	simm.s32 $0x0;
	[tilespmem:s29+$0x3200] =	vst v0  }
0x7b2: {  	[hbm4b:s11+s31] =	stream.linear.scatter [tilespmem:s22], [sflag:$0x1], $0x3200, $0x38;
	[tilespmem:$0x6400] =	vst v63  }
0x7b3: {  	_ =	swait.ge [sflag:s21], $0x3200  }
0x7b4: {  	[sflag:s21] =	ssyncset.done $0x0  }
0x7b5: {  	[sflag:s21] =	ssyncadd.s32 $0xFFFFCE00  }
0x7b6: {  	[tilespmem:s31], [sflag:$0x1] =	stream.linear.gather [hbm4b:s12+s31], $0x3200, $0x38;
	[tilespmem:$0x6400] =	vst v63  }
0x7b7: {  	_ =	swait.ge [sflag:s21], $0x3200  }
0x7b8: {  	[sflag:s21] =	ssyncset.done $0x0  }
0x7b9: {  	s24 =	simm.s32 $0x0;
	[sflag:s21] =	ssyncadd.s32 $0xFFFFCE00  }
0x7ba: {  	v0 =	vld [tilespmem:s24+$0x0];
	_ =	sdelay $0x1  }
0x7bb: {  	s25 =	simm.s32 $0x10  }
0x7bc: {  	v1 =	vld [tilespmem:s25+$0x0];
	_ =	sdelay $0x1  }
0x7bd: {  	v0 =	vsub.f32 $0.0e+00, v0;
	_ =	sdelay $0x1  }
0x7be: {  	v0 =	vmul.f32 $1.442695020e+00, v0  }
0x7bf: {  	v1 =	vsub.f32 $0.0e+00, v1  }
0x7c0: {  	s26 =	simm.s32 $0x20;
	(erf) = vpow2.f32 v0  }
0x7c1: {  	v0 =	vmul.f32 $1.442695020e+00, v1;
	v1 =	vld [tilespmem:s26+$0x0];
	_ =	sdelay $0x1  }
0x7c2: {  	(erf) = vpow2.f32 v0  }
0x7c3: {  	s28 =	simm.s32 $0x30  }
0x7c4: {  	v0 =	vld [tilespmem:s28+$0x0]  }
0x7c5: {  	v1 =	vsub.f32 $0.0e+00, v1;
	_ =	sdelay $0x1  }
0x7c6: {  	v1 =	vmul.f32 $1.442695020e+00, v1  }
0x7c7: {  	v2 =	vpop (erf)  }
0x7c8: {  	v0 =	vsub.f32 $0.0e+00, v0;
	v2 =	vadd.f32 $1.000000000e+00, v2  }
0x7c9: {  	(erf) = vpow2.f32 v1  }
0x7ca: {  	v0 =	vmul.f32 $1.442695020e+00, v0;
	v1 =	vpop (erf);
	(erf) = vrcp.f32 v2  }
0x7cb: {  	s29 =	simm.s32 $0x40;
	v1 =	vadd.f32 $1.000000000e+00, v1  }
0x7cc: {  	(erf) = vpow2.f32 v0;
	v0 =	vld [tilespmem:s29+$0x0]  }
0x7cd: {  	(erf) = vrcp.f32 v1;
	_ =	sdelay $0x2  }
0x7ce: {  	s30 =	simm.s32 $0x140  }
.LBB2_76:
0x7cf: {  	s31 =	sshra.s32 s30, $0x2;
	v1 =	vsub.f32 $0.0e+00, v0;
	p0 =	sne.s32 s30, $0xC7C0  }
.Ltmp37:
0x7d0: {  	s30 =	sadd.s32 $0x40, s30;
	v0 =	vld [tilespmem:s31+$0x0];
	v2 =	vpop (erf);
	(pc) =	sbr.rel @p0 .LBB2_76-.Ltmp37, $4  }
0x7d1: {  	v1 =	vmul.f32 $1.442695020e+00, v1;
	v3 =	vpop (erf)  }
0x7d2: {  	v2 =	vadd.f32 $1.000000000e+00, v2;
	[tilespmem:s24+$0x3200] =	vst v3;
	s24 =	smov.u32 s25;
	s25 =	smov.u32 s26;
	s26 =	smov.u32 s28  }
0x7d3: {  	s28 =	smov.u32 s29;
	s29 =	smov.u32 s31;
	(erf) = vpow2.f32 v1  }
0x7d4: {  	(erf) = vrcp.f32 v2  }
0x7d5: {  	v0 =	vsub.f32 $0.0e+00, v0;
	_ =	sdelay $0x1  }
0x7d6: {  	v0 =	vmul.f32 $1.442695020e+00, v0;
	_ =	sdelay $0x1  }
0x7d7: {  	(erf) = vpow2.f32 v0;
	_ =	sdelay $0x4  }
0x7d8: {  	v0 =	vpop (erf)  }
0x7d9: {  	v1 =	vpop (erf)  }
0x7da: {  	v2 =	vpop (erf)  }
0x7db: {  	v0 =	vadd.f32 $1.000000000e+00, v0;
	v3 =	vpop (erf)  }
0x7dc: {  	v2 =	vadd.f32 $1.000000000e+00, v2;
	v4 =	vpop (erf)  }
0x7dd: {  	(erf) = vrcp.f32 v0;
	v0 =	vadd.f32 $1.000000000e+00, v4  }
0x7de: {  	(erf) = vrcp.f32 v2  }
0x7df: {  	(erf) = vrcp.f32 v0;
	_ =	sdelay $0x5  }
0x7e0: {  	[tilespmem:s24+$0x3200] =	vst v1  }
0x7e1: {  	[tilespmem:s25+$0x3200] =	vst v3;
	v0 =	vpop (erf)  }
0x7e2: {  	[tilespmem:s26+$0x3200] =	vst v0;
	v0 =	vpop (erf)  }
0x7e3: {  	[tilespmem:s28+$0x3200] =	vst v0;
	v0 =	vpop (erf)  }
0x7e4: {  	s31 =	simm.s32 $0x0;
	[tilespmem:s29+$0x3200] =	vst v0  }
0x7e5: {  	[hbm4b:s13+s31] =	stream.linear.scatter [tilespmem:s22], [sflag:$0x1], $0x3200, $0x38;
	[tilespmem:$0x6400] =	vst v63  }
0x7e6: {  	_ =	swait.ge [sflag:s21], $0x3200  }
0x7e7: {  	[sflag:s21] =	ssyncset.done $0x0  }
0x7e8: {  	[sflag:s21] =	ssyncadd.s32 $0xFFFFCE00  }
0x7e9: {  	[tilespmem:s31], [sflag:$0x1] =	stream.linear.gather [hbm4b:s16+s31], $0x3200, $0x38;
	[tilespmem:$0x6400] =	vst v63  }
0x7ea: {  	_ =	swait.ge [sflag:s21], $0x3200  }
0x7eb: {  	[sflag:s21] =	ssyncset.done $0x0  }
0x7ec: {  	s24 =	simm.s32 $0x0;
	[sflag:s21] =	ssyncadd.s32 $0xFFFFCE00  }
0x7ed: {  	v0 =	vld [tilespmem:s24+$0x0];
	_ =	sdelay $0x1  }
0x7ee: {  	s25 =	simm.s32 $0x10  }
0x7ef: {  	v1 =	vld [tilespmem:s25+$0x0];
	_ =	sdelay $0x1  }
0x7f0: {  	v0 =	vsub.f32 $0.0e+00, v0;
	_ =	sdelay $0x1  }
0x7f1: {  	v0 =	vmul.f32 $1.442695020e+00, v0  }
0x7f2: {  	v1 =	vsub.f32 $0.0e+00, v1  }
0x7f3: {  	s26 =	simm.s32 $0x20;
	(erf) = vpow2.f32 v0  }
0x7f4: {  	v0 =	vmul.f32 $1.442695020e+00, v1;
	v1 =	vld [tilespmem:s26+$0x0];
	_ =	sdelay $0x1  }
0x7f5: {  	(erf) = vpow2.f32 v0  }
0x7f6: {  	s28 =	simm.s32 $0x30  }
0x7f7: {  	v0 =	vld [tilespmem:s28+$0x0]  }
0x7f8: {  	v1 =	vsub.f32 $0.0e+00, v1;
	_ =	sdelay $0x1  }
0x7f9: {  	v1 =	vmul.f32 $1.442695020e+00, v1  }
0x7fa: {  	v2 =	vpop (erf)  }
0x7fb: {  	v0 =	vsub.f32 $0.0e+00, v0;
	v2 =	vadd.f32 $1.000000000e+00, v2  }
0x7fc: {  	(erf) = vpow2.f32 v1  }
0x7fd: {  	v0 =	vmul.f32 $1.442695020e+00, v0;
	v1 =	vpop (erf);
	(erf) = vrcp.f32 v2  }
0x7fe: {  	s29 =	simm.s32 $0x40;
	v1 =	vadd.f32 $1.000000000e+00, v1  }
0x7ff: {  	(erf) = vpow2.f32 v0;
	v0 =	vld [tilespmem:s29+$0x0]  }
0x800: {  	(erf) = vrcp.f32 v1;
	_ =	sdelay $0x2  }
0x801: {  	s30 =	simm.s32 $0x140  }
.LBB2_78:
0x802: {  	s31 =	sshra.s32 s30, $0x2;
	v1 =	vsub.f32 $0.0e+00, v0;
	p0 =	sne.s32 s30, $0xC7C0  }
.Ltmp38:
0x803: {  	s30 =	sadd.s32 $0x40, s30;
	v0 =	vld [tilespmem:s31+$0x0];
	v2 =	vpop (erf);
	(pc) =	sbr.rel @p0 .LBB2_78-.Ltmp38, $4  }
0x804: {  	v1 =	vmul.f32 $1.442695020e+00, v1;
	v3 =	vpop (erf)  }
0x805: {  	v2 =	vadd.f32 $1.000000000e+00, v2;
	[tilespmem:s24+$0x3200] =	vst v3;
	s24 =	smov.u32 s25;
	s25 =	smov.u32 s26;
	s26 =	smov.u32 s28  }
0x806: {  	s28 =	smov.u32 s29;
	s29 =	smov.u32 s31;
	(erf) = vpow2.f32 v1  }
0x807: {  	(erf) = vrcp.f32 v2  }
0x808: {  	v0 =	vsub.f32 $0.0e+00, v0;
	_ =	sdelay $0x1  }
0x809: {  	v0 =	vmul.f32 $1.442695020e+00, v0;
	_ =	sdelay $0x1  }
0x80a: {  	(erf) = vpow2.f32 v0;
	_ =	sdelay $0x4  }
0x80b: {  	v0 =	vpop (erf)  }
0x80c: {  	v1 =	vpop (erf)  }
0x80d: {  	v2 =	vpop (erf)  }
0x80e: {  	v0 =	vadd.f32 $1.000000000e+00, v0;
	v3 =	vpop (erf)  }
0x80f: {  	v2 =	vadd.f32 $1.000000000e+00, v2;
	v4 =	vpop (erf)  }
0x810: {  	(erf) = vrcp.f32 v0;
	v0 =	vadd.f32 $1.000000000e+00, v4  }
0x811: {  	(erf) = vrcp.f32 v2  }
0x812: {  	(erf) = vrcp.f32 v0;
	_ =	sdelay $0x5  }
0x813: {  	[tilespmem:s24+$0x3200] =	vst v1  }
0x814: {  	[tilespmem:s25+$0x3200] =	vst v3;
	v0 =	vpop (erf)  }
0x815: {  	[tilespmem:s26+$0x3200] =	vst v0;
	v0 =	vpop (erf)  }
0x816: {  	[tilespmem:s28+$0x3200] =	vst v0;
	v0 =	vpop (erf)  }
0x817: {  	s31 =	simm.s32 $0x0;
	[tilespmem:s29+$0x3200] =	vst v0  }
0x818: {  	[hbm4b:s17+s31] =	stream.linear.scatter [tilespmem:s22], [sflag:$0x1], $0x3200, $0x38;
	[tilespmem:$0x6400] =	vst v63  }
0x819: {  	_ =	swait.ge [sflag:s21], $0x3200  }
0x81a: {  	[sflag:s21] =	ssyncset.done $0x0  }
0x81b: {  	[sflag:s21] =	ssyncadd.s32 $0xFFFFCE00  }
0x81c: {  	[tilespmem:s31], [sflag:$0x1] =	stream.linear.gather [hbm4b:s18+s31], $0x3200, $0x38;
	[tilespmem:$0x6400] =	vst v63  }
0x81d: {  	_ =	swait.ge [sflag:s21], $0x3200  }
0x81e: {  	[sflag:s21] =	ssyncset.done $0x0  }
0x81f: {  	s24 =	simm.s32 $0x0;
	[sflag:s21] =	ssyncadd.s32 $0xFFFFCE00  }
0x820: {  	v0 =	vld [tilespmem:s24+$0x0];
	_ =	sdelay $0x1  }
0x821: {  	s25 =	simm.s32 $0x10  }
0x822: {  	v1 =	vld [tilespmem:s25+$0x0];
	_ =	sdelay $0x1  }
0x823: {  	v0 =	vsub.f32 $0.0e+00, v0;
	_ =	sdelay $0x1  }
0x824: {  	v0 =	vmul.f32 $1.442695020e+00, v0  }
0x825: {  	v1 =	vsub.f32 $0.0e+00, v1  }
0x826: {  	s26 =	simm.s32 $0x20;
	(erf) = vpow2.f32 v0  }
0x827: {  	v0 =	vmul.f32 $1.442695020e+00, v1;
	v1 =	vld [tilespmem:s26+$0x0];
	_ =	sdelay $0x1  }
0x828: {  	(erf) = vpow2.f32 v0  }
0x829: {  	s28 =	simm.s32 $0x30  }
0x82a: {  	v0 =	vld [tilespmem:s28+$0x0]  }
0x82b: {  	v1 =	vsub.f32 $0.0e+00, v1;
	_ =	sdelay $0x1  }
0x82c: {  	v1 =	vmul.f32 $1.442695020e+00, v1  }
0x82d: {  	v2 =	vpop (erf)  }
0x82e: {  	v0 =	vsub.f32 $0.0e+00, v0;
	v2 =	vadd.f32 $1.000000000e+00, v2  }
0x82f: {  	(erf) = vpow2.f32 v1  }
0x830: {  	v0 =	vmul.f32 $1.442695020e+00, v0;
	v1 =	vpop (erf);
	(erf) = vrcp.f32 v2  }
0x831: {  	s29 =	simm.s32 $0x40;
	v1 =	vadd.f32 $1.000000000e+00, v1  }
0x832: {  	(erf) = vpow2.f32 v0;
	v0 =	vld [tilespmem:s29+$0x0]  }
0x833: {  	(erf) = vrcp.f32 v1;
	_ =	sdelay $0x2  }
0x834: {  	s30 =	simm.s32 $0x140  }
.LBB2_80:
0x835: {  	s31 =	sshra.s32 s30, $0x2;
	v1 =	vsub.f32 $0.0e+00, v0;
	p0 =	sne.s32 s30, $0xC7C0  }
.Ltmp39:
0x836: {  	s30 =	sadd.s32 $0x40, s30;
	v0 =	vld [tilespmem:s31+$0x0];
	v2 =	vpop (erf);
	(pc) =	sbr.rel @p0 .LBB2_80-.Ltmp39, $4  }
0x837: {  	v1 =	vmul.f32 $1.442695020e+00, v1;
	v3 =	vpop (erf)  }
0x838: {  	v2 =	vadd.f32 $1.000000000e+00, v2;
	[tilespmem:s24+$0x3200] =	vst v3;
	s24 =	smov.u32 s25;
	s25 =	smov.u32 s26;
	s26 =	smov.u32 s28  }
0x839: {  	s28 =	smov.u32 s29;
	s29 =	smov.u32 s31;
	(erf) = vpow2.f32 v1  }
0x83a: {  	(erf) = vrcp.f32 v2  }
0x83b: {  	v0 =	vsub.f32 $0.0e+00, v0;
	_ =	sdelay $0x1  }
0x83c: {  	v0 =	vmul.f32 $1.442695020e+00, v0;
	_ =	sdelay $0x1  }
0x83d: {  	(erf) = vpow2.f32 v0;
	_ =	sdelay $0x4  }
0x83e: {  	v59 =	vpop (erf)  }
0x83f: {  	v1 =	vpop (erf)  }
0x840: {  	v2 =	vpop (erf)  }
0x841: {  	v0 =	vadd.f32 $1.000000000e+00, v59;
	v3 =	vpop (erf)  }
0x842: {  	v2 =	vadd.f32 $1.000000000e+00, v2;
	v4 =	vpop (erf)  }
0x843: {  	(erf) = vrcp.f32 v0;
	v60 =	vadd.f32 $1.000000000e+00, v4  }
0x844: {  	(erf) = vrcp.f32 v2  }
0x845: {  	(erf) = vrcp.f32 v60;
	_ =	sdelay $0x5  }
0x846: {  	[tilespmem:s24+$0x3200] =	vst v1  }
0x847: {  	[tilespmem:s25+$0x3200] =	vst v3;
	v61 =	vpop (erf)  }
0x848: {  	s23 =	sadd.s32 $0x1, s23;
	[tilespmem:s26+$0x3200] =	vst v61;
	v62 =	vpop (erf)  }
0x849: {  	p0 =	sne.s32 s23, s20;
	[tilespmem:s28+$0x3200] =	vst v62;
	v63 =	vpop (erf)  }
.Ltmp40:
0x84a: {  	s24 =	simm.s32 $0x0;
	[tilespmem:s29+$0x3200] =	vst v63;
	(pc) =	sbr.rel @p0 .LBB2_1-.Ltmp40, $4  }
0x84b: {  	[hbm4b:s19+s24] =	stream.linear.scatter [tilespmem:s22], [sflag:$0x1], $0x3200, $0x38;
	[tilespmem:$0x6400] =	vst v63  }
0x84c: {  	_ =	swait.ge [sflag:s21], $0x3200  }
0x84d: {  	[sflag:s21] =	ssyncset.done $0x0  }
0x84e: {  	[sflag:s21] =	ssyncadd.s32 $0xFFFFCE00  }
0x84f: {  	_ =	sfence.sel $0x180000  }
0x850: {  	[bflag:$0x0] =	sbarrier.arrive $0xFFFF  }
0x851: {  	_ =	strace $0x9000004A  }
0x852: {  	s0 =	stileid.u32;
	[bflag:$0x2] =	sbarrier.arrive $0xFFFF  }
0x853: {  	p0 =	sne.s32 s0, $0x0;
	s0 =	rddreg [dreg:$0x2]  }
0x854: {  	s0 =	sadd.s32 @!p0 $0x100000, s0  }
0x855: {  	[sflag:s0] =	ssyncadd.tile.s32 @!p0 $0x1;
	_ =	shalt  }
.Lfunc_end2:
_tile_overlayer_lowered:
.L_overlay_start_2:
0x856: {  	(tag) =	ssettag $0x2  }
0x857: {  	s0 =	rddreg [dreg:$0x0];
	s2 =	stileid.u32  }
0x858: {  	s1 =	rddreg [dreg:$0x1];
	p0 =	sne.s32 s2, $0x0  }
0x859: {  	s3 =	rddreg [dreg:$0x2];
	[bflag:$0x3] =	sbarrier.arrive $0xFFFF;
	s2 =	simm.s32 @!p0 $0x1C01  }
0x85a: {  	[timem:s3], [sflag:s2] =	dma.local @!p0 [hbm:s0], s1  }
0x85b: {  	s0 =	simm.s32 @!p0 $0x1  }
0x85c: {  	_ =	swait.ge @!p0 [sflag:s0], s1  }
0x85d: {  	s1 =	ssub.s32 @!p0 $0x0, s1;
	[sflag:s0] =	ssyncset.done @!p0 $0x0  }
0x85e: {  	[sflag:s0] =	ssyncadd.s32 @!p0 s1  }
0x85f: {  	[bflag:$0x3] =	sbarrier.arrive $0xFFFF  }
0x860: {  	_ =	shalt  }

// kernel: sparse-core-data-format-call.cloned.1.call-start
scs
called_computation_lowered:
.L_overlay_start_0:
0x0: {  	s2 =	sld [smem:$0x3FD9]  }
0x1: {  	s3 =	sld [smem:$0x3FFE];
	_ =	sdelay $0x1  }
0x2: {  	s1 =	srdreg.scid  }
0x3: {  	s0 =	sand.u32 $0x1, s1  }
0x4: {  	s19 =	sshll.u32 s0, $0xA;
	s2 =	sadd.s32 s3, s2  }
0x5: {  	s2 =	sadd.s32 s2, s19  }
0x6: {  	[smem:$0x3FC7] =	sst s2  }
0x7: {  	_ = 	snop  }
0x8: {  	s2 =	sld [smem:$0x3FC9]  }
0x9: {  	s20 =	sld [smem:$0x3FD0];
	(tm) =	ssettm $0x1  }
0xa: {  	s4 =	sld [smem:$0x3FFB];
	_ =	sdelay $0x3  }
0xb: {  	_ =	strace s4  }
0xc: {  	s4 =	sld [smem:$0x3FFC];
	_ =	sdelay $0x3  }
0xd: {  	_ =	strace s4  }
0xe: {  	s4 =	sld [smem:$0x3FFD];
	_ =	sdelay $0x3  }
0xf: {  	_ =	strace s4  }
0x10: {  	_ =	strace $0x8FFFFFFF  }
0x11: {  	s21 =	sld [smem:$0x3FDB];
	_ =	sdelay $0x1  }
0x12: {  	s5 =	simm.s32 $_scs_section_size  }
0x13: {  	s6 =	simm.s32 $_size__tile_overlayer_lowered;
	s7 =	simm.s32 $_tile_overlayer_lowered  }
0x14: {  	s24 =	simm.s32 $0x1BFF;
	s23 =	sshll.u32 s7, $0x1;
	s4 =	sadd.s32 s5, s21  }
0x15: {  	s8 =	simm.s32 $0x0;
	s22 =	sshll.u32 s6, $0x1;
	s6 =	sadd.s32 s23, s4  }
0x16: {  	[timem:s8], [sflag:s24] =	dma.local [hbm:s6], s22  }
0x17: {  	_ =	swait.ge [sflag:s24], s22  }
0x18: {  	s5 =	ssub.s32 $0x0, s22;
	[sflag:s24] =	ssyncset.done $0x0  }
0x19: {  	[sflag:s24] =	ssyncadd.s32 s5;
	_ =	sdelay $0x1  }
0x1a: {  	s25 =	simm.s32 $0x1B8B  }
0x1b: {  	_ =	swait.ge [sflag:s25], $0x1  }
0x1c: {  	[sflag:s25] =	ssyncset.done $0x0  }
0x1d: {  	s26 =	simm.s32 $0x1B8E;
	[sflag:s25] =	ssyncadd.s32 $0xFFFFFFFF  }
0x1e: {  	s27 =	simm.s32 $execute0_lowered;
	[smem:$0x3FD2] =	sst s26  }
0x1f: {  	s5 =	sshll.u32 s27, $0x1;
	_ =	strace $0x80000046;
	[dreg:$0x1] =	wrdreg $0xFFFFFFFF  }
0x20: {  	s28 =	simm.s32 $_size_execute0_lowered;
	s4 =	sadd.s32 s4, s5;
	[dreg:$0x0] =	wrdreg $0x0  }
0x21: {  	s5 =	sshll.u32 s28, $0x1;
	[dreg:$0x2] =	wrdreg s4  }
0x22: {  	[dreg:$0x3] =	wrdreg s5  }
0x23: {  	[dreg:$0x4] =	wrdreg $0xC0  }
0x24: {  	_ =	task [dreg:s8], $0x5FFFF  }
0x25: {  	[dreg:$0x1] =	wrdreg $0xFFFFFFFF  }
0x26: {  	[dreg:$0x0] =	wrdreg $0x60  }
0x27: {  	[dreg:$0x2] =	wrdreg s2  }
0x28: {  	[dreg:$0x3] =	wrdreg s20  }
0x29: {  	[dreg:$0x4] =	wrdreg $0x9  }
0x2a: {  	_ =	task.clear_ibuf [dreg:s8], $0x5FFFF;
	_ =	strace $0x90000046  }
0x2b: {  	s29 =	simm.s32 $0x9;
	_ =	strace $0x80000048  }
0x2c: {  	_ =	swait.ge [sflag:s29], $0x1  }
0x2d: {  	[sflag:s29] =	ssyncadd.s32 $0xFFFFFFFF  }
0x2e: {  	_ =	strace $0x90000048  }
0x2f: {  	_ =	sfence  }
0x30: {  	s30 =	sld [smem:$0x0];
	_ =	sdelay $0x2  }
0x31: {  	s31 =	sshll.u32 s1, $0xD;
	s1 =	sshrl.u32 s1, $0x2  }
0x32: {  	s3 =	sand.u32 $0x4000, s31;
	s1 =	sadd.s32 s1, s30  }
0x33: {  	s0 =	sor.u32 s3, s0;
	s1 =	sshll.u32 s1, $0x11  }
0x34: {  	s0 =	sor.u32 s1, s0  }
0x35: {  	s0 =	sadd.s32 $0x8F2B, s0  }
0x36: {  	[sflag:s0] =	ssyncadd.remote.s32 $0x1  }
0x37: {  	_ =	sfence.sel $0xFFFF  }
0x38: {  	[dreg:$0x0] =	wrdreg $0xFFFFFFFF;
	(pc) =	sbr.abs _section_cstart, $3  }
0x39: {  	[dreg:$0x1] =	wrdreg $0xFFFFFFFF  }
0x3a: {  	_ =	task.clear_ibuf [dreg:s8], $0x2FFFF;
	_ =	strace $0x9FFFFFFF  }
0x3b: {  	(tm) =	ssettm $0x7FFFFFFF  }
tec
execute0_lowered:
.L_overlay_start_1:
0x0: {  	(tag) =	ssettag $0x1  }
0x1: {  	s0 =	stileid.u32  }
0x2: {  	s1 =	srdreg.scid;
	s7 =	rddreg [dreg:$0x0]  }
0x3: {  	s3 =	rddreg [dreg:$0x1];
	s2 =	sshll.u32 s0, $0x2;
	s1 =	sshll.u32 s1, $0x6  }
0x4: {  	s31 =	simm.s32 $0x2;
	s14 =	simm.s32 $0x0;
	s1 =	sor.u32 s2, s1  }
0x5: {  	s10 =	simm.s32 $0x4000;
	s11 =	simm.s32 $0x0;
	s1 =	sand.u32 $0x70, s1  }
0x6: {  	s15 =	simm.s32 $0x0;
	s4 =	sand.u32 $0x3, s0;
	s30 =	ssub.s32 $0x80, s1  }
0x7: {  	s13 =	simm.s32 $0x0;
	s6 =	ssub.s32 $0x80, s4;
	s5 =	sand.u32 $0x70, s30  }
0x8: {  	s2 =	rddreg [dreg:$0x2];
	p0 =	sne.s32 s5, $0x0;
	s5 =	simm.s32 $0x1  }
.Ltmp0:
0x9: {  	s8 =	sshrl.u32 s30, $0x7;
	s5 =	simm.s32 @!p0 $0x0;
	(pc) =	sbr.rel .LBB1_1-.Ltmp0, $4  }
0xa: {  	_ =	strace $0x80000047;
	s6 =	sshrl.u32 s6, $0x2;
	s8 =	sadd.s32 s5, s8  }
0xb: {  	s9 =	sshll.u32 s1, $0x7;
	s5 =	simm.s32 $0x1;
	s6 =	smul.u32 s6, s8  }
0xc: {  	s12 =	smov.u32 s4;
	s7 =	sadd.s32 s7, s9;
	[sflag:s5] =	ssyncpa.u1 $0x0  }
0xd: {  	s9 =	simm.s32 $0x800;
	[sflag:s31] =	ssyncpa.u1 $0x0;
	s8 =	sadd.s32 $0x1, s6  }
.LBB1_7:
0xe: {  	s16 =	sadd.s32 $0x4, s12  }
0xf: {  	p1 =	sgt.s32 s16, $0x7C  }
0x10: {  	s16 =	smov.u32 @p1 s4;
	p1 =	sne.s32 s13, s8  }
.Ltmp1:
0x11: {  	p0 =	slt.u32 s13, $0x2;
	(pc) =	sbr.rel @!p1 .LBB1_8-.Ltmp1, $4  }
0x12: {  	s14 =	simm.s32 @!p0 $0x2  }
0x13: {  	s17 =	sadd.s32 $0x1, s13;
	s15 =	smov.u32 s12;
	_ =	swait.ge @!p0 [sflag:s14], $0x4000  }
0x14: {  	s11 =	sadd.s32 $0x4000, s11;
	s13 =	smov.u32 s17;
	[sflag:s14] =	ssyncset.done @!p0 $0x0  }
0x15: {  	s12 =	smov.u32 s16;
	[sflag:s14] =	ssyncadd.s32 @!p0 $0xFFFFC000;
	s14 =	smov.u32 s1  }
.LBB1_1:
0x16: {  	p0 =	sge.u32 s13, s6  }
0x17: {  	s16 =	sxor.u32 @!p0 $0xFFFFFFFF, s13  }
0x18: {  	s31 =	sadd.s32 $0xFFFFFFFF, s13;
	s17 =	sshll.u32 @!p0 s12, $0xE;
	s16 =	sshll.u32 @!p0 s16, $0xE  }
0x19: {  	s18 =	simm.s32 @!p0 $0x0;
	s17 =	sadd.s32 @!p0 s17, s7;
	s16 =	sand.u32 @!p0 $0x4000, s16  }
0x1a: {  	[tilespmem:s16], [sflag:$0x1] =	stream.linear.gather @!p0 [hbm4b:s17+s18], $0x4000, $0x38;
	[tilespmem:$0x10000] =	vst v63  }
0x1b: {  	p0 =	sge.u32 s31, s6  }
.Ltmp2:
0x1c: {  	_ = 	snop;
	(pc) =	sbr.rel @p0 .LBB1_7-.Ltmp2, $1  }
0x1d: {  	_ =	sdelay $0x3  }
0x1e: {  	s17 =	sand.u32 $0x4000, s11  }
0x1f: {  	_ =	swait.ge [sflag:s5], $0x4000;
	s19 =	sshll.u32 s13, $0xE;
	s16 =	sor.u32 $0x8040, s17  }
0x20: {  	s18 =	sor.u32 $0x40, s17;
	[sflag:s5] =	ssyncset.done $0x0;
	s31 =	sand.u32 $0x4000, s19  }
0x21: {  	s19 =	simm.s32 $0x0;
	[sflag:s5] =	ssyncadd.s32 $0xFFFFC000;
	s17 =	sor.u32 $0x8000, s31  }
.LBB1_3:
0x22: {  	v0 =	vmov s18;
	_ =	sdelay $0x3  }
0x23: {  	s21 =	simm.s32 $0x0  }
0x24: {  	v6 =	vld.idx.msk [tilespmem:v0+s21+$0x30 ss:$0x1], $0xffff  }
0x25: {  	v7 =	vld.idx.msk [tilespmem:v0+s21+$0xFFFFFFC0 ss:$0x1], $0xffff  }
0x26: {  	v5 =	vld.idx.msk [tilespmem:v0+s21+$0xFFFFFFD0 ss:$0x1], $0xffff  }
0x27: {  	v4 =	vld.idx.msk [tilespmem:v0+s21+$0xFFFFFFE0 ss:$0x1], $0xffff  }
0x28: {  	v3 =	vld.idx.msk [tilespmem:v0+s21+$0xFFFFFFF0 ss:$0x1], $0xffff  }
0x29: {  	v1 =	vld.idx.msk [tilespmem:v0+s21+$0x0 ss:$0x1], $0xffff  }
0x2a: {  	v2 =	vld.idx.msk [tilespmem:v0+s21+$0x10 ss:$0x1], $0xffff;
	[tilespmem:s16+$0x30] =	vst v6  }
0x2b: {  	s20 =	simm.s32 $0x80;
	s22 =	simm.s32 $0x400;
	[tilespmem:s16+$0xFFFFFFC0] =	vst v7;
	v6 =	vld.idx.msk [tilespmem:v0+s21+$0x20 ss:$0x1], $0xffff;
	s21 =	smov.u32 s16  }
.LBB1_4:
0x2c: {  	p0 =	sne.s32 s22, $0xE00;
	v7 =	vld.idx.msk [tilespmem:v0+s20+$0x30 ss:$0x1], $0xffff;
	[tilespmem:s21+$0xFFFFFFD0] =	vst v5  }
0x2d: {  	v8 =	vld.idx.msk [tilespmem:v0+s20+$0xFFFFFFC0 ss:$0x1], $0xffff;
	[tilespmem:s21+$0xFFFFFFE0] =	vst v4  }
0x2e: {  	v5 =	vld.idx.msk [tilespmem:v0+s20+$0xFFFFFFD0 ss:$0x1], $0xffff;
	[tilespmem:s21+$0xFFFFFFF0] =	vst v3  }
.Ltmp3:
0x2f: {  	v4 =	vld.idx.msk [tilespmem:v0+s20+$0xFFFFFFE0 ss:$0x1], $0xffff;
	[tilespmem:s21+$0x0] =	vst v1;
	(pc) =	sbr.rel @p0 .LBB1_4-.Ltmp3, $4  }
0x30: {  	v3 =	vld.idx.msk [tilespmem:v0+s20+$0xFFFFFFF0 ss:$0x1], $0xffff;
	[tilespmem:s21+$0x10] =	vst v2  }
0x31: {  	v1 =	vld.idx.msk [tilespmem:v0+s20+$0x0 ss:$0x1], $0xffff;
	[tilespmem:s21+$0x20] =	vst v6;
	s21 =	sadd.s32 $0x800, s21  }
0x32: {  	v2 =	vld.idx.msk [tilespmem:v0+s20+$0x10 ss:$0x1], $0xffff;
	[tilespmem:s21+$0x30] =	vst v7  }
0x33: {  	[tilespmem:s21+$0xFFFFFFC0] =	vst v8;
	v6 =	vld.idx.msk [tilespmem:v0+s20+$0x20 ss:$0x1], $0xffff;
	s20 =	sshra.s32 s22, $0x2;
	s22 =	sadd.s32 $0x200, s22  }
0x34: {  	_ =	sdelay $0x2  }
0x35: {  	[tilespmem:s21+$0xFFFFFFD0] =	vst v5  }
0x36: {  	v56 =	vld.idx.msk [tilespmem:v0+s20+$0x30 ss:$0x1], $0xffff;
	[tilespmem:s21+$0xFFFFFFE0] =	vst v4  }
0x37: {  	v57 =	vld.idx.msk [tilespmem:v0+s20+$0xFFFFFFC0 ss:$0x1], $0xffff;
	[tilespmem:s21+$0xFFFFFFF0] =	vst v3  }
0x38: {  	v58 =	vld.idx.msk [tilespmem:v0+s20+$0xFFFFFFD0 ss:$0x1], $0xffff;
	[tilespmem:s21+$0x0] =	vst v1  }
0x39: {  	v59 =	vld.idx.msk [tilespmem:v0+s20+$0xFFFFFFE0 ss:$0x1], $0xffff;
	[tilespmem:s21+$0x10] =	vst v2  }
0x3a: {  	v60 =	vld.idx.msk [tilespmem:v0+s20+$0xFFFFFFF0 ss:$0x1], $0xffff;
	s31 =	sadd.s32 $0x800, s21;
	[tilespmem:s21+$0x20] =	vst v6  }
0x3b: {  	v61 =	vld.idx.msk [tilespmem:v0+s20+$0x0 ss:$0x1], $0xffff;
	[tilespmem:s31+$0x30] =	vst v56  }
0x3c: {  	v62 =	vld.idx.msk [tilespmem:v0+s20+$0x10 ss:$0x1], $0xffff;
	s19 =	sadd.s32 $0x1, s19;
	[tilespmem:s31+$0xFFFFFFC0] =	vst v57  }
0x3d: {  	v63 =	vld.idx.msk [tilespmem:v0+s20+$0x20 ss:$0x1], $0xffff;
	p0 =	sne.s32 s19, $0x10;
	[tilespmem:s31+$0xFFFFFFD0] =	vst v58  }
.Ltmp4:
0x3e: {  	[tilespmem:s31+$0xFFFFFFE0] =	vst v59;
	(pc) =	sbr.rel @p0 .LBB1_3-.Ltmp4, $4  }
0x3f: {  	[tilespmem:s31+$0xFFFFFFF0] =	vst v60  }
0x40: {  	[tilespmem:s31+$0x0] =	vst v61  }
0x41: {  	[tilespmem:s31+$0x10] =	vst v62  }
0x42: {  	s16 =	sadd.s32 $0x80, s16;
	s18 =	sadd.s32 $0x400, s18;
	[tilespmem:s31+$0x20] =	vst v63  }
.Ltmp5:
0x43: {  	(pc) =	sbr.rel .LBB1_7-.Ltmp5, $4  }
0x44: {  	s15 =	sshll.u32 s15, $0xE  }
0x45: {  	s14 =	sshll.u32 s14, $0x4;
	s15 =	sadd.s32 s3, s15  }
0x46: {  	s14 =	sadd.s32 s14, s15  }
0x47: {  	[hbm4b:s14+s9] =	stream.strided.scatter [tilespmem:s17], [sflag:$0x2], $0x4000, s10, s9, $0x38;
	[tilespmem:$0x10000] =	vst v63  }
.LBB1_8:
0x48: {  	_ =	sfence.sel $0x180000  }
0x49: {  	s1 =	simm.s32 $0x1;
	[bflag:$0x0] =	sbarrier.arrive $0xFFFF  }
0x4a: {  	s31 =	simm.s32 $0x2;
	[sflag:s1] =	ssyncpa.u1 $0x1  }
0x4b: {  	[sflag:s31] =	ssyncpa.u1 $0x1  }
0x4c: {  	p0 =	sne.s32 s0, $0x0;
	_ =	strace $0x90000047  }
0x4d: {  	s0 =	sadd.s32 @!p0 $0x100000, s2;
	[bflag:$0x2] =	sbarrier.arrive $0xFFFF  }
0x4e: {  	[sflag:s0] =	ssyncadd.tile.s32 @!p0 $0x1;
	_ =	shalt  }
.Lfunc_end1:
_tile_overlayer_lowered:
.L_overlay_start_2:
0x4f: {  	(tag) =	ssettag $0x2  }
0x50: {  	s0 =	rddreg [dreg:$0x0];
	s2 =	stileid.u32  }
0x51: {  	s1 =	rddreg [dreg:$0x1];
	p0 =	sne.s32 s2, $0x0  }
0x52: {  	s3 =	rddreg [dreg:$0x2];
	[bflag:$0x3] =	sbarrier.arrive $0xFFFF;
	s2 =	simm.s32 @!p0 $0x1C01  }
0x53: {  	[timem:s3], [sflag:s2] =	dma.local @!p0 [hbm:s0], s1  }
0x54: {  	s0 =	simm.s32 @!p0 $0x1  }
0x55: {  	_ =	swait.ge @!p0 [sflag:s0], s1  }
0x56: {  	s1 =	ssub.s32 @!p0 $0x0, s1;
	[sflag:s0] =	ssyncset.done @!p0 $0x0  }
0x57: {  	[sflag:s0] =	ssyncadd.s32 @!p0 s1  }
0x58: {  	[bflag:$0x3] =	sbarrier.arrive $0xFFFF  }
0x59: {  	_ =	shalt  }

</sc_bundles>
